<compile_context>
chip_gen: v7x
topology: tpu7x:2x2x1
jax: 0.10.2.dev20260603
libtpu: 0.0.44.dev20260713+nightly
codegen_flags: <defaults>
</compile_context>

<pallas_src>
import functools

import jax
import jax.numpy as jnp
from jax import lax
from jax.experimental import pallas as pl
from jax.experimental.pallas import tpu as pltpu
from jax.experimental.pallas import tpu_sc as plsc

NC = 2
NS = 16
NW = NC * NS
L = 16


def _pre_mm_kernel(v_ref, f_ref, w1_ref, w2_ref, b_ref, a_out, b_out):
    a_out[...] = (
        jnp.dot(v_ref[...], w1_ref[...], preferred_element_type=jnp.float32)
        + b_ref[...]
    )
    b_out[...] = jnp.dot(f_ref[...], w2_ref[...], preferred_element_type=jnp.float32)


def _comb_mm_kernel(v_ref, p0_ref, p1_ref, wc1_ref, wc2_ref, b_ref, o_ref):
    agg = p0_ref[...] + p1_ref[...]
    h = (
        jnp.dot(v_ref[...], wc1_ref[...], preferred_element_type=jnp.float32)
        + jnp.dot(agg, wc2_ref[...], preferred_element_type=jnp.float32)
        + b_ref[...]
    )
    o_ref[...] = v_ref[...] + jnp.maximum(h, 0.0)


def _make_sc_edge_kernel(n_pad, d, chunk, n_chunks, idx_block):
    rows_per_tile = n_pad // NS
    n_blocks = n_chunks // idx_block

    mesh = plsc.VectorSubcoreMesh(core_axis_name="c", subcore_axis_name="s")

    assert idx_block % 2 == 0 and n_blocks * idx_block == n_chunks

    @functools.partial(
        pl.kernel,
        out_type=jax.ShapeDtypeStruct((NC, n_pad, d), jnp.float32),
        mesh=mesh,
        scratch_types=[
            pltpu.VMEM((idx_block, chunk), jnp.int32),
            pltpu.VMEM((idx_block, chunk), jnp.int32),
            pltpu.VMEM((chunk, d), jnp.float32),
            pltpu.VMEM((chunk, d), jnp.float32),
            pltpu.VMEM_SHARED((n_pad, d), jnp.float32),
            pltpu.SemaphoreType.DMA,
            pltpu.SemaphoreType.DMA,
            pltpu.SemaphoreType.DMA,
            pltpu.SemaphoreType.DMA,
            pltpu.SemaphoreType.DMA,
        ],
    )
    def sc_edge(a_hbm, b_hbm, snd_hbm, rcv_hbm, zero_hbm, out_hbm,
                snd_v, rcv_v, a_v0, a_v1, agg_sh,
                sa0, sa1, sb0, sb1, ss):
        c = lax.axis_index("c")
        s = lax.axis_index("s")
        wid = c * NS + s
        own = pl.ds(s * rows_per_tile, rows_per_tile)

        def issue_a(k, a_v, sa):
            pltpu.async_copy(a_hbm.at[snd_v.at[k]], a_v, sa)

        def issue_b(k, a_v, sb):
            pltpu.async_copy(b_hbm.at[rcv_v.at[k]], a_v, sb, add=True)

        def wait(a_v, sem):
            pltpu.make_async_copy(a_hbm.at[pl.ds(0, chunk)], a_v, sem).wait()

        def relu(a_v):
            def row_body(i, carry2):
                for j in range(d // L):
                    sl = pl.ds(j * L, L)
                    a_v[i, sl] = jnp.maximum(a_v[i, sl], 0.0)
                return carry2

            lax.fori_loop(0, chunk, row_body, 0, unroll=8)

        def finish(k, a_v):
            relu(a_v)
            pltpu.async_copy(a_v, agg_sh.at[snd_v.at[k]], ss, add=True)
            wait(a_v, ss)

        pltpu.sync_copy(zero_hbm.at[own], agg_sh.at[own])
        plsc.subcore_barrier()

        def block_body(g, carry0):
            pltpu.sync_copy(snd_hbm.at[wid, g], snd_v)
            pltpu.sync_copy(rcv_hbm.at[wid, g], rcv_v)
            issue_a(0, a_v0, sa0)

            def body(k, x_v, sax, sbx, y_v, say, sby):
                wait(x_v, sax)
                issue_b(k, x_v, sbx)

                @pl.when(k > 0)
                def _():
                    wait(y_v, sby)
                    finish(k - 1, y_v)

                @pl.when(k + 1 < idx_block)
                def _():
                    issue_a(k + 1, y_v, say)

            def chunk_iter(k, carry):
                @pl.when(k % 2 == 0)
                def _():
                    body(k, a_v0, sa0, sb0, a_v1, sa1, sb1)

                @pl.when(k % 2 == 1)
                def _():
                    body(k, a_v1, sa1, sb1, a_v0, sa0, sb0)

                return carry

            lax.fori_loop(0, idx_block, chunk_iter, 0, unroll=False)
            wait(a_v1, sb1)
            finish(idx_block - 1, a_v1)
            return carry0

        lax.fori_loop(0, n_blocks, block_body, 0, unroll=False)
        plsc.subcore_barrier()

        pltpu.sync_copy(agg_sh.at[own], out_hbm.at[c, own])

    return sc_edge


def kernel(variables, factors, senders, receivers, W_msg, b_msg, W_comb, b_comb):
    n_var, d = variables.shape
    e = senders.shape[0]

    w1 = W_msg[:d]
    w2 = W_msg[d:]
    wc1 = W_comb[:d]
    wc2 = W_comb[d:]
    bm = b_msg.reshape(1, d)
    bc = b_comb.reshape(1, d)

    n_pad = -(-n_var // (NS * 8)) * (NS * 8)

    var_pad = jnp.pad(variables, ((0, n_pad - n_var), (0, 0)))
    fac_pad = jnp.pad(factors, ((0, n_pad - factors.shape[0]), (0, 0)))

    blk_v = n_pad // 8
    blk_f = n_pad // 8
    grid8 = (8,)
    a_mat, b_mat = pl.pallas_call(
        _pre_mm_kernel,
        grid=grid8,
        in_specs=[
            pl.BlockSpec((blk_v, d), lambda i: (i, 0)),
            pl.BlockSpec((blk_f, d), lambda i: (i, 0)),
            pl.BlockSpec((d, d), lambda i: (0, 0)),
            pl.BlockSpec((d, d), lambda i: (0, 0)),
            pl.BlockSpec((1, d), lambda i: (0, 0)),
        ],
        out_specs=[
            pl.BlockSpec((blk_v, d), lambda i: (i, 0)),
            pl.BlockSpec((blk_f, d), lambda i: (i, 0)),
        ],
        out_shape=[
            jax.ShapeDtypeStruct((n_pad, d), jnp.float32),
            jax.ShapeDtypeStruct((n_pad, d), jnp.float32),
        ],
    )(var_pad, fac_pad, w1, w2, bm)

    chunk = 80
    per_w = e // NW
    n_chunks = per_w // chunk
    snd = senders.reshape(NW, n_chunks, chunk)
    rcv = receivers.reshape(NW, n_chunks, chunk)
    if n_chunks % 2:
        n_chunks += 1
        lane = jnp.arange(NW * chunk, dtype=jnp.int32).reshape(NW, 1, chunk)
        pad_snd = n_var + (lane % (n_pad - n_var))
        pad_rcv = lane % n_pad
        snd = jnp.concatenate([snd, pad_snd], axis=1)
        rcv = jnp.concatenate([rcv, pad_rcv], axis=1)

    idx_block = 18
    n_blocks = n_chunks // idx_block
    snd = snd.reshape(NW, n_blocks, idx_block, chunk)
    rcv = rcv.reshape(NW, n_blocks, idx_block, chunk)

    zeros = jnp.zeros((n_pad, d), jnp.float32)

    partial = _make_sc_edge_kernel(n_pad, d, chunk, n_chunks, idx_block)(
        a_mat, b_mat, snd, rcv, zeros)
    partial = partial[:, :n_var, :]

    blk = 2000
    grid = (n_var // blk,)
    row_spec = pl.BlockSpec((blk, d), lambda i: (i, 0))
    w_spec = pl.BlockSpec((d, d), lambda i: (0, 0))
    b_spec = pl.BlockSpec((1, d), lambda i: (0, 0))
    out = pl.pallas_call(
        _comb_mm_kernel,
        grid=grid,
        in_specs=[row_spec, row_spec, row_spec, w_spec, w_spec, b_spec],
        out_specs=row_spec,
        out_shape=jax.ShapeDtypeStruct((n_var, d), jnp.float32),
    )(variables, partial[0], partial[1], wc1, wc2, bc)

    return out

# --- scband reference (transcript-rebuilt; emitter-appended) ---
"""Pipeline reference for scband-bipartite-gnnconv-factor-to-variable-15564961481300 (READ-ONLY COPY).

The authoritative reference and input builder live on the scoring server;
editing this copy changes nothing except your own understanding.
"""

import jax, jax.numpy as jnp
import numpy as np

N_VAR = 10000
N_FAC = 10000
E = 320000
D = 128

def _mlp(x, W, b):
    # MLPLayer(in, out, activation) assumed Linear + activation (relu)
    return jax.nn.relu(x @ W + b)

def setup_inputs(seed: int = 0) -> dict:
    key = jax.random.key(seed)
    ks = jax.random.split(key, 8)
    variables = jax.random.normal(ks[0], (N_VAR, D), dtype=jnp.float32)
    factors = jax.random.normal(ks[1], (N_FAC, D), dtype=jnp.float32)
    senders = jax.random.randint(ks[2], (E,), 0, N_VAR, dtype=jnp.int32)
    receivers = jax.random.randint(ks[3], (E,), 0, N_FAC, dtype=jnp.int32)
    W_msg = jax.random.normal(ks[4], (2 * D, D), dtype=jnp.float32) * 0.05
    b_msg = jnp.zeros((D,), dtype=jnp.float32)
    W_comb = jax.random.normal(ks[5], (2 * D, D), dtype=jnp.float32) * 0.05
    b_comb = jnp.zeros((D,), dtype=jnp.float32)
    return {
        "variables": variables,
        "factors": factors,
        "senders": senders,
        "receivers": receivers,
        "W_msg": W_msg,
        "b_msg": b_msg,
        "W_comb": W_comb,
        "b_comb": b_comb,
    }

def reference(variables, factors, senders, receivers, W_msg, b_msg, W_comb, b_comb):
    # gather endpoint features
    x_i = jnp.take(variables, senders, axis=0)   # [E, D]
    x_j = jnp.take(factors, receivers, axis=0)   # [E, D]
    x = jnp.concatenate([x_i, x_j], axis=-1)     # [E, 2D]
    x = _mlp(x, W_msg, b_msg)                    # [E, D]
    # scatter-sum messages back to variables
    agg = jax.ops.segment_sum(x, senders, num_segments=N_VAR)  # [N_VAR, D]
    x = jnp.concatenate([variables, agg], axis=-1)             # [N_VAR, 2D]
    x = _mlp(x, W_comb, b_comb)                                # [N_VAR, D]
    return variables + x

if __name__ == "__main__":
    import jax
    _d = setup_inputs()
    print(jax.jit(kernel)(*tuple(_d.values())))

</pallas_src>

<mosaic_0001>
#map = affine_map<(d0, d1) -> (0, 0)>
#map1 = affine_map<(d0, d1) -> (0, 0, 0, 0)>
#map2 = affine_map<(d0, d1) -> (0, 0, 0)>
module attributes {stable_mosaic.version = 14 : i64} {
  func.func @sc_edge(%arg0: i32, %arg1: i32, %arg2: memref<10112x128xf32, #tpu.memory_space<hbm>>, %arg3: memref<10112x128xf32, #tpu.memory_space<hbm>>, %arg4: memref<32x7x18x80xi32, #tpu.memory_space<hbm>>, %arg5: memref<32x7x18x80xi32, #tpu.memory_space<hbm>>, %arg6: memref<10112x128xf32, #tpu.memory_space<hbm>>, %arg7: memref<2x10112x128xf32, #tpu.memory_space<hbm>>, %arg8: memref<18x80xi32, #tpu.memory_space<vmem>>, %arg9: memref<18x80xi32, #tpu.memory_space<vmem>>, %arg10: memref<80x128xf32, #tpu.memory_space<vmem>>, %arg11: memref<80x128xf32, #tpu.memory_space<vmem>>, %arg12: memref<10112x128xf32, #tpu.memory_space<vmem_shared>>, %arg13: memref<!tpu.dma_semaphore, #tpu.memory_space<semaphore_mem>>, %arg14: memref<!tpu.dma_semaphore, #tpu.memory_space<semaphore_mem>>, %arg15: memref<!tpu.dma_semaphore, #tpu.memory_space<semaphore_mem>>, %arg16: memref<!tpu.dma_semaphore, #tpu.memory_space<semaphore_mem>>, %arg17: memref<!tpu.dma_semaphore, #tpu.memory_space<semaphore_mem>>) attributes {dimension_semantics = [#tpu.dimension_semantics<core_parallel>, #tpu.dimension_semantics<subcore_parallel>], iteration_bounds = array<i64: 2, 16>, scalar_prefetch = 0 : i64, scratch_operands = 10 : i64, tpu.core_type = #tpu.core_type<sc_vector_subcore>, window_params = [{transform_indices = #map}, {transform_indices = #map}, {transform_indices = #map1}, {transform_indices = #map1}, {transform_indices = #map}, {transform_indices = #map2}]} {
    %mul3A = arith.constant 16 : i32
    %mul3A_0 = arith.muli %arg0, %mul3A : i32
    %add3A = arith.addi %mul3A_0, %arg1 : i32
    %mul3A_1 = arith.constant 632 : i32
    %mul3A_2 = arith.muli %arg1, %mul3A_1 : i32
    "tpu.region"() ({
      %run_scoped3A = tpu.sem_alloc : memref<!tpu.dma_semaphore, #tpu.memory_space<semaphore_mem>>
      %dma_start3A = arith.constant 0 : i32
      %dma_start3A_9 = tpu.memref_slice %arg12[%mul3A_2, %dma_start3A] : memref<10112x128xf32, #tpu.memory_space<vmem_shared>> -> memref<632x128xf32, #tpu.memory_space<vmem_shared>>
      %dma_start3A_10 = arith.constant 0 : i32
      %dma_start3A_11 = tpu.memref_slice %arg6[%mul3A_2, %dma_start3A_10] : memref<10112x128xf32, #tpu.memory_space<hbm>> -> memref<632x128xf32, #tpu.memory_space<hbm>>
      tpu.enqueue_dma source(%dma_start3A_11 : memref<632x128xf32, #tpu.memory_space<hbm>>) target(%dma_start3A_9 : memref<632x128xf32, #tpu.memory_space<vmem_shared>>) target_semaphore(%run_scoped3A : memref<!tpu.dma_semaphore, #tpu.memory_space<semaphore_mem>>)
      %dma_wait3A = arith.constant 0 : i32
      %dma_wait3A_12 = tpu.memref_slice %arg12[%mul3A_2, %dma_wait3A] : memref<10112x128xf32, #tpu.memory_space<vmem_shared>> -> memref<632x128xf32, #tpu.memory_space<vmem_shared>>
      %dma_wait3A_13 = arith.constant 0 : i32
      %dma_wait3A_14 = tpu.memref_slice %arg6[%mul3A_2, %dma_wait3A_13] : memref<10112x128xf32, #tpu.memory_space<hbm>> -> memref<632x128xf32, #tpu.memory_space<hbm>>
      tpu.wait_dma2 semaphore(%run_scoped3A : memref<!tpu.dma_semaphore, #tpu.memory_space<semaphore_mem>>) src(%dma_wait3A_14 : memref<632x128xf32, #tpu.memory_space<hbm>>) dst(%dma_wait3A_12 : memref<632x128xf32, #tpu.memory_space<vmem_shared>>)
      tpu.yield
    }) : () -> ()
    %barrier3A = arith.constant 0 : index
    tpu.barrier barrier_id(%barrier3A)
    %scan3A = arith.constant 0 : i32
    %scan3A_3 = arith.constant 0 : i32
    %scan3A_4 = arith.constant 7 : i32
    %scan3A_5 = arith.addi %scan3A_3, %scan3A_4 : i32
    %scan3A_6 = arith.constant 1 : i32
    scf.for %scan3A_9 = %scan3A_3 to %scan3A_5 step %scan3A_6  : i32 {
      "tpu.region"() ({
        %run_scoped3A = tpu.sem_alloc : memref<!tpu.dma_semaphore, #tpu.memory_space<semaphore_mem>>
        %dma_start3A_46 = arith.constant 0 : i32
        %dma_start3A_47 = arith.constant 0 : i32
        %dma_start3A_48 = tpu.memref_slice %arg4[%add3A, %scan3A_9, %dma_start3A_46, %dma_start3A_47] : memref<32x7x18x80xi32, #tpu.memory_space<hbm>> -> memref<1x1x18x80xi32, #tpu.memory_space<hbm>>
        %dma_start3A_49 = tpu.memref_squeeze %dma_start3A_48 : memref<1x1x18x80xi32, #tpu.memory_space<hbm>> -> memref<18x80xi32, #tpu.memory_space<hbm>>
        %dma_start3A_50 = arith.constant 0 : i32
        %dma_start3A_51 = arith.constant 0 : i32
        %dma_start3A_52 = tpu.memref_slice %arg4[%add3A, %scan3A_9, %dma_start3A_50, %dma_start3A_51] : memref<32x7x18x80xi32, #tpu.memory_space<hbm>> -> memref<1x1x18x80xi32, #tpu.memory_space<hbm>>
        %dma_start3A_53 = tpu.memref_squeeze %dma_start3A_52 : memref<1x1x18x80xi32, #tpu.memory_space<hbm>> -> memref<18x80xi32, #tpu.memory_space<hbm>>
        tpu.enqueue_dma source(%dma_start3A_53 : memref<18x80xi32, #tpu.memory_space<hbm>>) target(%arg8 : memref<18x80xi32, #tpu.memory_space<vmem>>) target_semaphore(%run_scoped3A : memref<!tpu.dma_semaphore, #tpu.memory_space<semaphore_mem>>)
        %dma_wait3A_54 = arith.constant 0 : i32
        %dma_wait3A_55 = arith.constant 0 : i32
        %dma_wait3A_56 = tpu.memref_slice %arg4[%add3A, %scan3A_9, %dma_wait3A_54, %dma_wait3A_55] : memref<32x7x18x80xi32, #tpu.memory_space<hbm>> -> memref<1x1x18x80xi32, #tpu.memory_space<hbm>>
        %dma_wait3A_57 = tpu.memref_squeeze %dma_wait3A_56 : memref<1x1x18x80xi32, #tpu.memory_space<hbm>> -> memref<18x80xi32, #tpu.memory_space<hbm>>
        %dma_wait3A_58 = arith.constant 0 : i32
        %dma_wait3A_59 = arith.constant 0 : i32
        %dma_wait3A_60 = tpu.memref_slice %arg4[%add3A, %scan3A_9, %dma_wait3A_58, %dma_wait3A_59] : memref<32x7x18x80xi32, #tpu.memory_space<hbm>> -> memref<1x1x18x80xi32, #tpu.memory_space<hbm>>
        %dma_wait3A_61 = tpu.memref_squeeze %dma_wait3A_60 : memref<1x1x18x80xi32, #tpu.memory_space<hbm>> -> memref<18x80xi32, #tpu.memory_space<hbm>>
        tpu.wait_dma2 semaphore(%run_scoped3A : memref<!tpu.dma_semaphore, #tpu.memory_space<semaphore_mem>>) src(%dma_wait3A_61 : memref<18x80xi32, #tpu.memory_space<hbm>>) dst(%arg8 : memref<18x80xi32, #tpu.memory_space<vmem>>)
        tpu.yield
      }) : () -> ()
      "tpu.region"() ({
        %run_scoped3A = tpu.sem_alloc : memref<!tpu.dma_semaphore, #tpu.memory_space<semaphore_mem>>
        %dma_start3A_46 = arith.constant 0 : i32
        %dma_start3A_47 = arith.constant 0 : i32
        %dma_start3A_48 = tpu.memref_slice %arg5[%add3A, %scan3A_9, %dma_start3A_46, %dma_start3A_47] : memref<32x7x18x80xi32, #tpu.memory_space<hbm>> -> memref<1x1x18x80xi32, #tpu.memory_space<hbm>>
        %dma_start3A_49 = tpu.memref_squeeze %dma_start3A_48 : memref<1x1x18x80xi32, #tpu.memory_space<hbm>> -> memref<18x80xi32, #tpu.memory_space<hbm>>
        %dma_start3A_50 = arith.constant 0 : i32
        %dma_start3A_51 = arith.constant 0 : i32
        %dma_start3A_52 = tpu.memref_slice %arg5[%add3A, %scan3A_9, %dma_start3A_50, %dma_start3A_51] : memref<32x7x18x80xi32, #tpu.memory_space<hbm>> -> memref<1x1x18x80xi32, #tpu.memory_space<hbm>>
        %dma_start3A_53 = tpu.memref_squeeze %dma_start3A_52 : memref<1x1x18x80xi32, #tpu.memory_space<hbm>> -> memref<18x80xi32, #tpu.memory_space<hbm>>
        tpu.enqueue_dma source(%dma_start3A_53 : memref<18x80xi32, #tpu.memory_space<hbm>>) target(%arg9 : memref<18x80xi32, #tpu.memory_space<vmem>>) target_semaphore(%run_scoped3A : memref<!tpu.dma_semaphore, #tpu.memory_space<semaphore_mem>>)
        %dma_wait3A_54 = arith.constant 0 : i32
        %dma_wait3A_55 = arith.constant 0 : i32
        %dma_wait3A_56 = tpu.memref_slice %arg5[%add3A, %scan3A_9, %dma_wait3A_54, %dma_wait3A_55] : memref<32x7x18x80xi32, #tpu.memory_space<hbm>> -> memref<1x1x18x80xi32, #tpu.memory_space<hbm>>
        %dma_wait3A_57 = tpu.memref_squeeze %dma_wait3A_56 : memref<1x1x18x80xi32, #tpu.memory_space<hbm>> -> memref<18x80xi32, #tpu.memory_space<hbm>>
        %dma_wait3A_58 = arith.constant 0 : i32
        %dma_wait3A_59 = arith.constant 0 : i32
        %dma_wait3A_60 = tpu.memref_slice %arg5[%add3A, %scan3A_9, %dma_wait3A_58, %dma_wait3A_59] : memref<32x7x18x80xi32, #tpu.memory_space<hbm>> -> memref<1x1x18x80xi32, #tpu.memory_space<hbm>>
        %dma_wait3A_61 = tpu.memref_squeeze %dma_wait3A_60 : memref<1x1x18x80xi32, #tpu.memory_space<hbm>> -> memref<18x80xi32, #tpu.memory_space<hbm>>
        tpu.wait_dma2 semaphore(%run_scoped3A : memref<!tpu.dma_semaphore, #tpu.memory_space<semaphore_mem>>) src(%dma_wait3A_61 : memref<18x80xi32, #tpu.memory_space<hbm>>) dst(%arg9 : memref<18x80xi32, #tpu.memory_space<vmem>>)
        tpu.yield
      }) : () -> ()
      %dma_start3A = arith.constant 0 : i32
      %dma_start3A_10 = arith.constant 0 : i32
      %dma_start3A_11 = tpu.memref_slice %arg8[%dma_start3A, %dma_start3A_10] : memref<18x80xi32, #tpu.memory_space<vmem>> -> memref<1x80xi32, #tpu.memory_space<vmem>>
      %dma_start3A_12 = tpu.memref_squeeze %dma_start3A_11 : memref<1x80xi32, #tpu.memory_space<vmem>> -> memref<80xi32, #tpu.memory_space<vmem>>
      %dma_start3A_13 = arith.constant 0 : i32
      %dma_start3A_14 = arith.constant 0 : i32
      %dma_start3A_15 = tpu.memref_slice %arg2[%dma_start3A_13, %dma_start3A_14] : memref<10112x128xf32, #tpu.memory_space<hbm>> -> memref<10112x128xf32, #tpu.memory_space<hbm>>
      tpu.enqueue_indirect_dma source(%dma_start3A_15 : memref<10112x128xf32, #tpu.memory_space<hbm>>) target(%arg10 : memref<80x128xf32, #tpu.memory_space<vmem>>) offsets(%dma_start3A_12 : memref<80xi32, #tpu.memory_space<vmem>>) semaphore(%arg13 : memref<!tpu.dma_semaphore, #tpu.memory_space<semaphore_mem>>)
      %scan3A_16 = arith.constant 0 : i32
      %scan3A_17 = arith.constant 0 : i32
      %scan3A_18 = arith.constant 18 : i32
      %scan3A_19 = arith.addi %scan3A_17, %scan3A_18 : i32
      %scan3A_20 = arith.constant 1 : i32
      scf.for %scan3A_46 = %scan3A_17 to %scan3A_19 step %scan3A_20  : i32 {
        %jit3A = arith.constant 2 : i32
        %eq3A = arith.constant 0 : i32
        %eq3A_47 = arith.cmpi eq, %jit3A, %eq3A : i32
        %jit3A_48 = arith.constant 1 : i32
        %select_n3A = arith.select %eq3A_47, %jit3A_48, %jit3A : i32
        %rem3A = arith.remsi %scan3A_46, %select_n3A : i32
        %ne3A = arith.constant 0 : i32
        %ne3A_49 = arith.cmpi ne, %rem3A, %ne3A : i32
        %lt3A = arith.constant 0 : i32
        %lt3A_50 = arith.cmpi slt, %rem3A, %lt3A : i32
        %lt3A_51 = arith.constant 0 : i32
        %lt3A_52 = arith.cmpi slt, %select_n3A, %lt3A_51 : i32
        %ne3A_53 = arith.xori %lt3A_50, %lt3A_52 : i1
        %and3A = arith.andi %ne3A_53, %ne3A_49 : i1
        %add3A_54 = arith.addi %rem3A, %select_n3A : i32
        %select_n3A_55 = arith.select %and3A, %add3A_54, %rem3A : i32
        %eq3A_56 = arith.constant 0 : i32
        %eq3A_57 = arith.cmpi eq, %select_n3A_55, %eq3A_56 : i32
        %convert_element_type3A = arith.extui %eq3A_57 : i1 to i32
        %cond3A = arith.constant 0 : i32
        %cond3A_58 = arith.cmpi ne, %convert_element_type3A, %cond3A : i32
        scf.if %cond3A_58 {
          %dma_wait3A_80 = arith.constant 0 : i32
          %dma_wait3A_81 = arith.constant 0 : i32
          %dma_wait3A_82 = tpu.memref_slice %arg2[%dma_wait3A_80, %dma_wait3A_81] : memref<10112x128xf32, #tpu.memory_space<hbm>> -> memref<80x128xf32, #tpu.memory_space<hbm>>
          %dma_wait3A_83 = arith.constant 0 : i32
          %dma_wait3A_84 = arith.constant 0 : i32
          %dma_wait3A_85 = tpu.memref_slice %arg2[%dma_wait3A_83, %dma_wait3A_84] : memref<10112x128xf32, #tpu.memory_space<hbm>> -> memref<80x128xf32, #tpu.memory_space<hbm>>
          tpu.wait_dma2 semaphore(%arg13 : memref<!tpu.dma_semaphore, #tpu.memory_space<semaphore_mem>>) src(%dma_wait3A_85 : memref<80x128xf32, #tpu.memory_space<hbm>>) dst(%arg10 : memref<80x128xf32, #tpu.memory_space<vmem>>)
          %dma_start3A_86 = arith.constant 0 : i32
          %dma_start3A_87 = tpu.memref_slice %arg9[%scan3A_46, %dma_start3A_86] : memref<18x80xi32, #tpu.memory_space<vmem>> -> memref<1x80xi32, #tpu.memory_space<vmem>>
          %dma_start3A_88 = tpu.memref_squeeze %dma_start3A_87 : memref<1x80xi32, #tpu.memory_space<vmem>> -> memref<80xi32, #tpu.memory_space<vmem>>
          %dma_start3A_89 = arith.constant 0 : i32
          %dma_start3A_90 = arith.constant 0 : i32
          %dma_start3A_91 = tpu.memref_slice %arg3[%dma_start3A_89, %dma_start3A_90] : memref<10112x128xf32, #tpu.memory_space<hbm>> -> memref<10112x128xf32, #tpu.memory_space<hbm>>
          tpu.enqueue_indirect_dma source(%dma_start3A_91 : memref<10112x128xf32, #tpu.memory_space<hbm>>) target(%arg10 : memref<80x128xf32, #tpu.memory_space<vmem>>) offsets(%dma_start3A_88 : memref<80xi32, #tpu.memory_space<vmem>>) semaphore(%arg15 : memref<!tpu.dma_semaphore, #tpu.memory_space<semaphore_mem>>) {add = true}
          %gt3A = arith.constant 0 : i32
          %gt3A_92 = arith.cmpi sgt, %scan3A_46, %gt3A : i32
          %convert_element_type3A_93 = arith.extui %gt3A_92 : i1 to i32
          %cond3A_94 = arith.constant 0 : i32
          %cond3A_95 = arith.cmpi ne, %convert_element_type3A_93, %cond3A_94 : i32
          scf.if %cond3A_95 {
            %dma_wait3A_103 = arith.constant 0 : i32
            %dma_wait3A_104 = arith.constant 0 : i32
            %dma_wait3A_105 = tpu.memref_slice %arg2[%dma_wait3A_103, %dma_wait3A_104] : memref<10112x128xf32, #tpu.memory_space<hbm>> -> memref<80x128xf32, #tpu.memory_space<hbm>>
            %dma_wait3A_106 = arith.constant 0 : i32
            %dma_wait3A_107 = arith.constant 0 : i32
            %dma_wait3A_108 = tpu.memref_slice %arg2[%dma_wait3A_106, %dma_wait3A_107] : memref<10112x128xf32, #tpu.memory_space<hbm>> -> memref<80x128xf32, #tpu.memory_space<hbm>>
            tpu.wait_dma2 semaphore(%arg16 : memref<!tpu.dma_semaphore, #tpu.memory_space<semaphore_mem>>) src(%dma_wait3A_108 : memref<80x128xf32, #tpu.memory_space<hbm>>) dst(%arg11 : memref<80x128xf32, #tpu.memory_space<vmem>>)
            %sub3A = arith.constant 1 : i32
            %sub3A_109 = arith.subi %scan3A_46, %sub3A : i32
            %scan3A_110 = arith.constant 0 : i32
            %scan3A_111 = arith.constant 0 : i32
            %scan3A_112 = arith.constant 80 : i32
            %scan3A_113 = arith.addi %scan3A_111, %scan3A_112 : i32
            %scan3A_114 = arith.constant 8 : i32
            scf.for %scan3A_128 = %scan3A_111 to %scan3A_113 step %scan3A_114  : i32 {
              %get3A = arith.index_cast %scan3A_128 : i32 to index
              %get3A_129 = arith.constant 0 : index
              %get3A_130 = tpu.vector_load %arg11[%get3A, %get3A_129] {strides = array<i32>} : memref<80x128xf32, #tpu.memory_space<vmem>>, vector<1x16xf32>,
              %get3A_131 = vector.shape_cast %get3A_130 : vector<1x16xf32> to vector<16xf32>
              %max3A = arith.constant 0.000000e+00 : f32
              %max3A_132 = vector.broadcast %max3A : f32 to vector<16xf32>
              %max3A_133 = arith.maximumf %get3A_131, %max3A_132 : vector<16xf32>
              %swap3A = arith.index_cast %scan3A_128 : i32 to index
              %swap3A_134 = arith.constant 0 : index
              %swap3A_135 = tpu.vector_load %arg11[%swap3A, %swap3A_134] {strides = array<i32>} : memref<80x128xf32, #tpu.memory_space<vmem>>, vector<1x16xf32>,
              %swap3A_136 = vector.shape_cast %swap3A_135 : vector<1x16xf32> to vector<16xf32>
              %swap3A_137 = vector.shape_cast %max3A_133 : vector<16xf32> to vector<1x16xf32>
              tpu.vector_store %arg11[%swap3A, %swap3A_134], %swap3A_137 {strides = array<i32>} : memref<80x128xf32, #tpu.memory_space<vmem>>, vector<1x16xf32>,
              %get3A_138 = arith.index_cast %scan3A_128 : i32 to index
              %get3A_139 = arith.constant 16 : index
              %get3A_140 = tpu.vector_load %arg11[%get3A_138, %get3A_139] {strides = array<i32>} : memref<80x128xf32, #tpu.memory_space<vmem>>, vector<1x16xf32>,
              %get3A_141 = vector.shape_cast %get3A_140 : vector<1x16xf32> to vector<16xf32>
              %max3A_142 = arith.constant 0.000000e+00 : f32
              %max3A_143 = vector.broadcast %max3A_142 : f32 to vector<16xf32>
              %max3A_144 = arith.maximumf %get3A_141, %max3A_143 : vector<16xf32>
              %swap3A_145 = arith.index_cast %scan3A_128 : i32 to index
              %swap3A_146 = arith.constant 16 : index
              %swap3A_147 = tpu.vector_load %arg11[%swap3A_145, %swap3A_146] {strides = array<i32>} : memref<80x128xf32, #tpu.memory_space<vmem>>, vector<1x16xf32>,
              %swap3A_148 = vector.shape_cast %swap3A_147 : vector<1x16xf32> to vector<16xf32>
              %swap3A_149 = vector.shape_cast %max3A_144 : vector<16xf32> to vector<1x16xf32>
              tpu.vector_store %arg11[%swap3A_145, %swap3A_146], %swap3A_149 {strides = array<i32>} : memref<80x128xf32, #tpu.memory_space<vmem>>, vector<1x16xf32>,
              %get3A_150 = arith.index_cast %scan3A_128 : i32 to index
              %get3A_151 = arith.constant 32 : index
              %get3A_152 = tpu.vector_load %arg11[%get3A_150, %get3A_151] {strides = array<i32>} : memref<80x128xf32, #tpu.memory_space<vmem>>, vector<1x16xf32>,
              %get3A_153 = vector.shape_cast %get3A_152 : vector<1x16xf32> to vector<16xf32>
              %max3A_154 = arith.constant 0.000000e+00 : f32
              %max3A_155 = vector.broadcast %max3A_154 : f32 to vector<16xf32>
              %max3A_156 = arith.maximumf %get3A_153, %max3A_155 : vector<16xf32>
              %swap3A_157 = arith.index_cast %scan3A_128 : i32 to index
              %swap3A_158 = arith.constant 32 : index
              %swap3A_159 = tpu.vector_load %arg11[%swap3A_157, %swap3A_158] {strides = array<i32>} : memref<80x128xf32, #tpu.memory_space<vmem>>, vector<1x16xf32>,
              %swap3A_160 = vector.shape_cast %swap3A_159 : vector<1x16xf32> to vector<16xf32>
              %swap3A_161 = vector.shape_cast %max3A_156 : vector<16xf32> to vector<1x16xf32>
              tpu.vector_store %arg11[%swap3A_157, %swap3A_158], %swap3A_161 {strides = array<i32>} : memref<80x128xf32, #tpu.memory_space<vmem>>, vector<1x16xf32>,
              %get3A_162 = arith.index_cast %scan3A_128 : i32 to index
              %get3A_163 = arith.constant 48 : index
              %get3A_164 = tpu.vector_load %arg11[%get3A_162, %get3A_163] {strides = array<i32>} : memref<80x128xf32, #tpu.memory_space<vmem>>, vector<1x16xf32>,
              %get3A_165 = vector.shape_cast %get3A_164 : vector<1x16xf32> to vector<16xf32>
              %max3A_166 = arith.constant 0.000000e+00 : f32
              %max3A_167 = vector.broadcast %max3A_166 : f32 to vector<16xf32>
              %max3A_168 = arith.maximumf %get3A_165, %max3A_167 : vector<16xf32>
              %swap3A_169 = arith.index_cast %scan3A_128 : i32 to index
              %swap3A_170 = arith.constant 48 : index
              %swap3A_171 = tpu.vector_load %arg11[%swap3A_169, %swap3A_170] {strides = array<i32>} : memref<80x128xf32, #tpu.memory_space<vmem>>, vector<1x16xf32>,
              %swap3A_172 = vector.shape_cast %swap3A_171 : vector<1x16xf32> to vector<16xf32>
              %swap3A_173 = vector.shape_cast %max3A_168 : vector<16xf32> to vector<1x16xf32>
              tpu.vector_store %arg11[%swap3A_169, %swap3A_170], %swap3A_173 {strides = array<i32>} : memref<80x128xf32, #tpu.memory_space<vmem>>, vector<1x16xf32>,
              %get3A_174 = arith.index_cast %scan3A_128 : i32 to index
              %get3A_175 = arith.constant 64 : index
              %get3A_176 = tpu.vector_load %arg11[%get3A_174, %get3A_175] {strides = array<i32>} : memref<80x128xf32, #tpu.memory_space<vmem>>, vector<1x16xf32>,
              %get3A_177 = vector.shape_cast %get3A_176 : vector<1x16xf32> to vector<16xf32>
              %max3A_178 = arith.constant 0.000000e+00 : f32
              %max3A_179 = vector.broadcast %max3A_178 : f32 to vector<16xf32>
              %max3A_180 = arith.maximumf %get3A_177, %max3A_179 : vector<16xf32>
              %swap3A_181 = arith.index_cast %scan3A_128 : i32 to index
              %swap3A_182 = arith.constant 64 : index
              %swap3A_183 = tpu.vector_load %arg11[%swap3A_181, %swap3A_182] {strides = array<i32>} : memref<80x128xf32, #tpu.memory_space<vmem>>, vector<1x16xf32>,
              %swap3A_184 = vector.shape_cast %swap3A_183 : vector<1x16xf32> to vector<16xf32>
              %swap3A_185 = vector.shape_cast %max3A_180 : vector<16xf32> to vector<1x16xf32>
              tpu.vector_store %arg11[%swap3A_181, %swap3A_182], %swap3A_185 {strides = array<i32>} : memref<80x128xf32, #tpu.memory_space<vmem>>, vector<1x16xf32>,
              %get3A_186 = arith.index_cast %scan3A_128 : i32 to index
              %get3A_187 = arith.constant 80 : index
              %get3A_188 = tpu.vector_load %arg11[%get3A_186, %get3A_187] {strides = array<i32>} : memref<80x128xf32, #tpu.memory_space<vmem>>, vector<1x16xf32>,
              %get3A_189 = vector.shape_cast %get3A_188 : vector<1x16xf32> to vector<16xf32>
              %max3A_190 = arith.constant 0.000000e+00 : f32
              %max3A_191 = vector.broadcast %max3A_190 : f32 to vector<16xf32>
              %max3A_192 = arith.maximumf %get3A_189, %max3A_191 : vector<16xf32>
              %swap3A_193 = arith.index_cast %scan3A_128 : i32 to index
              %swap3A_194 = arith.constant 80 : index
              %swap3A_195 = tpu.vector_load %arg11[%swap3A_193, %swap3A_194] {strides = array<i32>} : memref<80x128xf32, #tpu.memory_space<vmem>>, vector<1x16xf32>,
              %swap3A_196 = vector.shape_cast %swap3A_195 : vector<1x16xf32> to vector<16xf32>
              %swap3A_197 = vector.shape_cast %max3A_192 : vector<16xf32> to vector<1x16xf32>
              tpu.vector_store %arg11[%swap3A_193, %swap3A_194], %swap3A_197 {strides = array<i32>} : memref<80x128xf32, #tpu.memory_space<vmem>>, vector<1x16xf32>,
              %get3A_198 = arith.index_cast %scan3A_128 : i32 to index
              %get3A_199 = arith.constant 96 : index
              %get3A_200 = tpu.vector_load %arg11[%get3A_198, %get3A_199] {strides = array<i32>} : memref<80x128xf32, #tpu.memory_space<vmem>>, vector<1x16xf32>,
              %get3A_201 = vector.shape_cast %get3A_200 : vector<1x16xf32> to vector<16xf32>
              %max3A_202 = arith.constant 0.000000e+00 : f32
              %max3A_203 = vector.broadcast %max3A_202 : f32 to vector<16xf32>
              %max3A_204 = arith.maximumf %get3A_201, %max3A_203 : vector<16xf32>
              %swap3A_205 = arith.index_cast %scan3A_128 : i32 to index
              %swap3A_206 = arith.constant 96 : index
              %swap3A_207 = tpu.vector_load %arg11[%swap3A_205, %swap3A_206] {strides = array<i32>} : memref<80x128xf32, #tpu.memory_space<vmem>>, vector<1x16xf32>,
              %swap3A_208 = vector.shape_cast %swap3A_207 : vector<1x16xf32> to vector<16xf32>
              %swap3A_209 = vector.shape_cast %max3A_204 : vector<16xf32> to vector<1x16xf32>
              tpu.vector_store %arg11[%swap3A_205, %swap3A_206], %swap3A_209 {strides = array<i32>} : memref<80x128xf32, #tpu.memory_space<vmem>>, vector<1x16xf32>,
              %get3A_210 = arith.index_cast %scan3A_128 : i32 to index
              %get3A_211 = arith.constant 112 : index
              %get3A_212 = tpu.vector_load %arg11[%get3A_210, %get3A_211] {strides = array<i32>} : memref<80x128xf32, #tpu.memory_space<vmem>>, vector<1x16xf32>,
              %get3A_213 = vector.shape_cast %get3A_212 : vector<1x16xf32> to vector<16xf32>
              %max3A_214 = arith.constant 0.000000e+00 : f32
              %max3A_215 = vector.broadcast %max3A_214 : f32 to vector<16xf32>
              %max3A_216 = arith.maximumf %get3A_213, %max3A_215 : vector<16xf32>
              %swap3A_217 = arith.index_cast %scan3A_128 : i32 to index
              %swap3A_218 = arith.constant 112 : index
              %swap3A_219 = tpu.vector_load %arg11[%swap3A_217, %swap3A_218] {strides = array<i32>} : memref<80x128xf32, #tpu.memory_space<vmem>>, vector<1x16xf32>,
              %swap3A_220 = vector.shape_cast %swap3A_219 : vector<1x16xf32> to vector<16xf32>
              %swap3A_221 = vector.shape_cast %max3A_216 : vector<16xf32> to vector<1x16xf32>
              tpu.vector_store %arg11[%swap3A_217, %swap3A_218], %swap3A_221 {strides = array<i32>} : memref<80x128xf32, #tpu.memory_space<vmem>>, vector<1x16xf32>,
              %scan3A_222 = arith.constant 1 : i32
              %scan3A_223 = arith.addi %scan3A_128, %scan3A_222 : i32
              %get3A_224 = arith.index_cast %scan3A_223 : i32 to index
              %get3A_225 = arith.constant 0 : index
              %get3A_226 = tpu.vector_load %arg11[%get3A_224, %get3A_225] {strides = array<i32>} : memref<80x128xf32, #tpu.memory_space<vmem>>, vector<1x16xf32>,
              %get3A_227 = vector.shape_cast %get3A_226 : vector<1x16xf32> to vector<16xf32>
              %max3A_228 = arith.constant 0.000000e+00 : f32
              %max3A_229 = vector.broadcast %max3A_228 : f32 to vector<16xf32>
              %max3A_230 = arith.maximumf %get3A_227, %max3A_229 : vector<16xf32>
              %swap3A_231 = arith.index_cast %scan3A_223 : i32 to index
              %swap3A_232 = arith.constant 0 : index
              %swap3A_233 = tpu.vector_load %arg11[%swap3A_231, %swap3A_232] {strides = array<i32>} : memref<80x128xf32, #tpu.memory_space<vmem>>, vector<1x16xf32>,
              %swap3A_234 = vector.shape_cast %swap3A_233 : vector<1x16xf32> to vector<16xf32>
              %swap3A_235 = vector.shape_cast %max3A_230 : vector<16xf32> to vector<1x16xf32>
              tpu.vector_store %arg11[%swap3A_231, %swap3A_232], %swap3A_235 {strides = array<i32>} : memref<80x128xf32, #tpu.memory_space<vmem>>, vector<1x16xf32>,
              %get3A_236 = arith.index_cast %scan3A_223 : i32 to index
              %get3A_237 = arith.constant 16 : index
              %get3A_238 = tpu.vector_load %arg11[%get3A_236, %get3A_237] {strides = array<i32>} : memref<80x128xf32, #tpu.memory_space<vmem>>, vector<1x16xf32>,
              %get3A_239 = vector.shape_cast %get3A_238 : vector<1x16xf32> to vector<16xf32>
              %max3A_240 = arith.constant 0.000000e+00 : f32
              %max3A_241 = vector.broadcast %max3A_240 : f32 to vector<16xf32>
              %max3A_242 = arith.maximumf %get3A_239, %max3A_241 : vector<16xf32>
              %swap3A_243 = arith.index_cast %scan3A_223 : i32 to index
              %swap3A_244 = arith.constant 16 : index
              %swap3A_245 = tpu.vector_load %arg11[%swap3A_243, %swap3A_244] {strides = array<i32>} : memref<80x128xf32, #tpu.memory_space<vmem>>, vector<1x16xf32>,
              %swap3A_246 = vector.shape_cast %swap3A_245 : vector<1x16xf32> to vector<16xf32>
              %swap3A_247 = vector.shape_cast %max3A_242 : vector<16xf32> to vector<1x16xf32>
              tpu.vector_store %arg11[%swap3A_243, %swap3A_244], %swap3A_247 {strides = array<i32>} : memref<80x128xf32, #tpu.memory_space<vmem>>, vector<1x16xf32>,
              %get3A_248 = arith.index_cast %scan3A_223 : i32 to index
              %get3A_249 = arith.constant 32 : index
              %get3A_250 = tpu.vector_load %arg11[%get3A_248, %get3A_249] {strides = array<i32>} : memref<80x128xf32, #tpu.memory_space<vmem>>, vector<1x16xf32>,
              %get3A_251 = vector.shape_cast %get3A_250 : vector<1x16xf32> to vector<16xf32>
              %max3A_252 = arith.constant 0.000000e+00 : f32
              %max3A_253 = vector.broadcast %max3A_252 : f32 to vector<16xf32>
              %max3A_254 = arith.maximumf %get3A_251, %max3A_253 : vector<16xf32>
              %swap3A_255 = arith.index_cast %scan3A_223 : i32 to index
              %swap3A_256 = arith.constant 32 : index
              %swap3A_257 = tpu.vector_load %arg11[%swap3A_255, %swap3A_256] {strides = array<i32>} : memref<80x128xf32, #tpu.memory_space<vmem>>, vector<1x16xf32>,
              %swap3A_258 = vector.shape_cast %swap3A_257 : vector<1x16xf32> to vector<16xf32>
              %swap3A_259 = vector.shape_cast %max3A_254 : vector<16xf32> to vector<1x16xf32>
              tpu.vector_store %arg11[%swap3A_255, %swap3A_256], %swap3A_259 {strides = array<i32>} : memref<80x128xf32, #tpu.memory_space<vmem>>, vector<1x16xf32>,
              %get3A_260 = arith.index_cast %scan3A_223 : i32 to index
              %get3A_261 = arith.constant 48 : index
              %get3A_262 = tpu.vector_load %arg11[%get3A_260, %get3A_261] {strides = array<i32>} : memref<80x128xf32, #tpu.memory_space<vmem>>, vector<1x16xf32>,
              %get3A_263 = vector.shape_cast %get3A_262 : vector<1x16xf32> to vector<16xf32>
              %max3A_264 = arith.constant 0.000000e+00 : f32
              %max3A_265 = vector.broadcast %max3A_264 : f32 to vector<16xf32>
              %max3A_266 = arith.maximumf %get3A_263, %max3A_265 : vector<16xf32>
              %swap3A_267 = arith.index_cast %scan3A_223 : i32 to index
              %swap3A_268 = arith.constant 48 : index
              %swap3A_269 = tpu.vector_load %arg11[%swap3A_267, %swap3A_268] {strides = array<i32>} : memref<80x128xf32, #tpu.memory_space<vmem>>, vector<1x16xf32>,
              %swap3A_270 = vector.shape_cast %swap3A_269 : vector<1x16xf32> to vector<16xf32>
              %swap3A_271 = vector.shape_cast %max3A_266 : vector<16xf32> to vector<1x16xf32>
              tpu.vector_store %arg11[%swap3A_267, %swap3A_268], %swap3A_271 {strides = array<i32>} : memref<80x128xf32, #tpu.memory_space<vmem>>, vector<1x16xf32>,
              %get3A_272 = arith.index_cast %scan3A_223 : i32 to index
              %get3A_273 = arith.constant 64 : index
              %get3A_274 = tpu.vector_load %arg11[%get3A_272, %get3A_273] {strides = array<i32>} : memref<80x128xf32, #tpu.memory_space<vmem>>, vector<1x16xf32>,
              %get3A_275 = vector.shape_cast %get3A_274 : vector<1x16xf32> to vector<16xf32>
              %max3A_276 = arith.constant 0.000000e+00 : f32
              %max3A_277 = vector.broadcast %max3A_276 : f32 to vector<16xf32>
              %max3A_278 = arith.maximumf %get3A_275, %max3A_277 : vector<16xf32>
              %swap3A_279 = arith.index_cast %scan3A_223 : i32 to index
              %swap3A_280 = arith.constant 64 : index
              %swap3A_281 = tpu.vector_load %arg11[%swap3A_279, %swap3A_280] {strides = array<i32>} : memref<80x128xf32, #tpu.memory_space<vmem>>, vector<1x16xf32>,
              %swap3A_282 = vector.shape_cast %swap3A_281 : vector<1x16xf32> to vector<16xf32>
              %swap3A_283 = vector.shape_cast %max3A_278 : vector<16xf32> to vector<1x16xf32>
              tpu.vector_store %arg11[%swap3A_279, %swap3A_280], %swap3A_283 {strides = array<i32>} : memref<80x128xf32, #tpu.memory_space<vmem>>, vector<1x16xf32>,
              %get3A_284 = arith.index_cast %scan3A_223 : i32 to index
              %get3A_285 = arith.constant 80 : index
              %get3A_286 = tpu.vector_load %arg11[%get3A_284, %get3A_285] {strides = array<i32>} : memref<80x128xf32, #tpu.memory_space<vmem>>, vector<1x16xf32>,
              %get3A_287 = vector.shape_cast %get3A_286 : vector<1x16xf32> to vector<16xf32>
              %max3A_288 = arith.constant 0.000000e+00 : f32
              %max3A_289 = vector.broadcast %max3A_288 : f32 to vector<16xf32>
              %max3A_290 = arith.maximumf %get3A_287, %max3A_289 : vector<16xf32>
              %swap3A_291 = arith.index_cast %scan3A_223 : i32 to index
              %swap3A_292 = arith.constant 80 : index
              %swap3A_293 = tpu.vector_load %arg11[%swap3A_291, %swap3A_292] {strides = array<i32>} : memref<80x128xf32, #tpu.memory_space<vmem>>, vector<1x16xf32>,
              %swap3A_294 = vector.shape_cast %swap3A_293 : vector<1x16xf32> to vector<16xf32>
              %swap3A_295 = vector.shape_cast %max3A_290 : vector<16xf32> to vector<1x16xf32>
              tpu.vector_store %arg11[%swap3A_291, %swap3A_292], %swap3A_295 {strides = array<i32>} : memref<80x128xf32, #tpu.memory_space<vmem>>, vector<1x16xf32>,
              %get3A_296 = arith.index_cast %scan3A_223 : i32 to index
              %get3A_297 = arith.constant 96 : index
              %get3A_298 = tpu.vector_load %arg11[%get3A_296, %get3A_297] {strides = array<i32>} : memref<80x128xf32, #tpu.memory_space<vmem>>, vector<1x16xf32>,
              %get3A_299 = vector.shape_cast %get3A_298 : vector<1x16xf32> to vector<16xf32>
              %max3A_300 = arith.constant 0.000000e+00 : f32
              %max3A_301 = vector.broadcast %max3A_300 : f32 to vector<16xf32>
              %max3A_302 = arith.maximumf %get3A_299, %max3A_301 : vector<16xf32>
              %swap3A_303 = arith.index_cast %scan3A_223 : i32 to index
              %swap3A_304 = arith.constant 96 : index
              %swap3A_305 = tpu.vector_load %arg11[%swap3A_303, %swap3A_304] {strides = array<i32>} : memref<80x128xf32, #tpu.memory_space<vmem>>, vector<1x16xf32>,
              %swap3A_306 = vector.shape_cast %swap3A_305 : vector<1x16xf32> to vector<16xf32>
              %swap3A_307 = vector.shape_cast %max3A_302 : vector<16xf32> to vector<1x16xf32>
              tpu.vector_store %arg11[%swap3A_303, %swap3A_304], %swap3A_307 {strides = array<i32>} : memref<80x128xf32, #tpu.memory_space<vmem>>, vector<1x16xf32>,
              %get3A_308 = arith.index_cast %scan3A_223 : i32 to index
              %get3A_309 = arith.constant 112 : index
              %get3A_310 = tpu.vector_load %arg11[%get3A_308, %get3A_309] {strides = array<i32>} : memref<80x128xf32, #tpu.memory_space<vmem>>, vector<1x16xf32>,
              %get3A_311 = vector.shape_cast %get3A_310 : vector<1x16xf32> to vector<16xf32>
              %max3A_312 = arith.constant 0.000000e+00 : f32
              %max3A_313 = vector.broadcast %max3A_312 : f32 to vector<16xf32>
              %max3A_314 = arith.maximumf %get3A_311, %max3A_313 : vector<16xf32>
              %swap3A_315 = arith.index_cast %scan3A_223 : i32 to index
              %swap3A_316 = arith.constant 112 : index
              %swap3A_317 = tpu.vector_load %arg11[%swap3A_315, %swap3A_316] {strides = array<i32>} : memref<80x128xf32, #tpu.memory_space<vmem>>, vector<1x16xf32>,
              %swap3A_318 = vector.shape_cast %swap3A_317 : vector<1x16xf32> to vector<16xf32>
              %swap3A_319 = vector.shape_cast %max3A_314 : vector<16xf32> to vector<1x16xf32>
              tpu.vector_store %arg11[%swap3A_315, %swap3A_316], %swap3A_319 {strides = array<i32>} : memref<80x128xf32, #tpu.memory_space<vmem>>, vector<1x16xf32>,
              %scan3A_320 = arith.constant 2 : i32
              %scan3A_321 = arith.addi %scan3A_128, %scan3A_320 : i32
              %get3A_322 = arith.index_cast %scan3A_321 : i32 to index
              %get3A_323 = arith.constant 0 : index
              %get3A_324 = tpu.vector_load %arg11[%get3A_322, %get3A_323] {strides = array<i32>} : memref<80x128xf32, #tpu.memory_space<vmem>>, vector<1x16xf32>,
              %get3A_325 = vector.shape_cast %get3A_324 : vector<1x16xf32> to vector<16xf32>
              %max3A_326 = arith.constant 0.000000e+00 : f32
              %max3A_327 = vector.broadcast %max3A_326 : f32 to vector<16xf32>
              %max3A_328 = arith.maximumf %get3A_325, %max3A_327 : vector<16xf32>
              %swap3A_329 = arith.index_cast %scan3A_321 : i32 to index
              %swap3A_330 = arith.constant 0 : index
              %swap3A_331 = tpu.vector_load %arg11[%swap3A_329, %swap3A_330] {strides = array<i32>} : memref<80x128xf32, #tpu.memory_space<vmem>>, vector<1x16xf32>,
              %swap3A_332 = vector.shape_cast %swap3A_331 : vector<1x16xf32> to vector<16xf32>
              %swap3A_333 = vector.shape_cast %max3A_328 : vector<16xf32> to vector<1x16xf32>
              tpu.vector_store %arg11[%swap3A_329, %swap3A_330], %swap3A_333 {strides = array<i32>} : memref<80x128xf32, #tpu.memory_space<vmem>>, vector<1x16xf32>,
              %get3A_334 = arith.index_cast %scan3A_321 : i32 to index
              %get3A_335 = arith.constant 16 : index
              %get3A_336 = tpu.vector_load %arg11[%get3A_334, %get3A_335] {strides = array<i32>} : memref<80x128xf32, #tpu.memory_space<vmem>>, vector<1x16xf32>,
              %get3A_337 = vector.shape_cast %get3A_336 : vector<1x16xf32> to vector<16xf32>
              %max3A_338 = arith.constant 0.000000e+00 : f32
              %max3A_339 = vector.broadcast %max3A_338 : f32 to vector<16xf32>
              %max3A_340 = arith.maximumf %get3A_337, %max3A_339 : vector<16xf32>
              %swap3A_341 = arith.index_cast %scan3A_321 : i32 to index
              %swap3A_342 = arith.constant 16 : index
              %swap3A_343 = tpu.vector_load %arg11[%swap3A_341, %swap3A_342] {strides = array<i32>} : memref<80x128xf32, #tpu.memory_space<vmem>>, vector<1x16xf32>,
              %swap3A_344 = vector.shape_cast %swap3A_343 : vector<1x16xf32> to vector<16xf32>
              %swap3A_345 = vector.shape_cast %max3A_340 : vector<16xf32> to vector<1x16xf32>
              tpu.vector_store %arg11[%swap3A_341, %swap3A_342], %swap3A_345 {strides = array<i32>} : memref<80x128xf32, #tpu.memory_space<vmem>>, vector<1x16xf32>,
              %get3A_346 = arith.index_cast %scan3A_321 : i32 to index
              %get3A_347 = arith.constant 32 : index
              %get3A_348 = tpu.vector_load %arg11[%get3A_346, %get3A_347] {strides = array<i32>} : memref<80x128xf32, #tpu.memory_space<vmem>>, vector<1x16xf32>,
              %get3A_349 = vector.shape_cast %get3A_348 : vector<1x16xf32> to vector<16xf32>
              %max3A_350 = arith.constant 0.000000e+00 : f32
              %max3A_351 = vector.broadcast %max3A_350 : f32 to vector<16xf32>
              %max3A_352 = arith.maximumf %get3A_349, %max3A_351 : vector<16xf32>
              %swap3A_353 = arith.index_cast %scan3A_321 : i32 to index
              %swap3A_354 = arith.constant 32 : index
              %swap3A_355 = tpu.vector_load %arg11[%swap3A_353, %swap3A_354] {strides = array<i32>} : memref<80x128xf32, #tpu.memory_space<vmem>>, vector<1x16xf32>,
              %swap3A_356 = vector.shape_cast %swap3A_355 : vector<1x16xf32> to vector<16xf32>
              %swap3A_357 = vector.shape_cast %max3A_352 : vector<16xf32> to vector<1x16xf32>
              tpu.vector_store %arg11[%swap3A_353, %swap3A_354], %swap3A_357 {strides = array<i32>} : memref<80x128xf32, #tpu.memory_space<vmem>>, vector<1x16xf32>,
              %get3A_358 = arith.index_cast %scan3A_321 : i32 to index
              %get3A_359 = arith.constant 48 : index
              %get3A_360 = tpu.vector_load %arg11[%get3A_358, %get3A_359] {strides = array<i32>} : memref<80x128xf32, #tpu.memory_space<vmem>>, vector<1x16xf32>,
              %get3A_361 = vector.shape_cast %get3A_360 : vector<1x16xf32> to vector<16xf32>
              %max3A_362 = arith.constant 0.000000e+00 : f32
              %max3A_363 = vector.broadcast %max3A_362 : f32 to vector<16xf32>
              %max3A_364 = arith.maximumf %get3A_361, %max3A_363 : vector<16xf32>
              %swap3A_365 = arith.index_cast %scan3A_321 : i32 to index
              %swap3A_366 = arith.constant 48 : index
              %swap3A_367 = tpu.vector_load %arg11[%swap3A_365, %swap3A_366] {strides = array<i32>} : memref<80x128xf32, #tpu.memory_space<vmem>>, vector<1x16xf32>,
              %swap3A_368 = vector.shape_cast %swap3A_367 : vector<1x16xf32> to vector<16xf32>
              %swap3A_369 = vector.shape_cast %max3A_364 : vector<16xf32> to vector<1x16xf32>
              tpu.vector_store %arg11[%swap3A_365, %swap3A_366], %swap3A_369 {strides = array<i32>} : memref<80x128xf32, #tpu.memory_space<vmem>>, vector<1x16xf32>,
              %get3A_370 = arith.index_cast %scan3A_321 : i32 to index
              %get3A_371 = arith.constant 64 : index
              %get3A_372 = tpu.vector_load %arg11[%get3A_370, %get3A_371] {strides = array<i32>} : memref<80x128xf32, #tpu.memory_space<vmem>>, vector<1x16xf32>,
              %get3A_373 = vector.shape_cast %get3A_372 : vector<1x16xf32> to vector<16xf32>
              %max3A_374 = arith.constant 0.000000e+00 : f32
              %max3A_375 = vector.broadcast %max3A_374 : f32 to vector<16xf32>
              %max3A_376 = arith.maximumf %get3A_373, %max3A_375 : vector<16xf32>
              %swap3A_377 = arith.index_cast %scan3A_321 : i32 to index
              %swap3A_378 = arith.constant 64 : index
              %swap3A_379 = tpu.vector_load %arg11[%swap3A_377, %swap3A_378] {strides = array<i32>} : memref<80x128xf32, #tpu.memory_space<vmem>>, vector<1x16xf32>,
              %swap3A_380 = vector.shape_cast %swap3A_379 : vector<1x16xf32> to vector<16xf32>
              %swap3A_381 = vector.shape_cast %max3A_376 : vector<16xf32> to vector<1x16xf32>
              tpu.vector_store %arg11[%swap3A_377, %swap3A_378], %swap3A_381 {strides = array<i32>} : memref<80x128xf32, #tpu.memory_space<vmem>>, vector<1x16xf32>,
              %get3A_382 = arith.index_cast %scan3A_321 : i32 to index
              %get3A_383 = arith.constant 80 : index
              %get3A_384 = tpu.vector_load %arg11[%get3A_382, %get3A_383] {strides = array<i32>} : memref<80x128xf32, #tpu.memory_space<vmem>>, vector<1x16xf32>,
              %get3A_385 = vector.shape_cast %get3A_384 : vector<1x16xf32> to vector<16xf32>
              %max3A_386 = arith.constant 0.000000e+00 : f32
              %max3A_387 = vector.broadcast %max3A_386 : f32 to vector<16xf32>
              %max3A_388 = arith.maximumf %get3A_385, %max3A_387 : vector<16xf32>
              %swap3A_389 = arith.index_cast %scan3A_321 : i32 to index
              %swap3A_390 = arith.constant 80 : index
              %swap3A_391 = tpu.vector_load %arg11[%swap3A_389, %swap3A_390] {strides = array<i32>} : memref<80x128xf32, #tpu.memory_space<vmem>>, vector<1x16xf32>,
              %swap3A_392 = vector.shape_cast %swap3A_391 : vector<1x16xf32> to vector<16xf32>
              %swap3A_393 = vector.shape_cast %max3A_388 : vector<16xf32> to vector<1x16xf32>
              tpu.vector_store %arg11[%swap3A_389, %swap3A_390], %swap3A_393 {strides = array<i32>} : memref<80x128xf32, #tpu.memory_space<vmem>>, vector<1x16xf32>,
              %get3A_394 = arith.index_cast %scan3A_321 : i32 to index
              %get3A_395 = arith.constant 96 : index
              %get3A_396 = tpu.vector_load %arg11[%get3A_394, %get3A_395] {strides = array<i32>} : memref<80x128xf32, #tpu.memory_space<vmem>>, vector<1x16xf32>,
              %get3A_397 = vector.shape_cast %get3A_396 : vector<1x16xf32> to vector<16xf32>
              %max3A_398 = arith.constant 0.000000e+00 : f32
              %max3A_399 = vector.broadcast %max3A_398 : f32 to vector<16xf32>
              %max3A_400 = arith.maximumf %get3A_397, %max3A_399 : vector<16xf32>
              %swap3A_401 = arith.index_cast %scan3A_321 : i32 to index
              %swap3A_402 = arith.constant 96 : index
              %swap3A_403 = tpu.vector_load %arg11[%swap3A_401, %swap3A_402] {strides = array<i32>} : memref<80x128xf32, #tpu.memory_space<vmem>>, vector<1x16xf32>,
              %swap3A_404 = vector.shape_cast %swap3A_403 : vector<1x16xf32> to vector<16xf32>
              %swap3A_405 = vector.shape_cast %max3A_400 : vector<16xf32> to vector<1x16xf32>
              tpu.vector_store %arg11[%swap3A_401, %swap3A_402], %swap3A_405 {strides = array<i32>} : memref<80x128xf32, #tpu.memory_space<vmem>>, vector<1x16xf32>,
              %get3A_406 = arith.index_cast %scan3A_321 : i32 to index
              %get3A_407 = arith.constant 112 : index
              %get3A_408 = tpu.vector_load %arg11[%get3A_406, %get3A_407] {strides = array<i32>} : memref<80x128xf32, #tpu.memory_space<vmem>>, vector<1x16xf32>,
              %get3A_409 = vector.shape_cast %get3A_408 : vector<1x16xf32> to vector<16xf32>
              %max3A_410 = arith.constant 0.000000e+00 : f32
              %max3A_411 = vector.broadcast %max3A_410 : f32 to vector<16xf32>
              %max3A_412 = arith.maximumf %get3A_409, %max3A_411 : vector<16xf32>
              %swap3A_413 = arith.index_cast %scan3A_321 : i32 to index
              %swap3A_414 = arith.constant 112 : index
              %swap3A_415 = tpu.vector_load %arg11[%swap3A_413, %swap3A_414] {strides = array<i32>} : memref<80x128xf32, #tpu.memory_space<vmem>>, vector<1x16xf32>,
              %swap3A_416 = vector.shape_cast %swap3A_415 : vector<1x16xf32> to vector<16xf32>
              %swap3A_417 = vector.shape_cast %max3A_412 : vector<16xf32> to vector<1x16xf32>
              tpu.vector_store %arg11[%swap3A_413, %swap3A_414], %swap3A_417 {strides = array<i32>} : memref<80x128xf32, #tpu.memory_space<vmem>>, vector<1x16xf32>,
              %scan3A_418 = arith.constant 3 : i32
              %scan3A_419 = arith.addi %scan3A_128, %scan3A_418 : i32
              %get3A_420 = arith.index_cast %scan3A_419 : i32 to index
              %get3A_421 = arith.constant 0 : index
              %get3A_422 = tpu.vector_load %arg11[%get3A_420, %get3A_421] {strides = array<i32>} : memref<80x128xf32, #tpu.memory_space<vmem>>, vector<1x16xf32>,
              %get3A_423 = vector.shape_cast %get3A_422 : vector<1x16xf32> to vector<16xf32>
              %max3A_424 = arith.constant 0.000000e+00 : f32
              %max3A_425 = vector.broadcast %max3A_424 : f32 to vector<16xf32>
              %max3A_426 = arith.maximumf %get3A_423, %max3A_425 : vector<16xf32>
              %swap3A_427 = arith.index_cast %scan3A_419 : i32 to index
              %swap3A_428 = arith.constant 0 : index
              %swap3A_429 = tpu.vector_load %arg11[%swap3A_427, %swap3A_428] {strides = array<i32>} : memref<80x128xf32, #tpu.memory_space<vmem>>, vector<1x16xf32>,
              %swap3A_430 = vector.shape_cast %swap3A_429 : vector<1x16xf32> to vector<16xf32>
              %swap3A_431 = vector.shape_cast %max3A_426 : vector<16xf32> to vector<1x16xf32>
              tpu.vector_store %arg11[%swap3A_427, %swap3A_428], %swap3A_431 {strides = array<i32>} : memref<80x128xf32, #tpu.memory_space<vmem>>, vector<1x16xf32>,
              %get3A_432 = arith.index_cast %scan3A_419 : i32 to index
              %get3A_433 = arith.constant 16 : index
              %get3A_434 = tpu.vector_load %arg11[%get3A_432, %get3A_433] {strides = array<i32>} : memref<80x128xf32, #tpu.memory_space<vmem>>, vector<1x16xf32>,
              %get3A_435 = vector.shape_cast %get3A_434 : vector<1x16xf32> to vector<16xf32>
              %max3A_436 = arith.constant 0.000000e+00 : f32
              %max3A_437 = vector.broadcast %max3A_436 : f32 to vector<16xf32>
              %max3A_438 = arith.maximumf %get3A_435, %max3A_437 : vector<16xf32>
              %swap3A_439 = arith.index_cast %scan3A_419 : i32 to index
              %swap3A_440 = arith.constant 16 : index
              %swap3A_441 = tpu.vector_load %arg11[%swap3A_439, %swap3A_440] {strides = array<i32>} : memref<80x128xf32, #tpu.memory_space<vmem>>, vector<1x16xf32>,
              %swap3A_442 = vector.shape_cast %swap3A_441 : vector<1x16xf32> to vector<16xf32>
              %swap3A_443 = vector.shape_cast %max3A_438 : vector<16xf32> to vector<1x16xf32>
              tpu.vector_store %arg11[%swap3A_439, %swap3A_440], %swap3A_443 {strides = array<i32>} : memref<80x128xf32, #tpu.memory_space<vmem>>, vector<1x16xf32>,
              %get3A_444 = arith.index_cast %scan3A_419 : i32 to index
              %get3A_445 = arith.constant 32 : index
              %get3A_446 = tpu.vector_load %arg11[%get3A_444, %get3A_445] {strides = array<i32>} : memref<80x128xf32, #tpu.memory_space<vmem>>, vector<1x16xf32>,
              %get3A_447 = vector.shape_cast %get3A_446 : vector<1x16xf32> to vector<16xf32>
              %max3A_448 = arith.constant 0.000000e+00 : f32
              %max3A_449 = vector.broadcast %max3A_448 : f32 to vector<16xf32>
              %max3A_450 = arith.maximumf %get3A_447, %max3A_449 : vector<16xf32>
              %swap3A_451 = arith.index_cast %scan3A_419 : i32 to index
              %swap3A_452 = arith.constant 32 : index
              %swap3A_453 = tpu.vector_load %arg11[%swap3A_451, %swap3A_452] {strides = array<i32>} : memref<80x128xf32, #tpu.memory_space<vmem>>, vector<1x16xf32>,
              %swap3A_454 = vector.shape_cast %swap3A_453 : vector<1x16xf32> to vector<16xf32>
              %swap3A_455 = vector.shape_cast %max3A_450 : vector<16xf32> to vector<1x16xf32>
              tpu.vector_store %arg11[%swap3A_451, %swap3A_452], %swap3A_455 {strides = array<i32>} : memref<80x128xf32, #tpu.memory_space<vmem>>, vector<1x16xf32>,
              %get3A_456 = arith.index_cast %scan3A_419 : i32 to index
              %get3A_457 = arith.constant 48 : index
              %get3A_458 = tpu.vector_load %arg11[%get3A_456, %get3A_457] {strides = array<i32>} : memref<80x128xf32, #tpu.memory_space<vmem>>, vector<1x16xf32>,
              %get3A_459 = vector.shape_cast %get3A_458 : vector<1x16xf32> to vector<16xf32>
              %max3A_460 = arith.constant 0.000000e+00 : f32
              %max3A_461 = vector.broadcast %max3A_460 : f32 to vector<16xf32>
              %max3A_462 = arith.maximumf %get3A_459, %max3A_461 : vector<16xf32>
              %swap3A_463 = arith.index_cast %scan3A_419 : i32 to index
              %swap3A_464 = arith.constant 48 : index
              %swap3A_465 = tpu.vector_load %arg11[%swap3A_463, %swap3A_464] {strides = array<i32>} : memref<80x128xf32, #tpu.memory_space<vmem>>, vector<1x16xf32>,
              %swap3A_466 = vector.shape_cast %swap3A_465 : vector<1x16xf32> to vector<16xf32>
              %swap3A_467 = vector.shape_cast %max3A_462 : vector<16xf32> to vector<1x16xf32>
              tpu.vector_store %arg11[%swap3A_463, %swap3A_464], %swap3A_467 {strides = array<i32>} : memref<80x128xf32, #tpu.memory_space<vmem>>, vector<1x16xf32>,
              %get3A_468 = arith.index_cast %scan3A_419 : i32 to index
              %get3A_469 = arith.constant 64 : index
              %get3A_470 = tpu.vector_load %arg11[%get3A_468, %get3A_469] {strides = array<i32>} : memref<80x128xf32, #tpu.memory_space<vmem>>, vector<1x16xf32>,
              %get3A_471 = vector.shape_cast %get3A_470 : vector<1x16xf32> to vector<16xf32>
              %max3A_472 = arith.constant 0.000000e+00 : f32
              %max3A_473 = vector.broadcast %max3A_472 : f32 to vector<16xf32>
              %max3A_474 = arith.maximumf %get3A_471, %max3A_473 : vector<16xf32>
              %swap3A_475 = arith.index_cast %scan3A_419 : i32 to index
              %swap3A_476 = arith.constant 64 : index
              %swap3A_477 = tpu.vector_load %arg11[%swap3A_475, %swap3A_476] {strides = array<i32>} : memref<80x128xf32, #tpu.memory_space<vmem>>, vector<1x16xf32>,
              %swap3A_478 = vector.shape_cast %swap3A_477 : vector<1x16xf32> to vector<16xf32>
              %swap3A_479 = vector.shape_cast %max3A_474 : vector<16xf32> to vector<1x16xf32>
              tpu.vector_store %arg11[%swap3A_475, %swap3A_476], %swap3A_479 {strides = array<i32>} : memref<80x128xf32, #tpu.memory_space<vmem>>, vector<1x16xf32>,
              %get3A_480 = arith.index_cast %scan3A_419 : i32 to index
              %get3A_481 = arith.constant 80 : index
              %get3A_482 = tpu.vector_load %arg11[%get3A_480, %get3A_481] {strides = array<i32>} : memref<80x128xf32, #tpu.memory_space<vmem>>, vector<1x16xf32>,
              %get3A_483 = vector.shape_cast %get3A_482 : vector<1x16xf32> to vector<16xf32>
              %max3A_484 = arith.constant 0.000000e+00 : f32
              %max3A_485 = vector.broadcast %max3A_484 : f32 to vector<16xf32>
              %max3A_486 = arith.maximumf %get3A_483, %max3A_485 : vector<16xf32>
              %swap3A_487 = arith.index_cast %scan3A_419 : i32 to index
              %swap3A_488 = arith.constant 80 : index
              %swap3A_489 = tpu.vector_load %arg11[%swap3A_487, %swap3A_488] {strides = array<i32>} : memref<80x128xf32, #tpu.memory_space<vmem>>, vector<1x16xf32>,
              %swap3A_490 = vector.shape_cast %swap3A_489 : vector<1x16xf32> to vector<16xf32>
              %swap3A_491 = vector.shape_cast %max3A_486 : vector<16xf32> to vector<1x16xf32>
              tpu.vector_store %arg11[%swap3A_487, %swap3A_488], %swap3A_491 {strides = array<i32>} : memref<80x128xf32, #tpu.memory_space<vmem>>, vector<1x16xf32>,
              %get3A_492 = arith.index_cast %scan3A_419 : i32 to index
              %get3A_493 = arith.constant 96 : index
              %get3A_494 = tpu.vector_load %arg11[%get3A_492, %get3A_493] {strides = array<i32>} : memref<80x128xf32, #tpu.memory_space<vmem>>, vector<1x16xf32>,
              %get3A_495 = vector.shape_cast %get3A_494 : vector<1x16xf32> to vector<16xf32>
              %max3A_496 = arith.constant 0.000000e+00 : f32
              %max3A_497 = vector.broadcast %max3A_496 : f32 to vector<16xf32>
              %max3A_498 = arith.maximumf %get3A_495, %max3A_497 : vector<16xf32>
              %swap3A_499 = arith.index_cast %scan3A_419 : i32 to index
              %swap3A_500 = arith.constant 96 : index
              %swap3A_501 = tpu.vector_load %arg11[%swap3A_499, %swap3A_500] {strides = array<i32>} : memref<80x128xf32, #tpu.memory_space<vmem>>, vector<1x16xf32>,
              %swap3A_502 = vector.shape_cast %swap3A_501 : vector<1x16xf32> to vector<16xf32>
              %swap3A_503 = vector.shape_cast %max3A_498 : vector<16xf32> to vector<1x16xf32>
              tpu.vector_store %arg11[%swap3A_499, %swap3A_500], %swap3A_503 {strides = array<i32>} : memref<80x128xf32, #tpu.memory_space<vmem>>, vector<1x16xf32>,
              %get3A_504 = arith.index_cast %scan3A_419 : i32 to index
              %get3A_505 = arith.constant 112 : index
              %get3A_506 = tpu.vector_load %arg11[%get3A_504, %get3A_505] {strides = array<i32>} : memref<80x128xf32, #tpu.memory_space<vmem>>, vector<1x16xf32>,
              %get3A_507 = vector.shape_cast %get3A_506 : vector<1x16xf32> to vector<16xf32>
              %max3A_508 = arith.constant 0.000000e+00 : f32
              %max3A_509 = vector.broadcast %max3A_508 : f32 to vector<16xf32>
              %max3A_510 = arith.maximumf %get3A_507, %max3A_509 : vector<16xf32>
              %swap3A_511 = arith.index_cast %scan3A_419 : i32 to index
              %swap3A_512 = arith.constant 112 : index
              %swap3A_513 = tpu.vector_load %arg11[%swap3A_511, %swap3A_512] {strides = array<i32>} : memref<80x128xf32, #tpu.memory_space<vmem>>, vector<1x16xf32>,
              %swap3A_514 = vector.shape_cast %swap3A_513 : vector<1x16xf32> to vector<16xf32>
              %swap3A_515 = vector.shape_cast %max3A_510 : vector<16xf32> to vector<1x16xf32>
              tpu.vector_store %arg11[%swap3A_511, %swap3A_512], %swap3A_515 {strides = array<i32>} : memref<80x128xf32, #tpu.memory_space<vmem>>, vector<1x16xf32>,
              %scan3A_516 = arith.constant 4 : i32
              %scan3A_517 = arith.addi %scan3A_128, %scan3A_516 : i32
              %get3A_518 = arith.index_cast %scan3A_517 : i32 to index
              %get3A_519 = arith.constant 0 : index
              %get3A_520 = tpu.vector_load %arg11[%get3A_518, %get3A_519] {strides = array<i32>} : memref<80x128xf32, #tpu.memory_space<vmem>>, vector<1x16xf32>,
              %get3A_521 = vector.shape_cast %get3A_520 : vector<1x16xf32> to vector<16xf32>
              %max3A_522 = arith.constant 0.000000e+00 : f32
              %max3A_523 = vector.broadcast %max3A_522 : f32 to vector<16xf32>
              %max3A_524 = arith.maximumf %get3A_521, %max3A_523 : vector<16xf32>
              %swap3A_525 = arith.index_cast %scan3A_517 : i32 to index
              %swap3A_526 = arith.constant 0 : index
              %swap3A_527 = tpu.vector_load %arg11[%swap3A_525, %swap3A_526] {strides = array<i32>} : memref<80x128xf32, #tpu.memory_space<vmem>>, vector<1x16xf32>,
              %swap3A_528 = vector.shape_cast %swap3A_527 : vector<1x16xf32> to vector<16xf32>
              %swap3A_529 = vector.shape_cast %max3A_524 : vector<16xf32> to vector<1x16xf32>
              tpu.vector_store %arg11[%swap3A_525, %swap3A_526], %swap3A_529 {strides = array<i32>} : memref<80x128xf32, #tpu.memory_space<vmem>>, vector<1x16xf32>,
              %get3A_530 = arith.index_cast %scan3A_517 : i32 to index
              %get3A_531 = arith.constant 16 : index
              %get3A_532 = tpu.vector_load %arg11[%get3A_530, %get3A_531] {strides = array<i32>} : memref<80x128xf32, #tpu.memory_space<vmem>>, vector<1x16xf32>,
              %get3A_533 = vector.shape_cast %get3A_532 : vector<1x16xf32> to vector<16xf32>
              %max3A_534 = arith.constant 0.000000e+00 : f32
              %max3A_535 = vector.broadcast %max3A_534 : f32 to vector<16xf32>
              %max3A_536 = arith.maximumf %get3A_533, %max3A_535 : vector<16xf32>
              %swap3A_537 = arith.index_cast %scan3A_517 : i32 to index
              %swap3A_538 = arith.constant 16 : index
              %swap3A_539 = tpu.vector_load %arg11[%swap3A_537, %swap3A_538] {strides = array<i32>} : memref<80x128xf32, #tpu.memory_space<vmem>>, vector<1x16xf32>,
              %swap3A_540 = vector.shape_cast %swap3A_539 : vector<1x16xf32> to vector<16xf32>
              %swap3A_541 = vector.shape_cast %max3A_536 : vector<16xf32> to vector<1x16xf32>
              tpu.vector_store %arg11[%swap3A_537, %swap3A_538], %swap3A_541 {strides = array<i32>} : memref<80x128xf32, #tpu.memory_space<vmem>>, vector<1x16xf32>,
              %get3A_542 = arith.index_cast %scan3A_517 : i32 to index
              %get3A_543 = arith.constant 32 : index
              %get3A_544 = tpu.vector_load %arg11[%get3A_542, %get3A_543] {strides = array<i32>} : memref<80x128xf32, #tpu.memory_space<vmem>>, vector<1x16xf32>,
              %get3A_545 = vector.shape_cast %get3A_544 : vector<1x16xf32> to vector<16xf32>
              %max3A_546 = arith.constant 0.000000e+00 : f32
              %max3A_547 = vector.broadcast %max3A_546 : f32 to vector<16xf32>
              %max3A_548 = arith.maximumf %get3A_545, %max3A_547 : vector<16xf32>
              %swap3A_549 = arith.index_cast %scan3A_517 : i32 to index
              %swap3A_550 = arith.constant 32 : index
              %swap3A_551 = tpu.vector_load %arg11[%swap3A_549, %swap3A_550] {strides = array<i32>} : memref<80x128xf32, #tpu.memory_space<vmem>>, vector<1x16xf32>,
              %swap3A_552 = vector.shape_cast %swap3A_551 : vector<1x16xf32> to vector<16xf32>
              %swap3A_553 = vector.shape_cast %max3A_548 : vector<16xf32> to vector<1x16xf32>
              tpu.vector_store %arg11[%swap3A_549, %swap3A_550], %swap3A_553 {strides = array<i32>} : memref<80x128xf32, #tpu.memory_space<vmem>>, vector<1x16xf32>,
              %get3A_554 = arith.index_cast %scan3A_517 : i32 to index
              %get3A_555 = arith.constant 48 : index
              %get3A_556 = tpu.vector_load %arg11[%get3A_554, %get3A_555] {strides = array<i32>} : memref<80x128xf32, #tpu.memory_space<vmem>>, vector<1x16xf32>,
              %get3A_557 = vector.shape_cast %get3A_556 : vector<1x16xf32> to vector<16xf32>
              %max3A_558 = arith.constant 0.000000e+00 : f32
              %max3A_559 = vector.broadcast %max3A_558 : f32 to vector<16xf32>
              %max3A_560 = arith.maximumf %get3A_557, %max3A_559 : vector<16xf32>
              %swap3A_561 = arith.index_cast %scan3A_517 : i32 to index
              %swap3A_562 = arith.constant 48 : index
              %swap3A_563 = tpu.vector_load %arg11[%swap3A_561, %swap3A_562] {strides = array<i32>} : memref<80x128xf32, #tpu.memory_space<vmem>>, vector<1x16xf32>,
              %swap3A_564 = vector.shape_cast %swap3A_563 : vector<1x16xf32> to vector<16xf32>
              %swap3A_565 = vector.shape_cast %max3A_560 : vector<16xf32> to vector<1x16xf32>
              tpu.vector_store %arg11[%swap3A_561, %swap3A_562], %swap3A_565 {strides = array<i32>} : memref<80x128xf32, #tpu.memory_space<vmem>>, vector<1x16xf32>,
              %get3A_566 = arith.index_cast %scan3A_517 : i32 to index
              %get3A_567 = arith.constant 64 : index
              %get3A_568 = tpu.vector_load %arg11[%get3A_566, %get3A_567] {strides = array<i32>} : memref<80x128xf32, #tpu.memory_space<vmem>>, vector<1x16xf32>,
              %get3A_569 = vector.shape_cast %get3A_568 : vector<1x16xf32> to vector<16xf32>
              %max3A_570 = arith.constant 0.000000e+00 : f32
              %max3A_571 = vector.broadcast %max3A_570 : f32 to vector<16xf32>
              %max3A_572 = arith.maximumf %get3A_569, %max3A_571 : vector<16xf32>
              %swap3A_573 = arith.index_cast %scan3A_517 : i32 to index
              %swap3A_574 = arith.constant 64 : index
              %swap3A_575 = tpu.vector_load %arg11[%swap3A_573, %swap3A_574] {strides = array<i32>} : memref<80x128xf32, #tpu.memory_space<vmem>>, vector<1x16xf32>,
              %swap3A_576 = vector.shape_cast %swap3A_575 : vector<1x16xf32> to vector<16xf32>
              %swap3A_577 = vector.shape_cast %max3A_572 : vector<16xf32> to vector<1x16xf32>
              tpu.vector_store %arg11[%swap3A_573, %swap3A_574], %swap3A_577 {strides = array<i32>} : memref<80x128xf32, #tpu.memory_space<vmem>>, vector<1x16xf32>,
              %get3A_578 = arith.index_cast %scan3A_517 : i32 to index
              %get3A_579 = arith.constant 80 : index
              %get3A_580 = tpu.vector_load %arg11[%get3A_578, %get3A_579] {strides = array<i32>} : memref<80x128xf32, #tpu.memory_space<vmem>>, vector<1x16xf32>,
              %get3A_581 = vector.shape_cast %get3A_580 : vector<1x16xf32> to vector<16xf32>
              %max3A_582 = arith.constant 0.000000e+00 : f32
              %max3A_583 = vector.broadcast %max3A_582 : f32 to vector<16xf32>
              %max3A_584 = arith.maximumf %get3A_581, %max3A_583 : vector<16xf32>
              %swap3A_585 = arith.index_cast %scan3A_517 : i32 to index
              %swap3A_586 = arith.constant 80 : index
              %swap3A_587 = tpu.vector_load %arg11[%swap3A_585, %swap3A_586] {strides = array<i32>} : memref<80x128xf32, #tpu.memory_space<vmem>>, vector<1x16xf32>,
              %swap3A_588 = vector.shape_cast %swap3A_587 : vector<1x16xf32> to vector<16xf32>
              %swap3A_589 = vector.shape_cast %max3A_584 : vector<16xf32> to vector<1x16xf32>
              tpu.vector_store %arg11[%swap3A_585, %swap3A_586], %swap3A_589 {strides = array<i32>} : memref<80x128xf32, #tpu.memory_space<vmem>>, vector<1x16xf32>,
              %get3A_590 = arith.index_cast %scan3A_517 : i32 to index
              %get3A_591 = arith.constant 96 : index
              %get3A_592 = tpu.vector_load %arg11[%get3A_590, %get3A_591] {strides = array<i32>} : memref<80x128xf32, #tpu.memory_space<vmem>>, vector<1x16xf32>,
              %get3A_593 = vector.shape_cast %get3A_592 : vector<1x16xf32> to vector<16xf32>
              %max3A_594 = arith.constant 0.000000e+00 : f32
              %max3A_595 = vector.broadcast %max3A_594 : f32 to vector<16xf32>
              %max3A_596 = arith.maximumf %get3A_593, %max3A_595 : vector<16xf32>
              %swap3A_597 = arith.index_cast %scan3A_517 : i32 to index
              %swap3A_598 = arith.constant 96 : index
              %swap3A_599 = tpu.vector_load %arg11[%swap3A_597, %swap3A_598] {strides = array<i32>} : memref<80x128xf32, #tpu.memory_space<vmem>>, vector<1x16xf32>,
              %swap3A_600 = vector.shape_cast %swap3A_599 : vector<1x16xf32> to vector<16xf32>
              %swap3A_601 = vector.shape_cast %max3A_596 : vector<16xf32> to vector<1x16xf32>
              tpu.vector_store %arg11[%swap3A_597, %swap3A_598], %swap3A_601 {strides = array<i32>} : memref<80x128xf32, #tpu.memory_space<vmem>>, vector<1x16xf32>,
              %get3A_602 = arith.index_cast %scan3A_517 : i32 to index
              %get3A_603 = arith.constant 112 : index
              %get3A_604 = tpu.vector_load %arg11[%get3A_602, %get3A_603] {strides = array<i32>} : memref<80x128xf32, #tpu.memory_space<vmem>>, vector<1x16xf32>,
              %get3A_605 = vector.shape_cast %get3A_604 : vector<1x16xf32> to vector<16xf32>
              %max3A_606 = arith.constant 0.000000e+00 : f32
              %max3A_607 = vector.broadcast %max3A_606 : f32 to vector<16xf32>
              %max3A_608 = arith.maximumf %get3A_605, %max3A_607 : vector<16xf32>
              %swap3A_609 = arith.index_cast %scan3A_517 : i32 to index
              %swap3A_610 = arith.constant 112 : index
              %swap3A_611 = tpu.vector_load %arg11[%swap3A_609, %swap3A_610] {strides = array<i32>} : memref<80x128xf32, #tpu.memory_space<vmem>>, vector<1x16xf32>,
              %swap3A_612 = vector.shape_cast %swap3A_611 : vector<1x16xf32> to vector<16xf32>
              %swap3A_613 = vector.shape_cast %max3A_608 : vector<16xf32> to vector<1x16xf32>
              tpu.vector_store %arg11[%swap3A_609, %swap3A_610], %swap3A_613 {strides = array<i32>} : memref<80x128xf32, #tpu.memory_space<vmem>>, vector<1x16xf32>,
              %scan3A_614 = arith.constant 5 : i32
              %scan3A_615 = arith.addi %scan3A_128, %scan3A_614 : i32
              %get3A_616 = arith.index_cast %scan3A_615 : i32 to index
              %get3A_617 = arith.constant 0 : index
              %get3A_618 = tpu.vector_load %arg11[%get3A_616, %get3A_617] {strides = array<i32>} : memref<80x128xf32, #tpu.memory_space<vmem>>, vector<1x16xf32>,
              %get3A_619 = vector.shape_cast %get3A_618 : vector<1x16xf32> to vector<16xf32>
              %max3A_620 = arith.constant 0.000000e+00 : f32
              %max3A_621 = vector.broadcast %max3A_620 : f32 to vector<16xf32>
              %max3A_622 = arith.maximumf %get3A_619, %max3A_621 : vector<16xf32>
              %swap3A_623 = arith.index_cast %scan3A_615 : i32 to index
              %swap3A_624 = arith.constant 0 : index
              %swap3A_625 = tpu.vector_load %arg11[%swap3A_623, %swap3A_624] {strides = array<i32>} : memref<80x128xf32, #tpu.memory_space<vmem>>, vector<1x16xf32>,
              %swap3A_626 = vector.shape_cast %swap3A_625 : vector<1x16xf32> to vector<16xf32>
              %swap3A_627 = vector.shape_cast %max3A_622 : vector<16xf32> to vector<1x16xf32>
              tpu.vector_store %arg11[%swap3A_623, %swap3A_624], %swap3A_627 {strides = array<i32>} : memref<80x128xf32, #tpu.memory_space<vmem>>, vector<1x16xf32>,
              %get3A_628 = arith.index_cast %scan3A_615 : i32 to index
              %get3A_629 = arith.constant 16 : index
              %get3A_630 = tpu.vector_load %arg11[%get3A_628, %get3A_629] {strides = array<i32>} : memref<80x128xf32, #tpu.memory_space<vmem>>, vector<1x16xf32>,
              %get3A_631 = vector.shape_cast %get3A_630 : vector<1x16xf32> to vector<16xf32>
              %max3A_632 = arith.constant 0.000000e+00 : f32
              %max3A_633 = vector.broadcast %max3A_632 : f32 to vector<16xf32>
              %max3A_634 = arith.maximumf %get3A_631, %max3A_633 : vector<16xf32>
              %swap3A_635 = arith.index_cast %scan3A_615 : i32 to index
              %swap3A_636 = arith.constant 16 : index
              %swap3A_637 = tpu.vector_load %arg11[%swap3A_635, %swap3A_636] {strides = array<i32>} : memref<80x128xf32, #tpu.memory_space<vmem>>, vector<1x16xf32>,
              %swap3A_638 = vector.shape_cast %swap3A_637 : vector<1x16xf32> to vector<16xf32>
              %swap3A_639 = vector.shape_cast %max3A_634 : vector<16xf32> to vector<1x16xf32>
              tpu.vector_store %arg11[%swap3A_635, %swap3A_636], %swap3A_639 {strides = array<i32>} : memref<80x128xf32, #tpu.memory_space<vmem>>, vector<1x16xf32>,
              %get3A_640 = arith.index_cast %scan3A_615 : i32 to index
              %get3A_641 = arith.constant 32 : index
              %get3A_642 = tpu.vector_load %arg11[%get3A_640, %get3A_641] {strides = array<i32>} : memref<80x128xf32, #tpu.memory_space<vmem>>, vector<1x16xf32>,
              %get3A_643 = vector.shape_cast %get3A_642 : vector<1x16xf32> to vector<16xf32>
              %max3A_644 = arith.constant 0.000000e+00 : f32
              %max3A_645 = vector.broadcast %max3A_644 : f32 to vector<16xf32>
              %max3A_646 = arith.maximumf %get3A_643, %max3A_645 : vector<16xf32>
              %swap3A_647 = arith.index_cast %scan3A_615 : i32 to index
              %swap3A_648 = arith.constant 32 : index
              %swap3A_649 = tpu.vector_load %arg11[%swap3A_647, %swap3A_648] {strides = array<i32>} : memref<80x128xf32, #tpu.memory_space<vmem>>, vector<1x16xf32>,
              %swap3A_650 = vector.shape_cast %swap3A_649 : vector<1x16xf32> to vector<16xf32>
              %swap3A_651 = vector.shape_cast %max3A_646 : vector<16xf32> to vector<1x16xf32>
              tpu.vector_store %arg11[%swap3A_647, %swap3A_648], %swap3A_651 {strides = array<i32>} : memref<80x128xf32, #tpu.memory_space<vmem>>, vector<1x16xf32>,
              %get3A_652 = arith.index_cast %scan3A_615 : i32 to index
              %get3A_653 = arith.constant 48 : index
              %get3A_654 = tpu.vector_load %arg11[%get3A_652, %get3A_653] {strides = array<i32>} : memref<80x128xf32, #tpu.memory_space<vmem>>, vector<1x16xf32>,
              %get3A_655 = vector.shape_cast %get3A_654 : vector<1x16xf32> to vector<16xf32>
              %max3A_656 = arith.constant 0.000000e+00 : f32
              %max3A_657 = vector.broadcast %max3A_656 : f32 to vector<16xf32>
              %max3A_658 = arith.maximumf %get3A_655, %max3A_657 : vector<16xf32>
              %swap3A_659 = arith.index_cast %scan3A_615 : i32 to index
              %swap3A_660 = arith.constant 48 : index
              %swap3A_661 = tpu.vector_load %arg11[%swap3A_659, %swap3A_660] {strides = array<i32>} : memref<80x128xf32, #tpu.memory_space<vmem>>, vector<1x16xf32>,
              %swap3A_662 = vector.shape_cast %swap3A_661 : vector<1x16xf32> to vector<16xf32>
              %swap3A_663 = vector.shape_cast %max3A_658 : vector<16xf32> to vector<1x16xf32>
              tpu.vector_store %arg11[%swap3A_659, %swap3A_660], %swap3A_663 {strides = array<i32>} : memref<80x128xf32, #tpu.memory_space<vmem>>, vector<1x16xf32>,
              %get3A_664 = arith.index_cast %scan3A_615 : i32 to index
              %get3A_665 = arith.constant 64 : index
              %get3A_666 = tpu.vector_load %arg11[%get3A_664, %get3A_665] {strides = array<i32>} : memref<80x128xf32, #tpu.memory_space<vmem>>, vector<1x16xf32>,
              %get3A_667 = vector.shape_cast %get3A_666 : vector<1x16xf32> to vector<16xf32>
              %max3A_668 = arith.constant 0.000000e+00 : f32
              %max3A_669 = vector.broadcast %max3A_668 : f32 to vector<16xf32>
              %max3A_670 = arith.maximumf %get3A_667, %max3A_669 : vector<16xf32>
              %swap3A_671 = arith.index_cast %scan3A_615 : i32 to index
              %swap3A_672 = arith.constant 64 : index
              %swap3A_673 = tpu.vector_load %arg11[%swap3A_671, %swap3A_672] {strides = array<i32>} : memref<80x128xf32, #tpu.memory_space<vmem>>, vector<1x16xf32>,
              %swap3A_674 = vector.shape_cast %swap3A_673 : vector<1x16xf32> to vector<16xf32>
              %swap3A_675 = vector.shape_cast %max3A_670 : vector<16xf32> to vector<1x16xf32>
              tpu.vector_store %arg11[%swap3A_671, %swap3A_672], %swap3A_675 {strides = array<i32>} : memref<80x128xf32, #tpu.memory_space<vmem>>, vector<1x16xf32>,
              %get3A_676 = arith.index_cast %scan3A_615 : i32 to index
              %get3A_677 = arith.constant 80 : index
              %get3A_678 = tpu.vector_load %arg11[%get3A_676, %get3A_677] {strides = array<i32>} : memref<80x128xf32, #tpu.memory_space<vmem>>, vector<1x16xf32>,
              %get3A_679 = vector.shape_cast %get3A_678 : vector<1x16xf32> to vector<16xf32>
              %max3A_680 = arith.constant 0.000000e+00 : f32
              %max3A_681 = vector.broadcast %max3A_680 : f32 to vector<16xf32>
              %max3A_682 = arith.maximumf %get3A_679, %max3A_681 : vector<16xf32>
              %swap3A_683 = arith.index_cast %scan3A_615 : i32 to index
              %swap3A_684 = arith.constant 80 : index
              %swap3A_685 = tpu.vector_load %arg11[%swap3A_683, %swap3A_684] {strides = array<i32>} : memref<80x128xf32, #tpu.memory_space<vmem>>, vector<1x16xf32>,
              %swap3A_686 = vector.shape_cast %swap3A_685 : vector<1x16xf32> to vector<16xf32>
              %swap3A_687 = vector.shape_cast %max3A_682 : vector<16xf32> to vector<1x16xf32>
              tpu.vector_store %arg11[%swap3A_683, %swap3A_684], %swap3A_687 {strides = array<i32>} : memref<80x128xf32, #tpu.memory_space<vmem>>, vector<1x16xf32>,
              %get3A_688 = arith.index_cast %scan3A_615 : i32 to index
              %get3A_689 = arith.constant 96 : index
              %get3A_690 = tpu.vector_load %arg11[%get3A_688, %get3A_689] {strides = array<i32>} : memref<80x128xf32, #tpu.memory_space<vmem>>, vector<1x16xf32>,
              %get3A_691 = vector.shape_cast %get3A_690 : vector<1x16xf32> to vector<16xf32>
              %max3A_692 = arith.constant 0.000000e+00 : f32
              %max3A_693 = vector.broadcast %max3A_692 : f32 to vector<16xf32>
              %max3A_694 = arith.maximumf %get3A_691, %max3A_693 : vector<16xf32>
              %swap3A_695 = arith.index_cast %scan3A_615 : i32 to index
              %swap3A_696 = arith.constant 96 : index
              %swap3A_697 = tpu.vector_load %arg11[%swap3A_695, %swap3A_696] {strides = array<i32>} : memref<80x128xf32, #tpu.memory_space<vmem>>, vector<1x16xf32>,
              %swap3A_698 = vector.shape_cast %swap3A_697 : vector<1x16xf32> to vector<16xf32>
              %swap3A_699 = vector.shape_cast %max3A_694 : vector<16xf32> to vector<1x16xf32>
              tpu.vector_store %arg11[%swap3A_695, %swap3A_696], %swap3A_699 {strides = array<i32>} : memref<80x128xf32, #tpu.memory_space<vmem>>, vector<1x16xf32>,
              %get3A_700 = arith.index_cast %scan3A_615 : i32 to index
              %get3A_701 = arith.constant 112 : index
              %get3A_702 = tpu.vector_load %arg11[%get3A_700, %get3A_701] {strides = array<i32>} : memref<80x128xf32, #tpu.memory_space<vmem>>, vector<1x16xf32>,
              %get3A_703 = vector.shape_cast %get3A_702 : vector<1x16xf32> to vector<16xf32>
              %max3A_704 = arith.constant 0.000000e+00 : f32
              %max3A_705 = vector.broadcast %max3A_704 : f32 to vector<16xf32>
              %max3A_706 = arith.maximumf %get3A_703, %max3A_705 : vector<16xf32>
              %swap3A_707 = arith.index_cast %scan3A_615 : i32 to index
              %swap3A_708 = arith.constant 112 : index
              %swap3A_709 = tpu.vector_load %arg11[%swap3A_707, %swap3A_708] {strides = array<i32>} : memref<80x128xf32, #tpu.memory_space<vmem>>, vector<1x16xf32>,
              %swap3A_710 = vector.shape_cast %swap3A_709 : vector<1x16xf32> to vector<16xf32>
              %swap3A_711 = vector.shape_cast %max3A_706 : vector<16xf32> to vector<1x16xf32>
              tpu.vector_store %arg11[%swap3A_707, %swap3A_708], %swap3A_711 {strides = array<i32>} : memref<80x128xf32, #tpu.memory_space<vmem>>, vector<1x16xf32>,
              %scan3A_712 = arith.constant 6 : i32
              %scan3A_713 = arith.addi %scan3A_128, %scan3A_712 : i32
              %get3A_714 = arith.index_cast %scan3A_713 : i32 to index
              %get3A_715 = arith.constant 0 : index
              %get3A_716 = tpu.vector_load %arg11[%get3A_714, %get3A_715] {strides = array<i32>} : memref<80x128xf32, #tpu.memory_space<vmem>>, vector<1x16xf32>,
              %get3A_717 = vector.shape_cast %get3A_716 : vector<1x16xf32> to vector<16xf32>
              %max3A_718 = arith.constant 0.000000e+00 : f32
              %max3A_719 = vector.broadcast %max3A_718 : f32 to vector<16xf32>
              %max3A_720 = arith.maximumf %get3A_717, %max3A_719 : vector<16xf32>
              %swap3A_721 = arith.index_cast %scan3A_713 : i32 to index
              %swap3A_722 = arith.constant 0 : index
              %swap3A_723 = tpu.vector_load %arg11[%swap3A_721, %swap3A_722] {strides = array<i32>} : memref<80x128xf32, #tpu.memory_space<vmem>>, vector<1x16xf32>,
              %swap3A_724 = vector.shape_cast %swap3A_723 : vector<1x16xf32> to vector<16xf32>
              %swap3A_725 = vector.shape_cast %max3A_720 : vector<16xf32> to vector<1x16xf32>
              tpu.vector_store %arg11[%swap3A_721, %swap3A_722], %swap3A_725 {strides = array<i32>} : memref<80x128xf32, #tpu.memory_space<vmem>>, vector<1x16xf32>,
              %get3A_726 = arith.index_cast %scan3A_713 : i32 to index
              %get3A_727 = arith.constant 16 : index
              %get3A_728 = tpu.vector_load %arg11[%get3A_726, %get3A_727] {strides = array<i32>} : memref<80x128xf32, #tpu.memory_space<vmem>>, vector<1x16xf32>,
              %get3A_729 = vector.shape_cast %get3A_728 : vector<1x16xf32> to vector<16xf32>
              %max3A_730 = arith.constant 0.000000e+00 : f32
              %max3A_731 = vector.broadcast %max3A_730 : f32 to vector<16xf32>
              %max3A_732 = arith.maximumf %get3A_729, %max3A_731 : vector<16xf32>
              %swap3A_733 = arith.index_cast %scan3A_713 : i32 to index
              %swap3A_734 = arith.constant 16 : index
              %swap3A_735 = tpu.vector_load %arg11[%swap3A_733, %swap3A_734] {strides = array<i32>} : memref<80x128xf32, #tpu.memory_space<vmem>>, vector<1x16xf32>,
              %swap3A_736 = vector.shape_cast %swap3A_735 : vector<1x16xf32> to vector<16xf32>
              %swap3A_737 = vector.shape_cast %max3A_732 : vector<16xf32> to vector<1x16xf32>
              tpu.vector_store %arg11[%swap3A_733, %swap3A_734], %swap3A_737 {strides = array<i32>} : memref<80x128xf32, #tpu.memory_space<vmem>>, vector<1x16xf32>,
              %get3A_738 = arith.index_cast %scan3A_713 : i32 to index
              %get3A_739 = arith.constant 32 : index
              %get3A_740 = tpu.vector_load %arg11[%get3A_738, %get3A_739] {strides = array<i32>} : memref<80x128xf32, #tpu.memory_space<vmem>>, vector<1x16xf32>,
              %get3A_741 = vector.shape_cast %get3A_740 : vector<1x16xf32> to vector<16xf32>
              %max3A_742 = arith.constant 0.000000e+00 : f32
              %max3A_743 = vector.broadcast %max3A_742 : f32 to vector<16xf32>
              %max3A_744 = arith.maximumf %get3A_741, %max3A_743 : vector<16xf32>
              %swap3A_745 = arith.index_cast %scan3A_713 : i32 to index
              %swap3A_746 = arith.constant 32 : index
              %swap3A_747 = tpu.vector_load %arg11[%swap3A_745, %swap3A_746] {strides = array<i32>} : memref<80x128xf32, #tpu.memory_space<vmem>>, vector<1x16xf32>,
              %swap3A_748 = vector.shape_cast %swap3A_747 : vector<1x16xf32> to vector<16xf32>
              %swap3A_749 = vector.shape_cast %max3A_744 : vector<16xf32> to vector<1x16xf32>
              tpu.vector_store %arg11[%swap3A_745, %swap3A_746], %swap3A_749 {strides = array<i32>} : memref<80x128xf32, #tpu.memory_space<vmem>>, vector<1x16xf32>,
              %get3A_750 = arith.index_cast %scan3A_713 : i32 to index
              %get3A_751 = arith.constant 48 : index
              %get3A_752 = tpu.vector_load %arg11[%get3A_750, %get3A_751] {strides = array<i32>} : memref<80x128xf32, #tpu.memory_space<vmem>>, vector<1x16xf32>,
              %get3A_753 = vector.shape_cast %get3A_752 : vector<1x16xf32> to vector<16xf32>
              %max3A_754 = arith.constant 0.000000e+00 : f32
              %max3A_755 = vector.broadcast %max3A_754 : f32 to vector<16xf32>
              %max3A_756 = arith.maximumf %get3A_753, %max3A_755 : vector<16xf32>
              %swap3A_757 = arith.index_cast %scan3A_713 : i32 to index
              %swap3A_758 = arith.constant 48 : index
              %swap3A_759 = tpu.vector_load %arg11[%swap3A_757, %swap3A_758] {strides = array<i32>} : memref<80x128xf32, #tpu.memory_space<vmem>>, vector<1x16xf32>,
              %swap3A_760 = vector.shape_cast %swap3A_759 : vector<1x16xf32> to vector<16xf32>
              %swap3A_761 = vector.shape_cast %max3A_756 : vector<16xf32> to vector<1x16xf32>
              tpu.vector_store %arg11[%swap3A_757, %swap3A_758], %swap3A_761 {strides = array<i32>} : memref<80x128xf32, #tpu.memory_space<vmem>>, vector<1x16xf32>,
              %get3A_762 = arith.index_cast %scan3A_713 : i32 to index
              %get3A_763 = arith.constant 64 : index
              %get3A_764 = tpu.vector_load %arg11[%get3A_762, %get3A_763] {strides = array<i32>} : memref<80x128xf32, #tpu.memory_space<vmem>>, vector<1x16xf32>,
              %get3A_765 = vector.shape_cast %get3A_764 : vector<1x16xf32> to vector<16xf32>
              %max3A_766 = arith.constant 0.000000e+00 : f32
              %max3A_767 = vector.broadcast %max3A_766 : f32 to vector<16xf32>
              %max3A_768 = arith.maximumf %get3A_765, %max3A_767 : vector<16xf32>
              %swap3A_769 = arith.index_cast %scan3A_713 : i32 to index
              %swap3A_770 = arith.constant 64 : index
              %swap3A_771 = tpu.vector_load %arg11[%swap3A_769, %swap3A_770] {strides = array<i32>} : memref<80x128xf32, #tpu.memory_space<vmem>>, vector<1x16xf32>,
              %swap3A_772 = vector.shape_cast %swap3A_771 : vector<1x16xf32> to vector<16xf32>
              %swap3A_773 = vector.shape_cast %max3A_768 : vector<16xf32> to vector<1x16xf32>
              tpu.vector_store %arg11[%swap3A_769, %swap3A_770], %swap3A_773 {strides = array<i32>} : memref<80x128xf32, #tpu.memory_space<vmem>>, vector<1x16xf32>,
              %get3A_774 = arith.index_cast %scan3A_713 : i32 to index
              %get3A_775 = arith.constant 80 : index
              %get3A_776 = tpu.vector_load %arg11[%get3A_774, %get3A_775] {strides = array<i32>} : memref<80x128xf32, #tpu.memory_space<vmem>>, vector<1x16xf32>,
              %get3A_777 = vector.shape_cast %get3A_776 : vector<1x16xf32> to vector<16xf32>
              %max3A_778 = arith.constant 0.000000e+00 : f32
              %max3A_779 = vector.broadcast %max3A_778 : f32 to vector<16xf32>
              %max3A_780 = arith.maximumf %get3A_777, %max3A_779 : vector<16xf32>
              %swap3A_781 = arith.index_cast %scan3A_713 : i32 to index
              %swap3A_782 = arith.constant 80 : index
              %swap3A_783 = tpu.vector_load %arg11[%swap3A_781, %swap3A_782] {strides = array<i32>} : memref<80x128xf32, #tpu.memory_space<vmem>>, vector<1x16xf32>,
              %swap3A_784 = vector.shape_cast %swap3A_783 : vector<1x16xf32> to vector<16xf32>
              %swap3A_785 = vector.shape_cast %max3A_780 : vector<16xf32> to vector<1x16xf32>
              tpu.vector_store %arg11[%swap3A_781, %swap3A_782], %swap3A_785 {strides = array<i32>} : memref<80x128xf32, #tpu.memory_space<vmem>>, vector<1x16xf32>,
              %get3A_786 = arith.index_cast %scan3A_713 : i32 to index
              %get3A_787 = arith.constant 96 : index
              %get3A_788 = tpu.vector_load %arg11[%get3A_786, %get3A_787] {strides = array<i32>} : memref<80x128xf32, #tpu.memory_space<vmem>>, vector<1x16xf32>,
              %get3A_789 = vector.shape_cast %get3A_788 : vector<1x16xf32> to vector<16xf32>
              %max3A_790 = arith.constant 0.000000e+00 : f32
              %max3A_791 = vector.broadcast %max3A_790 : f32 to vector<16xf32>
              %max3A_792 = arith.maximumf %get3A_789, %max3A_791 : vector<16xf32>
              %swap3A_793 = arith.index_cast %scan3A_713 : i32 to index
              %swap3A_794 = arith.constant 96 : index
              %swap3A_795 = tpu.vector_load %arg11[%swap3A_793, %swap3A_794] {strides = array<i32>} : memref<80x128xf32, #tpu.memory_space<vmem>>, vector<1x16xf32>,
              %swap3A_796 = vector.shape_cast %swap3A_795 : vector<1x16xf32> to vector<16xf32>
              %swap3A_797 = vector.shape_cast %max3A_792 : vector<16xf32> to vector<1x16xf32>
              tpu.vector_store %arg11[%swap3A_793, %swap3A_794], %swap3A_797 {strides = array<i32>} : memref<80x128xf32, #tpu.memory_space<vmem>>, vector<1x16xf32>,
              %get3A_798 = arith.index_cast %scan3A_713 : i32 to index
              %get3A_799 = arith.constant 112 : index
              %get3A_800 = tpu.vector_load %arg11[%get3A_798, %get3A_799] {strides = array<i32>} : memref<80x128xf32, #tpu.memory_space<vmem>>, vector<1x16xf32>,
              %get3A_801 = vector.shape_cast %get3A_800 : vector<1x16xf32> to vector<16xf32>
              %max3A_802 = arith.constant 0.000000e+00 : f32
              %max3A_803 = vector.broadcast %max3A_802 : f32 to vector<16xf32>
              %max3A_804 = arith.maximumf %get3A_801, %max3A_803 : vector<16xf32>
              %swap3A_805 = arith.index_cast %scan3A_713 : i32 to index
              %swap3A_806 = arith.constant 112 : index
              %swap3A_807 = tpu.vector_load %arg11[%swap3A_805, %swap3A_806] {strides = array<i32>} : memref<80x128xf32, #tpu.memory_space<vmem>>, vector<1x16xf32>,
              %swap3A_808 = vector.shape_cast %swap3A_807 : vector<1x16xf32> to vector<16xf32>
              %swap3A_809 = vector.shape_cast %max3A_804 : vector<16xf32> to vector<1x16xf32>
              tpu.vector_store %arg11[%swap3A_805, %swap3A_806], %swap3A_809 {strides = array<i32>} : memref<80x128xf32, #tpu.memory_space<vmem>>, vector<1x16xf32>,
              %scan3A_810 = arith.constant 7 : i32
              %scan3A_811 = arith.addi %scan3A_128, %scan3A_810 : i32
              %get3A_812 = arith.index_cast %scan3A_811 : i32 to index
              %get3A_813 = arith.constant 0 : index
              %get3A_814 = tpu.vector_load %arg11[%get3A_812, %get3A_813] {strides = array<i32>} : memref<80x128xf32, #tpu.memory_space<vmem>>, vector<1x16xf32>,
              %get3A_815 = vector.shape_cast %get3A_814 : vector<1x16xf32> to vector<16xf32>
              %max3A_816 = arith.constant 0.000000e+00 : f32
              %max3A_817 = vector.broadcast %max3A_816 : f32 to vector<16xf32>
              %max3A_818 = arith.maximumf %get3A_815, %max3A_817 : vector<16xf32>
              %swap3A_819 = arith.index_cast %scan3A_811 : i32 to index
              %swap3A_820 = arith.constant 0 : index
              %swap3A_821 = tpu.vector_load %arg11[%swap3A_819, %swap3A_820] {strides = array<i32>} : memref<80x128xf32, #tpu.memory_space<vmem>>, vector<1x16xf32>,
              %swap3A_822 = vector.shape_cast %swap3A_821 : vector<1x16xf32> to vector<16xf32>
              %swap3A_823 = vector.shape_cast %max3A_818 : vector<16xf32> to vector<1x16xf32>
              tpu.vector_store %arg11[%swap3A_819, %swap3A_820], %swap3A_823 {strides = array<i32>} : memref<80x128xf32, #tpu.memory_space<vmem>>, vector<1x16xf32>,
              %get3A_824 = arith.index_cast %scan3A_811 : i32 to index
              %get3A_825 = arith.constant 16 : index
              %get3A_826 = tpu.vector_load %arg11[%get3A_824, %get3A_825] {strides = array<i32>} : memref<80x128xf32, #tpu.memory_space<vmem>>, vector<1x16xf32>,
              %get3A_827 = vector.shape_cast %get3A_826 : vector<1x16xf32> to vector<16xf32>
              %max3A_828 = arith.constant 0.000000e+00 : f32
              %max3A_829 = vector.broadcast %max3A_828 : f32 to vector<16xf32>
              %max3A_830 = arith.maximumf %get3A_827, %max3A_829 : vector<16xf32>
              %swap3A_831 = arith.index_cast %scan3A_811 : i32 to index
              %swap3A_832 = arith.constant 16 : index
              %swap3A_833 = tpu.vector_load %arg11[%swap3A_831, %swap3A_832] {strides = array<i32>} : memref<80x128xf32, #tpu.memory_space<vmem>>, vector<1x16xf32>,
              %swap3A_834 = vector.shape_cast %swap3A_833 : vector<1x16xf32> to vector<16xf32>
              %swap3A_835 = vector.shape_cast %max3A_830 : vector<16xf32> to vector<1x16xf32>
              tpu.vector_store %arg11[%swap3A_831, %swap3A_832], %swap3A_835 {strides = array<i32>} : memref<80x128xf32, #tpu.memory_space<vmem>>, vector<1x16xf32>,
              %get3A_836 = arith.index_cast %scan3A_811 : i32 to index
              %get3A_837 = arith.constant 32 : index
              %get3A_838 = tpu.vector_load %arg11[%get3A_836, %get3A_837] {strides = array<i32>} : memref<80x128xf32, #tpu.memory_space<vmem>>, vector<1x16xf32>,
              %get3A_839 = vector.shape_cast %get3A_838 : vector<1x16xf32> to vector<16xf32>
              %max3A_840 = arith.constant 0.000000e+00 : f32
              %max3A_841 = vector.broadcast %max3A_840 : f32 to vector<16xf32>
              %max3A_842 = arith.maximumf %get3A_839, %max3A_841 : vector<16xf32>
              %swap3A_843 = arith.index_cast %scan3A_811 : i32 to index
              %swap3A_844 = arith.constant 32 : index
              %swap3A_845 = tpu.vector_load %arg11[%swap3A_843, %swap3A_844] {strides = array<i32>} : memref<80x128xf32, #tpu.memory_space<vmem>>, vector<1x16xf32>,
              %swap3A_846 = vector.shape_cast %swap3A_845 : vector<1x16xf32> to vector<16xf32>
              %swap3A_847 = vector.shape_cast %max3A_842 : vector<16xf32> to vector<1x16xf32>
              tpu.vector_store %arg11[%swap3A_843, %swap3A_844], %swap3A_847 {strides = array<i32>} : memref<80x128xf32, #tpu.memory_space<vmem>>, vector<1x16xf32>,
              %get3A_848 = arith.index_cast %scan3A_811 : i32 to index
              %get3A_849 = arith.constant 48 : index
              %get3A_850 = tpu.vector_load %arg11[%get3A_848, %get3A_849] {strides = array<i32>} : memref<80x128xf32, #tpu.memory_space<vmem>>, vector<1x16xf32>,
              %get3A_851 = vector.shape_cast %get3A_850 : vector<1x16xf32> to vector<16xf32>
              %max3A_852 = arith.constant 0.000000e+00 : f32
              %max3A_853 = vector.broadcast %max3A_852 : f32 to vector<16xf32>
              %max3A_854 = arith.maximumf %get3A_851, %max3A_853 : vector<16xf32>
              %swap3A_855 = arith.index_cast %scan3A_811 : i32 to index
              %swap3A_856 = arith.constant 48 : index
              %swap3A_857 = tpu.vector_load %arg11[%swap3A_855, %swap3A_856] {strides = array<i32>} : memref<80x128xf32, #tpu.memory_space<vmem>>, vector<1x16xf32>,
              %swap3A_858 = vector.shape_cast %swap3A_857 : vector<1x16xf32> to vector<16xf32>
              %swap3A_859 = vector.shape_cast %max3A_854 : vector<16xf32> to vector<1x16xf32>
              tpu.vector_store %arg11[%swap3A_855, %swap3A_856], %swap3A_859 {strides = array<i32>} : memref<80x128xf32, #tpu.memory_space<vmem>>, vector<1x16xf32>,
              %get3A_860 = arith.index_cast %scan3A_811 : i32 to index
              %get3A_861 = arith.constant 64 : index
              %get3A_862 = tpu.vector_load %arg11[%get3A_860, %get3A_861] {strides = array<i32>} : memref<80x128xf32, #tpu.memory_space<vmem>>, vector<1x16xf32>,
              %get3A_863 = vector.shape_cast %get3A_862 : vector<1x16xf32> to vector<16xf32>
              %max3A_864 = arith.constant 0.000000e+00 : f32
              %max3A_865 = vector.broadcast %max3A_864 : f32 to vector<16xf32>
              %max3A_866 = arith.maximumf %get3A_863, %max3A_865 : vector<16xf32>
              %swap3A_867 = arith.index_cast %scan3A_811 : i32 to index
              %swap3A_868 = arith.constant 64 : index
              %swap3A_869 = tpu.vector_load %arg11[%swap3A_867, %swap3A_868] {strides = array<i32>} : memref<80x128xf32, #tpu.memory_space<vmem>>, vector<1x16xf32>,
              %swap3A_870 = vector.shape_cast %swap3A_869 : vector<1x16xf32> to vector<16xf32>
              %swap3A_871 = vector.shape_cast %max3A_866 : vector<16xf32> to vector<1x16xf32>
              tpu.vector_store %arg11[%swap3A_867, %swap3A_868], %swap3A_871 {strides = array<i32>} : memref<80x128xf32, #tpu.memory_space<vmem>>, vector<1x16xf32>,
              %get3A_872 = arith.index_cast %scan3A_811 : i32 to index
              %get3A_873 = arith.constant 80 : index
              %get3A_874 = tpu.vector_load %arg11[%get3A_872, %get3A_873] {strides = array<i32>} : memref<80x128xf32, #tpu.memory_space<vmem>>, vector<1x16xf32>,
              %get3A_875 = vector.shape_cast %get3A_874 : vector<1x16xf32> to vector<16xf32>
              %max3A_876 = arith.constant 0.000000e+00 : f32
              %max3A_877 = vector.broadcast %max3A_876 : f32 to vector<16xf32>
              %max3A_878 = arith.maximumf %get3A_875, %max3A_877 : vector<16xf32>
              %swap3A_879 = arith.index_cast %scan3A_811 : i32 to index
              %swap3A_880 = arith.constant 80 : index
              %swap3A_881 = tpu.vector_load %arg11[%swap3A_879, %swap3A_880] {strides = array<i32>} : memref<80x128xf32, #tpu.memory_space<vmem>>, vector<1x16xf32>,
              %swap3A_882 = vector.shape_cast %swap3A_881 : vector<1x16xf32> to vector<16xf32>
              %swap3A_883 = vector.shape_cast %max3A_878 : vector<16xf32> to vector<1x16xf32>
              tpu.vector_store %arg11[%swap3A_879, %swap3A_880], %swap3A_883 {strides = array<i32>} : memref<80x128xf32, #tpu.memory_space<vmem>>, vector<1x16xf32>,
              %get3A_884 = arith.index_cast %scan3A_811 : i32 to index
              %get3A_885 = arith.constant 96 : index
              %get3A_886 = tpu.vector_load %arg11[%get3A_884, %get3A_885] {strides = array<i32>} : memref<80x128xf32, #tpu.memory_space<vmem>>, vector<1x16xf32>,
              %get3A_887 = vector.shape_cast %get3A_886 : vector<1x16xf32> to vector<16xf32>
              %max3A_888 = arith.constant 0.000000e+00 : f32
              %max3A_889 = vector.broadcast %max3A_888 : f32 to vector<16xf32>
              %max3A_890 = arith.maximumf %get3A_887, %max3A_889 : vector<16xf32>
              %swap3A_891 = arith.index_cast %scan3A_811 : i32 to index
              %swap3A_892 = arith.constant 96 : index
              %swap3A_893 = tpu.vector_load %arg11[%swap3A_891, %swap3A_892] {strides = array<i32>} : memref<80x128xf32, #tpu.memory_space<vmem>>, vector<1x16xf32>,
              %swap3A_894 = vector.shape_cast %swap3A_893 : vector<1x16xf32> to vector<16xf32>
              %swap3A_895 = vector.shape_cast %max3A_890 : vector<16xf32> to vector<1x16xf32>
              tpu.vector_store %arg11[%swap3A_891, %swap3A_892], %swap3A_895 {strides = array<i32>} : memref<80x128xf32, #tpu.memory_space<vmem>>, vector<1x16xf32>,
              %get3A_896 = arith.index_cast %scan3A_811 : i32 to index
              %get3A_897 = arith.constant 112 : index
              %get3A_898 = tpu.vector_load %arg11[%get3A_896, %get3A_897] {strides = array<i32>} : memref<80x128xf32, #tpu.memory_space<vmem>>, vector<1x16xf32>,
              %get3A_899 = vector.shape_cast %get3A_898 : vector<1x16xf32> to vector<16xf32>
              %max3A_900 = arith.constant 0.000000e+00 : f32
              %max3A_901 = vector.broadcast %max3A_900 : f32 to vector<16xf32>
              %max3A_902 = arith.maximumf %get3A_899, %max3A_901 : vector<16xf32>
              %swap3A_903 = arith.index_cast %scan3A_811 : i32 to index
              %swap3A_904 = arith.constant 112 : index
              %swap3A_905 = tpu.vector_load %arg11[%swap3A_903, %swap3A_904] {strides = array<i32>} : memref<80x128xf32, #tpu.memory_space<vmem>>, vector<1x16xf32>,
              %swap3A_906 = vector.shape_cast %swap3A_905 : vector<1x16xf32> to vector<16xf32>
              %swap3A_907 = vector.shape_cast %max3A_902 : vector<16xf32> to vector<1x16xf32>
              tpu.vector_store %arg11[%swap3A_903, %swap3A_904], %swap3A_907 {strides = array<i32>} : memref<80x128xf32, #tpu.memory_space<vmem>>, vector<1x16xf32>,
            }
            %scan3A_115 = arith.constant 80 : i32
            %dma_start3A_116 = arith.constant 0 : i32
            %dma_start3A_117 = tpu.memref_slice %arg8[%sub3A_109, %dma_start3A_116] : memref<18x80xi32, #tpu.memory_space<vmem>> -> memref<1x80xi32, #tpu.memory_space<vmem>>
            %dma_start3A_118 = tpu.memref_squeeze %dma_start3A_117 : memref<1x80xi32, #tpu.memory_space<vmem>> -> memref<80xi32, #tpu.memory_space<vmem>>
            %dma_start3A_119 = arith.constant 0 : i32
            %dma_start3A_120 = arith.constant 0 : i32
            %dma_start3A_121 = tpu.memref_slice %arg12[%dma_start3A_119, %dma_start3A_120] : memref<10112x128xf32, #tpu.memory_space<vmem_shared>> -> memref<10112x128xf32, #tpu.memory_space<vmem_shared>>
            tpu.enqueue_indirect_dma source(%arg11 : memref<80x128xf32, #tpu.memory_space<vmem>>) target(%dma_start3A_121 : memref<10112x128xf32, #tpu.memory_space<vmem_shared>>) offsets(%dma_start3A_118 : memref<80xi32, #tpu.memory_space<vmem>>) semaphore(%arg17 : memref<!tpu.dma_semaphore, #tpu.memory_space<semaphore_mem>>) {add = true}
            %dma_wait3A_122 = arith.constant 0 : i32
            %dma_wait3A_123 = arith.constant 0 : i32
            %dma_wait3A_124 = tpu.memref_slice %arg2[%dma_wait3A_122, %dma_wait3A_123] : memref<10112x128xf32, #tpu.memory_space<hbm>> -> memref<80x128xf32, #tpu.memory_space<hbm>>
            %dma_wait3A_125 = arith.constant 0 : i32
            %dma_wait3A_126 = arith.constant 0 : i32
            %dma_wait3A_127 = tpu.memref_slice %arg2[%dma_wait3A_125, %dma_wait3A_126] : memref<10112x128xf32, #tpu.memory_space<hbm>> -> memref<80x128xf32, #tpu.memory_space<hbm>>
            tpu.wait_dma2 semaphore(%arg17 : memref<!tpu.dma_semaphore, #tpu.memory_space<semaphore_mem>>) src(%dma_wait3A_127 : memref<80x128xf32, #tpu.memory_space<hbm>>) dst(%arg11 : memref<80x128xf32, #tpu.memory_space<vmem>>)
          } else {
          }
          %add3A_96 = arith.constant 1 : i32
          %add3A_97 = arith.addi %scan3A_46, %add3A_96 : i32
          %lt3A_98 = arith.constant 18 : i32
          %lt3A_99 = arith.cmpi slt, %add3A_97, %lt3A_98 : i32
          %convert_element_type3A_100 = arith.extui %lt3A_99 : i1 to i32
          %cond3A_101 = arith.constant 0 : i32
          %cond3A_102 = arith.cmpi ne, %convert_element_type3A_100, %cond3A_101 : i32
          scf.if %cond3A_102 {
            %add3A_103 = arith.constant 1 : i32
            %add3A_104 = arith.addi %scan3A_46, %add3A_103 : i32
            %dma_start3A_105 = arith.constant 0 : i32
            %dma_start3A_106 = tpu.memref_slice %arg8[%add3A_104, %dma_start3A_105] : memref<18x80xi32, #tpu.memory_space<vmem>> -> memref<1x80xi32, #tpu.memory_space<vmem>>
            %dma_start3A_107 = tpu.memref_squeeze %dma_start3A_106 : memref<1x80xi32, #tpu.memory_space<vmem>> -> memref<80xi32, #tpu.memory_space<vmem>>
            %dma_start3A_108 = arith.constant 0 : i32
            %dma_start3A_109 = arith.constant 0 : i32
            %dma_start3A_110 = tpu.memref_slice %arg2[%dma_start3A_108, %dma_start3A_109] : memref<10112x128xf32, #tpu.memory_space<hbm>> -> memref<10112x128xf32, #tpu.memory_space<hbm>>
            tpu.enqueue_indirect_dma source(%dma_start3A_110 : memref<10112x128xf32, #tpu.memory_space<hbm>>) target(%arg11 : memref<80x128xf32, #tpu.memory_space<vmem>>) offsets(%dma_start3A_107 : memref<80xi32, #tpu.memory_space<vmem>>) semaphore(%arg14 : memref<!tpu.dma_semaphore, #tpu.memory_space<semaphore_mem>>)
          } else {
          }
        } else {
        }
        %jit3A_59 = arith.constant 2 : i32
        %eq3A_60 = arith.constant 0 : i32
        %eq3A_61 = arith.cmpi eq, %jit3A_59, %eq3A_60 : i32
        %jit3A_62 = arith.constant 1 : i32
        %select_n3A_63 = arith.select %eq3A_61, %jit3A_62, %jit3A_59 : i32
        %rem3A_64 = arith.remsi %scan3A_46, %select_n3A_63 : i32
        %ne3A_65 = arith.constant 0 : i32
        %ne3A_66 = arith.cmpi ne, %rem3A_64, %ne3A_65 : i32
        %lt3A_67 = arith.constant 0 : i32
        %lt3A_68 = arith.cmpi slt, %rem3A_64, %lt3A_67 : i32
        %lt3A_69 = arith.constant 0 : i32
        %lt3A_70 = arith.cmpi slt, %select_n3A_63, %lt3A_69 : i32
        %ne3A_71 = arith.xori %lt3A_68, %lt3A_70 : i1
        %and3A_72 = arith.andi %ne3A_71, %ne3A_66 : i1
        %add3A_73 = arith.addi %rem3A_64, %select_n3A_63 : i32
        %select_n3A_74 = arith.select %and3A_72, %add3A_73, %rem3A_64 : i32
        %eq3A_75 = arith.constant 1 : i32
        %eq3A_76 = arith.cmpi eq, %select_n3A_74, %eq3A_75 : i32
        %convert_element_type3A_77 = arith.extui %eq3A_76 : i1 to i32
        %cond3A_78 = arith.constant 0 : i32
        %cond3A_79 = arith.cmpi ne, %convert_element_type3A_77, %cond3A_78 : i32
        scf.if %cond3A_79 {
          %dma_wait3A_80 = arith.constant 0 : i32
          %dma_wait3A_81 = arith.constant 0 : i32
          %dma_wait3A_82 = tpu.memref_slice %arg2[%dma_wait3A_80, %dma_wait3A_81] : memref<10112x128xf32, #tpu.memory_space<hbm>> -> memref<80x128xf32, #tpu.memory_space<hbm>>
          %dma_wait3A_83 = arith.constant 0 : i32
          %dma_wait3A_84 = arith.constant 0 : i32
          %dma_wait3A_85 = tpu.memref_slice %arg2[%dma_wait3A_83, %dma_wait3A_84] : memref<10112x128xf32, #tpu.memory_space<hbm>> -> memref<80x128xf32, #tpu.memory_space<hbm>>
          tpu.wait_dma2 semaphore(%arg14 : memref<!tpu.dma_semaphore, #tpu.memory_space<semaphore_mem>>) src(%dma_wait3A_85 : memref<80x128xf32, #tpu.memory_space<hbm>>) dst(%arg11 : memref<80x128xf32, #tpu.memory_space<vmem>>)
          %dma_start3A_86 = arith.constant 0 : i32
          %dma_start3A_87 = tpu.memref_slice %arg9[%scan3A_46, %dma_start3A_86] : memref<18x80xi32, #tpu.memory_space<vmem>> -> memref<1x80xi32, #tpu.memory_space<vmem>>
          %dma_start3A_88 = tpu.memref_squeeze %dma_start3A_87 : memref<1x80xi32, #tpu.memory_space<vmem>> -> memref<80xi32, #tpu.memory_space<vmem>>
          %dma_start3A_89 = arith.constant 0 : i32
          %dma_start3A_90 = arith.constant 0 : i32
          %dma_start3A_91 = tpu.memref_slice %arg3[%dma_start3A_89, %dma_start3A_90] : memref<10112x128xf32, #tpu.memory_space<hbm>> -> memref<10112x128xf32, #tpu.memory_space<hbm>>
          tpu.enqueue_indirect_dma source(%dma_start3A_91 : memref<10112x128xf32, #tpu.memory_space<hbm>>) target(%arg11 : memref<80x128xf32, #tpu.memory_space<vmem>>) offsets(%dma_start3A_88 : memref<80xi32, #tpu.memory_space<vmem>>) semaphore(%arg16 : memref<!tpu.dma_semaphore, #tpu.memory_space<semaphore_mem>>) {add = true}
          %gt3A = arith.constant 0 : i32
          %gt3A_92 = arith.cmpi sgt, %scan3A_46, %gt3A : i32
          %convert_element_type3A_93 = arith.extui %gt3A_92 : i1 to i32
          %cond3A_94 = arith.constant 0 : i32
          %cond3A_95 = arith.cmpi ne, %convert_element_type3A_93, %cond3A_94 : i32
          scf.if %cond3A_95 {
            %dma_wait3A_103 = arith.constant 0 : i32
            %dma_wait3A_104 = arith.constant 0 : i32
            %dma_wait3A_105 = tpu.memref_slice %arg2[%dma_wait3A_103, %dma_wait3A_104] : memref<10112x128xf32, #tpu.memory_space<hbm>> -> memref<80x128xf32, #tpu.memory_space<hbm>>
            %dma_wait3A_106 = arith.constant 0 : i32
            %dma_wait3A_107 = arith.constant 0 : i32
            %dma_wait3A_108 = tpu.memref_slice %arg2[%dma_wait3A_106, %dma_wait3A_107] : memref<10112x128xf32, #tpu.memory_space<hbm>> -> memref<80x128xf32, #tpu.memory_space<hbm>>
            tpu.wait_dma2 semaphore(%arg15 : memref<!tpu.dma_semaphore, #tpu.memory_space<semaphore_mem>>) src(%dma_wait3A_108 : memref<80x128xf32, #tpu.memory_space<hbm>>) dst(%arg10 : memref<80x128xf32, #tpu.memory_space<vmem>>)
            %sub3A = arith.constant 1 : i32
            %sub3A_109 = arith.subi %scan3A_46, %sub3A : i32
            %scan3A_110 = arith.constant 0 : i32
            %scan3A_111 = arith.constant 0 : i32
            %scan3A_112 = arith.constant 80 : i32
            %scan3A_113 = arith.addi %scan3A_111, %scan3A_112 : i32
            %scan3A_114 = arith.constant 8 : i32
            scf.for %scan3A_128 = %scan3A_111 to %scan3A_113 step %scan3A_114  : i32 {
              %get3A = arith.index_cast %scan3A_128 : i32 to index
              %get3A_129 = arith.constant 0 : index
              %get3A_130 = tpu.vector_load %arg10[%get3A, %get3A_129] {strides = array<i32>} : memref<80x128xf32, #tpu.memory_space<vmem>>, vector<1x16xf32>,
              %get3A_131 = vector.shape_cast %get3A_130 : vector<1x16xf32> to vector<16xf32>
              %max3A = arith.constant 0.000000e+00 : f32
              %max3A_132 = vector.broadcast %max3A : f32 to vector<16xf32>
              %max3A_133 = arith.maximumf %get3A_131, %max3A_132 : vector<16xf32>
              %swap3A = arith.index_cast %scan3A_128 : i32 to index
              %swap3A_134 = arith.constant 0 : index
              %swap3A_135 = tpu.vector_load %arg10[%swap3A, %swap3A_134] {strides = array<i32>} : memref<80x128xf32, #tpu.memory_space<vmem>>, vector<1x16xf32>,
              %swap3A_136 = vector.shape_cast %swap3A_135 : vector<1x16xf32> to vector<16xf32>
              %swap3A_137 = vector.shape_cast %max3A_133 : vector<16xf32> to vector<1x16xf32>
              tpu.vector_store %arg10[%swap3A, %swap3A_134], %swap3A_137 {strides = array<i32>} : memref<80x128xf32, #tpu.memory_space<vmem>>, vector<1x16xf32>,
              %get3A_138 = arith.index_cast %scan3A_128 : i32 to index
              %get3A_139 = arith.constant 16 : index
              %get3A_140 = tpu.vector_load %arg10[%get3A_138, %get3A_139] {strides = array<i32>} : memref<80x128xf32, #tpu.memory_space<vmem>>, vector<1x16xf32>,
              %get3A_141 = vector.shape_cast %get3A_140 : vector<1x16xf32> to vector<16xf32>
              %max3A_142 = arith.constant 0.000000e+00 : f32
              %max3A_143 = vector.broadcast %max3A_142 : f32 to vector<16xf32>
              %max3A_144 = arith.maximumf %get3A_141, %max3A_143 : vector<16xf32>
              %swap3A_145 = arith.index_cast %scan3A_128 : i32 to index
              %swap3A_146 = arith.constant 16 : index
              %swap3A_147 = tpu.vector_load %arg10[%swap3A_145, %swap3A_146] {strides = array<i32>} : memref<80x128xf32, #tpu.memory_space<vmem>>, vector<1x16xf32>,
              %swap3A_148 = vector.shape_cast %swap3A_147 : vector<1x16xf32> to vector<16xf32>
              %swap3A_149 = vector.shape_cast %max3A_144 : vector<16xf32> to vector<1x16xf32>
              tpu.vector_store %arg10[%swap3A_145, %swap3A_146], %swap3A_149 {strides = array<i32>} : memref<80x128xf32, #tpu.memory_space<vmem>>, vector<1x16xf32>,
              %get3A_150 = arith.index_cast %scan3A_128 : i32 to index
              %get3A_151 = arith.constant 32 : index
              %get3A_152 = tpu.vector_load %arg10[%get3A_150, %get3A_151] {strides = array<i32>} : memref<80x128xf32, #tpu.memory_space<vmem>>, vector<1x16xf32>,
              %get3A_153 = vector.shape_cast %get3A_152 : vector<1x16xf32> to vector<16xf32>
              %max3A_154 = arith.constant 0.000000e+00 : f32
              %max3A_155 = vector.broadcast %max3A_154 : f32 to vector<16xf32>
              %max3A_156 = arith.maximumf %get3A_153, %max3A_155 : vector<16xf32>
              %swap3A_157 = arith.index_cast %scan3A_128 : i32 to index
              %swap3A_158 = arith.constant 32 : index
              %swap3A_159 = tpu.vector_load %arg10[%swap3A_157, %swap3A_158] {strides = array<i32>} : memref<80x128xf32, #tpu.memory_space<vmem>>, vector<1x16xf32>,
              %swap3A_160 = vector.shape_cast %swap3A_159 : vector<1x16xf32> to vector<16xf32>
              %swap3A_161 = vector.shape_cast %max3A_156 : vector<16xf32> to vector<1x16xf32>
              tpu.vector_store %arg10[%swap3A_157, %swap3A_158], %swap3A_161 {strides = array<i32>} : memref<80x128xf32, #tpu.memory_space<vmem>>, vector<1x16xf32>,
              %get3A_162 = arith.index_cast %scan3A_128 : i32 to index
              %get3A_163 = arith.constant 48 : index
              %get3A_164 = tpu.vector_load %arg10[%get3A_162, %get3A_163] {strides = array<i32>} : memref<80x128xf32, #tpu.memory_space<vmem>>, vector<1x16xf32>,
              %get3A_165 = vector.shape_cast %get3A_164 : vector<1x16xf32> to vector<16xf32>
              %max3A_166 = arith.constant 0.000000e+00 : f32
              %max3A_167 = vector.broadcast %max3A_166 : f32 to vector<16xf32>
              %max3A_168 = arith.maximumf %get3A_165, %max3A_167 : vector<16xf32>
              %swap3A_169 = arith.index_cast %scan3A_128 : i32 to index
              %swap3A_170 = arith.constant 48 : index
              %swap3A_171 = tpu.vector_load %arg10[%swap3A_169, %swap3A_170] {strides = array<i32>} : memref<80x128xf32, #tpu.memory_space<vmem>>, vector<1x16xf32>,
              %swap3A_172 = vector.shape_cast %swap3A_171 : vector<1x16xf32> to vector<16xf32>
              %swap3A_173 = vector.shape_cast %max3A_168 : vector<16xf32> to vector<1x16xf32>
              tpu.vector_store %arg10[%swap3A_169, %swap3A_170], %swap3A_173 {strides = array<i32>} : memref<80x128xf32, #tpu.memory_space<vmem>>, vector<1x16xf32>,
              %get3A_174 = arith.index_cast %scan3A_128 : i32 to index
              %get3A_175 = arith.constant 64 : index
              %get3A_176 = tpu.vector_load %arg10[%get3A_174, %get3A_175] {strides = array<i32>} : memref<80x128xf32, #tpu.memory_space<vmem>>, vector<1x16xf32>,
              %get3A_177 = vector.shape_cast %get3A_176 : vector<1x16xf32> to vector<16xf32>
              %max3A_178 = arith.constant 0.000000e+00 : f32
              %max3A_179 = vector.broadcast %max3A_178 : f32 to vector<16xf32>
              %max3A_180 = arith.maximumf %get3A_177, %max3A_179 : vector<16xf32>
              %swap3A_181 = arith.index_cast %scan3A_128 : i32 to index
              %swap3A_182 = arith.constant 64 : index
              %swap3A_183 = tpu.vector_load %arg10[%swap3A_181, %swap3A_182] {strides = array<i32>} : memref<80x128xf32, #tpu.memory_space<vmem>>, vector<1x16xf32>,
              %swap3A_184 = vector.shape_cast %swap3A_183 : vector<1x16xf32> to vector<16xf32>
              %swap3A_185 = vector.shape_cast %max3A_180 : vector<16xf32> to vector<1x16xf32>
              tpu.vector_store %arg10[%swap3A_181, %swap3A_182], %swap3A_185 {strides = array<i32>} : memref<80x128xf32, #tpu.memory_space<vmem>>, vector<1x16xf32>,
              %get3A_186 = arith.index_cast %scan3A_128 : i32 to index
              %get3A_187 = arith.constant 80 : index
              %get3A_188 = tpu.vector_load %arg10[%get3A_186, %get3A_187] {strides = array<i32>} : memref<80x128xf32, #tpu.memory_space<vmem>>, vector<1x16xf32>,
              %get3A_189 = vector.shape_cast %get3A_188 : vector<1x16xf32> to vector<16xf32>
              %max3A_190 = arith.constant 0.000000e+00 : f32
              %max3A_191 = vector.broadcast %max3A_190 : f32 to vector<16xf32>
              %max3A_192 = arith.maximumf %get3A_189, %max3A_191 : vector<16xf32>
              %swap3A_193 = arith.index_cast %scan3A_128 : i32 to index
              %swap3A_194 = arith.constant 80 : index
              %swap3A_195 = tpu.vector_load %arg10[%swap3A_193, %swap3A_194] {strides = array<i32>} : memref<80x128xf32, #tpu.memory_space<vmem>>, vector<1x16xf32>,
              %swap3A_196 = vector.shape_cast %swap3A_195 : vector<1x16xf32> to vector<16xf32>
              %swap3A_197 = vector.shape_cast %max3A_192 : vector<16xf32> to vector<1x16xf32>
              tpu.vector_store %arg10[%swap3A_193, %swap3A_194], %swap3A_197 {strides = array<i32>} : memref<80x128xf32, #tpu.memory_space<vmem>>, vector<1x16xf32>,
              %get3A_198 = arith.index_cast %scan3A_128 : i32 to index
              %get3A_199 = arith.constant 96 : index
              %get3A_200 = tpu.vector_load %arg10[%get3A_198, %get3A_199] {strides = array<i32>} : memref<80x128xf32, #tpu.memory_space<vmem>>, vector<1x16xf32>,
              %get3A_201 = vector.shape_cast %get3A_200 : vector<1x16xf32> to vector<16xf32>
              %max3A_202 = arith.constant 0.000000e+00 : f32
              %max3A_203 = vector.broadcast %max3A_202 : f32 to vector<16xf32>
              %max3A_204 = arith.maximumf %get3A_201, %max3A_203 : vector<16xf32>
              %swap3A_205 = arith.index_cast %scan3A_128 : i32 to index
              %swap3A_206 = arith.constant 96 : index
              %swap3A_207 = tpu.vector_load %arg10[%swap3A_205, %swap3A_206] {strides = array<i32>} : memref<80x128xf32, #tpu.memory_space<vmem>>, vector<1x16xf32>,
              %swap3A_208 = vector.shape_cast %swap3A_207 : vector<1x16xf32> to vector<16xf32>
              %swap3A_209 = vector.shape_cast %max3A_204 : vector<16xf32> to vector<1x16xf32>
              tpu.vector_store %arg10[%swap3A_205, %swap3A_206], %swap3A_209 {strides = array<i32>} : memref<80x128xf32, #tpu.memory_space<vmem>>, vector<1x16xf32>,
              %get3A_210 = arith.index_cast %scan3A_128 : i32 to index
              %get3A_211 = arith.constant 112 : index
              %get3A_212 = tpu.vector_load %arg10[%get3A_210, %get3A_211] {strides = array<i32>} : memref<80x128xf32, #tpu.memory_space<vmem>>, vector<1x16xf32>,
              %get3A_213 = vector.shape_cast %get3A_212 : vector<1x16xf32> to vector<16xf32>
              %max3A_214 = arith.constant 0.000000e+00 : f32
              %max3A_215 = vector.broadcast %max3A_214 : f32 to vector<16xf32>
              %max3A_216 = arith.maximumf %get3A_213, %max3A_215 : vector<16xf32>
              %swap3A_217 = arith.index_cast %scan3A_128 : i32 to index
              %swap3A_218 = arith.constant 112 : index
              %swap3A_219 = tpu.vector_load %arg10[%swap3A_217, %swap3A_218] {strides = array<i32>} : memref<80x128xf32, #tpu.memory_space<vmem>>, vector<1x16xf32>,
              %swap3A_220 = vector.shape_cast %swap3A_219 : vector<1x16xf32> to vector<16xf32>
              %swap3A_221 = vector.shape_cast %max3A_216 : vector<16xf32> to vector<1x16xf32>
              tpu.vector_store %arg10[%swap3A_217, %swap3A_218], %swap3A_221 {strides = array<i32>} : memref<80x128xf32, #tpu.memory_space<vmem>>, vector<1x16xf32>,
              %scan3A_222 = arith.constant 1 : i32
              %scan3A_223 = arith.addi %scan3A_128, %scan3A_222 : i32
              %get3A_224 = arith.index_cast %scan3A_223 : i32 to index
              %get3A_225 = arith.constant 0 : index
              %get3A_226 = tpu.vector_load %arg10[%get3A_224, %get3A_225] {strides = array<i32>} : memref<80x128xf32, #tpu.memory_space<vmem>>, vector<1x16xf32>,
              %get3A_227 = vector.shape_cast %get3A_226 : vector<1x16xf32> to vector<16xf32>
              %max3A_228 = arith.constant 0.000000e+00 : f32
              %max3A_229 = vector.broadcast %max3A_228 : f32 to vector<16xf32>
              %max3A_230 = arith.maximumf %get3A_227, %max3A_229 : vector<16xf32>
              %swap3A_231 = arith.index_cast %scan3A_223 : i32 to index
              %swap3A_232 = arith.constant 0 : index
              %swap3A_233 = tpu.vector_load %arg10[%swap3A_231, %swap3A_232] {strides = array<i32>} : memref<80x128xf32, #tpu.memory_space<vmem>>, vector<1x16xf32>,
              %swap3A_234 = vector.shape_cast %swap3A_233 : vector<1x16xf32> to vector<16xf32>
              %swap3A_235 = vector.shape_cast %max3A_230 : vector<16xf32> to vector<1x16xf32>
              tpu.vector_store %arg10[%swap3A_231, %swap3A_232], %swap3A_235 {strides = array<i32>} : memref<80x128xf32, #tpu.memory_space<vmem>>, vector<1x16xf32>,
              %get3A_236 = arith.index_cast %scan3A_223 : i32 to index
              %get3A_237 = arith.constant 16 : index
              %get3A_238 = tpu.vector_load %arg10[%get3A_236, %get3A_237] {strides = array<i32>} : memref<80x128xf32, #tpu.memory_space<vmem>>, vector<1x16xf32>,
              %get3A_239 = vector.shape_cast %get3A_238 : vector<1x16xf32> to vector<16xf32>
              %max3A_240 = arith.constant 0.000000e+00 : f32
              %max3A_241 = vector.broadcast %max3A_240 : f32 to vector<16xf32>
              %max3A_242 = arith.maximumf %get3A_239, %max3A_241 : vector<16xf32>
              %swap3A_243 = arith.index_cast %scan3A_223 : i32 to index
              %swap3A_244 = arith.constant 16 : index
              %swap3A_245 = tpu.vector_load %arg10[%swap3A_243, %swap3A_244] {strides = array<i32>} : memref<80x128xf32, #tpu.memory_space<vmem>>, vector<1x16xf32>,
              %swap3A_246 = vector.shape_cast %swap3A_245 : vector<1x16xf32> to vector<16xf32>
              %swap3A_247 = vector.shape_cast %max3A_242 : vector<16xf32> to vector<1x16xf32>
              tpu.vector_store %arg10[%swap3A_243, %swap3A_244], %swap3A_247 {strides = array<i32>} : memref<80x128xf32, #tpu.memory_space<vmem>>, vector<1x16xf32>,
              %get3A_248 = arith.index_cast %scan3A_223 : i32 to index
              %get3A_249 = arith.constant 32 : index
              %get3A_250 = tpu.vector_load %arg10[%get3A_248, %get3A_249] {strides = array<i32>} : memref<80x128xf32, #tpu.memory_space<vmem>>, vector<1x16xf32>,
              %get3A_251 = vector.shape_cast %get3A_250 : vector<1x16xf32> to vector<16xf32>
              %max3A_252 = arith.constant 0.000000e+00 : f32
              %max3A_253 = vector.broadcast %max3A_252 : f32 to vector<16xf32>
              %max3A_254 = arith.maximumf %get3A_251, %max3A_253 : vector<16xf32>
              %swap3A_255 = arith.index_cast %scan3A_223 : i32 to index
              %swap3A_256 = arith.constant 32 : index
              %swap3A_257 = tpu.vector_load %arg10[%swap3A_255, %swap3A_256] {strides = array<i32>} : memref<80x128xf32, #tpu.memory_space<vmem>>, vector<1x16xf32>,
              %swap3A_258 = vector.shape_cast %swap3A_257 : vector<1x16xf32> to vector<16xf32>
              %swap3A_259 = vector.shape_cast %max3A_254 : vector<16xf32> to vector<1x16xf32>
              tpu.vector_store %arg10[%swap3A_255, %swap3A_256], %swap3A_259 {strides = array<i32>} : memref<80x128xf32, #tpu.memory_space<vmem>>, vector<1x16xf32>,
              %get3A_260 = arith.index_cast %scan3A_223 : i32 to index
              %get3A_261 = arith.constant 48 : index
              %get3A_262 = tpu.vector_load %arg10[%get3A_260, %get3A_261] {strides = array<i32>} : memref<80x128xf32, #tpu.memory_space<vmem>>, vector<1x16xf32>,
              %get3A_263 = vector.shape_cast %get3A_262 : vector<1x16xf32> to vector<16xf32>
              %max3A_264 = arith.constant 0.000000e+00 : f32
              %max3A_265 = vector.broadcast %max3A_264 : f32 to vector<16xf32>
              %max3A_266 = arith.maximumf %get3A_263, %max3A_265 : vector<16xf32>
              %swap3A_267 = arith.index_cast %scan3A_223 : i32 to index
              %swap3A_268 = arith.constant 48 : index
              %swap3A_269 = tpu.vector_load %arg10[%swap3A_267, %swap3A_268] {strides = array<i32>} : memref<80x128xf32, #tpu.memory_space<vmem>>, vector<1x16xf32>,
              %swap3A_270 = vector.shape_cast %swap3A_269 : vector<1x16xf32> to vector<16xf32>
              %swap3A_271 = vector.shape_cast %max3A_266 : vector<16xf32> to vector<1x16xf32>
              tpu.vector_store %arg10[%swap3A_267, %swap3A_268], %swap3A_271 {strides = array<i32>} : memref<80x128xf32, #tpu.memory_space<vmem>>, vector<1x16xf32>,
              %get3A_272 = arith.index_cast %scan3A_223 : i32 to index
              %get3A_273 = arith.constant 64 : index
              %get3A_274 = tpu.vector_load %arg10[%get3A_272, %get3A_273] {strides = array<i32>} : memref<80x128xf32, #tpu.memory_space<vmem>>, vector<1x16xf32>,
              %get3A_275 = vector.shape_cast %get3A_274 : vector<1x16xf32> to vector<16xf32>
              %max3A_276 = arith.constant 0.000000e+00 : f32
              %max3A_277 = vector.broadcast %max3A_276 : f32 to vector<16xf32>
              %max3A_278 = arith.maximumf %get3A_275, %max3A_277 : vector<16xf32>
              %swap3A_279 = arith.index_cast %scan3A_223 : i32 to index
              %swap3A_280 = arith.constant 64 : index
              %swap3A_281 = tpu.vector_load %arg10[%swap3A_279, %swap3A_280] {strides = array<i32>} : memref<80x128xf32, #tpu.memory_space<vmem>>, vector<1x16xf32>,
              %swap3A_282 = vector.shape_cast %swap3A_281 : vector<1x16xf32> to vector<16xf32>
              %swap3A_283 = vector.shape_cast %max3A_278 : vector<16xf32> to vector<1x16xf32>
              tpu.vector_store %arg10[%swap3A_279, %swap3A_280], %swap3A_283 {strides = array<i32>} : memref<80x128xf32, #tpu.memory_space<vmem>>, vector<1x16xf32>,
              %get3A_284 = arith.index_cast %scan3A_223 : i32 to index
              %get3A_285 = arith.constant 80 : index
              %get3A_286 = tpu.vector_load %arg10[%get3A_284, %get3A_285] {strides = array<i32>} : memref<80x128xf32, #tpu.memory_space<vmem>>, vector<1x16xf32>,
              %get3A_287 = vector.shape_cast %get3A_286 : vector<1x16xf32> to vector<16xf32>
              %max3A_288 = arith.constant 0.000000e+00 : f32
              %max3A_289 = vector.broadcast %max3A_288 : f32 to vector<16xf32>
              %max3A_290 = arith.maximumf %get3A_287, %max3A_289 : vector<16xf32>
              %swap3A_291 = arith.index_cast %scan3A_223 : i32 to index
              %swap3A_292 = arith.constant 80 : index
              %swap3A_293 = tpu.vector_load %arg10[%swap3A_291, %swap3A_292] {strides = array<i32>} : memref<80x128xf32, #tpu.memory_space<vmem>>, vector<1x16xf32>,
              %swap3A_294 = vector.shape_cast %swap3A_293 : vector<1x16xf32> to vector<16xf32>
              %swap3A_295 = vector.shape_cast %max3A_290 : vector<16xf32> to vector<1x16xf32>
              tpu.vector_store %arg10[%swap3A_291, %swap3A_292], %swap3A_295 {strides = array<i32>} : memref<80x128xf32, #tpu.memory_space<vmem>>, vector<1x16xf32>,
              %get3A_296 = arith.index_cast %scan3A_223 : i32 to index
              %get3A_297 = arith.constant 96 : index
              %get3A_298 = tpu.vector_load %arg10[%get3A_296, %get3A_297] {strides = array<i32>} : memref<80x128xf32, #tpu.memory_space<vmem>>, vector<1x16xf32>,
              %get3A_299 = vector.shape_cast %get3A_298 : vector<1x16xf32> to vector<16xf32>
              %max3A_300 = arith.constant 0.000000e+00 : f32
              %max3A_301 = vector.broadcast %max3A_300 : f32 to vector<16xf32>
              %max3A_302 = arith.maximumf %get3A_299, %max3A_301 : vector<16xf32>
              %swap3A_303 = arith.index_cast %scan3A_223 : i32 to index
              %swap3A_304 = arith.constant 96 : index
              %swap3A_305 = tpu.vector_load %arg10[%swap3A_303, %swap3A_304] {strides = array<i32>} : memref<80x128xf32, #tpu.memory_space<vmem>>, vector<1x16xf32>,
              %swap3A_306 = vector.shape_cast %swap3A_305 : vector<1x16xf32> to vector<16xf32>
              %swap3A_307 = vector.shape_cast %max3A_302 : vector<16xf32> to vector<1x16xf32>
              tpu.vector_store %arg10[%swap3A_303, %swap3A_304], %swap3A_307 {strides = array<i32>} : memref<80x128xf32, #tpu.memory_space<vmem>>, vector<1x16xf32>,
              %get3A_308 = arith.index_cast %scan3A_223 : i32 to index
              %get3A_309 = arith.constant 112 : index
              %get3A_310 = tpu.vector_load %arg10[%get3A_308, %get3A_309] {strides = array<i32>} : memref<80x128xf32, #tpu.memory_space<vmem>>, vector<1x16xf32>,
              %get3A_311 = vector.shape_cast %get3A_310 : vector<1x16xf32> to vector<16xf32>
              %max3A_312 = arith.constant 0.000000e+00 : f32
              %max3A_313 = vector.broadcast %max3A_312 : f32 to vector<16xf32>
              %max3A_314 = arith.maximumf %get3A_311, %max3A_313 : vector<16xf32>
              %swap3A_315 = arith.index_cast %scan3A_223 : i32 to index
              %swap3A_316 = arith.constant 112 : index
              %swap3A_317 = tpu.vector_load %arg10[%swap3A_315, %swap3A_316] {strides = array<i32>} : memref<80x128xf32, #tpu.memory_space<vmem>>, vector<1x16xf32>,
              %swap3A_318 = vector.shape_cast %swap3A_317 : vector<1x16xf32> to vector<16xf32>
              %swap3A_319 = vector.shape_cast %max3A_314 : vector<16xf32> to vector<1x16xf32>
              tpu.vector_store %arg10[%swap3A_315, %swap3A_316], %swap3A_319 {strides = array<i32>} : memref<80x128xf32, #tpu.memory_space<vmem>>, vector<1x16xf32>,
              %scan3A_320 = arith.constant 2 : i32
              %scan3A_321 = arith.addi %scan3A_128, %scan3A_320 : i32
              %get3A_322 = arith.index_cast %scan3A_321 : i32 to index
              %get3A_323 = arith.constant 0 : index
              %get3A_324 = tpu.vector_load %arg10[%get3A_322, %get3A_323] {strides = array<i32>} : memref<80x128xf32, #tpu.memory_space<vmem>>, vector<1x16xf32>,
              %get3A_325 = vector.shape_cast %get3A_324 : vector<1x16xf32> to vector<16xf32>
              %max3A_326 = arith.constant 0.000000e+00 : f32
              %max3A_327 = vector.broadcast %max3A_326 : f32 to vector<16xf32>
              %max3A_328 = arith.maximumf %get3A_325, %max3A_327 : vector<16xf32>
              %swap3A_329 = arith.index_cast %scan3A_321 : i32 to index
              %swap3A_330 = arith.constant 0 : index
              %swap3A_331 = tpu.vector_load %arg10[%swap3A_329, %swap3A_330] {strides = array<i32>} : memref<80x128xf32, #tpu.memory_space<vmem>>, vector<1x16xf32>,
              %swap3A_332 = vector.shape_cast %swap3A_331 : vector<1x16xf32> to vector<16xf32>
              %swap3A_333 = vector.shape_cast %max3A_328 : vector<16xf32> to vector<1x16xf32>
              tpu.vector_store %arg10[%swap3A_329, %swap3A_330], %swap3A_333 {strides = array<i32>} : memref<80x128xf32, #tpu.memory_space<vmem>>, vector<1x16xf32>,
              %get3A_334 = arith.index_cast %scan3A_321 : i32 to index
              %get3A_335 = arith.constant 16 : index
              %get3A_336 = tpu.vector_load %arg10[%get3A_334, %get3A_335] {strides = array<i32>} : memref<80x128xf32, #tpu.memory_space<vmem>>, vector<1x16xf32>,
              %get3A_337 = vector.shape_cast %get3A_336 : vector<1x16xf32> to vector<16xf32>
              %max3A_338 = arith.constant 0.000000e+00 : f32
              %max3A_339 = vector.broadcast %max3A_338 : f32 to vector<16xf32>
              %max3A_340 = arith.maximumf %get3A_337, %max3A_339 : vector<16xf32>
              %swap3A_341 = arith.index_cast %scan3A_321 : i32 to index
              %swap3A_342 = arith.constant 16 : index
              %swap3A_343 = tpu.vector_load %arg10[%swap3A_341, %swap3A_342] {strides = array<i32>} : memref<80x128xf32, #tpu.memory_space<vmem>>, vector<1x16xf32>,
              %swap3A_344 = vector.shape_cast %swap3A_343 : vector<1x16xf32> to vector<16xf32>
              %swap3A_345 = vector.shape_cast %max3A_340 : vector<16xf32> to vector<1x16xf32>
              tpu.vector_store %arg10[%swap3A_341, %swap3A_342], %swap3A_345 {strides = array<i32>} : memref<80x128xf32, #tpu.memory_space<vmem>>, vector<1x16xf32>,
              %get3A_346 = arith.index_cast %scan3A_321 : i32 to index
              %get3A_347 = arith.constant 32 : index
              %get3A_348 = tpu.vector_load %arg10[%get3A_346, %get3A_347] {strides = array<i32>} : memref<80x128xf32, #tpu.memory_space<vmem>>, vector<1x16xf32>,
              %get3A_349 = vector.shape_cast %get3A_348 : vector<1x16xf32> to vector<16xf32>
              %max3A_350 = arith.constant 0.000000e+00 : f32
              %max3A_351 = vector.broadcast %max3A_350 : f32 to vector<16xf32>
              %max3A_352 = arith.maximumf %get3A_349, %max3A_351 : vector<16xf32>
              %swap3A_353 = arith.index_cast %scan3A_321 : i32 to index
              %swap3A_354 = arith.constant 32 : index
              %swap3A_355 = tpu.vector_load %arg10[%swap3A_353, %swap3A_354] {strides = array<i32>} : memref<80x128xf32, #tpu.memory_space<vmem>>, vector<1x16xf32>,
              %swap3A_356 = vector.shape_cast %swap3A_355 : vector<1x16xf32> to vector<16xf32>
              %swap3A_357 = vector.shape_cast %max3A_352 : vector<16xf32> to vector<1x16xf32>
              tpu.vector_store %arg10[%swap3A_353, %swap3A_354], %swap3A_357 {strides = array<i32>} : memref<80x128xf32, #tpu.memory_space<vmem>>, vector<1x16xf32>,
              %get3A_358 = arith.index_cast %scan3A_321 : i32 to index
              %get3A_359 = arith.constant 48 : index
              %get3A_360 = tpu.vector_load %arg10[%get3A_358, %get3A_359] {strides = array<i32>} : memref<80x128xf32, #tpu.memory_space<vmem>>, vector<1x16xf32>,
              %get3A_361 = vector.shape_cast %get3A_360 : vector<1x16xf32> to vector<16xf32>
              %max3A_362 = arith.constant 0.000000e+00 : f32
              %max3A_363 = vector.broadcast %max3A_362 : f32 to vector<16xf32>
              %max3A_364 = arith.maximumf %get3A_361, %max3A_363 : vector<16xf32>
              %swap3A_365 = arith.index_cast %scan3A_321 : i32 to index
              %swap3A_366 = arith.constant 48 : index
              %swap3A_367 = tpu.vector_load %arg10[%swap3A_365, %swap3A_366] {strides = array<i32>} : memref<80x128xf32, #tpu.memory_space<vmem>>, vector<1x16xf32>,
              %swap3A_368 = vector.shape_cast %swap3A_367 : vector<1x16xf32> to vector<16xf32>
              %swap3A_369 = vector.shape_cast %max3A_364 : vector<16xf32> to vector<1x16xf32>
              tpu.vector_store %arg10[%swap3A_365, %swap3A_366], %swap3A_369 {strides = array<i32>} : memref<80x128xf32, #tpu.memory_space<vmem>>, vector<1x16xf32>,
              %get3A_370 = arith.index_cast %scan3A_321 : i32 to index
              %get3A_371 = arith.constant 64 : index
              %get3A_372 = tpu.vector_load %arg10[%get3A_370, %get3A_371] {strides = array<i32>} : memref<80x128xf32, #tpu.memory_space<vmem>>, vector<1x16xf32>,
              %get3A_373 = vector.shape_cast %get3A_372 : vector<1x16xf32> to vector<16xf32>
              %max3A_374 = arith.constant 0.000000e+00 : f32
              %max3A_375 = vector.broadcast %max3A_374 : f32 to vector<16xf32>
              %max3A_376 = arith.maximumf %get3A_373, %max3A_375 : vector<16xf32>
              %swap3A_377 = arith.index_cast %scan3A_321 : i32 to index
              %swap3A_378 = arith.constant 64 : index
              %swap3A_379 = tpu.vector_load %arg10[%swap3A_377, %swap3A_378] {strides = array<i32>} : memref<80x128xf32, #tpu.memory_space<vmem>>, vector<1x16xf32>,
              %swap3A_380 = vector.shape_cast %swap3A_379 : vector<1x16xf32> to vector<16xf32>
              %swap3A_381 = vector.shape_cast %max3A_376 : vector<16xf32> to vector<1x16xf32>
              tpu.vector_store %arg10[%swap3A_377, %swap3A_378], %swap3A_381 {strides = array<i32>} : memref<80x128xf32, #tpu.memory_space<vmem>>, vector<1x16xf32>,
              %get3A_382 = arith.index_cast %scan3A_321 : i32 to index
              %get3A_383 = arith.constant 80 : index
              %get3A_384 = tpu.vector_load %arg10[%get3A_382, %get3A_383] {strides = array<i32>} : memref<80x128xf32, #tpu.memory_space<vmem>>, vector<1x16xf32>,
              %get3A_385 = vector.shape_cast %get3A_384 : vector<1x16xf32> to vector<16xf32>
              %max3A_386 = arith.constant 0.000000e+00 : f32
              %max3A_387 = vector.broadcast %max3A_386 : f32 to vector<16xf32>
              %max3A_388 = arith.maximumf %get3A_385, %max3A_387 : vector<16xf32>
              %swap3A_389 = arith.index_cast %scan3A_321 : i32 to index
              %swap3A_390 = arith.constant 80 : index
              %swap3A_391 = tpu.vector_load %arg10[%swap3A_389, %swap3A_390] {strides = array<i32>} : memref<80x128xf32, #tpu.memory_space<vmem>>, vector<1x16xf32>,
              %swap3A_392 = vector.shape_cast %swap3A_391 : vector<1x16xf32> to vector<16xf32>
              %swap3A_393 = vector.shape_cast %max3A_388 : vector<16xf32> to vector<1x16xf32>
              tpu.vector_store %arg10[%swap3A_389, %swap3A_390], %swap3A_393 {strides = array<i32>} : memref<80x128xf32, #tpu.memory_space<vmem>>, vector<1x16xf32>,
              %get3A_394 = arith.index_cast %scan3A_321 : i32 to index
              %get3A_395 = arith.constant 96 : index
              %get3A_396 = tpu.vector_load %arg10[%get3A_394, %get3A_395] {strides = array<i32>} : memref<80x128xf32, #tpu.memory_space<vmem>>, vector<1x16xf32>,
              %get3A_397 = vector.shape_cast %get3A_396 : vector<1x16xf32> to vector<16xf32>
              %max3A_398 = arith.constant 0.000000e+00 : f32
              %max3A_399 = vector.broadcast %max3A_398 : f32 to vector<16xf32>
              %max3A_400 = arith.maximumf %get3A_397, %max3A_399 : vector<16xf32>
              %swap3A_401 = arith.index_cast %scan3A_321 : i32 to index
              %swap3A_402 = arith.constant 96 : index
              %swap3A_403 = tpu.vector_load %arg10[%swap3A_401, %swap3A_402] {strides = array<i32>} : memref<80x128xf32, #tpu.memory_space<vmem>>, vector<1x16xf32>,
              %swap3A_404 = vector.shape_cast %swap3A_403 : vector<1x16xf32> to vector<16xf32>
              %swap3A_405 = vector.shape_cast %max3A_400 : vector<16xf32> to vector<1x16xf32>
              tpu.vector_store %arg10[%swap3A_401, %swap3A_402], %swap3A_405 {strides = array<i32>} : memref<80x128xf32, #tpu.memory_space<vmem>>, vector<1x16xf32>,
              %get3A_406 = arith.index_cast %scan3A_321 : i32 to index
              %get3A_407 = arith.constant 112 : index
              %get3A_408 = tpu.vector_load %arg10[%get3A_406, %get3A_407] {strides = array<i32>} : memref<80x128xf32, #tpu.memory_space<vmem>>, vector<1x16xf32>,
              %get3A_409 = vector.shape_cast %get3A_408 : vector<1x16xf32> to vector<16xf32>
              %max3A_410 = arith.constant 0.000000e+00 : f32
              %max3A_411 = vector.broadcast %max3A_410 : f32 to vector<16xf32>
              %max3A_412 = arith.maximumf %get3A_409, %max3A_411 : vector<16xf32>
              %swap3A_413 = arith.index_cast %scan3A_321 : i32 to index
              %swap3A_414 = arith.constant 112 : index
              %swap3A_415 = tpu.vector_load %arg10[%swap3A_413, %swap3A_414] {strides = array<i32>} : memref<80x128xf32, #tpu.memory_space<vmem>>, vector<1x16xf32>,
              %swap3A_416 = vector.shape_cast %swap3A_415 : vector<1x16xf32> to vector<16xf32>
              %swap3A_417 = vector.shape_cast %max3A_412 : vector<16xf32> to vector<1x16xf32>
              tpu.vector_store %arg10[%swap3A_413, %swap3A_414], %swap3A_417 {strides = array<i32>} : memref<80x128xf32, #tpu.memory_space<vmem>>, vector<1x16xf32>,
              %scan3A_418 = arith.constant 3 : i32
              %scan3A_419 = arith.addi %scan3A_128, %scan3A_418 : i32
              %get3A_420 = arith.index_cast %scan3A_419 : i32 to index
              %get3A_421 = arith.constant 0 : index
              %get3A_422 = tpu.vector_load %arg10[%get3A_420, %get3A_421] {strides = array<i32>} : memref<80x128xf32, #tpu.memory_space<vmem>>, vector<1x16xf32>,
              %get3A_423 = vector.shape_cast %get3A_422 : vector<1x16xf32> to vector<16xf32>
              %max3A_424 = arith.constant 0.000000e+00 : f32
              %max3A_425 = vector.broadcast %max3A_424 : f32 to vector<16xf32>
              %max3A_426 = arith.maximumf %get3A_423, %max3A_425 : vector<16xf32>
              %swap3A_427 = arith.index_cast %scan3A_419 : i32 to index
              %swap3A_428 = arith.constant 0 : index
              %swap3A_429 = tpu.vector_load %arg10[%swap3A_427, %swap3A_428] {strides = array<i32>} : memref<80x128xf32, #tpu.memory_space<vmem>>, vector<1x16xf32>,
              %swap3A_430 = vector.shape_cast %swap3A_429 : vector<1x16xf32> to vector<16xf32>
              %swap3A_431 = vector.shape_cast %max3A_426 : vector<16xf32> to vector<1x16xf32>
              tpu.vector_store %arg10[%swap3A_427, %swap3A_428], %swap3A_431 {strides = array<i32>} : memref<80x128xf32, #tpu.memory_space<vmem>>, vector<1x16xf32>,
              %get3A_432 = arith.index_cast %scan3A_419 : i32 to index
              %get3A_433 = arith.constant 16 : index
              %get3A_434 = tpu.vector_load %arg10[%get3A_432, %get3A_433] {strides = array<i32>} : memref<80x128xf32, #tpu.memory_space<vmem>>, vector<1x16xf32>,
              %get3A_435 = vector.shape_cast %get3A_434 : vector<1x16xf32> to vector<16xf32>
              %max3A_436 = arith.constant 0.000000e+00 : f32
              %max3A_437 = vector.broadcast %max3A_436 : f32 to vector<16xf32>
              %max3A_438 = arith.maximumf %get3A_435, %max3A_437 : vector<16xf32>
              %swap3A_439 = arith.index_cast %scan3A_419 : i32 to index
              %swap3A_440 = arith.constant 16 : index
              %swap3A_441 = tpu.vector_load %arg10[%swap3A_439, %swap3A_440] {strides = array<i32>} : memref<80x128xf32, #tpu.memory_space<vmem>>, vector<1x16xf32>,
              %swap3A_442 = vector.shape_cast %swap3A_441 : vector<1x16xf32> to vector<16xf32>
              %swap3A_443 = vector.shape_cast %max3A_438 : vector<16xf32> to vector<1x16xf32>
              tpu.vector_store %arg10[%swap3A_439, %swap3A_440], %swap3A_443 {strides = array<i32>} : memref<80x128xf32, #tpu.memory_space<vmem>>, vector<1x16xf32>,
              %get3A_444 = arith.index_cast %scan3A_419 : i32 to index
              %get3A_445 = arith.constant 32 : index
              %get3A_446 = tpu.vector_load %arg10[%get3A_444, %get3A_445] {strides = array<i32>} : memref<80x128xf32, #tpu.memory_space<vmem>>, vector<1x16xf32>,
              %get3A_447 = vector.shape_cast %get3A_446 : vector<1x16xf32> to vector<16xf32>
              %max3A_448 = arith.constant 0.000000e+00 : f32
              %max3A_449 = vector.broadcast %max3A_448 : f32 to vector<16xf32>
              %max3A_450 = arith.maximumf %get3A_447, %max3A_449 : vector<16xf32>
              %swap3A_451 = arith.index_cast %scan3A_419 : i32 to index
              %swap3A_452 = arith.constant 32 : index
              %swap3A_453 = tpu.vector_load %arg10[%swap3A_451, %swap3A_452] {strides = array<i32>} : memref<80x128xf32, #tpu.memory_space<vmem>>, vector<1x16xf32>,
              %swap3A_454 = vector.shape_cast %swap3A_453 : vector<1x16xf32> to vector<16xf32>
              %swap3A_455 = vector.shape_cast %max3A_450 : vector<16xf32> to vector<1x16xf32>
              tpu.vector_store %arg10[%swap3A_451, %swap3A_452], %swap3A_455 {strides = array<i32>} : memref<80x128xf32, #tpu.memory_space<vmem>>, vector<1x16xf32>,
              %get3A_456 = arith.index_cast %scan3A_419 : i32 to index
              %get3A_457 = arith.constant 48 : index
              %get3A_458 = tpu.vector_load %arg10[%get3A_456, %get3A_457] {strides = array<i32>} : memref<80x128xf32, #tpu.memory_space<vmem>>, vector<1x16xf32>,
              %get3A_459 = vector.shape_cast %get3A_458 : vector<1x16xf32> to vector<16xf32>
              %max3A_460 = arith.constant 0.000000e+00 : f32
              %max3A_461 = vector.broadcast %max3A_460 : f32 to vector<16xf32>
              %max3A_462 = arith.maximumf %get3A_459, %max3A_461 : vector<16xf32>
              %swap3A_463 = arith.index_cast %scan3A_419 : i32 to index
              %swap3A_464 = arith.constant 48 : index
              %swap3A_465 = tpu.vector_load %arg10[%swap3A_463, %swap3A_464] {strides = array<i32>} : memref<80x128xf32, #tpu.memory_space<vmem>>, vector<1x16xf32>,
              %swap3A_466 = vector.shape_cast %swap3A_465 : vector<1x16xf32> to vector<16xf32>
              %swap3A_467 = vector.shape_cast %max3A_462 : vector<16xf32> to vector<1x16xf32>
              tpu.vector_store %arg10[%swap3A_463, %swap3A_464], %swap3A_467 {strides = array<i32>} : memref<80x128xf32, #tpu.memory_space<vmem>>, vector<1x16xf32>,
              %get3A_468 = arith.index_cast %scan3A_419 : i32 to index
              %get3A_469 = arith.constant 64 : index
              %get3A_470 = tpu.vector_load %arg10[%get3A_468, %get3A_469] {strides = array<i32>} : memref<80x128xf32, #tpu.memory_space<vmem>>, vector<1x16xf32>,
              %get3A_471 = vector.shape_cast %get3A_470 : vector<1x16xf32> to vector<16xf32>
              %max3A_472 = arith.constant 0.000000e+00 : f32
              %max3A_473 = vector.broadcast %max3A_472 : f32 to vector<16xf32>
              %max3A_474 = arith.maximumf %get3A_471, %max3A_473 : vector<16xf32>
              %swap3A_475 = arith.index_cast %scan3A_419 : i32 to index
              %swap3A_476 = arith.constant 64 : index
              %swap3A_477 = tpu.vector_load %arg10[%swap3A_475, %swap3A_476] {strides = array<i32>} : memref<80x128xf32, #tpu.memory_space<vmem>>, vector<1x16xf32>,
              %swap3A_478 = vector.shape_cast %swap3A_477 : vector<1x16xf32> to vector<16xf32>
              %swap3A_479 = vector.shape_cast %max3A_474 : vector<16xf32> to vector<1x16xf32>
              tpu.vector_store %arg10[%swap3A_475, %swap3A_476], %swap3A_479 {strides = array<i32>} : memref<80x128xf32, #tpu.memory_space<vmem>>, vector<1x16xf32>,
              %get3A_480 = arith.index_cast %scan3A_419 : i32 to index
              %get3A_481 = arith.constant 80 : index
              %get3A_482 = tpu.vector_load %arg10[%get3A_480, %get3A_481] {strides = array<i32>} : memref<80x128xf32, #tpu.memory_space<vmem>>, vector<1x16xf32>,
              %get3A_483 = vector.shape_cast %get3A_482 : vector<1x16xf32> to vector<16xf32>
              %max3A_484 = arith.constant 0.000000e+00 : f32
              %max3A_485 = vector.broadcast %max3A_484 : f32 to vector<16xf32>
              %max3A_486 = arith.maximumf %get3A_483, %max3A_485 : vector<16xf32>
              %swap3A_487 = arith.index_cast %scan3A_419 : i32 to index
              %swap3A_488 = arith.constant 80 : index
              %swap3A_489 = tpu.vector_load %arg10[%swap3A_487, %swap3A_488] {strides = array<i32>} : memref<80x128xf32, #tpu.memory_space<vmem>>, vector<1x16xf32>,
              %swap3A_490 = vector.shape_cast %swap3A_489 : vector<1x16xf32> to vector<16xf32>
              %swap3A_491 = vector.shape_cast %max3A_486 : vector<16xf32> to vector<1x16xf32>
              tpu.vector_store %arg10[%swap3A_487, %swap3A_488], %swap3A_491 {strides = array<i32>} : memref<80x128xf32, #tpu.memory_space<vmem>>, vector<1x16xf32>,
              %get3A_492 = arith.index_cast %scan3A_419 : i32 to index
              %get3A_493 = arith.constant 96 : index
              %get3A_494 = tpu.vector_load %arg10[%get3A_492, %get3A_493] {strides = array<i32>} : memref<80x128xf32, #tpu.memory_space<vmem>>, vector<1x16xf32>,
              %get3A_495 = vector.shape_cast %get3A_494 : vector<1x16xf32> to vector<16xf32>
              %max3A_496 = arith.constant 0.000000e+00 : f32
              %max3A_497 = vector.broadcast %max3A_496 : f32 to vector<16xf32>
              %max3A_498 = arith.maximumf %get3A_495, %max3A_497 : vector<16xf32>
              %swap3A_499 = arith.index_cast %scan3A_419 : i32 to index
              %swap3A_500 = arith.constant 96 : index
              %swap3A_501 = tpu.vector_load %arg10[%swap3A_499, %swap3A_500] {strides = array<i32>} : memref<80x128xf32, #tpu.memory_space<vmem>>, vector<1x16xf32>,
              %swap3A_502 = vector.shape_cast %swap3A_501 : vector<1x16xf32> to vector<16xf32>
              %swap3A_503 = vector.shape_cast %max3A_498 : vector<16xf32> to vector<1x16xf32>
              tpu.vector_store %arg10[%swap3A_499, %swap3A_500], %swap3A_503 {strides = array<i32>} : memref<80x128xf32, #tpu.memory_space<vmem>>, vector<1x16xf32>,
              %get3A_504 = arith.index_cast %scan3A_419 : i32 to index
              %get3A_505 = arith.constant 112 : index
              %get3A_506 = tpu.vector_load %arg10[%get3A_504, %get3A_505] {strides = array<i32>} : memref<80x128xf32, #tpu.memory_space<vmem>>, vector<1x16xf32>,
              %get3A_507 = vector.shape_cast %get3A_506 : vector<1x16xf32> to vector<16xf32>
              %max3A_508 = arith.constant 0.000000e+00 : f32
              %max3A_509 = vector.broadcast %max3A_508 : f32 to vector<16xf32>
              %max3A_510 = arith.maximumf %get3A_507, %max3A_509 : vector<16xf32>
              %swap3A_511 = arith.index_cast %scan3A_419 : i32 to index
              %swap3A_512 = arith.constant 112 : index
              %swap3A_513 = tpu.vector_load %arg10[%swap3A_511, %swap3A_512] {strides = array<i32>} : memref<80x128xf32, #tpu.memory_space<vmem>>, vector<1x16xf32>,
              %swap3A_514 = vector.shape_cast %swap3A_513 : vector<1x16xf32> to vector<16xf32>
              %swap3A_515 = vector.shape_cast %max3A_510 : vector<16xf32> to vector<1x16xf32>
              tpu.vector_store %arg10[%swap3A_511, %swap3A_512], %swap3A_515 {strides = array<i32>} : memref<80x128xf32, #tpu.memory_space<vmem>>, vector<1x16xf32>,
              %scan3A_516 = arith.constant 4 : i32
              %scan3A_517 = arith.addi %scan3A_128, %scan3A_516 : i32
              %get3A_518 = arith.index_cast %scan3A_517 : i32 to index
              %get3A_519 = arith.constant 0 : index
              %get3A_520 = tpu.vector_load %arg10[%get3A_518, %get3A_519] {strides = array<i32>} : memref<80x128xf32, #tpu.memory_space<vmem>>, vector<1x16xf32>,
              %get3A_521 = vector.shape_cast %get3A_520 : vector<1x16xf32> to vector<16xf32>
              %max3A_522 = arith.constant 0.000000e+00 : f32
              %max3A_523 = vector.broadcast %max3A_522 : f32 to vector<16xf32>
              %max3A_524 = arith.maximumf %get3A_521, %max3A_523 : vector<16xf32>
              %swap3A_525 = arith.index_cast %scan3A_517 : i32 to index
              %swap3A_526 = arith.constant 0 : index
              %swap3A_527 = tpu.vector_load %arg10[%swap3A_525, %swap3A_526] {strides = array<i32>} : memref<80x128xf32, #tpu.memory_space<vmem>>, vector<1x16xf32>,
              %swap3A_528 = vector.shape_cast %swap3A_527 : vector<1x16xf32> to vector<16xf32>
              %swap3A_529 = vector.shape_cast %max3A_524 : vector<16xf32> to vector<1x16xf32>
              tpu.vector_store %arg10[%swap3A_525, %swap3A_526], %swap3A_529 {strides = array<i32>} : memref<80x128xf32, #tpu.memory_space<vmem>>, vector<1x16xf32>,
              %get3A_530 = arith.index_cast %scan3A_517 : i32 to index
              %get3A_531 = arith.constant 16 : index
              %get3A_532 = tpu.vector_load %arg10[%get3A_530, %get3A_531] {strides = array<i32>} : memref<80x128xf32, #tpu.memory_space<vmem>>, vector<1x16xf32>,
              %get3A_533 = vector.shape_cast %get3A_532 : vector<1x16xf32> to vector<16xf32>
              %max3A_534 = arith.constant 0.000000e+00 : f32
              %max3A_535 = vector.broadcast %max3A_534 : f32 to vector<16xf32>
              %max3A_536 = arith.maximumf %get3A_533, %max3A_535 : vector<16xf32>
              %swap3A_537 = arith.index_cast %scan3A_517 : i32 to index
              %swap3A_538 = arith.constant 16 : index
              %swap3A_539 = tpu.vector_load %arg10[%swap3A_537, %swap3A_538] {strides = array<i32>} : memref<80x128xf32, #tpu.memory_space<vmem>>, vector<1x16xf32>,
              %swap3A_540 = vector.shape_cast %swap3A_539 : vector<1x16xf32> to vector<16xf32>
              %swap3A_541 = vector.shape_cast %max3A_536 : vector<16xf32> to vector<1x16xf32>
              tpu.vector_store %arg10[%swap3A_537, %swap3A_538], %swap3A_541 {strides = array<i32>} : memref<80x128xf32, #tpu.memory_space<vmem>>, vector<1x16xf32>,
              %get3A_542 = arith.index_cast %scan3A_517 : i32 to index
              %get3A_543 = arith.constant 32 : index
              %get3A_544 = tpu.vector_load %arg10[%get3A_542, %get3A_543] {strides = array<i32>} : memref<80x128xf32, #tpu.memory_space<vmem>>, vector<1x16xf32>,
              %get3A_545 = vector.shape_cast %get3A_544 : vector<1x16xf32> to vector<16xf32>
              %max3A_546 = arith.constant 0.000000e+00 : f32
              %max3A_547 = vector.broadcast %max3A_546 : f32 to vector<16xf32>
              %max3A_548 = arith.maximumf %get3A_545, %max3A_547 : vector<16xf32>
              %swap3A_549 = arith.index_cast %scan3A_517 : i32 to index
              %swap3A_550 = arith.constant 32 : index
              %swap3A_551 = tpu.vector_load %arg10[%swap3A_549, %swap3A_550] {strides = array<i32>} : memref<80x128xf32, #tpu.memory_space<vmem>>, vector<1x16xf32>,
              %swap3A_552 = vector.shape_cast %swap3A_551 : vector<1x16xf32> to vector<16xf32>
              %swap3A_553 = vector.shape_cast %max3A_548 : vector<16xf32> to vector<1x16xf32>
              tpu.vector_store %arg10[%swap3A_549, %swap3A_550], %swap3A_553 {strides = array<i32>} : memref<80x128xf32, #tpu.memory_space<vmem>>, vector<1x16xf32>,
              %get3A_554 = arith.index_cast %scan3A_517 : i32 to index
              %get3A_555 = arith.constant 48 : index
              %get3A_556 = tpu.vector_load %arg10[%get3A_554, %get3A_555] {strides = array<i32>} : memref<80x128xf32, #tpu.memory_space<vmem>>, vector<1x16xf32>,
              %get3A_557 = vector.shape_cast %get3A_556 : vector<1x16xf32> to vector<16xf32>
              %max3A_558 = arith.constant 0.000000e+00 : f32
              %max3A_559 = vector.broadcast %max3A_558 : f32 to vector<16xf32>
              %max3A_560 = arith.maximumf %get3A_557, %max3A_559 : vector<16xf32>
              %swap3A_561 = arith.index_cast %scan3A_517 : i32 to index
              %swap3A_562 = arith.constant 48 : index
              %swap3A_563 = tpu.vector_load %arg10[%swap3A_561, %swap3A_562] {strides = array<i32>} : memref<80x128xf32, #tpu.memory_space<vmem>>, vector<1x16xf32>,
              %swap3A_564 = vector.shape_cast %swap3A_563 : vector<1x16xf32> to vector<16xf32>
              %swap3A_565 = vector.shape_cast %max3A_560 : vector<16xf32> to vector<1x16xf32>
              tpu.vector_store %arg10[%swap3A_561, %swap3A_562], %swap3A_565 {strides = array<i32>} : memref<80x128xf32, #tpu.memory_space<vmem>>, vector<1x16xf32>,
              %get3A_566 = arith.index_cast %scan3A_517 : i32 to index
              %get3A_567 = arith.constant 64 : index
              %get3A_568 = tpu.vector_load %arg10[%get3A_566, %get3A_567] {strides = array<i32>} : memref<80x128xf32, #tpu.memory_space<vmem>>, vector<1x16xf32>,
              %get3A_569 = vector.shape_cast %get3A_568 : vector<1x16xf32> to vector<16xf32>
              %max3A_570 = arith.constant 0.000000e+00 : f32
              %max3A_571 = vector.broadcast %max3A_570 : f32 to vector<16xf32>
              %max3A_572 = arith.maximumf %get3A_569, %max3A_571 : vector<16xf32>
              %swap3A_573 = arith.index_cast %scan3A_517 : i32 to index
              %swap3A_574 = arith.constant 64 : index
              %swap3A_575 = tpu.vector_load %arg10[%swap3A_573, %swap3A_574] {strides = array<i32>} : memref<80x128xf32, #tpu.memory_space<vmem>>, vector<1x16xf32>,
              %swap3A_576 = vector.shape_cast %swap3A_575 : vector<1x16xf32> to vector<16xf32>
              %swap3A_577 = vector.shape_cast %max3A_572 : vector<16xf32> to vector<1x16xf32>
              tpu.vector_store %arg10[%swap3A_573, %swap3A_574], %swap3A_577 {strides = array<i32>} : memref<80x128xf32, #tpu.memory_space<vmem>>, vector<1x16xf32>,
              %get3A_578 = arith.index_cast %scan3A_517 : i32 to index
              %get3A_579 = arith.constant 80 : index
              %get3A_580 = tpu.vector_load %arg10[%get3A_578, %get3A_579] {strides = array<i32>} : memref<80x128xf32, #tpu.memory_space<vmem>>, vector<1x16xf32>,
              %get3A_581 = vector.shape_cast %get3A_580 : vector<1x16xf32> to vector<16xf32>
              %max3A_582 = arith.constant 0.000000e+00 : f32
              %max3A_583 = vector.broadcast %max3A_582 : f32 to vector<16xf32>
              %max3A_584 = arith.maximumf %get3A_581, %max3A_583 : vector<16xf32>
              %swap3A_585 = arith.index_cast %scan3A_517 : i32 to index
              %swap3A_586 = arith.constant 80 : index
              %swap3A_587 = tpu.vector_load %arg10[%swap3A_585, %swap3A_586] {strides = array<i32>} : memref<80x128xf32, #tpu.memory_space<vmem>>, vector<1x16xf32>,
              %swap3A_588 = vector.shape_cast %swap3A_587 : vector<1x16xf32> to vector<16xf32>
              %swap3A_589 = vector.shape_cast %max3A_584 : vector<16xf32> to vector<1x16xf32>
              tpu.vector_store %arg10[%swap3A_585, %swap3A_586], %swap3A_589 {strides = array<i32>} : memref<80x128xf32, #tpu.memory_space<vmem>>, vector<1x16xf32>,
              %get3A_590 = arith.index_cast %scan3A_517 : i32 to index
              %get3A_591 = arith.constant 96 : index
              %get3A_592 = tpu.vector_load %arg10[%get3A_590, %get3A_591] {strides = array<i32>} : memref<80x128xf32, #tpu.memory_space<vmem>>, vector<1x16xf32>,
              %get3A_593 = vector.shape_cast %get3A_592 : vector<1x16xf32> to vector<16xf32>
              %max3A_594 = arith.constant 0.000000e+00 : f32
              %max3A_595 = vector.broadcast %max3A_594 : f32 to vector<16xf32>
              %max3A_596 = arith.maximumf %get3A_593, %max3A_595 : vector<16xf32>
              %swap3A_597 = arith.index_cast %scan3A_517 : i32 to index
              %swap3A_598 = arith.constant 96 : index
              %swap3A_599 = tpu.vector_load %arg10[%swap3A_597, %swap3A_598] {strides = array<i32>} : memref<80x128xf32, #tpu.memory_space<vmem>>, vector<1x16xf32>,
              %swap3A_600 = vector.shape_cast %swap3A_599 : vector<1x16xf32> to vector<16xf32>
              %swap3A_601 = vector.shape_cast %max3A_596 : vector<16xf32> to vector<1x16xf32>
              tpu.vector_store %arg10[%swap3A_597, %swap3A_598], %swap3A_601 {strides = array<i32>} : memref<80x128xf32, #tpu.memory_space<vmem>>, vector<1x16xf32>,
              %get3A_602 = arith.index_cast %scan3A_517 : i32 to index
              %get3A_603 = arith.constant 112 : index
              %get3A_604 = tpu.vector_load %arg10[%get3A_602, %get3A_603] {strides = array<i32>} : memref<80x128xf32, #tpu.memory_space<vmem>>, vector<1x16xf32>,
              %get3A_605 = vector.shape_cast %get3A_604 : vector<1x16xf32> to vector<16xf32>
              %max3A_606 = arith.constant 0.000000e+00 : f32
              %max3A_607 = vector.broadcast %max3A_606 : f32 to vector<16xf32>
              %max3A_608 = arith.maximumf %get3A_605, %max3A_607 : vector<16xf32>
              %swap3A_609 = arith.index_cast %scan3A_517 : i32 to index
              %swap3A_610 = arith.constant 112 : index
              %swap3A_611 = tpu.vector_load %arg10[%swap3A_609, %swap3A_610] {strides = array<i32>} : memref<80x128xf32, #tpu.memory_space<vmem>>, vector<1x16xf32>,
              %swap3A_612 = vector.shape_cast %swap3A_611 : vector<1x16xf32> to vector<16xf32>
              %swap3A_613 = vector.shape_cast %max3A_608 : vector<16xf32> to vector<1x16xf32>
              tpu.vector_store %arg10[%swap3A_609, %swap3A_610], %swap3A_613 {strides = array<i32>} : memref<80x128xf32, #tpu.memory_space<vmem>>, vector<1x16xf32>,
              %scan3A_614 = arith.constant 5 : i32
              %scan3A_615 = arith.addi %scan3A_128, %scan3A_614 : i32
              %get3A_616 = arith.index_cast %scan3A_615 : i32 to index
              %get3A_617 = arith.constant 0 : index
              %get3A_618 = tpu.vector_load %arg10[%get3A_616, %get3A_617] {strides = array<i32>} : memref<80x128xf32, #tpu.memory_space<vmem>>, vector<1x16xf32>,
              %get3A_619 = vector.shape_cast %get3A_618 : vector<1x16xf32> to vector<16xf32>
              %max3A_620 = arith.constant 0.000000e+00 : f32
              %max3A_621 = vector.broadcast %max3A_620 : f32 to vector<16xf32>
              %max3A_622 = arith.maximumf %get3A_619, %max3A_621 : vector<16xf32>
              %swap3A_623 = arith.index_cast %scan3A_615 : i32 to index
              %swap3A_624 = arith.constant 0 : index
              %swap3A_625 = tpu.vector_load %arg10[%swap3A_623, %swap3A_624] {strides = array<i32>} : memref<80x128xf32, #tpu.memory_space<vmem>>, vector<1x16xf32>,
              %swap3A_626 = vector.shape_cast %swap3A_625 : vector<1x16xf32> to vector<16xf32>
              %swap3A_627 = vector.shape_cast %max3A_622 : vector<16xf32> to vector<1x16xf32>
              tpu.vector_store %arg10[%swap3A_623, %swap3A_624], %swap3A_627 {strides = array<i32>} : memref<80x128xf32, #tpu.memory_space<vmem>>, vector<1x16xf32>,
              %get3A_628 = arith.index_cast %scan3A_615 : i32 to index
              %get3A_629 = arith.constant 16 : index
              %get3A_630 = tpu.vector_load %arg10[%get3A_628, %get3A_629] {strides = array<i32>} : memref<80x128xf32, #tpu.memory_space<vmem>>, vector<1x16xf32>,
              %get3A_631 = vector.shape_cast %get3A_630 : vector<1x16xf32> to vector<16xf32>
              %max3A_632 = arith.constant 0.000000e+00 : f32
              %max3A_633 = vector.broadcast %max3A_632 : f32 to vector<16xf32>
              %max3A_634 = arith.maximumf %get3A_631, %max3A_633 : vector<16xf32>
              %swap3A_635 = arith.index_cast %scan3A_615 : i32 to index
              %swap3A_636 = arith.constant 16 : index
              %swap3A_637 = tpu.vector_load %arg10[%swap3A_635, %swap3A_636] {strides = array<i32>} : memref<80x128xf32, #tpu.memory_space<vmem>>, vector<1x16xf32>,
              %swap3A_638 = vector.shape_cast %swap3A_637 : vector<1x16xf32> to vector<16xf32>
              %swap3A_639 = vector.shape_cast %max3A_634 : vector<16xf32> to vector<1x16xf32>
              tpu.vector_store %arg10[%swap3A_635, %swap3A_636], %swap3A_639 {strides = array<i32>} : memref<80x128xf32, #tpu.memory_space<vmem>>, vector<1x16xf32>,
              %get3A_640 = arith.index_cast %scan3A_615 : i32 to index
              %get3A_641 = arith.constant 32 : index
              %get3A_642 = tpu.vector_load %arg10[%get3A_640, %get3A_641] {strides = array<i32>} : memref<80x128xf32, #tpu.memory_space<vmem>>, vector<1x16xf32>,
              %get3A_643 = vector.shape_cast %get3A_642 : vector<1x16xf32> to vector<16xf32>
              %max3A_644 = arith.constant 0.000000e+00 : f32
              %max3A_645 = vector.broadcast %max3A_644 : f32 to vector<16xf32>
              %max3A_646 = arith.maximumf %get3A_643, %max3A_645 : vector<16xf32>
              %swap3A_647 = arith.index_cast %scan3A_615 : i32 to index
              %swap3A_648 = arith.constant 32 : index
              %swap3A_649 = tpu.vector_load %arg10[%swap3A_647, %swap3A_648] {strides = array<i32>} : memref<80x128xf32, #tpu.memory_space<vmem>>, vector<1x16xf32>,
              %swap3A_650 = vector.shape_cast %swap3A_649 : vector<1x16xf32> to vector<16xf32>
              %swap3A_651 = vector.shape_cast %max3A_646 : vector<16xf32> to vector<1x16xf32>
              tpu.vector_store %arg10[%swap3A_647, %swap3A_648], %swap3A_651 {strides = array<i32>} : memref<80x128xf32, #tpu.memory_space<vmem>>, vector<1x16xf32>,
              %get3A_652 = arith.index_cast %scan3A_615 : i32 to index
              %get3A_653 = arith.constant 48 : index
              %get3A_654 = tpu.vector_load %arg10[%get3A_652, %get3A_653] {strides = array<i32>} : memref<80x128xf32, #tpu.memory_space<vmem>>, vector<1x16xf32>,
              %get3A_655 = vector.shape_cast %get3A_654 : vector<1x16xf32> to vector<16xf32>
              %max3A_656 = arith.constant 0.000000e+00 : f32
              %max3A_657 = vector.broadcast %max3A_656 : f32 to vector<16xf32>
              %max3A_658 = arith.maximumf %get3A_655, %max3A_657 : vector<16xf32>
              %swap3A_659 = arith.index_cast %scan3A_615 : i32 to index
              %swap3A_660 = arith.constant 48 : index
              %swap3A_661 = tpu.vector_load %arg10[%swap3A_659, %swap3A_660] {strides = array<i32>} : memref<80x128xf32, #tpu.memory_space<vmem>>, vector<1x16xf32>,
              %swap3A_662 = vector.shape_cast %swap3A_661 : vector<1x16xf32> to vector<16xf32>
              %swap3A_663 = vector.shape_cast %max3A_658 : vector<16xf32> to vector<1x16xf32>
              tpu.vector_store %arg10[%swap3A_659, %swap3A_660], %swap3A_663 {strides = array<i32>} : memref<80x128xf32, #tpu.memory_space<vmem>>, vector<1x16xf32>,
              %get3A_664 = arith.index_cast %scan3A_615 : i32 to index
              %get3A_665 = arith.constant 64 : index
              %get3A_666 = tpu.vector_load %arg10[%get3A_664, %get3A_665] {strides = array<i32>} : memref<80x128xf32, #tpu.memory_space<vmem>>, vector<1x16xf32>,
              %get3A_667 = vector.shape_cast %get3A_666 : vector<1x16xf32> to vector<16xf32>
              %max3A_668 = arith.constant 0.000000e+00 : f32
              %max3A_669 = vector.broadcast %max3A_668 : f32 to vector<16xf32>
              %max3A_670 = arith.maximumf %get3A_667, %max3A_669 : vector<16xf32>
              %swap3A_671 = arith.index_cast %scan3A_615 : i32 to index
              %swap3A_672 = arith.constant 64 : index
              %swap3A_673 = tpu.vector_load %arg10[%swap3A_671, %swap3A_672] {strides = array<i32>} : memref<80x128xf32, #tpu.memory_space<vmem>>, vector<1x16xf32>,
              %swap3A_674 = vector.shape_cast %swap3A_673 : vector<1x16xf32> to vector<16xf32>
              %swap3A_675 = vector.shape_cast %max3A_670 : vector<16xf32> to vector<1x16xf32>
              tpu.vector_store %arg10[%swap3A_671, %swap3A_672], %swap3A_675 {strides = array<i32>} : memref<80x128xf32, #tpu.memory_space<vmem>>, vector<1x16xf32>,
              %get3A_676 = arith.index_cast %scan3A_615 : i32 to index
              %get3A_677 = arith.constant 80 : index
              %get3A_678 = tpu.vector_load %arg10[%get3A_676, %get3A_677] {strides = array<i32>} : memref<80x128xf32, #tpu.memory_space<vmem>>, vector<1x16xf32>,
              %get3A_679 = vector.shape_cast %get3A_678 : vector<1x16xf32> to vector<16xf32>
              %max3A_680 = arith.constant 0.000000e+00 : f32
              %max3A_681 = vector.broadcast %max3A_680 : f32 to vector<16xf32>
              %max3A_682 = arith.maximumf %get3A_679, %max3A_681 : vector<16xf32>
              %swap3A_683 = arith.index_cast %scan3A_615 : i32 to index
              %swap3A_684 = arith.constant 80 : index
              %swap3A_685 = tpu.vector_load %arg10[%swap3A_683, %swap3A_684] {strides = array<i32>} : memref<80x128xf32, #tpu.memory_space<vmem>>, vector<1x16xf32>,
              %swap3A_686 = vector.shape_cast %swap3A_685 : vector<1x16xf32> to vector<16xf32>
              %swap3A_687 = vector.shape_cast %max3A_682 : vector<16xf32> to vector<1x16xf32>
              tpu.vector_store %arg10[%swap3A_683, %swap3A_684], %swap3A_687 {strides = array<i32>} : memref<80x128xf32, #tpu.memory_space<vmem>>, vector<1x16xf32>,
              %get3A_688 = arith.index_cast %scan3A_615 : i32 to index
              %get3A_689 = arith.constant 96 : index
              %get3A_690 = tpu.vector_load %arg10[%get3A_688, %get3A_689] {strides = array<i32>} : memref<80x128xf32, #tpu.memory_space<vmem>>, vector<1x16xf32>,
              %get3A_691 = vector.shape_cast %get3A_690 : vector<1x16xf32> to vector<16xf32>
              %max3A_692 = arith.constant 0.000000e+00 : f32
              %max3A_693 = vector.broadcast %max3A_692 : f32 to vector<16xf32>
              %max3A_694 = arith.maximumf %get3A_691, %max3A_693 : vector<16xf32>
              %swap3A_695 = arith.index_cast %scan3A_615 : i32 to index
              %swap3A_696 = arith.constant 96 : index
              %swap3A_697 = tpu.vector_load %arg10[%swap3A_695, %swap3A_696] {strides = array<i32>} : memref<80x128xf32, #tpu.memory_space<vmem>>, vector<1x16xf32>,
              %swap3A_698 = vector.shape_cast %swap3A_697 : vector<1x16xf32> to vector<16xf32>
              %swap3A_699 = vector.shape_cast %max3A_694 : vector<16xf32> to vector<1x16xf32>
              tpu.vector_store %arg10[%swap3A_695, %swap3A_696], %swap3A_699 {strides = array<i32>} : memref<80x128xf32, #tpu.memory_space<vmem>>, vector<1x16xf32>,
              %get3A_700 = arith.index_cast %scan3A_615 : i32 to index
              %get3A_701 = arith.constant 112 : index
              %get3A_702 = tpu.vector_load %arg10[%get3A_700, %get3A_701] {strides = array<i32>} : memref<80x128xf32, #tpu.memory_space<vmem>>, vector<1x16xf32>,
              %get3A_703 = vector.shape_cast %get3A_702 : vector<1x16xf32> to vector<16xf32>
              %max3A_704 = arith.constant 0.000000e+00 : f32
              %max3A_705 = vector.broadcast %max3A_704 : f32 to vector<16xf32>
              %max3A_706 = arith.maximumf %get3A_703, %max3A_705 : vector<16xf32>
              %swap3A_707 = arith.index_cast %scan3A_615 : i32 to index
              %swap3A_708 = arith.constant 112 : index
              %swap3A_709 = tpu.vector_load %arg10[%swap3A_707, %swap3A_708] {strides = array<i32>} : memref<80x128xf32, #tpu.memory_space<vmem>>, vector<1x16xf32>,
              %swap3A_710 = vector.shape_cast %swap3A_709 : vector<1x16xf32> to vector<16xf32>
              %swap3A_711 = vector.shape_cast %max3A_706 : vector<16xf32> to vector<1x16xf32>
              tpu.vector_store %arg10[%swap3A_707, %swap3A_708], %swap3A_711 {strides = array<i32>} : memref<80x128xf32, #tpu.memory_space<vmem>>, vector<1x16xf32>,
              %scan3A_712 = arith.constant 6 : i32
              %scan3A_713 = arith.addi %scan3A_128, %scan3A_712 : i32
              %get3A_714 = arith.index_cast %scan3A_713 : i32 to index
              %get3A_715 = arith.constant 0 : index
              %get3A_716 = tpu.vector_load %arg10[%get3A_714, %get3A_715] {strides = array<i32>} : memref<80x128xf32, #tpu.memory_space<vmem>>, vector<1x16xf32>,
              %get3A_717 = vector.shape_cast %get3A_716 : vector<1x16xf32> to vector<16xf32>
              %max3A_718 = arith.constant 0.000000e+00 : f32
              %max3A_719 = vector.broadcast %max3A_718 : f32 to vector<16xf32>
              %max3A_720 = arith.maximumf %get3A_717, %max3A_719 : vector<16xf32>
              %swap3A_721 = arith.index_cast %scan3A_713 : i32 to index
              %swap3A_722 = arith.constant 0 : index
              %swap3A_723 = tpu.vector_load %arg10[%swap3A_721, %swap3A_722] {strides = array<i32>} : memref<80x128xf32, #tpu.memory_space<vmem>>, vector<1x16xf32>,
              %swap3A_724 = vector.shape_cast %swap3A_723 : vector<1x16xf32> to vector<16xf32>
              %swap3A_725 = vector.shape_cast %max3A_720 : vector<16xf32> to vector<1x16xf32>
              tpu.vector_store %arg10[%swap3A_721, %swap3A_722], %swap3A_725 {strides = array<i32>} : memref<80x128xf32, #tpu.memory_space<vmem>>, vector<1x16xf32>,
              %get3A_726 = arith.index_cast %scan3A_713 : i32 to index
              %get3A_727 = arith.constant 16 : index
              %get3A_728 = tpu.vector_load %arg10[%get3A_726, %get3A_727] {strides = array<i32>} : memref<80x128xf32, #tpu.memory_space<vmem>>, vector<1x16xf32>,
              %get3A_729 = vector.shape_cast %get3A_728 : vector<1x16xf32> to vector<16xf32>
              %max3A_730 = arith.constant 0.000000e+00 : f32
              %max3A_731 = vector.broadcast %max3A_730 : f32 to vector<16xf32>
              %max3A_732 = arith.maximumf %get3A_729, %max3A_731 : vector<16xf32>
              %swap3A_733 = arith.index_cast %scan3A_713 : i32 to index
              %swap3A_734 = arith.constant 16 : index
              %swap3A_735 = tpu.vector_load %arg10[%swap3A_733, %swap3A_734] {strides = array<i32>} : memref<80x128xf32, #tpu.memory_space<vmem>>, vector<1x16xf32>,
              %swap3A_736 = vector.shape_cast %swap3A_735 : vector<1x16xf32> to vector<16xf32>
              %swap3A_737 = vector.shape_cast %max3A_732 : vector<16xf32> to vector<1x16xf32>
              tpu.vector_store %arg10[%swap3A_733, %swap3A_734], %swap3A_737 {strides = array<i32>} : memref<80x128xf32, #tpu.memory_space<vmem>>, vector<1x16xf32>,
              %get3A_738 = arith.index_cast %scan3A_713 : i32 to index
              %get3A_739 = arith.constant 32 : index
              %get3A_740 = tpu.vector_load %arg10[%get3A_738, %get3A_739] {strides = array<i32>} : memref<80x128xf32, #tpu.memory_space<vmem>>, vector<1x16xf32>,
              %get3A_741 = vector.shape_cast %get3A_740 : vector<1x16xf32> to vector<16xf32>
              %max3A_742 = arith.constant 0.000000e+00 : f32
              %max3A_743 = vector.broadcast %max3A_742 : f32 to vector<16xf32>
              %max3A_744 = arith.maximumf %get3A_741, %max3A_743 : vector<16xf32>
              %swap3A_745 = arith.index_cast %scan3A_713 : i32 to index
              %swap3A_746 = arith.constant 32 : index
              %swap3A_747 = tpu.vector_load %arg10[%swap3A_745, %swap3A_746] {strides = array<i32>} : memref<80x128xf32, #tpu.memory_space<vmem>>, vector<1x16xf32>,
              %swap3A_748 = vector.shape_cast %swap3A_747 : vector<1x16xf32> to vector<16xf32>
              %swap3A_749 = vector.shape_cast %max3A_744 : vector<16xf32> to vector<1x16xf32>
              tpu.vector_store %arg10[%swap3A_745, %swap3A_746], %swap3A_749 {strides = array<i32>} : memref<80x128xf32, #tpu.memory_space<vmem>>, vector<1x16xf32>,
              %get3A_750 = arith.index_cast %scan3A_713 : i32 to index
              %get3A_751 = arith.constant 48 : index
              %get3A_752 = tpu.vector_load %arg10[%get3A_750, %get3A_751] {strides = array<i32>} : memref<80x128xf32, #tpu.memory_space<vmem>>, vector<1x16xf32>,
              %get3A_753 = vector.shape_cast %get3A_752 : vector<1x16xf32> to vector<16xf32>
              %max3A_754 = arith.constant 0.000000e+00 : f32
              %max3A_755 = vector.broadcast %max3A_754 : f32 to vector<16xf32>
              %max3A_756 = arith.maximumf %get3A_753, %max3A_755 : vector<16xf32>
              %swap3A_757 = arith.index_cast %scan3A_713 : i32 to index
              %swap3A_758 = arith.constant 48 : index
              %swap3A_759 = tpu.vector_load %arg10[%swap3A_757, %swap3A_758] {strides = array<i32>} : memref<80x128xf32, #tpu.memory_space<vmem>>, vector<1x16xf32>,
              %swap3A_760 = vector.shape_cast %swap3A_759 : vector<1x16xf32> to vector<16xf32>
              %swap3A_761 = vector.shape_cast %max3A_756 : vector<16xf32> to vector<1x16xf32>
              tpu.vector_store %arg10[%swap3A_757, %swap3A_758], %swap3A_761 {strides = array<i32>} : memref<80x128xf32, #tpu.memory_space<vmem>>, vector<1x16xf32>,
              %get3A_762 = arith.index_cast %scan3A_713 : i32 to index
              %get3A_763 = arith.constant 64 : index
              %get3A_764 = tpu.vector_load %arg10[%get3A_762, %get3A_763] {strides = array<i32>} : memref<80x128xf32, #tpu.memory_space<vmem>>, vector<1x16xf32>,
              %get3A_765 = vector.shape_cast %get3A_764 : vector<1x16xf32> to vector<16xf32>
              %max3A_766 = arith.constant 0.000000e+00 : f32
              %max3A_767 = vector.broadcast %max3A_766 : f32 to vector<16xf32>
              %max3A_768 = arith.maximumf %get3A_765, %max3A_767 : vector<16xf32>
              %swap3A_769 = arith.index_cast %scan3A_713 : i32 to index
              %swap3A_770 = arith.constant 64 : index
              %swap3A_771 = tpu.vector_load %arg10[%swap3A_769, %swap3A_770] {strides = array<i32>} : memref<80x128xf32, #tpu.memory_space<vmem>>, vector<1x16xf32>,
              %swap3A_772 = vector.shape_cast %swap3A_771 : vector<1x16xf32> to vector<16xf32>
              %swap3A_773 = vector.shape_cast %max3A_768 : vector<16xf32> to vector<1x16xf32>
              tpu.vector_store %arg10[%swap3A_769, %swap3A_770], %swap3A_773 {strides = array<i32>} : memref<80x128xf32, #tpu.memory_space<vmem>>, vector<1x16xf32>,
              %get3A_774 = arith.index_cast %scan3A_713 : i32 to index
              %get3A_775 = arith.constant 80 : index
              %get3A_776 = tpu.vector_load %arg10[%get3A_774, %get3A_775] {strides = array<i32>} : memref<80x128xf32, #tpu.memory_space<vmem>>, vector<1x16xf32>,
              %get3A_777 = vector.shape_cast %get3A_776 : vector<1x16xf32> to vector<16xf32>
              %max3A_778 = arith.constant 0.000000e+00 : f32
              %max3A_779 = vector.broadcast %max3A_778 : f32 to vector<16xf32>
              %max3A_780 = arith.maximumf %get3A_777, %max3A_779 : vector<16xf32>
              %swap3A_781 = arith.index_cast %scan3A_713 : i32 to index
              %swap3A_782 = arith.constant 80 : index
              %swap3A_783 = tpu.vector_load %arg10[%swap3A_781, %swap3A_782] {strides = array<i32>} : memref<80x128xf32, #tpu.memory_space<vmem>>, vector<1x16xf32>,
              %swap3A_784 = vector.shape_cast %swap3A_783 : vector<1x16xf32> to vector<16xf32>
              %swap3A_785 = vector.shape_cast %max3A_780 : vector<16xf32> to vector<1x16xf32>
              tpu.vector_store %arg10[%swap3A_781, %swap3A_782], %swap3A_785 {strides = array<i32>} : memref<80x128xf32, #tpu.memory_space<vmem>>, vector<1x16xf32>,
              %get3A_786 = arith.index_cast %scan3A_713 : i32 to index
              %get3A_787 = arith.constant 96 : index
              %get3A_788 = tpu.vector_load %arg10[%get3A_786, %get3A_787] {strides = array<i32>} : memref<80x128xf32, #tpu.memory_space<vmem>>, vector<1x16xf32>,
              %get3A_789 = vector.shape_cast %get3A_788 : vector<1x16xf32> to vector<16xf32>
              %max3A_790 = arith.constant 0.000000e+00 : f32
              %max3A_791 = vector.broadcast %max3A_790 : f32 to vector<16xf32>
              %max3A_792 = arith.maximumf %get3A_789, %max3A_791 : vector<16xf32>
              %swap3A_793 = arith.index_cast %scan3A_713 : i32 to index
              %swap3A_794 = arith.constant 96 : index
              %swap3A_795 = tpu.vector_load %arg10[%swap3A_793, %swap3A_794] {strides = array<i32>} : memref<80x128xf32, #tpu.memory_space<vmem>>, vector<1x16xf32>,
              %swap3A_796 = vector.shape_cast %swap3A_795 : vector<1x16xf32> to vector<16xf32>
              %swap3A_797 = vector.shape_cast %max3A_792 : vector<16xf32> to vector<1x16xf32>
              tpu.vector_store %arg10[%swap3A_793, %swap3A_794], %swap3A_797 {strides = array<i32>} : memref<80x128xf32, #tpu.memory_space<vmem>>, vector<1x16xf32>,
              %get3A_798 = arith.index_cast %scan3A_713 : i32 to index
              %get3A_799 = arith.constant 112 : index
              %get3A_800 = tpu.vector_load %arg10[%get3A_798, %get3A_799] {strides = array<i32>} : memref<80x128xf32, #tpu.memory_space<vmem>>, vector<1x16xf32>,
              %get3A_801 = vector.shape_cast %get3A_800 : vector<1x16xf32> to vector<16xf32>
              %max3A_802 = arith.constant 0.000000e+00 : f32
              %max3A_803 = vector.broadcast %max3A_802 : f32 to vector<16xf32>
              %max3A_804 = arith.maximumf %get3A_801, %max3A_803 : vector<16xf32>
              %swap3A_805 = arith.index_cast %scan3A_713 : i32 to index
              %swap3A_806 = arith.constant 112 : index
              %swap3A_807 = tpu.vector_load %arg10[%swap3A_805, %swap3A_806] {strides = array<i32>} : memref<80x128xf32, #tpu.memory_space<vmem>>, vector<1x16xf32>,
              %swap3A_808 = vector.shape_cast %swap3A_807 : vector<1x16xf32> to vector<16xf32>
              %swap3A_809 = vector.shape_cast %max3A_804 : vector<16xf32> to vector<1x16xf32>
              tpu.vector_store %arg10[%swap3A_805, %swap3A_806], %swap3A_809 {strides = array<i32>} : memref<80x128xf32, #tpu.memory_space<vmem>>, vector<1x16xf32>,
              %scan3A_810 = arith.constant 7 : i32
              %scan3A_811 = arith.addi %scan3A_128, %scan3A_810 : i32
              %get3A_812 = arith.index_cast %scan3A_811 : i32 to index
              %get3A_813 = arith.constant 0 : index
              %get3A_814 = tpu.vector_load %arg10[%get3A_812, %get3A_813] {strides = array<i32>} : memref<80x128xf32, #tpu.memory_space<vmem>>, vector<1x16xf32>,
              %get3A_815 = vector.shape_cast %get3A_814 : vector<1x16xf32> to vector<16xf32>
              %max3A_816 = arith.constant 0.000000e+00 : f32
              %max3A_817 = vector.broadcast %max3A_816 : f32 to vector<16xf32>
              %max3A_818 = arith.maximumf %get3A_815, %max3A_817 : vector<16xf32>
              %swap3A_819 = arith.index_cast %scan3A_811 : i32 to index
              %swap3A_820 = arith.constant 0 : index
              %swap3A_821 = tpu.vector_load %arg10[%swap3A_819, %swap3A_820] {strides = array<i32>} : memref<80x128xf32, #tpu.memory_space<vmem>>, vector<1x16xf32>,
              %swap3A_822 = vector.shape_cast %swap3A_821 : vector<1x16xf32> to vector<16xf32>
              %swap3A_823 = vector.shape_cast %max3A_818 : vector<16xf32> to vector<1x16xf32>
              tpu.vector_store %arg10[%swap3A_819, %swap3A_820], %swap3A_823 {strides = array<i32>} : memref<80x128xf32, #tpu.memory_space<vmem>>, vector<1x16xf32>,
              %get3A_824 = arith.index_cast %scan3A_811 : i32 to index
              %get3A_825 = arith.constant 16 : index
              %get3A_826 = tpu.vector_load %arg10[%get3A_824, %get3A_825] {strides = array<i32>} : memref<80x128xf32, #tpu.memory_space<vmem>>, vector<1x16xf32>,
              %get3A_827 = vector.shape_cast %get3A_826 : vector<1x16xf32> to vector<16xf32>
              %max3A_828 = arith.constant 0.000000e+00 : f32
              %max3A_829 = vector.broadcast %max3A_828 : f32 to vector<16xf32>
              %max3A_830 = arith.maximumf %get3A_827, %max3A_829 : vector<16xf32>
              %swap3A_831 = arith.index_cast %scan3A_811 : i32 to index
              %swap3A_832 = arith.constant 16 : index
              %swap3A_833 = tpu.vector_load %arg10[%swap3A_831, %swap3A_832] {strides = array<i32>} : memref<80x128xf32, #tpu.memory_space<vmem>>, vector<1x16xf32>,
              %swap3A_834 = vector.shape_cast %swap3A_833 : vector<1x16xf32> to vector<16xf32>
              %swap3A_835 = vector.shape_cast %max3A_830 : vector<16xf32> to vector<1x16xf32>
              tpu.vector_store %arg10[%swap3A_831, %swap3A_832], %swap3A_835 {strides = array<i32>} : memref<80x128xf32, #tpu.memory_space<vmem>>, vector<1x16xf32>,
              %get3A_836 = arith.index_cast %scan3A_811 : i32 to index
              %get3A_837 = arith.constant 32 : index
              %get3A_838 = tpu.vector_load %arg10[%get3A_836, %get3A_837] {strides = array<i32>} : memref<80x128xf32, #tpu.memory_space<vmem>>, vector<1x16xf32>,
              %get3A_839 = vector.shape_cast %get3A_838 : vector<1x16xf32> to vector<16xf32>
              %max3A_840 = arith.constant 0.000000e+00 : f32
              %max3A_841 = vector.broadcast %max3A_840 : f32 to vector<16xf32>
              %max3A_842 = arith.maximumf %get3A_839, %max3A_841 : vector<16xf32>
              %swap3A_843 = arith.index_cast %scan3A_811 : i32 to index
              %swap3A_844 = arith.constant 32 : index
              %swap3A_845 = tpu.vector_load %arg10[%swap3A_843, %swap3A_844] {strides = array<i32>} : memref<80x128xf32, #tpu.memory_space<vmem>>, vector<1x16xf32>,
              %swap3A_846 = vector.shape_cast %swap3A_845 : vector<1x16xf32> to vector<16xf32>
              %swap3A_847 = vector.shape_cast %max3A_842 : vector<16xf32> to vector<1x16xf32>
              tpu.vector_store %arg10[%swap3A_843, %swap3A_844], %swap3A_847 {strides = array<i32>} : memref<80x128xf32, #tpu.memory_space<vmem>>, vector<1x16xf32>,
              %get3A_848 = arith.index_cast %scan3A_811 : i32 to index
              %get3A_849 = arith.constant 48 : index
              %get3A_850 = tpu.vector_load %arg10[%get3A_848, %get3A_849] {strides = array<i32>} : memref<80x128xf32, #tpu.memory_space<vmem>>, vector<1x16xf32>,
              %get3A_851 = vector.shape_cast %get3A_850 : vector<1x16xf32> to vector<16xf32>
              %max3A_852 = arith.constant 0.000000e+00 : f32
              %max3A_853 = vector.broadcast %max3A_852 : f32 to vector<16xf32>
              %max3A_854 = arith.maximumf %get3A_851, %max3A_853 : vector<16xf32>
              %swap3A_855 = arith.index_cast %scan3A_811 : i32 to index
              %swap3A_856 = arith.constant 48 : index
              %swap3A_857 = tpu.vector_load %arg10[%swap3A_855, %swap3A_856] {strides = array<i32>} : memref<80x128xf32, #tpu.memory_space<vmem>>, vector<1x16xf32>,
              %swap3A_858 = vector.shape_cast %swap3A_857 : vector<1x16xf32> to vector<16xf32>
              %swap3A_859 = vector.shape_cast %max3A_854 : vector<16xf32> to vector<1x16xf32>
              tpu.vector_store %arg10[%swap3A_855, %swap3A_856], %swap3A_859 {strides = array<i32>} : memref<80x128xf32, #tpu.memory_space<vmem>>, vector<1x16xf32>,
              %get3A_860 = arith.index_cast %scan3A_811 : i32 to index
              %get3A_861 = arith.constant 64 : index
              %get3A_862 = tpu.vector_load %arg10[%get3A_860, %get3A_861] {strides = array<i32>} : memref<80x128xf32, #tpu.memory_space<vmem>>, vector<1x16xf32>,
              %get3A_863 = vector.shape_cast %get3A_862 : vector<1x16xf32> to vector<16xf32>
              %max3A_864 = arith.constant 0.000000e+00 : f32
              %max3A_865 = vector.broadcast %max3A_864 : f32 to vector<16xf32>
              %max3A_866 = arith.maximumf %get3A_863, %max3A_865 : vector<16xf32>
              %swap3A_867 = arith.index_cast %scan3A_811 : i32 to index
              %swap3A_868 = arith.constant 64 : index
              %swap3A_869 = tpu.vector_load %arg10[%swap3A_867, %swap3A_868] {strides = array<i32>} : memref<80x128xf32, #tpu.memory_space<vmem>>, vector<1x16xf32>,
              %swap3A_870 = vector.shape_cast %swap3A_869 : vector<1x16xf32> to vector<16xf32>
              %swap3A_871 = vector.shape_cast %max3A_866 : vector<16xf32> to vector<1x16xf32>
              tpu.vector_store %arg10[%swap3A_867, %swap3A_868], %swap3A_871 {strides = array<i32>} : memref<80x128xf32, #tpu.memory_space<vmem>>, vector<1x16xf32>,
              %get3A_872 = arith.index_cast %scan3A_811 : i32 to index
              %get3A_873 = arith.constant 80 : index
              %get3A_874 = tpu.vector_load %arg10[%get3A_872, %get3A_873] {strides = array<i32>} : memref<80x128xf32, #tpu.memory_space<vmem>>, vector<1x16xf32>,
              %get3A_875 = vector.shape_cast %get3A_874 : vector<1x16xf32> to vector<16xf32>
              %max3A_876 = arith.constant 0.000000e+00 : f32
              %max3A_877 = vector.broadcast %max3A_876 : f32 to vector<16xf32>
              %max3A_878 = arith.maximumf %get3A_875, %max3A_877 : vector<16xf32>
              %swap3A_879 = arith.index_cast %scan3A_811 : i32 to index
              %swap3A_880 = arith.constant 80 : index
              %swap3A_881 = tpu.vector_load %arg10[%swap3A_879, %swap3A_880] {strides = array<i32>} : memref<80x128xf32, #tpu.memory_space<vmem>>, vector<1x16xf32>,
              %swap3A_882 = vector.shape_cast %swap3A_881 : vector<1x16xf32> to vector<16xf32>
              %swap3A_883 = vector.shape_cast %max3A_878 : vector<16xf32> to vector<1x16xf32>
              tpu.vector_store %arg10[%swap3A_879, %swap3A_880], %swap3A_883 {strides = array<i32>} : memref<80x128xf32, #tpu.memory_space<vmem>>, vector<1x16xf32>,
              %get3A_884 = arith.index_cast %scan3A_811 : i32 to index
              %get3A_885 = arith.constant 96 : index
              %get3A_886 = tpu.vector_load %arg10[%get3A_884, %get3A_885] {strides = array<i32>} : memref<80x128xf32, #tpu.memory_space<vmem>>, vector<1x16xf32>,
              %get3A_887 = vector.shape_cast %get3A_886 : vector<1x16xf32> to vector<16xf32>
              %max3A_888 = arith.constant 0.000000e+00 : f32
              %max3A_889 = vector.broadcast %max3A_888 : f32 to vector<16xf32>
              %max3A_890 = arith.maximumf %get3A_887, %max3A_889 : vector<16xf32>
              %swap3A_891 = arith.index_cast %scan3A_811 : i32 to index
              %swap3A_892 = arith.constant 96 : index
              %swap3A_893 = tpu.vector_load %arg10[%swap3A_891, %swap3A_892] {strides = array<i32>} : memref<80x128xf32, #tpu.memory_space<vmem>>, vector<1x16xf32>,
              %swap3A_894 = vector.shape_cast %swap3A_893 : vector<1x16xf32> to vector<16xf32>
              %swap3A_895 = vector.shape_cast %max3A_890 : vector<16xf32> to vector<1x16xf32>
              tpu.vector_store %arg10[%swap3A_891, %swap3A_892], %swap3A_895 {strides = array<i32>} : memref<80x128xf32, #tpu.memory_space<vmem>>, vector<1x16xf32>,
              %get3A_896 = arith.index_cast %scan3A_811 : i32 to index
              %get3A_897 = arith.constant 112 : index
              %get3A_898 = tpu.vector_load %arg10[%get3A_896, %get3A_897] {strides = array<i32>} : memref<80x128xf32, #tpu.memory_space<vmem>>, vector<1x16xf32>,
              %get3A_899 = vector.shape_cast %get3A_898 : vector<1x16xf32> to vector<16xf32>
              %max3A_900 = arith.constant 0.000000e+00 : f32
              %max3A_901 = vector.broadcast %max3A_900 : f32 to vector<16xf32>
              %max3A_902 = arith.maximumf %get3A_899, %max3A_901 : vector<16xf32>
              %swap3A_903 = arith.index_cast %scan3A_811 : i32 to index
              %swap3A_904 = arith.constant 112 : index
              %swap3A_905 = tpu.vector_load %arg10[%swap3A_903, %swap3A_904] {strides = array<i32>} : memref<80x128xf32, #tpu.memory_space<vmem>>, vector<1x16xf32>,
              %swap3A_906 = vector.shape_cast %swap3A_905 : vector<1x16xf32> to vector<16xf32>
              %swap3A_907 = vector.shape_cast %max3A_902 : vector<16xf32> to vector<1x16xf32>
              tpu.vector_store %arg10[%swap3A_903, %swap3A_904], %swap3A_907 {strides = array<i32>} : memref<80x128xf32, #tpu.memory_space<vmem>>, vector<1x16xf32>,
            }
            %scan3A_115 = arith.constant 80 : i32
            %dma_start3A_116 = arith.constant 0 : i32
            %dma_start3A_117 = tpu.memref_slice %arg8[%sub3A_109, %dma_start3A_116] : memref<18x80xi32, #tpu.memory_space<vmem>> -> memref<1x80xi32, #tpu.memory_space<vmem>>
            %dma_start3A_118 = tpu.memref_squeeze %dma_start3A_117 : memref<1x80xi32, #tpu.memory_space<vmem>> -> memref<80xi32, #tpu.memory_space<vmem>>
            %dma_start3A_119 = arith.constant 0 : i32
            %dma_start3A_120 = arith.constant 0 : i32
            %dma_start3A_121 = tpu.memref_slice %arg12[%dma_start3A_119, %dma_start3A_120] : memref<10112x128xf32, #tpu.memory_space<vmem_shared>> -> memref<10112x128xf32, #tpu.memory_space<vmem_shared>>
            tpu.enqueue_indirect_dma source(%arg10 : memref<80x128xf32, #tpu.memory_space<vmem>>) target(%dma_start3A_121 : memref<10112x128xf32, #tpu.memory_space<vmem_shared>>) offsets(%dma_start3A_118 : memref<80xi32, #tpu.memory_space<vmem>>) semaphore(%arg17 : memref<!tpu.dma_semaphore, #tpu.memory_space<semaphore_mem>>) {add = true}
            %dma_wait3A_122 = arith.constant 0 : i32
            %dma_wait3A_123 = arith.constant 0 : i32
            %dma_wait3A_124 = tpu.memref_slice %arg2[%dma_wait3A_122, %dma_wait3A_123] : memref<10112x128xf32, #tpu.memory_space<hbm>> -> memref<80x128xf32, #tpu.memory_space<hbm>>
            %dma_wait3A_125 = arith.constant 0 : i32
            %dma_wait3A_126 = arith.constant 0 : i32
            %dma_wait3A_127 = tpu.memref_slice %arg2[%dma_wait3A_125, %dma_wait3A_126] : memref<10112x128xf32, #tpu.memory_space<hbm>> -> memref<80x128xf32, #tpu.memory_space<hbm>>
            tpu.wait_dma2 semaphore(%arg17 : memref<!tpu.dma_semaphore, #tpu.memory_space<semaphore_mem>>) src(%dma_wait3A_127 : memref<80x128xf32, #tpu.memory_space<hbm>>) dst(%arg10 : memref<80x128xf32, #tpu.memory_space<vmem>>)
          } else {
          }
          %add3A_96 = arith.constant 1 : i32
          %add3A_97 = arith.addi %scan3A_46, %add3A_96 : i32
          %lt3A_98 = arith.constant 18 : i32
          %lt3A_99 = arith.cmpi slt, %add3A_97, %lt3A_98 : i32
          %convert_element_type3A_100 = arith.extui %lt3A_99 : i1 to i32
          %cond3A_101 = arith.constant 0 : i32
          %cond3A_102 = arith.cmpi ne, %convert_element_type3A_100, %cond3A_101 : i32
          scf.if %cond3A_102 {
            %add3A_103 = arith.constant 1 : i32
            %add3A_104 = arith.addi %scan3A_46, %add3A_103 : i32
            %dma_start3A_105 = arith.constant 0 : i32
            %dma_start3A_106 = tpu.memref_slice %arg8[%add3A_104, %dma_start3A_105] : memref<18x80xi32, #tpu.memory_space<vmem>> -> memref<1x80xi32, #tpu.memory_space<vmem>>
            %dma_start3A_107 = tpu.memref_squeeze %dma_start3A_106 : memref<1x80xi32, #tpu.memory_space<vmem>> -> memref<80xi32, #tpu.memory_space<vmem>>
            %dma_start3A_108 = arith.constant 0 : i32
            %dma_start3A_109 = arith.constant 0 : i32
            %dma_start3A_110 = tpu.memref_slice %arg2[%dma_start3A_108, %dma_start3A_109] : memref<10112x128xf32, #tpu.memory_space<hbm>> -> memref<10112x128xf32, #tpu.memory_space<hbm>>
            tpu.enqueue_indirect_dma source(%dma_start3A_110 : memref<10112x128xf32, #tpu.memory_space<hbm>>) target(%arg10 : memref<80x128xf32, #tpu.memory_space<vmem>>) offsets(%dma_start3A_107 : memref<80xi32, #tpu.memory_space<vmem>>) semaphore(%arg13 : memref<!tpu.dma_semaphore, #tpu.memory_space<semaphore_mem>>)
          } else {
          }
        } else {
        }
      }
      %scan3A_21 = arith.constant 18 : i32
      %dma_wait3A = arith.constant 0 : i32
      %dma_wait3A_22 = arith.constant 0 : i32
      %dma_wait3A_23 = tpu.memref_slice %arg2[%dma_wait3A, %dma_wait3A_22] : memref<10112x128xf32, #tpu.memory_space<hbm>> -> memref<80x128xf32, #tpu.memory_space<hbm>>
      %dma_wait3A_24 = arith.constant 0 : i32
      %dma_wait3A_25 = arith.constant 0 : i32
      %dma_wait3A_26 = tpu.memref_slice %arg2[%dma_wait3A_24, %dma_wait3A_25] : memref<10112x128xf32, #tpu.memory_space<hbm>> -> memref<80x128xf32, #tpu.memory_space<hbm>>
      tpu.wait_dma2 semaphore(%arg16 : memref<!tpu.dma_semaphore, #tpu.memory_space<semaphore_mem>>) src(%dma_wait3A_26 : memref<80x128xf32, #tpu.memory_space<hbm>>) dst(%arg11 : memref<80x128xf32, #tpu.memory_space<vmem>>)
      %scan3A_27 = arith.constant 0 : i32
      %scan3A_28 = arith.constant 0 : i32
      %scan3A_29 = arith.constant 80 : i32
      %scan3A_30 = arith.addi %scan3A_28, %scan3A_29 : i32
      %scan3A_31 = arith.constant 8 : i32
      scf.for %scan3A_46 = %scan3A_28 to %scan3A_30 step %scan3A_31  : i32 {
        %get3A = arith.index_cast %scan3A_46 : i32 to index
        %get3A_47 = arith.constant 0 : index
        %get3A_48 = tpu.vector_load %arg11[%get3A, %get3A_47] {strides = array<i32>} : memref<80x128xf32, #tpu.memory_space<vmem>>, vector<1x16xf32>,
        %get3A_49 = vector.shape_cast %get3A_48 : vector<1x16xf32> to vector<16xf32>
        %max3A = arith.constant 0.000000e+00 : f32
        %max3A_50 = vector.broadcast %max3A : f32 to vector<16xf32>
        %max3A_51 = arith.maximumf %get3A_49, %max3A_50 : vector<16xf32>
        %swap3A = arith.index_cast %scan3A_46 : i32 to index
        %swap3A_52 = arith.constant 0 : index
        %swap3A_53 = tpu.vector_load %arg11[%swap3A, %swap3A_52] {strides = array<i32>} : memref<80x128xf32, #tpu.memory_space<vmem>>, vector<1x16xf32>,
        %swap3A_54 = vector.shape_cast %swap3A_53 : vector<1x16xf32> to vector<16xf32>
        %swap3A_55 = vector.shape_cast %max3A_51 : vector<16xf32> to vector<1x16xf32>
        tpu.vector_store %arg11[%swap3A, %swap3A_52], %swap3A_55 {strides = array<i32>} : memref<80x128xf32, #tpu.memory_space<vmem>>, vector<1x16xf32>,
        %get3A_56 = arith.index_cast %scan3A_46 : i32 to index
        %get3A_57 = arith.constant 16 : index
        %get3A_58 = tpu.vector_load %arg11[%get3A_56, %get3A_57] {strides = array<i32>} : memref<80x128xf32, #tpu.memory_space<vmem>>, vector<1x16xf32>,
        %get3A_59 = vector.shape_cast %get3A_58 : vector<1x16xf32> to vector<16xf32>
        %max3A_60 = arith.constant 0.000000e+00 : f32
        %max3A_61 = vector.broadcast %max3A_60 : f32 to vector<16xf32>
        %max3A_62 = arith.maximumf %get3A_59, %max3A_61 : vector<16xf32>
        %swap3A_63 = arith.index_cast %scan3A_46 : i32 to index
        %swap3A_64 = arith.constant 16 : index
        %swap3A_65 = tpu.vector_load %arg11[%swap3A_63, %swap3A_64] {strides = array<i32>} : memref<80x128xf32, #tpu.memory_space<vmem>>, vector<1x16xf32>,
        %swap3A_66 = vector.shape_cast %swap3A_65 : vector<1x16xf32> to vector<16xf32>
        %swap3A_67 = vector.shape_cast %max3A_62 : vector<16xf32> to vector<1x16xf32>
        tpu.vector_store %arg11[%swap3A_63, %swap3A_64], %swap3A_67 {strides = array<i32>} : memref<80x128xf32, #tpu.memory_space<vmem>>, vector<1x16xf32>,
        %get3A_68 = arith.index_cast %scan3A_46 : i32 to index
        %get3A_69 = arith.constant 32 : index
        %get3A_70 = tpu.vector_load %arg11[%get3A_68, %get3A_69] {strides = array<i32>} : memref<80x128xf32, #tpu.memory_space<vmem>>, vector<1x16xf32>,
        %get3A_71 = vector.shape_cast %get3A_70 : vector<1x16xf32> to vector<16xf32>
        %max3A_72 = arith.constant 0.000000e+00 : f32
        %max3A_73 = vector.broadcast %max3A_72 : f32 to vector<16xf32>
        %max3A_74 = arith.maximumf %get3A_71, %max3A_73 : vector<16xf32>
        %swap3A_75 = arith.index_cast %scan3A_46 : i32 to index
        %swap3A_76 = arith.constant 32 : index
        %swap3A_77 = tpu.vector_load %arg11[%swap3A_75, %swap3A_76] {strides = array<i32>} : memref<80x128xf32, #tpu.memory_space<vmem>>, vector<1x16xf32>,
        %swap3A_78 = vector.shape_cast %swap3A_77 : vector<1x16xf32> to vector<16xf32>
        %swap3A_79 = vector.shape_cast %max3A_74 : vector<16xf32> to vector<1x16xf32>
        tpu.vector_store %arg11[%swap3A_75, %swap3A_76], %swap3A_79 {strides = array<i32>} : memref<80x128xf32, #tpu.memory_space<vmem>>, vector<1x16xf32>,
        %get3A_80 = arith.index_cast %scan3A_46 : i32 to index
        %get3A_81 = arith.constant 48 : index
        %get3A_82 = tpu.vector_load %arg11[%get3A_80, %get3A_81] {strides = array<i32>} : memref<80x128xf32, #tpu.memory_space<vmem>>, vector<1x16xf32>,
        %get3A_83 = vector.shape_cast %get3A_82 : vector<1x16xf32> to vector<16xf32>
        %max3A_84 = arith.constant 0.000000e+00 : f32
        %max3A_85 = vector.broadcast %max3A_84 : f32 to vector<16xf32>
        %max3A_86 = arith.maximumf %get3A_83, %max3A_85 : vector<16xf32>
        %swap3A_87 = arith.index_cast %scan3A_46 : i32 to index
        %swap3A_88 = arith.constant 48 : index
        %swap3A_89 = tpu.vector_load %arg11[%swap3A_87, %swap3A_88] {strides = array<i32>} : memref<80x128xf32, #tpu.memory_space<vmem>>, vector<1x16xf32>,
        %swap3A_90 = vector.shape_cast %swap3A_89 : vector<1x16xf32> to vector<16xf32>
        %swap3A_91 = vector.shape_cast %max3A_86 : vector<16xf32> to vector<1x16xf32>
        tpu.vector_store %arg11[%swap3A_87, %swap3A_88], %swap3A_91 {strides = array<i32>} : memref<80x128xf32, #tpu.memory_space<vmem>>, vector<1x16xf32>,
        %get3A_92 = arith.index_cast %scan3A_46 : i32 to index
        %get3A_93 = arith.constant 64 : index
        %get3A_94 = tpu.vector_load %arg11[%get3A_92, %get3A_93] {strides = array<i32>} : memref<80x128xf32, #tpu.memory_space<vmem>>, vector<1x16xf32>,
        %get3A_95 = vector.shape_cast %get3A_94 : vector<1x16xf32> to vector<16xf32>
        %max3A_96 = arith.constant 0.000000e+00 : f32
        %max3A_97 = vector.broadcast %max3A_96 : f32 to vector<16xf32>
        %max3A_98 = arith.maximumf %get3A_95, %max3A_97 : vector<16xf32>
        %swap3A_99 = arith.index_cast %scan3A_46 : i32 to index
        %swap3A_100 = arith.constant 64 : index
        %swap3A_101 = tpu.vector_load %arg11[%swap3A_99, %swap3A_100] {strides = array<i32>} : memref<80x128xf32, #tpu.memory_space<vmem>>, vector<1x16xf32>,
        %swap3A_102 = vector.shape_cast %swap3A_101 : vector<1x16xf32> to vector<16xf32>
        %swap3A_103 = vector.shape_cast %max3A_98 : vector<16xf32> to vector<1x16xf32>
        tpu.vector_store %arg11[%swap3A_99, %swap3A_100], %swap3A_103 {strides = array<i32>} : memref<80x128xf32, #tpu.memory_space<vmem>>, vector<1x16xf32>,
        %get3A_104 = arith.index_cast %scan3A_46 : i32 to index
        %get3A_105 = arith.constant 80 : index
        %get3A_106 = tpu.vector_load %arg11[%get3A_104, %get3A_105] {strides = array<i32>} : memref<80x128xf32, #tpu.memory_space<vmem>>, vector<1x16xf32>,
        %get3A_107 = vector.shape_cast %get3A_106 : vector<1x16xf32> to vector<16xf32>
        %max3A_108 = arith.constant 0.000000e+00 : f32
        %max3A_109 = vector.broadcast %max3A_108 : f32 to vector<16xf32>
        %max3A_110 = arith.maximumf %get3A_107, %max3A_109 : vector<16xf32>
        %swap3A_111 = arith.index_cast %scan3A_46 : i32 to index
        %swap3A_112 = arith.constant 80 : index
        %swap3A_113 = tpu.vector_load %arg11[%swap3A_111, %swap3A_112] {strides = array<i32>} : memref<80x128xf32, #tpu.memory_space<vmem>>, vector<1x16xf32>,
        %swap3A_114 = vector.shape_cast %swap3A_113 : vector<1x16xf32> to vector<16xf32>
        %swap3A_115 = vector.shape_cast %max3A_110 : vector<16xf32> to vector<1x16xf32>
        tpu.vector_store %arg11[%swap3A_111, %swap3A_112], %swap3A_115 {strides = array<i32>} : memref<80x128xf32, #tpu.memory_space<vmem>>, vector<1x16xf32>,
        %get3A_116 = arith.index_cast %scan3A_46 : i32 to index
        %get3A_117 = arith.constant 96 : index
        %get3A_118 = tpu.vector_load %arg11[%get3A_116, %get3A_117] {strides = array<i32>} : memref<80x128xf32, #tpu.memory_space<vmem>>, vector<1x16xf32>,
        %get3A_119 = vector.shape_cast %get3A_118 : vector<1x16xf32> to vector<16xf32>
        %max3A_120 = arith.constant 0.000000e+00 : f32
        %max3A_121 = vector.broadcast %max3A_120 : f32 to vector<16xf32>
        %max3A_122 = arith.maximumf %get3A_119, %max3A_121 : vector<16xf32>
        %swap3A_123 = arith.index_cast %scan3A_46 : i32 to index
        %swap3A_124 = arith.constant 96 : index
        %swap3A_125 = tpu.vector_load %arg11[%swap3A_123, %swap3A_124] {strides = array<i32>} : memref<80x128xf32, #tpu.memory_space<vmem>>, vector<1x16xf32>,
        %swap3A_126 = vector.shape_cast %swap3A_125 : vector<1x16xf32> to vector<16xf32>
        %swap3A_127 = vector.shape_cast %max3A_122 : vector<16xf32> to vector<1x16xf32>
        tpu.vector_store %arg11[%swap3A_123, %swap3A_124], %swap3A_127 {strides = array<i32>} : memref<80x128xf32, #tpu.memory_space<vmem>>, vector<1x16xf32>,
        %get3A_128 = arith.index_cast %scan3A_46 : i32 to index
        %get3A_129 = arith.constant 112 : index
        %get3A_130 = tpu.vector_load %arg11[%get3A_128, %get3A_129] {strides = array<i32>} : memref<80x128xf32, #tpu.memory_space<vmem>>, vector<1x16xf32>,
        %get3A_131 = vector.shape_cast %get3A_130 : vector<1x16xf32> to vector<16xf32>
        %max3A_132 = arith.constant 0.000000e+00 : f32
        %max3A_133 = vector.broadcast %max3A_132 : f32 to vector<16xf32>
        %max3A_134 = arith.maximumf %get3A_131, %max3A_133 : vector<16xf32>
        %swap3A_135 = arith.index_cast %scan3A_46 : i32 to index
        %swap3A_136 = arith.constant 112 : index
        %swap3A_137 = tpu.vector_load %arg11[%swap3A_135, %swap3A_136] {strides = array<i32>} : memref<80x128xf32, #tpu.memory_space<vmem>>, vector<1x16xf32>,
        %swap3A_138 = vector.shape_cast %swap3A_137 : vector<1x16xf32> to vector<16xf32>
        %swap3A_139 = vector.shape_cast %max3A_134 : vector<16xf32> to vector<1x16xf32>
        tpu.vector_store %arg11[%swap3A_135, %swap3A_136], %swap3A_139 {strides = array<i32>} : memref<80x128xf32, #tpu.memory_space<vmem>>, vector<1x16xf32>,
        %scan3A_140 = arith.constant 1 : i32
        %scan3A_141 = arith.addi %scan3A_46, %scan3A_140 : i32
        %get3A_142 = arith.index_cast %scan3A_141 : i32 to index
        %get3A_143 = arith.constant 0 : index
        %get3A_144 = tpu.vector_load %arg11[%get3A_142, %get3A_143] {strides = array<i32>} : memref<80x128xf32, #tpu.memory_space<vmem>>, vector<1x16xf32>,
        %get3A_145 = vector.shape_cast %get3A_144 : vector<1x16xf32> to vector<16xf32>
        %max3A_146 = arith.constant 0.000000e+00 : f32
        %max3A_147 = vector.broadcast %max3A_146 : f32 to vector<16xf32>
        %max3A_148 = arith.maximumf %get3A_145, %max3A_147 : vector<16xf32>
        %swap3A_149 = arith.index_cast %scan3A_141 : i32 to index
        %swap3A_150 = arith.constant 0 : index
        %swap3A_151 = tpu.vector_load %arg11[%swap3A_149, %swap3A_150] {strides = array<i32>} : memref<80x128xf32, #tpu.memory_space<vmem>>, vector<1x16xf32>,
        %swap3A_152 = vector.shape_cast %swap3A_151 : vector<1x16xf32> to vector<16xf32>
        %swap3A_153 = vector.shape_cast %max3A_148 : vector<16xf32> to vector<1x16xf32>
        tpu.vector_store %arg11[%swap3A_149, %swap3A_150], %swap3A_153 {strides = array<i32>} : memref<80x128xf32, #tpu.memory_space<vmem>>, vector<1x16xf32>,
        %get3A_154 = arith.index_cast %scan3A_141 : i32 to index
        %get3A_155 = arith.constant 16 : index
        %get3A_156 = tpu.vector_load %arg11[%get3A_154, %get3A_155] {strides = array<i32>} : memref<80x128xf32, #tpu.memory_space<vmem>>, vector<1x16xf32>,
        %get3A_157 = vector.shape_cast %get3A_156 : vector<1x16xf32> to vector<16xf32>
        %max3A_158 = arith.constant 0.000000e+00 : f32
        %max3A_159 = vector.broadcast %max3A_158 : f32 to vector<16xf32>
        %max3A_160 = arith.maximumf %get3A_157, %max3A_159 : vector<16xf32>
        %swap3A_161 = arith.index_cast %scan3A_141 : i32 to index
        %swap3A_162 = arith.constant 16 : index
        %swap3A_163 = tpu.vector_load %arg11[%swap3A_161, %swap3A_162] {strides = array<i32>} : memref<80x128xf32, #tpu.memory_space<vmem>>, vector<1x16xf32>,
        %swap3A_164 = vector.shape_cast %swap3A_163 : vector<1x16xf32> to vector<16xf32>
        %swap3A_165 = vector.shape_cast %max3A_160 : vector<16xf32> to vector<1x16xf32>
        tpu.vector_store %arg11[%swap3A_161, %swap3A_162], %swap3A_165 {strides = array<i32>} : memref<80x128xf32, #tpu.memory_space<vmem>>, vector<1x16xf32>,
        %get3A_166 = arith.index_cast %scan3A_141 : i32 to index
        %get3A_167 = arith.constant 32 : index
        %get3A_168 = tpu.vector_load %arg11[%get3A_166, %get3A_167] {strides = array<i32>} : memref<80x128xf32, #tpu.memory_space<vmem>>, vector<1x16xf32>,
        %get3A_169 = vector.shape_cast %get3A_168 : vector<1x16xf32> to vector<16xf32>
        %max3A_170 = arith.constant 0.000000e+00 : f32
        %max3A_171 = vector.broadcast %max3A_170 : f32 to vector<16xf32>
        %max3A_172 = arith.maximumf %get3A_169, %max3A_171 : vector<16xf32>
        %swap3A_173 = arith.index_cast %scan3A_141 : i32 to index
        %swap3A_174 = arith.constant 32 : index
        %swap3A_175 = tpu.vector_load %arg11[%swap3A_173, %swap3A_174] {strides = array<i32>} : memref<80x128xf32, #tpu.memory_space<vmem>>, vector<1x16xf32>,
        %swap3A_176 = vector.shape_cast %swap3A_175 : vector<1x16xf32> to vector<16xf32>
        %swap3A_177 = vector.shape_cast %max3A_172 : vector<16xf32> to vector<1x16xf32>
        tpu.vector_store %arg11[%swap3A_173, %swap3A_174], %swap3A_177 {strides = array<i32>} : memref<80x128xf32, #tpu.memory_space<vmem>>, vector<1x16xf32>,
        %get3A_178 = arith.index_cast %scan3A_141 : i32 to index
        %get3A_179 = arith.constant 48 : index
        %get3A_180 = tpu.vector_load %arg11[%get3A_178, %get3A_179] {strides = array<i32>} : memref<80x128xf32, #tpu.memory_space<vmem>>, vector<1x16xf32>,
        %get3A_181 = vector.shape_cast %get3A_180 : vector<1x16xf32> to vector<16xf32>
        %max3A_182 = arith.constant 0.000000e+00 : f32
        %max3A_183 = vector.broadcast %max3A_182 : f32 to vector<16xf32>
        %max3A_184 = arith.maximumf %get3A_181, %max3A_183 : vector<16xf32>
        %swap3A_185 = arith.index_cast %scan3A_141 : i32 to index
        %swap3A_186 = arith.constant 48 : index
        %swap3A_187 = tpu.vector_load %arg11[%swap3A_185, %swap3A_186] {strides = array<i32>} : memref<80x128xf32, #tpu.memory_space<vmem>>, vector<1x16xf32>,
        %swap3A_188 = vector.shape_cast %swap3A_187 : vector<1x16xf32> to vector<16xf32>
        %swap3A_189 = vector.shape_cast %max3A_184 : vector<16xf32> to vector<1x16xf32>
        tpu.vector_store %arg11[%swap3A_185, %swap3A_186], %swap3A_189 {strides = array<i32>} : memref<80x128xf32, #tpu.memory_space<vmem>>, vector<1x16xf32>,
        %get3A_190 = arith.index_cast %scan3A_141 : i32 to index
        %get3A_191 = arith.constant 64 : index
        %get3A_192 = tpu.vector_load %arg11[%get3A_190, %get3A_191] {strides = array<i32>} : memref<80x128xf32, #tpu.memory_space<vmem>>, vector<1x16xf32>,
        %get3A_193 = vector.shape_cast %get3A_192 : vector<1x16xf32> to vector<16xf32>
        %max3A_194 = arith.constant 0.000000e+00 : f32
        %max3A_195 = vector.broadcast %max3A_194 : f32 to vector<16xf32>
        %max3A_196 = arith.maximumf %get3A_193, %max3A_195 : vector<16xf32>
        %swap3A_197 = arith.index_cast %scan3A_141 : i32 to index
        %swap3A_198 = arith.constant 64 : index
        %swap3A_199 = tpu.vector_load %arg11[%swap3A_197, %swap3A_198] {strides = array<i32>} : memref<80x128xf32, #tpu.memory_space<vmem>>, vector<1x16xf32>,
        %swap3A_200 = vector.shape_cast %swap3A_199 : vector<1x16xf32> to vector<16xf32>
        %swap3A_201 = vector.shape_cast %max3A_196 : vector<16xf32> to vector<1x16xf32>
        tpu.vector_store %arg11[%swap3A_197, %swap3A_198], %swap3A_201 {strides = array<i32>} : memref<80x128xf32, #tpu.memory_space<vmem>>, vector<1x16xf32>,
        %get3A_202 = arith.index_cast %scan3A_141 : i32 to index
        %get3A_203 = arith.constant 80 : index
        %get3A_204 = tpu.vector_load %arg11[%get3A_202, %get3A_203] {strides = array<i32>} : memref<80x128xf32, #tpu.memory_space<vmem>>, vector<1x16xf32>,
        %get3A_205 = vector.shape_cast %get3A_204 : vector<1x16xf32> to vector<16xf32>
        %max3A_206 = arith.constant 0.000000e+00 : f32
        %max3A_207 = vector.broadcast %max3A_206 : f32 to vector<16xf32>
        %max3A_208 = arith.maximumf %get3A_205, %max3A_207 : vector<16xf32>
        %swap3A_209 = arith.index_cast %scan3A_141 : i32 to index
        %swap3A_210 = arith.constant 80 : index
        %swap3A_211 = tpu.vector_load %arg11[%swap3A_209, %swap3A_210] {strides = array<i32>} : memref<80x128xf32, #tpu.memory_space<vmem>>, vector<1x16xf32>,
        %swap3A_212 = vector.shape_cast %swap3A_211 : vector<1x16xf32> to vector<16xf32>
        %swap3A_213 = vector.shape_cast %max3A_208 : vector<16xf32> to vector<1x16xf32>
        tpu.vector_store %arg11[%swap3A_209, %swap3A_210], %swap3A_213 {strides = array<i32>} : memref<80x128xf32, #tpu.memory_space<vmem>>, vector<1x16xf32>,
        %get3A_214 = arith.index_cast %scan3A_141 : i32 to index
        %get3A_215 = arith.constant 96 : index
        %get3A_216 = tpu.vector_load %arg11[%get3A_214, %get3A_215] {strides = array<i32>} : memref<80x128xf32, #tpu.memory_space<vmem>>, vector<1x16xf32>,
        %get3A_217 = vector.shape_cast %get3A_216 : vector<1x16xf32> to vector<16xf32>
        %max3A_218 = arith.constant 0.000000e+00 : f32
        %max3A_219 = vector.broadcast %max3A_218 : f32 to vector<16xf32>
        %max3A_220 = arith.maximumf %get3A_217, %max3A_219 : vector<16xf32>
        %swap3A_221 = arith.index_cast %scan3A_141 : i32 to index
        %swap3A_222 = arith.constant 96 : index
        %swap3A_223 = tpu.vector_load %arg11[%swap3A_221, %swap3A_222] {strides = array<i32>} : memref<80x128xf32, #tpu.memory_space<vmem>>, vector<1x16xf32>,
        %swap3A_224 = vector.shape_cast %swap3A_223 : vector<1x16xf32> to vector<16xf32>
        %swap3A_225 = vector.shape_cast %max3A_220 : vector<16xf32> to vector<1x16xf32>
        tpu.vector_store %arg11[%swap3A_221, %swap3A_222], %swap3A_225 {strides = array<i32>} : memref<80x128xf32, #tpu.memory_space<vmem>>, vector<1x16xf32>,
        %get3A_226 = arith.index_cast %scan3A_141 : i32 to index
        %get3A_227 = arith.constant 112 : index
        %get3A_228 = tpu.vector_load %arg11[%get3A_226, %get3A_227] {strides = array<i32>} : memref<80x128xf32, #tpu.memory_space<vmem>>, vector<1x16xf32>,
        %get3A_229 = vector.shape_cast %get3A_228 : vector<1x16xf32> to vector<16xf32>
        %max3A_230 = arith.constant 0.000000e+00 : f32
        %max3A_231 = vector.broadcast %max3A_230 : f32 to vector<16xf32>
        %max3A_232 = arith.maximumf %get3A_229, %max3A_231 : vector<16xf32>
        %swap3A_233 = arith.index_cast %scan3A_141 : i32 to index
        %swap3A_234 = arith.constant 112 : index
        %swap3A_235 = tpu.vector_load %arg11[%swap3A_233, %swap3A_234] {strides = array<i32>} : memref<80x128xf32, #tpu.memory_space<vmem>>, vector<1x16xf32>,
        %swap3A_236 = vector.shape_cast %swap3A_235 : vector<1x16xf32> to vector<16xf32>
        %swap3A_237 = vector.shape_cast %max3A_232 : vector<16xf32> to vector<1x16xf32>
        tpu.vector_store %arg11[%swap3A_233, %swap3A_234], %swap3A_237 {strides = array<i32>} : memref<80x128xf32, #tpu.memory_space<vmem>>, vector<1x16xf32>,
        %scan3A_238 = arith.constant 2 : i32
        %scan3A_239 = arith.addi %scan3A_46, %scan3A_238 : i32
        %get3A_240 = arith.index_cast %scan3A_239 : i32 to index
        %get3A_241 = arith.constant 0 : index
        %get3A_242 = tpu.vector_load %arg11[%get3A_240, %get3A_241] {strides = array<i32>} : memref<80x128xf32, #tpu.memory_space<vmem>>, vector<1x16xf32>,
        %get3A_243 = vector.shape_cast %get3A_242 : vector<1x16xf32> to vector<16xf32>
        %max3A_244 = arith.constant 0.000000e+00 : f32
        %max3A_245 = vector.broadcast %max3A_244 : f32 to vector<16xf32>
        %max3A_246 = arith.maximumf %get3A_243, %max3A_245 : vector<16xf32>
        %swap3A_247 = arith.index_cast %scan3A_239 : i32 to index
        %swap3A_248 = arith.constant 0 : index
        %swap3A_249 = tpu.vector_load %arg11[%swap3A_247, %swap3A_248] {strides = array<i32>} : memref<80x128xf32, #tpu.memory_space<vmem>>, vector<1x16xf32>,
        %swap3A_250 = vector.shape_cast %swap3A_249 : vector<1x16xf32> to vector<16xf32>
        %swap3A_251 = vector.shape_cast %max3A_246 : vector<16xf32> to vector<1x16xf32>
        tpu.vector_store %arg11[%swap3A_247, %swap3A_248], %swap3A_251 {strides = array<i32>} : memref<80x128xf32, #tpu.memory_space<vmem>>, vector<1x16xf32>,
        %get3A_252 = arith.index_cast %scan3A_239 : i32 to index
        %get3A_253 = arith.constant 16 : index
        %get3A_254 = tpu.vector_load %arg11[%get3A_252, %get3A_253] {strides = array<i32>} : memref<80x128xf32, #tpu.memory_space<vmem>>, vector<1x16xf32>,
        %get3A_255 = vector.shape_cast %get3A_254 : vector<1x16xf32> to vector<16xf32>
        %max3A_256 = arith.constant 0.000000e+00 : f32
        %max3A_257 = vector.broadcast %max3A_256 : f32 to vector<16xf32>
        %max3A_258 = arith.maximumf %get3A_255, %max3A_257 : vector<16xf32>
        %swap3A_259 = arith.index_cast %scan3A_239 : i32 to index
        %swap3A_260 = arith.constant 16 : index
        %swap3A_261 = tpu.vector_load %arg11[%swap3A_259, %swap3A_260] {strides = array<i32>} : memref<80x128xf32, #tpu.memory_space<vmem>>, vector<1x16xf32>,
        %swap3A_262 = vector.shape_cast %swap3A_261 : vector<1x16xf32> to vector<16xf32>
        %swap3A_263 = vector.shape_cast %max3A_258 : vector<16xf32> to vector<1x16xf32>
        tpu.vector_store %arg11[%swap3A_259, %swap3A_260], %swap3A_263 {strides = array<i32>} : memref<80x128xf32, #tpu.memory_space<vmem>>, vector<1x16xf32>,
        %get3A_264 = arith.index_cast %scan3A_239 : i32 to index
        %get3A_265 = arith.constant 32 : index
        %get3A_266 = tpu.vector_load %arg11[%get3A_264, %get3A_265] {strides = array<i32>} : memref<80x128xf32, #tpu.memory_space<vmem>>, vector<1x16xf32>,
        %get3A_267 = vector.shape_cast %get3A_266 : vector<1x16xf32> to vector<16xf32>
        %max3A_268 = arith.constant 0.000000e+00 : f32
        %max3A_269 = vector.broadcast %max3A_268 : f32 to vector<16xf32>
        %max3A_270 = arith.maximumf %get3A_267, %max3A_269 : vector<16xf32>
        %swap3A_271 = arith.index_cast %scan3A_239 : i32 to index
        %swap3A_272 = arith.constant 32 : index
        %swap3A_273 = tpu.vector_load %arg11[%swap3A_271, %swap3A_272] {strides = array<i32>} : memref<80x128xf32, #tpu.memory_space<vmem>>, vector<1x16xf32>,
        %swap3A_274 = vector.shape_cast %swap3A_273 : vector<1x16xf32> to vector<16xf32>
        %swap3A_275 = vector.shape_cast %max3A_270 : vector<16xf32> to vector<1x16xf32>
        tpu.vector_store %arg11[%swap3A_271, %swap3A_272], %swap3A_275 {strides = array<i32>} : memref<80x128xf32, #tpu.memory_space<vmem>>, vector<1x16xf32>,
        %get3A_276 = arith.index_cast %scan3A_239 : i32 to index
        %get3A_277 = arith.constant 48 : index
        %get3A_278 = tpu.vector_load %arg11[%get3A_276, %get3A_277] {strides = array<i32>} : memref<80x128xf32, #tpu.memory_space<vmem>>, vector<1x16xf32>,
        %get3A_279 = vector.shape_cast %get3A_278 : vector<1x16xf32> to vector<16xf32>
        %max3A_280 = arith.constant 0.000000e+00 : f32
        %max3A_281 = vector.broadcast %max3A_280 : f32 to vector<16xf32>
        %max3A_282 = arith.maximumf %get3A_279, %max3A_281 : vector<16xf32>
        %swap3A_283 = arith.index_cast %scan3A_239 : i32 to index
        %swap3A_284 = arith.constant 48 : index
        %swap3A_285 = tpu.vector_load %arg11[%swap3A_283, %swap3A_284] {strides = array<i32>} : memref<80x128xf32, #tpu.memory_space<vmem>>, vector<1x16xf32>,
        %swap3A_286 = vector.shape_cast %swap3A_285 : vector<1x16xf32> to vector<16xf32>
        %swap3A_287 = vector.shape_cast %max3A_282 : vector<16xf32> to vector<1x16xf32>
        tpu.vector_store %arg11[%swap3A_283, %swap3A_284], %swap3A_287 {strides = array<i32>} : memref<80x128xf32, #tpu.memory_space<vmem>>, vector<1x16xf32>,
        %get3A_288 = arith.index_cast %scan3A_239 : i32 to index
        %get3A_289 = arith.constant 64 : index
        %get3A_290 = tpu.vector_load %arg11[%get3A_288, %get3A_289] {strides = array<i32>} : memref<80x128xf32, #tpu.memory_space<vmem>>, vector<1x16xf32>,
        %get3A_291 = vector.shape_cast %get3A_290 : vector<1x16xf32> to vector<16xf32>
        %max3A_292 = arith.constant 0.000000e+00 : f32
        %max3A_293 = vector.broadcast %max3A_292 : f32 to vector<16xf32>
        %max3A_294 = arith.maximumf %get3A_291, %max3A_293 : vector<16xf32>
        %swap3A_295 = arith.index_cast %scan3A_239 : i32 to index
        %swap3A_296 = arith.constant 64 : index
        %swap3A_297 = tpu.vector_load %arg11[%swap3A_295, %swap3A_296] {strides = array<i32>} : memref<80x128xf32, #tpu.memory_space<vmem>>, vector<1x16xf32>,
        %swap3A_298 = vector.shape_cast %swap3A_297 : vector<1x16xf32> to vector<16xf32>
        %swap3A_299 = vector.shape_cast %max3A_294 : vector<16xf32> to vector<1x16xf32>
        tpu.vector_store %arg11[%swap3A_295, %swap3A_296], %swap3A_299 {strides = array<i32>} : memref<80x128xf32, #tpu.memory_space<vmem>>, vector<1x16xf32>,
        %get3A_300 = arith.index_cast %scan3A_239 : i32 to index
        %get3A_301 = arith.constant 80 : index
        %get3A_302 = tpu.vector_load %arg11[%get3A_300, %get3A_301] {strides = array<i32>} : memref<80x128xf32, #tpu.memory_space<vmem>>, vector<1x16xf32>,
        %get3A_303 = vector.shape_cast %get3A_302 : vector<1x16xf32> to vector<16xf32>
        %max3A_304 = arith.constant 0.000000e+00 : f32
        %max3A_305 = vector.broadcast %max3A_304 : f32 to vector<16xf32>
        %max3A_306 = arith.maximumf %get3A_303, %max3A_305 : vector<16xf32>
        %swap3A_307 = arith.index_cast %scan3A_239 : i32 to index
        %swap3A_308 = arith.constant 80 : index
        %swap3A_309 = tpu.vector_load %arg11[%swap3A_307, %swap3A_308] {strides = array<i32>} : memref<80x128xf32, #tpu.memory_space<vmem>>, vector<1x16xf32>,
        %swap3A_310 = vector.shape_cast %swap3A_309 : vector<1x16xf32> to vector<16xf32>
        %swap3A_311 = vector.shape_cast %max3A_306 : vector<16xf32> to vector<1x16xf32>
        tpu.vector_store %arg11[%swap3A_307, %swap3A_308], %swap3A_311 {strides = array<i32>} : memref<80x128xf32, #tpu.memory_space<vmem>>, vector<1x16xf32>,
        %get3A_312 = arith.index_cast %scan3A_239 : i32 to index
        %get3A_313 = arith.constant 96 : index
        %get3A_314 = tpu.vector_load %arg11[%get3A_312, %get3A_313] {strides = array<i32>} : memref<80x128xf32, #tpu.memory_space<vmem>>, vector<1x16xf32>,
        %get3A_315 = vector.shape_cast %get3A_314 : vector<1x16xf32> to vector<16xf32>
        %max3A_316 = arith.constant 0.000000e+00 : f32
        %max3A_317 = vector.broadcast %max3A_316 : f32 to vector<16xf32>
        %max3A_318 = arith.maximumf %get3A_315, %max3A_317 : vector<16xf32>
        %swap3A_319 = arith.index_cast %scan3A_239 : i32 to index
        %swap3A_320 = arith.constant 96 : index
        %swap3A_321 = tpu.vector_load %arg11[%swap3A_319, %swap3A_320] {strides = array<i32>} : memref<80x128xf32, #tpu.memory_space<vmem>>, vector<1x16xf32>,
        %swap3A_322 = vector.shape_cast %swap3A_321 : vector<1x16xf32> to vector<16xf32>
        %swap3A_323 = vector.shape_cast %max3A_318 : vector<16xf32> to vector<1x16xf32>
        tpu.vector_store %arg11[%swap3A_319, %swap3A_320], %swap3A_323 {strides = array<i32>} : memref<80x128xf32, #tpu.memory_space<vmem>>, vector<1x16xf32>,
        %get3A_324 = arith.index_cast %scan3A_239 : i32 to index
        %get3A_325 = arith.constant 112 : index
        %get3A_326 = tpu.vector_load %arg11[%get3A_324, %get3A_325] {strides = array<i32>} : memref<80x128xf32, #tpu.memory_space<vmem>>, vector<1x16xf32>,
        %get3A_327 = vector.shape_cast %get3A_326 : vector<1x16xf32> to vector<16xf32>
        %max3A_328 = arith.constant 0.000000e+00 : f32
        %max3A_329 = vector.broadcast %max3A_328 : f32 to vector<16xf32>
        %max3A_330 = arith.maximumf %get3A_327, %max3A_329 : vector<16xf32>
        %swap3A_331 = arith.index_cast %scan3A_239 : i32 to index
        %swap3A_332 = arith.constant 112 : index
        %swap3A_333 = tpu.vector_load %arg11[%swap3A_331, %swap3A_332] {strides = array<i32>} : memref<80x128xf32, #tpu.memory_space<vmem>>, vector<1x16xf32>,
        %swap3A_334 = vector.shape_cast %swap3A_333 : vector<1x16xf32> to vector<16xf32>
        %swap3A_335 = vector.shape_cast %max3A_330 : vector<16xf32> to vector<1x16xf32>
        tpu.vector_store %arg11[%swap3A_331, %swap3A_332], %swap3A_335 {strides = array<i32>} : memref<80x128xf32, #tpu.memory_space<vmem>>, vector<1x16xf32>,
        %scan3A_336 = arith.constant 3 : i32
        %scan3A_337 = arith.addi %scan3A_46, %scan3A_336 : i32
        %get3A_338 = arith.index_cast %scan3A_337 : i32 to index
        %get3A_339 = arith.constant 0 : index
        %get3A_340 = tpu.vector_load %arg11[%get3A_338, %get3A_339] {strides = array<i32>} : memref<80x128xf32, #tpu.memory_space<vmem>>, vector<1x16xf32>,
        %get3A_341 = vector.shape_cast %get3A_340 : vector<1x16xf32> to vector<16xf32>
        %max3A_342 = arith.constant 0.000000e+00 : f32
        %max3A_343 = vector.broadcast %max3A_342 : f32 to vector<16xf32>
        %max3A_344 = arith.maximumf %get3A_341, %max3A_343 : vector<16xf32>
        %swap3A_345 = arith.index_cast %scan3A_337 : i32 to index
        %swap3A_346 = arith.constant 0 : index
        %swap3A_347 = tpu.vector_load %arg11[%swap3A_345, %swap3A_346] {strides = array<i32>} : memref<80x128xf32, #tpu.memory_space<vmem>>, vector<1x16xf32>,
        %swap3A_348 = vector.shape_cast %swap3A_347 : vector<1x16xf32> to vector<16xf32>
        %swap3A_349 = vector.shape_cast %max3A_344 : vector<16xf32> to vector<1x16xf32>
        tpu.vector_store %arg11[%swap3A_345, %swap3A_346], %swap3A_349 {strides = array<i32>} : memref<80x128xf32, #tpu.memory_space<vmem>>, vector<1x16xf32>,
        %get3A_350 = arith.index_cast %scan3A_337 : i32 to index
        %get3A_351 = arith.constant 16 : index
        %get3A_352 = tpu.vector_load %arg11[%get3A_350, %get3A_351] {strides = array<i32>} : memref<80x128xf32, #tpu.memory_space<vmem>>, vector<1x16xf32>,
        %get3A_353 = vector.shape_cast %get3A_352 : vector<1x16xf32> to vector<16xf32>
        %max3A_354 = arith.constant 0.000000e+00 : f32
        %max3A_355 = vector.broadcast %max3A_354 : f32 to vector<16xf32>
        %max3A_356 = arith.maximumf %get3A_353, %max3A_355 : vector<16xf32>
        %swap3A_357 = arith.index_cast %scan3A_337 : i32 to index
        %swap3A_358 = arith.constant 16 : index
        %swap3A_359 = tpu.vector_load %arg11[%swap3A_357, %swap3A_358] {strides = array<i32>} : memref<80x128xf32, #tpu.memory_space<vmem>>, vector<1x16xf32>,
        %swap3A_360 = vector.shape_cast %swap3A_359 : vector<1x16xf32> to vector<16xf32>
        %swap3A_361 = vector.shape_cast %max3A_356 : vector<16xf32> to vector<1x16xf32>
        tpu.vector_store %arg11[%swap3A_357, %swap3A_358], %swap3A_361 {strides = array<i32>} : memref<80x128xf32, #tpu.memory_space<vmem>>, vector<1x16xf32>,
        %get3A_362 = arith.index_cast %scan3A_337 : i32 to index
        %get3A_363 = arith.constant 32 : index
        %get3A_364 = tpu.vector_load %arg11[%get3A_362, %get3A_363] {strides = array<i32>} : memref<80x128xf32, #tpu.memory_space<vmem>>, vector<1x16xf32>,
        %get3A_365 = vector.shape_cast %get3A_364 : vector<1x16xf32> to vector<16xf32>
        %max3A_366 = arith.constant 0.000000e+00 : f32
        %max3A_367 = vector.broadcast %max3A_366 : f32 to vector<16xf32>
        %max3A_368 = arith.maximumf %get3A_365, %max3A_367 : vector<16xf32>
        %swap3A_369 = arith.index_cast %scan3A_337 : i32 to index
        %swap3A_370 = arith.constant 32 : index
        %swap3A_371 = tpu.vector_load %arg11[%swap3A_369, %swap3A_370] {strides = array<i32>} : memref<80x128xf32, #tpu.memory_space<vmem>>, vector<1x16xf32>,
        %swap3A_372 = vector.shape_cast %swap3A_371 : vector<1x16xf32> to vector<16xf32>
        %swap3A_373 = vector.shape_cast %max3A_368 : vector<16xf32> to vector<1x16xf32>
        tpu.vector_store %arg11[%swap3A_369, %swap3A_370], %swap3A_373 {strides = array<i32>} : memref<80x128xf32, #tpu.memory_space<vmem>>, vector<1x16xf32>,
        %get3A_374 = arith.index_cast %scan3A_337 : i32 to index
        %get3A_375 = arith.constant 48 : index
        %get3A_376 = tpu.vector_load %arg11[%get3A_374, %get3A_375] {strides = array<i32>} : memref<80x128xf32, #tpu.memory_space<vmem>>, vector<1x16xf32>,
        %get3A_377 = vector.shape_cast %get3A_376 : vector<1x16xf32> to vector<16xf32>
        %max3A_378 = arith.constant 0.000000e+00 : f32
        %max3A_379 = vector.broadcast %max3A_378 : f32 to vector<16xf32>
        %max3A_380 = arith.maximumf %get3A_377, %max3A_379 : vector<16xf32>
        %swap3A_381 = arith.index_cast %scan3A_337 : i32 to index
        %swap3A_382 = arith.constant 48 : index
        %swap3A_383 = tpu.vector_load %arg11[%swap3A_381, %swap3A_382] {strides = array<i32>} : memref<80x128xf32, #tpu.memory_space<vmem>>, vector<1x16xf32>,
        %swap3A_384 = vector.shape_cast %swap3A_383 : vector<1x16xf32> to vector<16xf32>
        %swap3A_385 = vector.shape_cast %max3A_380 : vector<16xf32> to vector<1x16xf32>
        tpu.vector_store %arg11[%swap3A_381, %swap3A_382], %swap3A_385 {strides = array<i32>} : memref<80x128xf32, #tpu.memory_space<vmem>>, vector<1x16xf32>,
        %get3A_386 = arith.index_cast %scan3A_337 : i32 to index
        %get3A_387 = arith.constant 64 : index
        %get3A_388 = tpu.vector_load %arg11[%get3A_386, %get3A_387] {strides = array<i32>} : memref<80x128xf32, #tpu.memory_space<vmem>>, vector<1x16xf32>,
        %get3A_389 = vector.shape_cast %get3A_388 : vector<1x16xf32> to vector<16xf32>
        %max3A_390 = arith.constant 0.000000e+00 : f32
        %max3A_391 = vector.broadcast %max3A_390 : f32 to vector<16xf32>
        %max3A_392 = arith.maximumf %get3A_389, %max3A_391 : vector<16xf32>
        %swap3A_393 = arith.index_cast %scan3A_337 : i32 to index
        %swap3A_394 = arith.constant 64 : index
        %swap3A_395 = tpu.vector_load %arg11[%swap3A_393, %swap3A_394] {strides = array<i32>} : memref<80x128xf32, #tpu.memory_space<vmem>>, vector<1x16xf32>,
        %swap3A_396 = vector.shape_cast %swap3A_395 : vector<1x16xf32> to vector<16xf32>
        %swap3A_397 = vector.shape_cast %max3A_392 : vector<16xf32> to vector<1x16xf32>
        tpu.vector_store %arg11[%swap3A_393, %swap3A_394], %swap3A_397 {strides = array<i32>} : memref<80x128xf32, #tpu.memory_space<vmem>>, vector<1x16xf32>,
        %get3A_398 = arith.index_cast %scan3A_337 : i32 to index
        %get3A_399 = arith.constant 80 : index
        %get3A_400 = tpu.vector_load %arg11[%get3A_398, %get3A_399] {strides = array<i32>} : memref<80x128xf32, #tpu.memory_space<vmem>>, vector<1x16xf32>,
        %get3A_401 = vector.shape_cast %get3A_400 : vector<1x16xf32> to vector<16xf32>
        %max3A_402 = arith.constant 0.000000e+00 : f32
        %max3A_403 = vector.broadcast %max3A_402 : f32 to vector<16xf32>
        %max3A_404 = arith.maximumf %get3A_401, %max3A_403 : vector<16xf32>
        %swap3A_405 = arith.index_cast %scan3A_337 : i32 to index
        %swap3A_406 = arith.constant 80 : index
        %swap3A_407 = tpu.vector_load %arg11[%swap3A_405, %swap3A_406] {strides = array<i32>} : memref<80x128xf32, #tpu.memory_space<vmem>>, vector<1x16xf32>,
        %swap3A_408 = vector.shape_cast %swap3A_407 : vector<1x16xf32> to vector<16xf32>
        %swap3A_409 = vector.shape_cast %max3A_404 : vector<16xf32> to vector<1x16xf32>
        tpu.vector_store %arg11[%swap3A_405, %swap3A_406], %swap3A_409 {strides = array<i32>} : memref<80x128xf32, #tpu.memory_space<vmem>>, vector<1x16xf32>,
        %get3A_410 = arith.index_cast %scan3A_337 : i32 to index
        %get3A_411 = arith.constant 96 : index
        %get3A_412 = tpu.vector_load %arg11[%get3A_410, %get3A_411] {strides = array<i32>} : memref<80x128xf32, #tpu.memory_space<vmem>>, vector<1x16xf32>,
        %get3A_413 = vector.shape_cast %get3A_412 : vector<1x16xf32> to vector<16xf32>
        %max3A_414 = arith.constant 0.000000e+00 : f32
        %max3A_415 = vector.broadcast %max3A_414 : f32 to vector<16xf32>
        %max3A_416 = arith.maximumf %get3A_413, %max3A_415 : vector<16xf32>
        %swap3A_417 = arith.index_cast %scan3A_337 : i32 to index
        %swap3A_418 = arith.constant 96 : index
        %swap3A_419 = tpu.vector_load %arg11[%swap3A_417, %swap3A_418] {strides = array<i32>} : memref<80x128xf32, #tpu.memory_space<vmem>>, vector<1x16xf32>,
        %swap3A_420 = vector.shape_cast %swap3A_419 : vector<1x16xf32> to vector<16xf32>
        %swap3A_421 = vector.shape_cast %max3A_416 : vector<16xf32> to vector<1x16xf32>
        tpu.vector_store %arg11[%swap3A_417, %swap3A_418], %swap3A_421 {strides = array<i32>} : memref<80x128xf32, #tpu.memory_space<vmem>>, vector<1x16xf32>,
        %get3A_422 = arith.index_cast %scan3A_337 : i32 to index
        %get3A_423 = arith.constant 112 : index
        %get3A_424 = tpu.vector_load %arg11[%get3A_422, %get3A_423] {strides = array<i32>} : memref<80x128xf32, #tpu.memory_space<vmem>>, vector<1x16xf32>,
        %get3A_425 = vector.shape_cast %get3A_424 : vector<1x16xf32> to vector<16xf32>
        %max3A_426 = arith.constant 0.000000e+00 : f32
        %max3A_427 = vector.broadcast %max3A_426 : f32 to vector<16xf32>
        %max3A_428 = arith.maximumf %get3A_425, %max3A_427 : vector<16xf32>
        %swap3A_429 = arith.index_cast %scan3A_337 : i32 to index
        %swap3A_430 = arith.constant 112 : index
        %swap3A_431 = tpu.vector_load %arg11[%swap3A_429, %swap3A_430] {strides = array<i32>} : memref<80x128xf32, #tpu.memory_space<vmem>>, vector<1x16xf32>,
        %swap3A_432 = vector.shape_cast %swap3A_431 : vector<1x16xf32> to vector<16xf32>
        %swap3A_433 = vector.shape_cast %max3A_428 : vector<16xf32> to vector<1x16xf32>
        tpu.vector_store %arg11[%swap3A_429, %swap3A_430], %swap3A_433 {strides = array<i32>} : memref<80x128xf32, #tpu.memory_space<vmem>>, vector<1x16xf32>,
        %scan3A_434 = arith.constant 4 : i32
        %scan3A_435 = arith.addi %scan3A_46, %scan3A_434 : i32
        %get3A_436 = arith.index_cast %scan3A_435 : i32 to index
        %get3A_437 = arith.constant 0 : index
        %get3A_438 = tpu.vector_load %arg11[%get3A_436, %get3A_437] {strides = array<i32>} : memref<80x128xf32, #tpu.memory_space<vmem>>, vector<1x16xf32>,
        %get3A_439 = vector.shape_cast %get3A_438 : vector<1x16xf32> to vector<16xf32>
        %max3A_440 = arith.constant 0.000000e+00 : f32
        %max3A_441 = vector.broadcast %max3A_440 : f32 to vector<16xf32>
        %max3A_442 = arith.maximumf %get3A_439, %max3A_441 : vector<16xf32>
        %swap3A_443 = arith.index_cast %scan3A_435 : i32 to index
        %swap3A_444 = arith.constant 0 : index
        %swap3A_445 = tpu.vector_load %arg11[%swap3A_443, %swap3A_444] {strides = array<i32>} : memref<80x128xf32, #tpu.memory_space<vmem>>, vector<1x16xf32>,
        %swap3A_446 = vector.shape_cast %swap3A_445 : vector<1x16xf32> to vector<16xf32>
        %swap3A_447 = vector.shape_cast %max3A_442 : vector<16xf32> to vector<1x16xf32>
        tpu.vector_store %arg11[%swap3A_443, %swap3A_444], %swap3A_447 {strides = array<i32>} : memref<80x128xf32, #tpu.memory_space<vmem>>, vector<1x16xf32>,
        %get3A_448 = arith.index_cast %scan3A_435 : i32 to index
        %get3A_449 = arith.constant 16 : index
        %get3A_450 = tpu.vector_load %arg11[%get3A_448, %get3A_449] {strides = array<i32>} : memref<80x128xf32, #tpu.memory_space<vmem>>, vector<1x16xf32>,
        %get3A_451 = vector.shape_cast %get3A_450 : vector<1x16xf32> to vector<16xf32>
        %max3A_452 = arith.constant 0.000000e+00 : f32
        %max3A_453 = vector.broadcast %max3A_452 : f32 to vector<16xf32>
        %max3A_454 = arith.maximumf %get3A_451, %max3A_453 : vector<16xf32>
        %swap3A_455 = arith.index_cast %scan3A_435 : i32 to index
        %swap3A_456 = arith.constant 16 : index
        %swap3A_457 = tpu.vector_load %arg11[%swap3A_455, %swap3A_456] {strides = array<i32>} : memref<80x128xf32, #tpu.memory_space<vmem>>, vector<1x16xf32>,
        %swap3A_458 = vector.shape_cast %swap3A_457 : vector<1x16xf32> to vector<16xf32>
        %swap3A_459 = vector.shape_cast %max3A_454 : vector<16xf32> to vector<1x16xf32>
        tpu.vector_store %arg11[%swap3A_455, %swap3A_456], %swap3A_459 {strides = array<i32>} : memref<80x128xf32, #tpu.memory_space<vmem>>, vector<1x16xf32>,
        %get3A_460 = arith.index_cast %scan3A_435 : i32 to index
        %get3A_461 = arith.constant 32 : index
        %get3A_462 = tpu.vector_load %arg11[%get3A_460, %get3A_461] {strides = array<i32>} : memref<80x128xf32, #tpu.memory_space<vmem>>, vector<1x16xf32>,
        %get3A_463 = vector.shape_cast %get3A_462 : vector<1x16xf32> to vector<16xf32>
        %max3A_464 = arith.constant 0.000000e+00 : f32
        %max3A_465 = vector.broadcast %max3A_464 : f32 to vector<16xf32>
        %max3A_466 = arith.maximumf %get3A_463, %max3A_465 : vector<16xf32>
        %swap3A_467 = arith.index_cast %scan3A_435 : i32 to index
        %swap3A_468 = arith.constant 32 : index
        %swap3A_469 = tpu.vector_load %arg11[%swap3A_467, %swap3A_468] {strides = array<i32>} : memref<80x128xf32, #tpu.memory_space<vmem>>, vector<1x16xf32>,
        %swap3A_470 = vector.shape_cast %swap3A_469 : vector<1x16xf32> to vector<16xf32>
        %swap3A_471 = vector.shape_cast %max3A_466 : vector<16xf32> to vector<1x16xf32>
        tpu.vector_store %arg11[%swap3A_467, %swap3A_468], %swap3A_471 {strides = array<i32>} : memref<80x128xf32, #tpu.memory_space<vmem>>, vector<1x16xf32>,
        %get3A_472 = arith.index_cast %scan3A_435 : i32 to index
        %get3A_473 = arith.constant 48 : index
        %get3A_474 = tpu.vector_load %arg11[%get3A_472, %get3A_473] {strides = array<i32>} : memref<80x128xf32, #tpu.memory_space<vmem>>, vector<1x16xf32>,
        %get3A_475 = vector.shape_cast %get3A_474 : vector<1x16xf32> to vector<16xf32>
        %max3A_476 = arith.constant 0.000000e+00 : f32
        %max3A_477 = vector.broadcast %max3A_476 : f32 to vector<16xf32>
        %max3A_478 = arith.maximumf %get3A_475, %max3A_477 : vector<16xf32>
        %swap3A_479 = arith.index_cast %scan3A_435 : i32 to index
        %swap3A_480 = arith.constant 48 : index
        %swap3A_481 = tpu.vector_load %arg11[%swap3A_479, %swap3A_480] {strides = array<i32>} : memref<80x128xf32, #tpu.memory_space<vmem>>, vector<1x16xf32>,
        %swap3A_482 = vector.shape_cast %swap3A_481 : vector<1x16xf32> to vector<16xf32>
        %swap3A_483 = vector.shape_cast %max3A_478 : vector<16xf32> to vector<1x16xf32>
        tpu.vector_store %arg11[%swap3A_479, %swap3A_480], %swap3A_483 {strides = array<i32>} : memref<80x128xf32, #tpu.memory_space<vmem>>, vector<1x16xf32>,
        %get3A_484 = arith.index_cast %scan3A_435 : i32 to index
        %get3A_485 = arith.constant 64 : index
        %get3A_486 = tpu.vector_load %arg11[%get3A_484, %get3A_485] {strides = array<i32>} : memref<80x128xf32, #tpu.memory_space<vmem>>, vector<1x16xf32>,
        %get3A_487 = vector.shape_cast %get3A_486 : vector<1x16xf32> to vector<16xf32>
        %max3A_488 = arith.constant 0.000000e+00 : f32
        %max3A_489 = vector.broadcast %max3A_488 : f32 to vector<16xf32>
        %max3A_490 = arith.maximumf %get3A_487, %max3A_489 : vector<16xf32>
        %swap3A_491 = arith.index_cast %scan3A_435 : i32 to index
        %swap3A_492 = arith.constant 64 : index
        %swap3A_493 = tpu.vector_load %arg11[%swap3A_491, %swap3A_492] {strides = array<i32>} : memref<80x128xf32, #tpu.memory_space<vmem>>, vector<1x16xf32>,
        %swap3A_494 = vector.shape_cast %swap3A_493 : vector<1x16xf32> to vector<16xf32>
        %swap3A_495 = vector.shape_cast %max3A_490 : vector<16xf32> to vector<1x16xf32>
        tpu.vector_store %arg11[%swap3A_491, %swap3A_492], %swap3A_495 {strides = array<i32>} : memref<80x128xf32, #tpu.memory_space<vmem>>, vector<1x16xf32>,
        %get3A_496 = arith.index_cast %scan3A_435 : i32 to index
        %get3A_497 = arith.constant 80 : index
        %get3A_498 = tpu.vector_load %arg11[%get3A_496, %get3A_497] {strides = array<i32>} : memref<80x128xf32, #tpu.memory_space<vmem>>, vector<1x16xf32>,
        %get3A_499 = vector.shape_cast %get3A_498 : vector<1x16xf32> to vector<16xf32>
        %max3A_500 = arith.constant 0.000000e+00 : f32
        %max3A_501 = vector.broadcast %max3A_500 : f32 to vector<16xf32>
        %max3A_502 = arith.maximumf %get3A_499, %max3A_501 : vector<16xf32>
        %swap3A_503 = arith.index_cast %scan3A_435 : i32 to index
        %swap3A_504 = arith.constant 80 : index
        %swap3A_505 = tpu.vector_load %arg11[%swap3A_503, %swap3A_504] {strides = array<i32>} : memref<80x128xf32, #tpu.memory_space<vmem>>, vector<1x16xf32>,
        %swap3A_506 = vector.shape_cast %swap3A_505 : vector<1x16xf32> to vector<16xf32>
        %swap3A_507 = vector.shape_cast %max3A_502 : vector<16xf32> to vector<1x16xf32>
        tpu.vector_store %arg11[%swap3A_503, %swap3A_504], %swap3A_507 {strides = array<i32>} : memref<80x128xf32, #tpu.memory_space<vmem>>, vector<1x16xf32>,
        %get3A_508 = arith.index_cast %scan3A_435 : i32 to index
        %get3A_509 = arith.constant 96 : index
        %get3A_510 = tpu.vector_load %arg11[%get3A_508, %get3A_509] {strides = array<i32>} : memref<80x128xf32, #tpu.memory_space<vmem>>, vector<1x16xf32>,
        %get3A_511 = vector.shape_cast %get3A_510 : vector<1x16xf32> to vector<16xf32>
        %max3A_512 = arith.constant 0.000000e+00 : f32
        %max3A_513 = vector.broadcast %max3A_512 : f32 to vector<16xf32>
        %max3A_514 = arith.maximumf %get3A_511, %max3A_513 : vector<16xf32>
        %swap3A_515 = arith.index_cast %scan3A_435 : i32 to index
        %swap3A_516 = arith.constant 96 : index
        %swap3A_517 = tpu.vector_load %arg11[%swap3A_515, %swap3A_516] {strides = array<i32>} : memref<80x128xf32, #tpu.memory_space<vmem>>, vector<1x16xf32>,
        %swap3A_518 = vector.shape_cast %swap3A_517 : vector<1x16xf32> to vector<16xf32>
        %swap3A_519 = vector.shape_cast %max3A_514 : vector<16xf32> to vector<1x16xf32>
        tpu.vector_store %arg11[%swap3A_515, %swap3A_516], %swap3A_519 {strides = array<i32>} : memref<80x128xf32, #tpu.memory_space<vmem>>, vector<1x16xf32>,
        %get3A_520 = arith.index_cast %scan3A_435 : i32 to index
        %get3A_521 = arith.constant 112 : index
        %get3A_522 = tpu.vector_load %arg11[%get3A_520, %get3A_521] {strides = array<i32>} : memref<80x128xf32, #tpu.memory_space<vmem>>, vector<1x16xf32>,
        %get3A_523 = vector.shape_cast %get3A_522 : vector<1x16xf32> to vector<16xf32>
        %max3A_524 = arith.constant 0.000000e+00 : f32
        %max3A_525 = vector.broadcast %max3A_524 : f32 to vector<16xf32>
        %max3A_526 = arith.maximumf %get3A_523, %max3A_525 : vector<16xf32>
        %swap3A_527 = arith.index_cast %scan3A_435 : i32 to index
        %swap3A_528 = arith.constant 112 : index
        %swap3A_529 = tpu.vector_load %arg11[%swap3A_527, %swap3A_528] {strides = array<i32>} : memref<80x128xf32, #tpu.memory_space<vmem>>, vector<1x16xf32>,
        %swap3A_530 = vector.shape_cast %swap3A_529 : vector<1x16xf32> to vector<16xf32>
        %swap3A_531 = vector.shape_cast %max3A_526 : vector<16xf32> to vector<1x16xf32>
        tpu.vector_store %arg11[%swap3A_527, %swap3A_528], %swap3A_531 {strides = array<i32>} : memref<80x128xf32, #tpu.memory_space<vmem>>, vector<1x16xf32>,
        %scan3A_532 = arith.constant 5 : i32
        %scan3A_533 = arith.addi %scan3A_46, %scan3A_532 : i32
        %get3A_534 = arith.index_cast %scan3A_533 : i32 to index
        %get3A_535 = arith.constant 0 : index
        %get3A_536 = tpu.vector_load %arg11[%get3A_534, %get3A_535] {strides = array<i32>} : memref<80x128xf32, #tpu.memory_space<vmem>>, vector<1x16xf32>,
        %get3A_537 = vector.shape_cast %get3A_536 : vector<1x16xf32> to vector<16xf32>
        %max3A_538 = arith.constant 0.000000e+00 : f32
        %max3A_539 = vector.broadcast %max3A_538 : f32 to vector<16xf32>
        %max3A_540 = arith.maximumf %get3A_537, %max3A_539 : vector<16xf32>
        %swap3A_541 = arith.index_cast %scan3A_533 : i32 to index
        %swap3A_542 = arith.constant 0 : index
        %swap3A_543 = tpu.vector_load %arg11[%swap3A_541, %swap3A_542] {strides = array<i32>} : memref<80x128xf32, #tpu.memory_space<vmem>>, vector<1x16xf32>,
        %swap3A_544 = vector.shape_cast %swap3A_543 : vector<1x16xf32> to vector<16xf32>
        %swap3A_545 = vector.shape_cast %max3A_540 : vector<16xf32> to vector<1x16xf32>
        tpu.vector_store %arg11[%swap3A_541, %swap3A_542], %swap3A_545 {strides = array<i32>} : memref<80x128xf32, #tpu.memory_space<vmem>>, vector<1x16xf32>,
        %get3A_546 = arith.index_cast %scan3A_533 : i32 to index
        %get3A_547 = arith.constant 16 : index
        %get3A_548 = tpu.vector_load %arg11[%get3A_546, %get3A_547] {strides = array<i32>} : memref<80x128xf32, #tpu.memory_space<vmem>>, vector<1x16xf32>,
        %get3A_549 = vector.shape_cast %get3A_548 : vector<1x16xf32> to vector<16xf32>
        %max3A_550 = arith.constant 0.000000e+00 : f32
        %max3A_551 = vector.broadcast %max3A_550 : f32 to vector<16xf32>
        %max3A_552 = arith.maximumf %get3A_549, %max3A_551 : vector<16xf32>
        %swap3A_553 = arith.index_cast %scan3A_533 : i32 to index
        %swap3A_554 = arith.constant 16 : index
        %swap3A_555 = tpu.vector_load %arg11[%swap3A_553, %swap3A_554] {strides = array<i32>} : memref<80x128xf32, #tpu.memory_space<vmem>>, vector<1x16xf32>,
        %swap3A_556 = vector.shape_cast %swap3A_555 : vector<1x16xf32> to vector<16xf32>
        %swap3A_557 = vector.shape_cast %max3A_552 : vector<16xf32> to vector<1x16xf32>
        tpu.vector_store %arg11[%swap3A_553, %swap3A_554], %swap3A_557 {strides = array<i32>} : memref<80x128xf32, #tpu.memory_space<vmem>>, vector<1x16xf32>,
        %get3A_558 = arith.index_cast %scan3A_533 : i32 to index
        %get3A_559 = arith.constant 32 : index
        %get3A_560 = tpu.vector_load %arg11[%get3A_558, %get3A_559] {strides = array<i32>} : memref<80x128xf32, #tpu.memory_space<vmem>>, vector<1x16xf32>,
        %get3A_561 = vector.shape_cast %get3A_560 : vector<1x16xf32> to vector<16xf32>
        %max3A_562 = arith.constant 0.000000e+00 : f32
        %max3A_563 = vector.broadcast %max3A_562 : f32 to vector<16xf32>
        %max3A_564 = arith.maximumf %get3A_561, %max3A_563 : vector<16xf32>
        %swap3A_565 = arith.index_cast %scan3A_533 : i32 to index
        %swap3A_566 = arith.constant 32 : index
        %swap3A_567 = tpu.vector_load %arg11[%swap3A_565, %swap3A_566] {strides = array<i32>} : memref<80x128xf32, #tpu.memory_space<vmem>>, vector<1x16xf32>,
        %swap3A_568 = vector.shape_cast %swap3A_567 : vector<1x16xf32> to vector<16xf32>
        %swap3A_569 = vector.shape_cast %max3A_564 : vector<16xf32> to vector<1x16xf32>
        tpu.vector_store %arg11[%swap3A_565, %swap3A_566], %swap3A_569 {strides = array<i32>} : memref<80x128xf32, #tpu.memory_space<vmem>>, vector<1x16xf32>,
        %get3A_570 = arith.index_cast %scan3A_533 : i32 to index
        %get3A_571 = arith.constant 48 : index
        %get3A_572 = tpu.vector_load %arg11[%get3A_570, %get3A_571] {strides = array<i32>} : memref<80x128xf32, #tpu.memory_space<vmem>>, vector<1x16xf32>,
        %get3A_573 = vector.shape_cast %get3A_572 : vector<1x16xf32> to vector<16xf32>
        %max3A_574 = arith.constant 0.000000e+00 : f32
        %max3A_575 = vector.broadcast %max3A_574 : f32 to vector<16xf32>
        %max3A_576 = arith.maximumf %get3A_573, %max3A_575 : vector<16xf32>
        %swap3A_577 = arith.index_cast %scan3A_533 : i32 to index
        %swap3A_578 = arith.constant 48 : index
        %swap3A_579 = tpu.vector_load %arg11[%swap3A_577, %swap3A_578] {strides = array<i32>} : memref<80x128xf32, #tpu.memory_space<vmem>>, vector<1x16xf32>,
        %swap3A_580 = vector.shape_cast %swap3A_579 : vector<1x16xf32> to vector<16xf32>
        %swap3A_581 = vector.shape_cast %max3A_576 : vector<16xf32> to vector<1x16xf32>
        tpu.vector_store %arg11[%swap3A_577, %swap3A_578], %swap3A_581 {strides = array<i32>} : memref<80x128xf32, #tpu.memory_space<vmem>>, vector<1x16xf32>,
        %get3A_582 = arith.index_cast %scan3A_533 : i32 to index
        %get3A_583 = arith.constant 64 : index
        %get3A_584 = tpu.vector_load %arg11[%get3A_582, %get3A_583] {strides = array<i32>} : memref<80x128xf32, #tpu.memory_space<vmem>>, vector<1x16xf32>,
        %get3A_585 = vector.shape_cast %get3A_584 : vector<1x16xf32> to vector<16xf32>
        %max3A_586 = arith.constant 0.000000e+00 : f32
        %max3A_587 = vector.broadcast %max3A_586 : f32 to vector<16xf32>
        %max3A_588 = arith.maximumf %get3A_585, %max3A_587 : vector<16xf32>
        %swap3A_589 = arith.index_cast %scan3A_533 : i32 to index
        %swap3A_590 = arith.constant 64 : index
        %swap3A_591 = tpu.vector_load %arg11[%swap3A_589, %swap3A_590] {strides = array<i32>} : memref<80x128xf32, #tpu.memory_space<vmem>>, vector<1x16xf32>,
        %swap3A_592 = vector.shape_cast %swap3A_591 : vector<1x16xf32> to vector<16xf32>
        %swap3A_593 = vector.shape_cast %max3A_588 : vector<16xf32> to vector<1x16xf32>
        tpu.vector_store %arg11[%swap3A_589, %swap3A_590], %swap3A_593 {strides = array<i32>} : memref<80x128xf32, #tpu.memory_space<vmem>>, vector<1x16xf32>,
        %get3A_594 = arith.index_cast %scan3A_533 : i32 to index
        %get3A_595 = arith.constant 80 : index
        %get3A_596 = tpu.vector_load %arg11[%get3A_594, %get3A_595] {strides = array<i32>} : memref<80x128xf32, #tpu.memory_space<vmem>>, vector<1x16xf32>,
        %get3A_597 = vector.shape_cast %get3A_596 : vector<1x16xf32> to vector<16xf32>
        %max3A_598 = arith.constant 0.000000e+00 : f32
        %max3A_599 = vector.broadcast %max3A_598 : f32 to vector<16xf32>
        %max3A_600 = arith.maximumf %get3A_597, %max3A_599 : vector<16xf32>
        %swap3A_601 = arith.index_cast %scan3A_533 : i32 to index
        %swap3A_602 = arith.constant 80 : index
        %swap3A_603 = tpu.vector_load %arg11[%swap3A_601, %swap3A_602] {strides = array<i32>} : memref<80x128xf32, #tpu.memory_space<vmem>>, vector<1x16xf32>,
        %swap3A_604 = vector.shape_cast %swap3A_603 : vector<1x16xf32> to vector<16xf32>
        %swap3A_605 = vector.shape_cast %max3A_600 : vector<16xf32> to vector<1x16xf32>
        tpu.vector_store %arg11[%swap3A_601, %swap3A_602], %swap3A_605 {strides = array<i32>} : memref<80x128xf32, #tpu.memory_space<vmem>>, vector<1x16xf32>,
        %get3A_606 = arith.index_cast %scan3A_533 : i32 to index
        %get3A_607 = arith.constant 96 : index
        %get3A_608 = tpu.vector_load %arg11[%get3A_606, %get3A_607] {strides = array<i32>} : memref<80x128xf32, #tpu.memory_space<vmem>>, vector<1x16xf32>,
        %get3A_609 = vector.shape_cast %get3A_608 : vector<1x16xf32> to vector<16xf32>
        %max3A_610 = arith.constant 0.000000e+00 : f32
        %max3A_611 = vector.broadcast %max3A_610 : f32 to vector<16xf32>
        %max3A_612 = arith.maximumf %get3A_609, %max3A_611 : vector<16xf32>
        %swap3A_613 = arith.index_cast %scan3A_533 : i32 to index
        %swap3A_614 = arith.constant 96 : index
        %swap3A_615 = tpu.vector_load %arg11[%swap3A_613, %swap3A_614] {strides = array<i32>} : memref<80x128xf32, #tpu.memory_space<vmem>>, vector<1x16xf32>,
        %swap3A_616 = vector.shape_cast %swap3A_615 : vector<1x16xf32> to vector<16xf32>
        %swap3A_617 = vector.shape_cast %max3A_612 : vector<16xf32> to vector<1x16xf32>
        tpu.vector_store %arg11[%swap3A_613, %swap3A_614], %swap3A_617 {strides = array<i32>} : memref<80x128xf32, #tpu.memory_space<vmem>>, vector<1x16xf32>,
        %get3A_618 = arith.index_cast %scan3A_533 : i32 to index
        %get3A_619 = arith.constant 112 : index
        %get3A_620 = tpu.vector_load %arg11[%get3A_618, %get3A_619] {strides = array<i32>} : memref<80x128xf32, #tpu.memory_space<vmem>>, vector<1x16xf32>,
        %get3A_621 = vector.shape_cast %get3A_620 : vector<1x16xf32> to vector<16xf32>
        %max3A_622 = arith.constant 0.000000e+00 : f32
        %max3A_623 = vector.broadcast %max3A_622 : f32 to vector<16xf32>
        %max3A_624 = arith.maximumf %get3A_621, %max3A_623 : vector<16xf32>
        %swap3A_625 = arith.index_cast %scan3A_533 : i32 to index
        %swap3A_626 = arith.constant 112 : index
        %swap3A_627 = tpu.vector_load %arg11[%swap3A_625, %swap3A_626] {strides = array<i32>} : memref<80x128xf32, #tpu.memory_space<vmem>>, vector<1x16xf32>,
        %swap3A_628 = vector.shape_cast %swap3A_627 : vector<1x16xf32> to vector<16xf32>
        %swap3A_629 = vector.shape_cast %max3A_624 : vector<16xf32> to vector<1x16xf32>
        tpu.vector_store %arg11[%swap3A_625, %swap3A_626], %swap3A_629 {strides = array<i32>} : memref<80x128xf32, #tpu.memory_space<vmem>>, vector<1x16xf32>,
        %scan3A_630 = arith.constant 6 : i32
        %scan3A_631 = arith.addi %scan3A_46, %scan3A_630 : i32
        %get3A_632 = arith.index_cast %scan3A_631 : i32 to index
        %get3A_633 = arith.constant 0 : index
        %get3A_634 = tpu.vector_load %arg11[%get3A_632, %get3A_633] {strides = array<i32>} : memref<80x128xf32, #tpu.memory_space<vmem>>, vector<1x16xf32>,
        %get3A_635 = vector.shape_cast %get3A_634 : vector<1x16xf32> to vector<16xf32>
        %max3A_636 = arith.constant 0.000000e+00 : f32
        %max3A_637 = vector.broadcast %max3A_636 : f32 to vector<16xf32>
        %max3A_638 = arith.maximumf %get3A_635, %max3A_637 : vector<16xf32>
        %swap3A_639 = arith.index_cast %scan3A_631 : i32 to index
        %swap3A_640 = arith.constant 0 : index
        %swap3A_641 = tpu.vector_load %arg11[%swap3A_639, %swap3A_640] {strides = array<i32>} : memref<80x128xf32, #tpu.memory_space<vmem>>, vector<1x16xf32>,
        %swap3A_642 = vector.shape_cast %swap3A_641 : vector<1x16xf32> to vector<16xf32>
        %swap3A_643 = vector.shape_cast %max3A_638 : vector<16xf32> to vector<1x16xf32>
        tpu.vector_store %arg11[%swap3A_639, %swap3A_640], %swap3A_643 {strides = array<i32>} : memref<80x128xf32, #tpu.memory_space<vmem>>, vector<1x16xf32>,
        %get3A_644 = arith.index_cast %scan3A_631 : i32 to index
        %get3A_645 = arith.constant 16 : index
        %get3A_646 = tpu.vector_load %arg11[%get3A_644, %get3A_645] {strides = array<i32>} : memref<80x128xf32, #tpu.memory_space<vmem>>, vector<1x16xf32>,
        %get3A_647 = vector.shape_cast %get3A_646 : vector<1x16xf32> to vector<16xf32>
        %max3A_648 = arith.constant 0.000000e+00 : f32
        %max3A_649 = vector.broadcast %max3A_648 : f32 to vector<16xf32>
        %max3A_650 = arith.maximumf %get3A_647, %max3A_649 : vector<16xf32>
        %swap3A_651 = arith.index_cast %scan3A_631 : i32 to index
        %swap3A_652 = arith.constant 16 : index
        %swap3A_653 = tpu.vector_load %arg11[%swap3A_651, %swap3A_652] {strides = array<i32>} : memref<80x128xf32, #tpu.memory_space<vmem>>, vector<1x16xf32>,
        %swap3A_654 = vector.shape_cast %swap3A_653 : vector<1x16xf32> to vector<16xf32>
        %swap3A_655 = vector.shape_cast %max3A_650 : vector<16xf32> to vector<1x16xf32>
        tpu.vector_store %arg11[%swap3A_651, %swap3A_652], %swap3A_655 {strides = array<i32>} : memref<80x128xf32, #tpu.memory_space<vmem>>, vector<1x16xf32>,
        %get3A_656 = arith.index_cast %scan3A_631 : i32 to index
        %get3A_657 = arith.constant 32 : index
        %get3A_658 = tpu.vector_load %arg11[%get3A_656, %get3A_657] {strides = array<i32>} : memref<80x128xf32, #tpu.memory_space<vmem>>, vector<1x16xf32>,
        %get3A_659 = vector.shape_cast %get3A_658 : vector<1x16xf32> to vector<16xf32>
        %max3A_660 = arith.constant 0.000000e+00 : f32
        %max3A_661 = vector.broadcast %max3A_660 : f32 to vector<16xf32>
        %max3A_662 = arith.maximumf %get3A_659, %max3A_661 : vector<16xf32>
        %swap3A_663 = arith.index_cast %scan3A_631 : i32 to index
        %swap3A_664 = arith.constant 32 : index
        %swap3A_665 = tpu.vector_load %arg11[%swap3A_663, %swap3A_664] {strides = array<i32>} : memref<80x128xf32, #tpu.memory_space<vmem>>, vector<1x16xf32>,
        %swap3A_666 = vector.shape_cast %swap3A_665 : vector<1x16xf32> to vector<16xf32>
        %swap3A_667 = vector.shape_cast %max3A_662 : vector<16xf32> to vector<1x16xf32>
        tpu.vector_store %arg11[%swap3A_663, %swap3A_664], %swap3A_667 {strides = array<i32>} : memref<80x128xf32, #tpu.memory_space<vmem>>, vector<1x16xf32>,
        %get3A_668 = arith.index_cast %scan3A_631 : i32 to index
        %get3A_669 = arith.constant 48 : index
        %get3A_670 = tpu.vector_load %arg11[%get3A_668, %get3A_669] {strides = array<i32>} : memref<80x128xf32, #tpu.memory_space<vmem>>, vector<1x16xf32>,
        %get3A_671 = vector.shape_cast %get3A_670 : vector<1x16xf32> to vector<16xf32>
        %max3A_672 = arith.constant 0.000000e+00 : f32
        %max3A_673 = vector.broadcast %max3A_672 : f32 to vector<16xf32>
        %max3A_674 = arith.maximumf %get3A_671, %max3A_673 : vector<16xf32>
        %swap3A_675 = arith.index_cast %scan3A_631 : i32 to index
        %swap3A_676 = arith.constant 48 : index
        %swap3A_677 = tpu.vector_load %arg11[%swap3A_675, %swap3A_676] {strides = array<i32>} : memref<80x128xf32, #tpu.memory_space<vmem>>, vector<1x16xf32>,
        %swap3A_678 = vector.shape_cast %swap3A_677 : vector<1x16xf32> to vector<16xf32>
        %swap3A_679 = vector.shape_cast %max3A_674 : vector<16xf32> to vector<1x16xf32>
        tpu.vector_store %arg11[%swap3A_675, %swap3A_676], %swap3A_679 {strides = array<i32>} : memref<80x128xf32, #tpu.memory_space<vmem>>, vector<1x16xf32>,
        %get3A_680 = arith.index_cast %scan3A_631 : i32 to index
        %get3A_681 = arith.constant 64 : index
        %get3A_682 = tpu.vector_load %arg11[%get3A_680, %get3A_681] {strides = array<i32>} : memref<80x128xf32, #tpu.memory_space<vmem>>, vector<1x16xf32>,
        %get3A_683 = vector.shape_cast %get3A_682 : vector<1x16xf32> to vector<16xf32>
        %max3A_684 = arith.constant 0.000000e+00 : f32
        %max3A_685 = vector.broadcast %max3A_684 : f32 to vector<16xf32>
        %max3A_686 = arith.maximumf %get3A_683, %max3A_685 : vector<16xf32>
        %swap3A_687 = arith.index_cast %scan3A_631 : i32 to index
        %swap3A_688 = arith.constant 64 : index
        %swap3A_689 = tpu.vector_load %arg11[%swap3A_687, %swap3A_688] {strides = array<i32>} : memref<80x128xf32, #tpu.memory_space<vmem>>, vector<1x16xf32>,
        %swap3A_690 = vector.shape_cast %swap3A_689 : vector<1x16xf32> to vector<16xf32>
        %swap3A_691 = vector.shape_cast %max3A_686 : vector<16xf32> to vector<1x16xf32>
        tpu.vector_store %arg11[%swap3A_687, %swap3A_688], %swap3A_691 {strides = array<i32>} : memref<80x128xf32, #tpu.memory_space<vmem>>, vector<1x16xf32>,
        %get3A_692 = arith.index_cast %scan3A_631 : i32 to index
        %get3A_693 = arith.constant 80 : index
        %get3A_694 = tpu.vector_load %arg11[%get3A_692, %get3A_693] {strides = array<i32>} : memref<80x128xf32, #tpu.memory_space<vmem>>, vector<1x16xf32>,
        %get3A_695 = vector.shape_cast %get3A_694 : vector<1x16xf32> to vector<16xf32>
        %max3A_696 = arith.constant 0.000000e+00 : f32
        %max3A_697 = vector.broadcast %max3A_696 : f32 to vector<16xf32>
        %max3A_698 = arith.maximumf %get3A_695, %max3A_697 : vector<16xf32>
        %swap3A_699 = arith.index_cast %scan3A_631 : i32 to index
        %swap3A_700 = arith.constant 80 : index
        %swap3A_701 = tpu.vector_load %arg11[%swap3A_699, %swap3A_700] {strides = array<i32>} : memref<80x128xf32, #tpu.memory_space<vmem>>, vector<1x16xf32>,
        %swap3A_702 = vector.shape_cast %swap3A_701 : vector<1x16xf32> to vector<16xf32>
        %swap3A_703 = vector.shape_cast %max3A_698 : vector<16xf32> to vector<1x16xf32>
        tpu.vector_store %arg11[%swap3A_699, %swap3A_700], %swap3A_703 {strides = array<i32>} : memref<80x128xf32, #tpu.memory_space<vmem>>, vector<1x16xf32>,
        %get3A_704 = arith.index_cast %scan3A_631 : i32 to index
        %get3A_705 = arith.constant 96 : index
        %get3A_706 = tpu.vector_load %arg11[%get3A_704, %get3A_705] {strides = array<i32>} : memref<80x128xf32, #tpu.memory_space<vmem>>, vector<1x16xf32>,
        %get3A_707 = vector.shape_cast %get3A_706 : vector<1x16xf32> to vector<16xf32>
        %max3A_708 = arith.constant 0.000000e+00 : f32
        %max3A_709 = vector.broadcast %max3A_708 : f32 to vector<16xf32>
        %max3A_710 = arith.maximumf %get3A_707, %max3A_709 : vector<16xf32>
        %swap3A_711 = arith.index_cast %scan3A_631 : i32 to index
        %swap3A_712 = arith.constant 96 : index
        %swap3A_713 = tpu.vector_load %arg11[%swap3A_711, %swap3A_712] {strides = array<i32>} : memref<80x128xf32, #tpu.memory_space<vmem>>, vector<1x16xf32>,
        %swap3A_714 = vector.shape_cast %swap3A_713 : vector<1x16xf32> to vector<16xf32>
        %swap3A_715 = vector.shape_cast %max3A_710 : vector<16xf32> to vector<1x16xf32>
        tpu.vector_store %arg11[%swap3A_711, %swap3A_712], %swap3A_715 {strides = array<i32>} : memref<80x128xf32, #tpu.memory_space<vmem>>, vector<1x16xf32>,
        %get3A_716 = arith.index_cast %scan3A_631 : i32 to index
        %get3A_717 = arith.constant 112 : index
        %get3A_718 = tpu.vector_load %arg11[%get3A_716, %get3A_717] {strides = array<i32>} : memref<80x128xf32, #tpu.memory_space<vmem>>, vector<1x16xf32>,
        %get3A_719 = vector.shape_cast %get3A_718 : vector<1x16xf32> to vector<16xf32>
        %max3A_720 = arith.constant 0.000000e+00 : f32
        %max3A_721 = vector.broadcast %max3A_720 : f32 to vector<16xf32>
        %max3A_722 = arith.maximumf %get3A_719, %max3A_721 : vector<16xf32>
        %swap3A_723 = arith.index_cast %scan3A_631 : i32 to index
        %swap3A_724 = arith.constant 112 : index
        %swap3A_725 = tpu.vector_load %arg11[%swap3A_723, %swap3A_724] {strides = array<i32>} : memref<80x128xf32, #tpu.memory_space<vmem>>, vector<1x16xf32>,
        %swap3A_726 = vector.shape_cast %swap3A_725 : vector<1x16xf32> to vector<16xf32>
        %swap3A_727 = vector.shape_cast %max3A_722 : vector<16xf32> to vector<1x16xf32>
        tpu.vector_store %arg11[%swap3A_723, %swap3A_724], %swap3A_727 {strides = array<i32>} : memref<80x128xf32, #tpu.memory_space<vmem>>, vector<1x16xf32>,
        %scan3A_728 = arith.constant 7 : i32
        %scan3A_729 = arith.addi %scan3A_46, %scan3A_728 : i32
        %get3A_730 = arith.index_cast %scan3A_729 : i32 to index
        %get3A_731 = arith.constant 0 : index
        %get3A_732 = tpu.vector_load %arg11[%get3A_730, %get3A_731] {strides = array<i32>} : memref<80x128xf32, #tpu.memory_space<vmem>>, vector<1x16xf32>,
        %get3A_733 = vector.shape_cast %get3A_732 : vector<1x16xf32> to vector<16xf32>
        %max3A_734 = arith.constant 0.000000e+00 : f32
        %max3A_735 = vector.broadcast %max3A_734 : f32 to vector<16xf32>
        %max3A_736 = arith.maximumf %get3A_733, %max3A_735 : vector<16xf32>
        %swap3A_737 = arith.index_cast %scan3A_729 : i32 to index
        %swap3A_738 = arith.constant 0 : index
        %swap3A_739 = tpu.vector_load %arg11[%swap3A_737, %swap3A_738] {strides = array<i32>} : memref<80x128xf32, #tpu.memory_space<vmem>>, vector<1x16xf32>,
        %swap3A_740 = vector.shape_cast %swap3A_739 : vector<1x16xf32> to vector<16xf32>
        %swap3A_741 = vector.shape_cast %max3A_736 : vector<16xf32> to vector<1x16xf32>
        tpu.vector_store %arg11[%swap3A_737, %swap3A_738], %swap3A_741 {strides = array<i32>} : memref<80x128xf32, #tpu.memory_space<vmem>>, vector<1x16xf32>,
        %get3A_742 = arith.index_cast %scan3A_729 : i32 to index
        %get3A_743 = arith.constant 16 : index
        %get3A_744 = tpu.vector_load %arg11[%get3A_742, %get3A_743] {strides = array<i32>} : memref<80x128xf32, #tpu.memory_space<vmem>>, vector<1x16xf32>,
        %get3A_745 = vector.shape_cast %get3A_744 : vector<1x16xf32> to vector<16xf32>
        %max3A_746 = arith.constant 0.000000e+00 : f32
        %max3A_747 = vector.broadcast %max3A_746 : f32 to vector<16xf32>
        %max3A_748 = arith.maximumf %get3A_745, %max3A_747 : vector<16xf32>
        %swap3A_749 = arith.index_cast %scan3A_729 : i32 to index
        %swap3A_750 = arith.constant 16 : index
        %swap3A_751 = tpu.vector_load %arg11[%swap3A_749, %swap3A_750] {strides = array<i32>} : memref<80x128xf32, #tpu.memory_space<vmem>>, vector<1x16xf32>,
        %swap3A_752 = vector.shape_cast %swap3A_751 : vector<1x16xf32> to vector<16xf32>
        %swap3A_753 = vector.shape_cast %max3A_748 : vector<16xf32> to vector<1x16xf32>
        tpu.vector_store %arg11[%swap3A_749, %swap3A_750], %swap3A_753 {strides = array<i32>} : memref<80x128xf32, #tpu.memory_space<vmem>>, vector<1x16xf32>,
        %get3A_754 = arith.index_cast %scan3A_729 : i32 to index
        %get3A_755 = arith.constant 32 : index
        %get3A_756 = tpu.vector_load %arg11[%get3A_754, %get3A_755] {strides = array<i32>} : memref<80x128xf32, #tpu.memory_space<vmem>>, vector<1x16xf32>,
        %get3A_757 = vector.shape_cast %get3A_756 : vector<1x16xf32> to vector<16xf32>
        %max3A_758 = arith.constant 0.000000e+00 : f32
        %max3A_759 = vector.broadcast %max3A_758 : f32 to vector<16xf32>
        %max3A_760 = arith.maximumf %get3A_757, %max3A_759 : vector<16xf32>
        %swap3A_761 = arith.index_cast %scan3A_729 : i32 to index
        %swap3A_762 = arith.constant 32 : index
        %swap3A_763 = tpu.vector_load %arg11[%swap3A_761, %swap3A_762] {strides = array<i32>} : memref<80x128xf32, #tpu.memory_space<vmem>>, vector<1x16xf32>,
        %swap3A_764 = vector.shape_cast %swap3A_763 : vector<1x16xf32> to vector<16xf32>
        %swap3A_765 = vector.shape_cast %max3A_760 : vector<16xf32> to vector<1x16xf32>
        tpu.vector_store %arg11[%swap3A_761, %swap3A_762], %swap3A_765 {strides = array<i32>} : memref<80x128xf32, #tpu.memory_space<vmem>>, vector<1x16xf32>,
        %get3A_766 = arith.index_cast %scan3A_729 : i32 to index
        %get3A_767 = arith.constant 48 : index
        %get3A_768 = tpu.vector_load %arg11[%get3A_766, %get3A_767] {strides = array<i32>} : memref<80x128xf32, #tpu.memory_space<vmem>>, vector<1x16xf32>,
        %get3A_769 = vector.shape_cast %get3A_768 : vector<1x16xf32> to vector<16xf32>
        %max3A_770 = arith.constant 0.000000e+00 : f32
        %max3A_771 = vector.broadcast %max3A_770 : f32 to vector<16xf32>
        %max3A_772 = arith.maximumf %get3A_769, %max3A_771 : vector<16xf32>
        %swap3A_773 = arith.index_cast %scan3A_729 : i32 to index
        %swap3A_774 = arith.constant 48 : index
        %swap3A_775 = tpu.vector_load %arg11[%swap3A_773, %swap3A_774] {strides = array<i32>} : memref<80x128xf32, #tpu.memory_space<vmem>>, vector<1x16xf32>,
        %swap3A_776 = vector.shape_cast %swap3A_775 : vector<1x16xf32> to vector<16xf32>
        %swap3A_777 = vector.shape_cast %max3A_772 : vector<16xf32> to vector<1x16xf32>
        tpu.vector_store %arg11[%swap3A_773, %swap3A_774], %swap3A_777 {strides = array<i32>} : memref<80x128xf32, #tpu.memory_space<vmem>>, vector<1x16xf32>,
        %get3A_778 = arith.index_cast %scan3A_729 : i32 to index
        %get3A_779 = arith.constant 64 : index
        %get3A_780 = tpu.vector_load %arg11[%get3A_778, %get3A_779] {strides = array<i32>} : memref<80x128xf32, #tpu.memory_space<vmem>>, vector<1x16xf32>,
        %get3A_781 = vector.shape_cast %get3A_780 : vector<1x16xf32> to vector<16xf32>
        %max3A_782 = arith.constant 0.000000e+00 : f32
        %max3A_783 = vector.broadcast %max3A_782 : f32 to vector<16xf32>
        %max3A_784 = arith.maximumf %get3A_781, %max3A_783 : vector<16xf32>
        %swap3A_785 = arith.index_cast %scan3A_729 : i32 to index
        %swap3A_786 = arith.constant 64 : index
        %swap3A_787 = tpu.vector_load %arg11[%swap3A_785, %swap3A_786] {strides = array<i32>} : memref<80x128xf32, #tpu.memory_space<vmem>>, vector<1x16xf32>,
        %swap3A_788 = vector.shape_cast %swap3A_787 : vector<1x16xf32> to vector<16xf32>
        %swap3A_789 = vector.shape_cast %max3A_784 : vector<16xf32> to vector<1x16xf32>
        tpu.vector_store %arg11[%swap3A_785, %swap3A_786], %swap3A_789 {strides = array<i32>} : memref<80x128xf32, #tpu.memory_space<vmem>>, vector<1x16xf32>,
        %get3A_790 = arith.index_cast %scan3A_729 : i32 to index
        %get3A_791 = arith.constant 80 : index
        %get3A_792 = tpu.vector_load %arg11[%get3A_790, %get3A_791] {strides = array<i32>} : memref<80x128xf32, #tpu.memory_space<vmem>>, vector<1x16xf32>,
        %get3A_793 = vector.shape_cast %get3A_792 : vector<1x16xf32> to vector<16xf32>
        %max3A_794 = arith.constant 0.000000e+00 : f32
        %max3A_795 = vector.broadcast %max3A_794 : f32 to vector<16xf32>
        %max3A_796 = arith.maximumf %get3A_793, %max3A_795 : vector<16xf32>
        %swap3A_797 = arith.index_cast %scan3A_729 : i32 to index
        %swap3A_798 = arith.constant 80 : index
        %swap3A_799 = tpu.vector_load %arg11[%swap3A_797, %swap3A_798] {strides = array<i32>} : memref<80x128xf32, #tpu.memory_space<vmem>>, vector<1x16xf32>,
        %swap3A_800 = vector.shape_cast %swap3A_799 : vector<1x16xf32> to vector<16xf32>
        %swap3A_801 = vector.shape_cast %max3A_796 : vector<16xf32> to vector<1x16xf32>
        tpu.vector_store %arg11[%swap3A_797, %swap3A_798], %swap3A_801 {strides = array<i32>} : memref<80x128xf32, #tpu.memory_space<vmem>>, vector<1x16xf32>,
        %get3A_802 = arith.index_cast %scan3A_729 : i32 to index
        %get3A_803 = arith.constant 96 : index
        %get3A_804 = tpu.vector_load %arg11[%get3A_802, %get3A_803] {strides = array<i32>} : memref<80x128xf32, #tpu.memory_space<vmem>>, vector<1x16xf32>,
        %get3A_805 = vector.shape_cast %get3A_804 : vector<1x16xf32> to vector<16xf32>
        %max3A_806 = arith.constant 0.000000e+00 : f32
        %max3A_807 = vector.broadcast %max3A_806 : f32 to vector<16xf32>
        %max3A_808 = arith.maximumf %get3A_805, %max3A_807 : vector<16xf32>
        %swap3A_809 = arith.index_cast %scan3A_729 : i32 to index
        %swap3A_810 = arith.constant 96 : index
        %swap3A_811 = tpu.vector_load %arg11[%swap3A_809, %swap3A_810] {strides = array<i32>} : memref<80x128xf32, #tpu.memory_space<vmem>>, vector<1x16xf32>,
        %swap3A_812 = vector.shape_cast %swap3A_811 : vector<1x16xf32> to vector<16xf32>
        %swap3A_813 = vector.shape_cast %max3A_808 : vector<16xf32> to vector<1x16xf32>
        tpu.vector_store %arg11[%swap3A_809, %swap3A_810], %swap3A_813 {strides = array<i32>} : memref<80x128xf32, #tpu.memory_space<vmem>>, vector<1x16xf32>,
        %get3A_814 = arith.index_cast %scan3A_729 : i32 to index
        %get3A_815 = arith.constant 112 : index
        %get3A_816 = tpu.vector_load %arg11[%get3A_814, %get3A_815] {strides = array<i32>} : memref<80x128xf32, #tpu.memory_space<vmem>>, vector<1x16xf32>,
        %get3A_817 = vector.shape_cast %get3A_816 : vector<1x16xf32> to vector<16xf32>
        %max3A_818 = arith.constant 0.000000e+00 : f32
        %max3A_819 = vector.broadcast %max3A_818 : f32 to vector<16xf32>
        %max3A_820 = arith.maximumf %get3A_817, %max3A_819 : vector<16xf32>
        %swap3A_821 = arith.index_cast %scan3A_729 : i32 to index
        %swap3A_822 = arith.constant 112 : index
        %swap3A_823 = tpu.vector_load %arg11[%swap3A_821, %swap3A_822] {strides = array<i32>} : memref<80x128xf32, #tpu.memory_space<vmem>>, vector<1x16xf32>,
        %swap3A_824 = vector.shape_cast %swap3A_823 : vector<1x16xf32> to vector<16xf32>
        %swap3A_825 = vector.shape_cast %max3A_820 : vector<16xf32> to vector<1x16xf32>
        tpu.vector_store %arg11[%swap3A_821, %swap3A_822], %swap3A_825 {strides = array<i32>} : memref<80x128xf32, #tpu.memory_space<vmem>>, vector<1x16xf32>,
      }
      %scan3A_32 = arith.constant 80 : i32
      %dma_start3A_33 = arith.constant 17 : i32
      %dma_start3A_34 = arith.constant 0 : i32
      %dma_start3A_35 = tpu.memref_slice %arg8[%dma_start3A_33, %dma_start3A_34] : memref<18x80xi32, #tpu.memory_space<vmem>> -> memref<1x80xi32, #tpu.memory_space<vmem>>
      %dma_start3A_36 = tpu.memref_squeeze %dma_start3A_35 : memref<1x80xi32, #tpu.memory_space<vmem>> -> memref<80xi32, #tpu.memory_space<vmem>>
      %dma_start3A_37 = arith.constant 0 : i32
      %dma_start3A_38 = arith.constant 0 : i32
      %dma_start3A_39 = tpu.memref_slice %arg12[%dma_start3A_37, %dma_start3A_38] : memref<10112x128xf32, #tpu.memory_space<vmem_shared>> -> memref<10112x128xf32, #tpu.memory_space<vmem_shared>>
      tpu.enqueue_indirect_dma source(%arg11 : memref<80x128xf32, #tpu.memory_space<vmem>>) target(%dma_start3A_39 : memref<10112x128xf32, #tpu.memory_space<vmem_shared>>) offsets(%dma_start3A_36 : memref<80xi32, #tpu.memory_space<vmem>>) semaphore(%arg17 : memref<!tpu.dma_semaphore, #tpu.memory_space<semaphore_mem>>) {add = true}
      %dma_wait3A_40 = arith.constant 0 : i32
      %dma_wait3A_41 = arith.constant 0 : i32
      %dma_wait3A_42 = tpu.memref_slice %arg2[%dma_wait3A_40, %dma_wait3A_41] : memref<10112x128xf32, #tpu.memory_space<hbm>> -> memref<80x128xf32, #tpu.memory_space<hbm>>
      %dma_wait3A_43 = arith.constant 0 : i32
      %dma_wait3A_44 = arith.constant 0 : i32
      %dma_wait3A_45 = tpu.memref_slice %arg2[%dma_wait3A_43, %dma_wait3A_44] : memref<10112x128xf32, #tpu.memory_space<hbm>> -> memref<80x128xf32, #tpu.memory_space<hbm>>
      tpu.wait_dma2 semaphore(%arg17 : memref<!tpu.dma_semaphore, #tpu.memory_space<semaphore_mem>>) src(%dma_wait3A_45 : memref<80x128xf32, #tpu.memory_space<hbm>>) dst(%arg11 : memref<80x128xf32, #tpu.memory_space<vmem>>)
    }
    %scan3A_7 = arith.constant 7 : i32
    %barrier3A_8 = arith.constant 0 : index
    tpu.barrier barrier_id(%barrier3A_8)
    "tpu.region"() ({
      %run_scoped3A = tpu.sem_alloc : memref<!tpu.dma_semaphore, #tpu.memory_space<semaphore_mem>>
      %dma_start3A = arith.constant 0 : i32
      %dma_start3A_9 = tpu.memref_slice %arg7[%arg0, %mul3A_2, %dma_start3A] : memref<2x10112x128xf32, #tpu.memory_space<hbm>> -> memref<1x632x128xf32, #tpu.memory_space<hbm>>
      %dma_start3A_10 = tpu.memref_squeeze %dma_start3A_9 : memref<1x632x128xf32, #tpu.memory_space<hbm>> -> memref<632x128xf32, #tpu.memory_space<hbm>>
      %dma_start3A_11 = arith.constant 0 : i32
      %dma_start3A_12 = tpu.memref_slice %arg12[%mul3A_2, %dma_start3A_11] : memref<10112x128xf32, #tpu.memory_space<vmem_shared>> -> memref<632x128xf32, #tpu.memory_space<vmem_shared>>
      tpu.enqueue_dma source(%dma_start3A_12 : memref<632x128xf32, #tpu.memory_space<vmem_shared>>) target(%dma_start3A_10 : memref<632x128xf32, #tpu.memory_space<hbm>>) target_semaphore(%run_scoped3A : memref<!tpu.dma_semaphore, #tpu.memory_space<semaphore_mem>>)
      %dma_wait3A = arith.constant 0 : i32
      %dma_wait3A_13 = tpu.memref_slice %arg7[%arg0, %mul3A_2, %dma_wait3A] : memref<2x10112x128xf32, #tpu.memory_space<hbm>> -> memref<1x632x128xf32, #tpu.memory_space<hbm>>
      %dma_wait3A_14 = tpu.memref_squeeze %dma_wait3A_13 : memref<1x632x128xf32, #tpu.memory_space<hbm>> -> memref<632x128xf32, #tpu.memory_space<hbm>>
      %dma_wait3A_15 = arith.constant 0 : i32
      %dma_wait3A_16 = tpu.memref_slice %arg12[%mul3A_2, %dma_wait3A_15] : memref<10112x128xf32, #tpu.memory_space<vmem_shared>> -> memref<632x128xf32, #tpu.memory_space<vmem_shared>>
      tpu.wait_dma2 semaphore(%run_scoped3A : memref<!tpu.dma_semaphore, #tpu.memory_space<semaphore_mem>>) src(%dma_wait3A_16 : memref<632x128xf32, #tpu.memory_space<vmem_shared>>) dst(%dma_wait3A_14 : memref<632x128xf32, #tpu.memory_space<hbm>>)
      tpu.yield
    }) : () -> ()
    return
  }
}

module attributes {stable_mosaic.version = 14 : i64} {
  func.func @_pre_mm_kernel(%arg0: i32, %arg1: memref<1264x128xf32, #tpu.memory_space<vmem>>, %arg2: memref<1264x128xf32, #tpu.memory_space<vmem>>, %arg3: memref<128x128xf32, #tpu.memory_space<vmem>>, %arg4: memref<128x128xf32, #tpu.memory_space<vmem>>, %arg5: memref<1x128xf32, #tpu.memory_space<vmem>>, %arg6: memref<1264x128xf32, #tpu.memory_space<vmem>>, %arg7: memref<1264x128xf32, #tpu.memory_space<vmem>>) attributes {dimension_semantics = [#tpu.dimension_semantics<arbitrary>], iteration_bounds = array<i64: 8>, scalar_prefetch = 0 : i64, scratch_operands = 0 : i64, tpu.core_type = #tpu.core_type<tc>, window_params = [{transform_indices = @transform_0, window_bounds = array<i64: 1264, 128>}, {transform_indices = @transform_1, window_bounds = array<i64: 1264, 128>}, {pipeline_mode = #tpu.pipeline_mode<synchronous>, transform_indices = @transform_2, window_bounds = array<i64: 128, 128>}, {pipeline_mode = #tpu.pipeline_mode<synchronous>, transform_indices = @transform_3, window_bounds = array<i64: 128, 128>}, {pipeline_mode = #tpu.pipeline_mode<synchronous>, transform_indices = @transform_4, window_bounds = array<i64: 1, 128>}, {transform_indices = @transform_5, window_bounds = array<i64: 1264, 128>}, {transform_indices = @transform_6, window_bounds = array<i64: 1264, 128>}]} {
    %get3A = arith.constant 0 : index
    %get3A_0 = arith.constant 0 : index
    %get3A_1 = vector.load %arg1[%get3A, %get3A_0] : memref<1264x128xf32, #tpu.memory_space<vmem>>, vector<1264x128xf32>
    %get3A_2 = arith.constant 0 : index
    %get3A_3 = arith.constant 0 : index
    %get3A_4 = vector.load %arg3[%get3A_2, %get3A_3] : memref<128x128xf32, #tpu.memory_space<vmem>>, vector<128x128xf32>
    %dot_general3A = arith.constant dense<0.000000e+00> : vector<1264x128xf32>
    %dot_general3A_5 = tpu.matmul %get3A_1, %get3A_4, %dot_general3A {dimension_numbers = #tpu.dot_dimension_numbers<[1], [0], [0], [1], [0, 0, 1, 1], [], []>, transpose_lhs_hint = false} : vector<1264x128xf32>, vector<128x128xf32>, vector<1264x128xf32> -> vector<1264x128xf32>
    %get3A_6 = arith.constant 0 : index
    %get3A_7 = arith.constant 0 : index
    %get3A_8 = vector.load %arg5[%get3A_6, %get3A_7] : memref<1x128xf32, #tpu.memory_space<vmem>>, vector<1x128xf32>
    %add3A = vector.broadcast %get3A_8 : vector<1x128xf32> to vector<1264x128xf32>
    %add3A_9 = arith.addf %dot_general3A_5, %add3A : vector<1264x128xf32>
    %swap3A = arith.constant 0 : index
    %swap3A_10 = arith.constant 0 : index
    %swap3A_11 = vector.load %arg6[%swap3A, %swap3A_10] : memref<1264x128xf32, #tpu.memory_space<vmem>>, vector<1264x128xf32>
    tpu.vector_store %arg6[%swap3A, %swap3A_10], %add3A_9 {strides = array<i32>} : memref<1264x128xf32, #tpu.memory_space<vmem>>, vector<1264x128xf32>,
    %get3A_12 = arith.constant 0 : index
    %get3A_13 = arith.constant 0 : index
    %get3A_14 = vector.load %arg2[%get3A_12, %get3A_13] : memref<1264x128xf32, #tpu.memory_space<vmem>>, vector<1264x128xf32>
    %get3A_15 = arith.constant 0 : index
    %get3A_16 = arith.constant 0 : index
    %get3A_17 = vector.load %arg4[%get3A_15, %get3A_16] : memref<128x128xf32, #tpu.memory_space<vmem>>, vector<128x128xf32>
    %dot_general3A_18 = arith.constant dense<0.000000e+00> : vector<1264x128xf32>
    %dot_general3A_19 = tpu.matmul %get3A_14, %get3A_17, %dot_general3A_18 {dimension_numbers = #tpu.dot_dimension_numbers<[1], [0], [0], [1], [0, 0, 1, 1], [], []>, transpose_lhs_hint = false} : vector<1264x128xf32>, vector<128x128xf32>, vector<1264x128xf32> -> vector<1264x128xf32>
    %swap3A_20 = arith.constant 0 : index
    %swap3A_21 = arith.constant 0 : index
    %swap3A_22 = vector.load %arg7[%swap3A_20, %swap3A_21] : memref<1264x128xf32, #tpu.memory_space<vmem>>, vector<1264x128xf32>
    tpu.vector_store %arg7[%swap3A_20, %swap3A_21], %dot_general3A_19 {strides = array<i32>} : memref<1264x128xf32, #tpu.memory_space<vmem>>, vector<1264x128xf32>,
    return
  }
  func.func @transform_0(%arg0: i32) -> (i32, i32) {
    %c0_i32 = arith.constant 0 : i32
    %c0_i32_0 = arith.constant 0 : i32
    return %arg0, %c0_i32 : i32, i32
  }
  func.func @transform_1(%arg0: i32) -> (i32, i32) {
    %c0_i32 = arith.constant 0 : i32
    %c0_i32_0 = arith.constant 0 : i32
    return %arg0, %c0_i32 : i32, i32
  }
  func.func @transform_2(%arg0: i32) -> (i32, i32) {
    %c0_i32 = arith.constant 0 : i32
    %c0_i32_0 = arith.constant 0 : i32
    %c0_i32_1 = arith.constant 0 : i32
    return %c0_i32, %c0_i32_0 : i32, i32
  }
  func.func @transform_3(%arg0: i32) -> (i32, i32) {
    %c0_i32 = arith.constant 0 : i32
    %c0_i32_0 = arith.constant 0 : i32
    %c0_i32_1 = arith.constant 0 : i32
    return %c0_i32, %c0_i32_0 : i32, i32
  }
  func.func @transform_4(%arg0: i32) -> (i32, i32) {
    %c0_i32 = arith.constant 0 : i32
    %c0_i32_0 = arith.constant 0 : i32
    %c0_i32_1 = arith.constant 0 : i32
    return %c0_i32, %c0_i32_0 : i32, i32
  }
  func.func @transform_5(%arg0: i32) -> (i32, i32) {
    %c0_i32 = arith.constant 0 : i32
    %c0_i32_0 = arith.constant 0 : i32
    return %arg0, %c0_i32 : i32, i32
  }
  func.func @transform_6(%arg0: i32) -> (i32, i32) {
    %c0_i32 = arith.constant 0 : i32
    %c0_i32_0 = arith.constant 0 : i32
    return %arg0, %c0_i32 : i32, i32
  }
}

module attributes {stable_mosaic.version = 14 : i64} {
  func.func @_comb_mm_kernel(%arg0: i32, %arg1: memref<2000x128xf32, #tpu.memory_space<vmem>>, %arg2: memref<2000x128xf32, #tpu.memory_space<vmem>>, %arg3: memref<2000x128xf32, #tpu.memory_space<vmem>>, %arg4: memref<128x128xf32, #tpu.memory_space<vmem>>, %arg5: memref<128x128xf32, #tpu.memory_space<vmem>>, %arg6: memref<1x128xf32, #tpu.memory_space<vmem>>, %arg7: memref<2000x128xf32, #tpu.memory_space<vmem>>) attributes {dimension_semantics = [#tpu.dimension_semantics<arbitrary>], iteration_bounds = array<i64: 5>, scalar_prefetch = 0 : i64, scratch_operands = 0 : i64, tpu.core_type = #tpu.core_type<tc>, window_params = [{transform_indices = @transform_0, window_bounds = array<i64: 2000, 128>}, {transform_indices = @transform_1, window_bounds = array<i64: 2000, 128>}, {transform_indices = @transform_2, window_bounds = array<i64: 2000, 128>}, {pipeline_mode = #tpu.pipeline_mode<synchronous>, transform_indices = @transform_3, window_bounds = array<i64: 128, 128>}, {pipeline_mode = #tpu.pipeline_mode<synchronous>, transform_indices = @transform_4, window_bounds = array<i64: 128, 128>}, {pipeline_mode = #tpu.pipeline_mode<synchronous>, transform_indices = @transform_5, window_bounds = array<i64: 1, 128>}, {transform_indices = @transform_6, window_bounds = array<i64: 2000, 128>}]} {
    %get3A = arith.constant 0 : index
    %get3A_0 = arith.constant 0 : index
    %get3A_1 = vector.load %arg2[%get3A, %get3A_0] : memref<2000x128xf32, #tpu.memory_space<vmem>>, vector<2000x128xf32>
    %get3A_2 = arith.constant 0 : index
    %get3A_3 = arith.constant 0 : index
    %get3A_4 = vector.load %arg3[%get3A_2, %get3A_3] : memref<2000x128xf32, #tpu.memory_space<vmem>>, vector<2000x128xf32>
    %add3A = arith.addf %get3A_1, %get3A_4 : vector<2000x128xf32>
    %get3A_5 = arith.constant 0 : index
    %get3A_6 = arith.constant 0 : index
    %get3A_7 = vector.load %arg1[%get3A_5, %get3A_6] : memref<2000x128xf32, #tpu.memory_space<vmem>>, vector<2000x128xf32>
    %get3A_8 = arith.constant 0 : index
    %get3A_9 = arith.constant 0 : index
    %get3A_10 = vector.load %arg4[%get3A_8, %get3A_9] : memref<128x128xf32, #tpu.memory_space<vmem>>, vector<128x128xf32>
    %dot_general3A = arith.constant dense<0.000000e+00> : vector<2000x128xf32>
    %dot_general3A_11 = tpu.matmul %get3A_7, %get3A_10, %dot_general3A {dimension_numbers = #tpu.dot_dimension_numbers<[1], [0], [0], [1], [0, 0, 1, 1], [], []>, transpose_lhs_hint = false} : vector<2000x128xf32>, vector<128x128xf32>, vector<2000x128xf32> -> vector<2000x128xf32>
    %get3A_12 = arith.constant 0 : index
    %get3A_13 = arith.constant 0 : index
    %get3A_14 = vector.load %arg5[%get3A_12, %get3A_13] : memref<128x128xf32, #tpu.memory_space<vmem>>, vector<128x128xf32>
    %dot_general3A_15 = arith.constant dense<0.000000e+00> : vector<2000x128xf32>
    %dot_general3A_16 = tpu.matmul %add3A, %get3A_14, %dot_general3A_15 {dimension_numbers = #tpu.dot_dimension_numbers<[1], [0], [0], [1], [0, 0, 1, 1], [], []>, transpose_lhs_hint = false} : vector<2000x128xf32>, vector<128x128xf32>, vector<2000x128xf32> -> vector<2000x128xf32>
    %add3A_17 = arith.addf %dot_general3A_11, %dot_general3A_16 : vector<2000x128xf32>
    %get3A_18 = arith.constant 0 : index
    %get3A_19 = arith.constant 0 : index
    %get3A_20 = vector.load %arg6[%get3A_18, %get3A_19] : memref<1x128xf32, #tpu.memory_space<vmem>>, vector<1x128xf32>
    %add3A_21 = vector.broadcast %get3A_20 : vector<1x128xf32> to vector<2000x128xf32>
    %add3A_22 = arith.addf %add3A_17, %add3A_21 : vector<2000x128xf32>
    %get3A_23 = arith.constant 0 : index
    %get3A_24 = arith.constant 0 : index
    %get3A_25 = vector.load %arg1[%get3A_23, %get3A_24] : memref<2000x128xf32, #tpu.memory_space<vmem>>, vector<2000x128xf32>
    %max3A = arith.constant 0.000000e+00 : f32
    %max3A_26 = vector.broadcast %max3A : f32 to vector<2000x128xf32>
    %max3A_27 = arith.maximumf %add3A_22, %max3A_26 : vector<2000x128xf32>
    %add3A_28 = arith.addf %get3A_25, %max3A_27 : vector<2000x128xf32>
    %swap3A = arith.constant 0 : index
    %swap3A_29 = arith.constant 0 : index
    %swap3A_30 = vector.load %arg7[%swap3A, %swap3A_29] : memref<2000x128xf32, #tpu.memory_space<vmem>>, vector<2000x128xf32>
    tpu.vector_store %arg7[%swap3A, %swap3A_29], %add3A_28 {strides = array<i32>} : memref<2000x128xf32, #tpu.memory_space<vmem>>, vector<2000x128xf32>,
    return
  }
  func.func @transform_0(%arg0: i32) -> (i32, i32) {
    %c0_i32 = arith.constant 0 : i32
    %c0_i32_0 = arith.constant 0 : i32
    return %arg0, %c0_i32 : i32, i32
  }
  func.func @transform_1(%arg0: i32) -> (i32, i32) {
    %c0_i32 = arith.constant 0 : i32
    %c0_i32_0 = arith.constant 0 : i32
    return %arg0, %c0_i32 : i32, i32
  }
  func.func @transform_2(%arg0: i32) -> (i32, i32) {
    %c0_i32 = arith.constant 0 : i32
    %c0_i32_0 = arith.constant 0 : i32
    return %arg0, %c0_i32 : i32, i32
  }
  func.func @transform_3(%arg0: i32) -> (i32, i32) {
    %c0_i32 = arith.constant 0 : i32
    %c0_i32_0 = arith.constant 0 : i32
    %c0_i32_1 = arith.constant 0 : i32
    return %c0_i32, %c0_i32_0 : i32, i32
  }
  func.func @transform_4(%arg0: i32) -> (i32, i32) {
    %c0_i32 = arith.constant 0 : i32
    %c0_i32_0 = arith.constant 0 : i32
    %c0_i32_1 = arith.constant 0 : i32
    return %c0_i32, %c0_i32_0 : i32, i32
  }
  func.func @transform_5(%arg0: i32) -> (i32, i32) {
    %c0_i32 = arith.constant 0 : i32
    %c0_i32_0 = arith.constant 0 : i32
    %c0_i32_1 = arith.constant 0 : i32
    return %c0_i32, %c0_i32_0 : i32, i32
  }
  func.func @transform_6(%arg0: i32) -> (i32, i32) {
    %c0_i32 = arith.constant 0 : i32
    %c0_i32_0 = arith.constant 0 : i32
    return %arg0, %c0_i32 : i32, i32
  }
}

</mosaic_0001>

<sc_bundles>
// kernel: kernel.5.cloned.1.call-start
scs
__scs_entry_jumppad:
0x0: {  	(pc) =	sbr.rel $0x88, $3  }
0x1: {  	(tag) =	ssettag $0x0;
	lr =	simm.s32 $0x1  }
0x2: {  	[smem:$0x3F99] =	sst lr;
	_ =	strace $0xD0000000  }
0x3: {  	_ = 	snop  }
0x4: {  	_ = 	snop  }
0x5: {  	_ = 	snop  }
0x6: {  	_ = 	snop  }
0x7: {  	_ = 	snop  }
__scs_overlays_trampoline_lowered:
0x8: {  	[smem:$0x3FA8] =	sst s0  }
0x9: {  	[smem:$0x3FA9] =	sst s1  }
0xa: {  	[smem:$0x3FAA] =	sst s2  }
0xb: {  	[smem:$0x3FAB] =	sst s3  }
0xc: {  	[smem:$0x3FAC] =	sst s4  }
0xd: {  	[smem:$0x3FAD] =	sst s5  }
0xe: {  	[smem:$0x3FAE] =	sst s6  }
0xf: {  	[smem:$0x3FAF] =	sst s7  }
0x10: {  	[smem:$0x3FB0] =	sst s8  }
0x11: {  	[smem:$0x3FB1] =	sst s9;
	s0 =	simm.s32 @!p0 $0x0  }
0x12: {  	s1 =	sld [smem:$0x3F97];
	s0 =	simm.s32 @p0 $0x1  }
0x13: {  	[smem:$0x3FB2] =	sst s0;
	s0 =	simm.s32 @!p1 $0x0  }
0x14: {  	s2 =	sld [smem:$0x3F96];
	s0 =	simm.s32 @p1 $0x1  }
0x15: {  	[smem:$0x3FB3] =	sst s0;
	s0 =	simm.s32 @!p2 $0x0  }
0x16: {  	s3 =	sld [smem:$0x3FDB];
	s0 =	simm.s32 @p2 $0x1  }
0x17: {  	s4 =	simm.s32 $0x1BF5;
	[smem:$0x3FB5] =	sst s0  }
0x18: {  	s0 =	sld [smem:$0x3F98];
	_ =	swait.ge [sflag:s4], $0x0  }
0x19: {  	s7 =	sld [smem:$0x3F99]  }
0x1a: {  	s8 =	sadd.s32 $0xFFFFE003, lr  }
0x1b: {  	s9 =	sadd.s32 $0xFFFFFEF7, lr;
	s5 =	simm.s32 $0xFFFFFFFF;
	p2 =	slt.u32 s8, $0xFFFFF086  }
0x1c: {  	p1 =	slt.u32 s9, $0xF7A;
	s5 =	simm.s32 @!p2 $0x0  }
0x1d: {  	s5 =	simm.s32 @p1 $0x1;
	p0 =	seq.s32 s7, s2  }
0x1e: {  	s7 =	smul.u32 @!p0 $0xF7A, s2;
	p2 =	seq.s32 @!p0 s5, $0x0  }
0x1f: {  	s9 =	smul.u32 $0xF7A, s1;
	s8 =	simm.s32 @!p0 $0x1BF5;
	p2 =	por !p2, p0  }
0x20: {  	[sflag:s8] =	ssyncset.s32 @!p0 $0xFFFFF086;
	s6 =	sadd.s32 @!p0 s3, s7;
	s7 =	simm.s32 @!p0 $0x108  }
0x21: {  	s3 =	sadd.s32 s3, s9;
	s6 =	sadd.s32 @!p0 $0x88, s6;
	s7 =	simm.s32 @p2 $0x1082  }
0x22: {  	[simem:s7], [sflag:s8] =	dma.local @!p0 [hbm:s6], $0xF7A  }
0x23: {  	s9 =	sor.u32 $0xD0000000, s2;
	s6 =	simm.s32 $0x108;
	_ =	swait.ge @!p0 [sflag:s8], $0x0  }
0x24: {  	s3 =	sadd.s32 $0x88, s3;
	s6 =	simm.s32 @!p1 $0x1082;
	[sflag:s4] =	ssyncset.s32 $0xFFFFF086  }
0x25: {  	[simem:s6], [sflag:s4] =	dma.local [hbm:s3], $0xF7A  }
0x26: {  	[smem:$0x3F99] =	sst s1;
	(tag) =	ssettag s2;
	_ =	strace s9  }
0x27: {  	s1 =	sld [smem:$0x3FA9]  }
0x28: {  	s2 =	sld [smem:$0x3FAA]  }
0x29: {  	s4 =	sld [smem:$0x3FAC]  }
0x2a: {  	p0 =	seq.s32 s5, $0x0;
	s5 =	sld [smem:$0x3FAD]  }
0x2b: {  	s6 =	sld [smem:$0x3FAE]  }
0x2c: {  	s7 =	sld [smem:$0x3FAF]  }
0x2d: {  	s3 =	simm.s32 $0x108;
	s8 =	sld [smem:$0x3FB0]  }
0x2e: {  	s3 =	simm.s32 @!p0 $0x1082;
	s9 =	sld [smem:$0x3FB1]  }
0x2f: {  	lr =	sadd.s32 s0, s3;
	s0 =	sld [smem:$0x3FA8]  }
0x30: {  	s3 =	sld [smem:$0x3FAB]  }
0x31: {  	[smem:$0x3FB4] =	sst s10  }
0x32: {  	s10 =	sld [smem:$0x3FB2];
	_ =	sdelay $0x3  }
0x33: {  	p0 =	seq.s32 s10, $0x1;
	s10 =	sld [smem:$0x3FB4];
	_ =	sdelay $0x3  }
0x34: {  	[smem:$0x3FB4] =	sst s10  }
0x35: {  	s10 =	sld [smem:$0x3FB3];
	_ =	sdelay $0x3  }
0x36: {  	p1 =	seq.s32 s10, $0x1;
	s10 =	sld [smem:$0x3FB4];
	_ =	sdelay $0x3  }
0x37: {  	[smem:$0x3FB4] =	sst s10  }
0x38: {  	s10 =	sld [smem:$0x3FB5]  }
0x39: {  	_ = 	snop;
	(pc) =	sbr.ind lr, $3  }
0x3a: {  	_ = 	snop  }
0x3b: {  	_ = 	snop  }
0x3c: {  	p2 =	seq.s32 s10, $0x1;
	s10 =	sld [smem:$0x3FB4]  }
0x3d: {  	_ =	shalt  }
0x3e: {  	_ =	shalt  }
0x3f: {  	_ =	shalt  }
0x40: {  	_ =	shalt  }
0x41: {  	_ =	shalt  }
0x42: {  	_ =	shalt  }
0x43: {  	_ =	shalt  }
0x44: {  	_ =	shalt  }
0x45: {  	_ =	shalt  }
0x46: {  	_ =	shalt  }
0x47: {  	_ =	shalt  }
0x48: {  	_ =	shalt  }
0x49: {  	_ =	shalt  }
0x4a: {  	_ =	shalt  }
0x4b: {  	_ =	shalt  }
0x4c: {  	_ =	shalt  }
0x4d: {  	_ =	shalt  }
0x4e: {  	_ =	shalt  }
0x4f: {  	_ =	shalt  }
0x50: {  	_ =	shalt  }
0x51: {  	_ =	shalt  }
0x52: {  	_ =	shalt  }
0x53: {  	_ =	shalt  }
0x54: {  	_ =	shalt  }
0x55: {  	_ =	shalt  }
0x56: {  	_ =	shalt  }
0x57: {  	_ =	shalt  }
0x58: {  	_ =	shalt  }
0x59: {  	_ =	shalt  }
0x5a: {  	_ =	shalt  }
0x5b: {  	_ =	shalt  }
0x5c: {  	_ =	shalt  }
0x5d: {  	_ =	shalt  }
0x5e: {  	_ =	shalt  }
0x5f: {  	_ =	shalt  }
0x60: {  	_ =	shalt  }
0x61: {  	_ =	shalt  }
0x62: {  	_ =	shalt  }
0x63: {  	_ =	shalt  }
0x64: {  	_ =	shalt  }
0x65: {  	_ =	shalt  }
0x66: {  	_ =	shalt  }
0x67: {  	_ =	shalt  }
0x68: {  	_ =	shalt  }
0x69: {  	_ =	shalt  }
0x6a: {  	_ =	shalt  }
0x6b: {  	_ =	shalt  }
0x6c: {  	_ =	shalt  }
0x6d: {  	_ =	shalt  }
0x6e: {  	_ =	shalt  }
0x6f: {  	_ =	shalt  }
0x70: {  	_ =	shalt  }
0x71: {  	_ =	shalt  }
0x72: {  	_ =	shalt  }
0x73: {  	_ =	shalt  }
0x74: {  	_ =	shalt  }
0x75: {  	_ =	shalt  }
0x76: {  	_ =	shalt  }
0x77: {  	_ =	shalt  }
0x78: {  	_ =	shalt  }
0x79: {  	_ =	shalt  }
0x7a: {  	_ =	shalt  }
0x7b: {  	_ =	shalt  }
0x7c: {  	_ =	shalt  }
0x7d: {  	_ =	shalt  }
0x7e: {  	_ =	shalt  }
0x7f: {  	_ =	shalt  }
0x80: {  	_ =	shalt  }
0x81: {  	_ =	shalt  }
0x82: {  	_ =	shalt  }
0x83: {  	_ =	shalt  }
0x84: {  	_ =	shalt  }
0x85: {  	_ =	shalt  }
0x86: {  	_ =	shalt  }
0x87: {  	_ =	shalt  }
.Lfunc_end0:
.L_simem_size_0:
called_computation_lowered:
.L_overlay_start_0:
0x88: {  	s2 =	sld [smem:$0x3FD9]  }
0x89: {  	s3 =	sld [smem:$0x3FFE];
	_ =	sdelay $0x1  }
0x8a: {  	s1 =	srdreg.scid  }
0x8b: {  	s0 =	sand.u32 $0x1, s1  }
0x8c: {  	s17 =	sshll.u32 s0, $0xA;
	s2 =	sadd.s32 s3, s2  }
0x8d: {  	s2 =	sadd.s32 s2, s17  }
0x8e: {  	[smem:$0x3FC0] =	sst s2  }
0x8f: {  	_ = 	snop  }
0x90: {  	s2 =	sld [smem:$0x3FD0];
	(tm) =	ssettm $0x1  }
0x91: {  	s18 =	sld [smem:$0x3FFB];
	_ =	sdelay $0x3  }
0x92: {  	_ =	strace s18  }
0x93: {  	s3 =	sld [smem:$0x3FFC];
	_ =	sdelay $0x3  }
0x94: {  	_ =	strace s3  }
0x95: {  	s3 =	sld [smem:$0x3FFD];
	_ =	sdelay $0x3  }
0x96: {  	_ =	strace s3  }
0x97: {  	_ =	strace $0x8FFFFFFF  }
0x98: {  	s19 =	sld [smem:$0x3FDB];
	_ =	sdelay $0x1  }
0x99: {  	s4 =	simm.s32 $_scs_section_size  }
0x9a: {  	s5 =	simm.s32 $_size__tile_overlayer_lowered;
	s6 =	simm.s32 $_tile_overlayer_lowered  }
0x9b: {  	s22 =	simm.s32 $0x1BFF;
	s21 =	sshll.u32 s6, $0x1;
	s3 =	sadd.s32 s4, s19  }
0x9c: {  	s7 =	simm.s32 $0x0;
	s20 =	sshll.u32 s5, $0x1;
	s5 =	sadd.s32 s21, s3  }
0x9d: {  	[timem:s7], [sflag:s22] =	dma.local [hbm:s5], s20  }
0x9e: {  	_ =	swait.ge [sflag:s22], s20  }
0x9f: {  	s4 =	ssub.s32 $0x0, s20;
	[sflag:s22] =	ssyncset.done $0x0  }
0xa0: {  	[sflag:s22] =	ssyncadd.s32 s4;
	_ =	sdelay $0x1  }
0xa1: {  	s23 =	simm.s32 $0x1B8B  }
0xa2: {  	_ =	swait.ge [sflag:s23], $0x1  }
0xa3: {  	[sflag:s23] =	ssyncset.done $0x0  }
0xa4: {  	s25 =	simm.s32 $0x1B8E;
	s24 =	sld [smem:$0x3FFE];
	[sflag:s23] =	ssyncadd.s32 $0xFFFFFFFF  }
0xa5: {  	s26 =	simm.s32 $execute0_lowered;
	[smem:$0x3FD2] =	sst s25  }
0xa6: {  	s5 =	sshll.u32 s26, $0x1;
	_ =	strace $0x80000046;
	[dreg:$0x1] =	wrdreg $0xFFFFFFFF  }
0xa7: {  	s28 =	simm.s32 $_size_execute0_lowered;
	s3 =	sadd.s32 s3, s5;
	[dreg:$0x0] =	wrdreg $0x0  }
0xa8: {  	s5 =	sshll.u32 s28, $0x1;
	[dreg:$0x2] =	wrdreg s3  }
0xa9: {  	[dreg:$0x3] =	wrdreg s5  }
0xaa: {  	[dreg:$0x4] =	wrdreg $0xC0  }
0xab: {  	_ =	task [dreg:s7], $0x5FFFF  }
0xac: {  	[dreg:$0x1] =	wrdreg $0xFFFFFFFF  }
0xad: {  	[dreg:$0x0] =	wrdreg $0x60  }
0xae: {  	[dreg:$0x2] =	wrdreg s24  }
0xaf: {  	[dreg:$0x3] =	wrdreg s2  }
0xb0: {  	[dreg:$0x4] =	wrdreg $0x68000  }
0xb1: {  	[dreg:$0x5] =	wrdreg $0x9  }
0xb2: {  	_ =	task.clear_ibuf [dreg:s7], $0x6FFFF;
	_ =	strace $0x90000046  }
0xb3: {  	s29 =	simm.s32 $0x9;
	_ =	strace $0x80000048  }
0xb4: {  	_ =	swait.ge [sflag:s29], $0x1  }
0xb5: {  	[sflag:s29] =	ssyncadd.s32 $0xFFFFFFFF  }
0xb6: {  	_ =	strace $0x90000048  }
0xb7: {  	_ =	sfence  }
0xb8: {  	s30 =	sld [smem:$0x0];
	_ =	sdelay $0x2  }
0xb9: {  	s31 =	sshll.u32 s1, $0xD;
	s1 =	sshrl.u32 s1, $0x2  }
0xba: {  	s3 =	sand.u32 $0x4000, s31;
	s1 =	sadd.s32 s1, s30  }
0xbb: {  	s0 =	sor.u32 s3, s0;
	s1 =	sshll.u32 s1, $0x11  }
0xbc: {  	s0 =	sor.u32 s1, s0  }
0xbd: {  	s0 =	sadd.s32 $0x8F2B, s0  }
0xbe: {  	[sflag:s0] =	ssyncadd.remote.s32 $0x1  }
0xbf: {  	_ =	sfence.sel $0xFFFF  }
0xc0: {  	[dreg:$0x0] =	wrdreg $0xFFFFFFFF;
	(pc) =	sbr.abs _section_cstart, $3  }
0xc1: {  	[dreg:$0x1] =	wrdreg $0xFFFFFFFF  }
0xc2: {  	_ =	task.clear_ibuf [dreg:s7], $0x2FFFF;
	_ =	strace $0x9FFFFFFF  }
0xc3: {  	(tm) =	ssettm $0x7FFFFFFF  }
tec
execute0_lowered:
.L_overlay_start_1:
0x0: {  	(tag) =	ssettag $0x1  }
0x1: {  	s0 =	rddreg [dreg:$0x0]  }
0x2: {  	s2 =	rddreg [dreg:$0x1]  }
0x3: {  	s3 =	rddreg [dreg:$0x2]  }
0x4: {  	s4 =	simm.s32 $0x0;
	s1 =	stileid.u32;
	s5 =	srdreg.scid  }
0x5: {  	s14 =	simm.s32 $0x6;
	s15 =	simm.s32 $0xC00;
	s16 =	simm.s32 $0x50  }
0x6: {  	s17 =	simm.s32 $0x1800;
	s18 =	simm.s32 $0x2;
	s19 =	simm.s32 $0x4000  }
0x7: {  	s20 =	simm.s32 $0x3;
	s21 =	simm.s32 $0x5;
	s22 =	simm.s32 $0x4  }
0x8: {  	s23 =	simm.s32 $0x880;
	s24 =	simm.s32 $0x1;
	[smem:$0x7FF] =	sst s4  }
0x9: {  	s8 =	smul.u32 $0x13C00, s1;
	s9 =	sand.u32 $0x1, s5;
	s5 =	sadd.s32 $0x3F200, s0  }
0xa: {  	s6 =	sadd.s32 $0x17A00, s0;
	s7 =	sadd.s32 $0x2A00, s0;
	s13 =	smul.u32 $0x4F000, s1  }
0xb: {  	s31 =	sshll.u32 s1, $0x6;
	_ =	strace $0x80000047;
	s10 =	smul.u32 $0x13C000, s9  }
0xc: {  	s26 =	ssub.s32 $0x2, s9;
	s28 =	sshll.u32 s9, $0x4;
	s9 =	sor.u32 $0x1C06, s31  }
0xd: {  	s11 =	sshrl.u32 s8, $0x3;
	s12 =	sshrl.u32 s26, $0x1;
	s29 =	sor.u32 s1, s28  }
0xe: {  	s30 =	sshrl.u32 s13, $0x2;
	s11 =	sadd.s32 s11, s0;
	s8 =	sadd.s32 s8, s10  }
0xf: {  	s12 =	ssub.s32 s26, s12;
	s13 =	sadd.s32 s30, s3;
	s8 =	sshrl.u32 s8, $0x3  }
0x10: {  	s10 =	smul.u32 $0x5400, s29;
	s12 =	smax.u32 s12, $0x1;
	s0 =	sadd.s32 s8, s0  }
0x11: {  	s13 =	sshrl.u32 s13, $0x3;
	s8 =	sadd.s32 $0x66A00, s11;
	s11 =	sadd.s32 $0x8E200, s0  }
.LBB2_1:
0x12: {  	[spmem:s13], [sflag:s9] =	dma.local [hbm:s8], $0x2780  }
0x13: {  	_ =	swait.ge [sflag:s14], $0x2780  }
0x14: {  	[sflag:s14] =	ssyncset.done $0x0  }
0x15: {  	[sflag:s14] =	ssyncadd.s32 $0xFFFFD880  }
0x16: {  	s25 =	simm.s32 $0x0;
	[bflag:$0x0] =	sbarrier.arrive $0xFFFF  }
.LBB2_2:
0x17: {  	s0 =	smul.u32 $0xC00, s25;
	_ =	sdelay $0x1  }
0x18: {  	s0 =	sadd.s32 s10, s0  }
0x19: {  	s0 =	sshrl.u32 s0, $0x3  }
0x1a: {  	s26 =	simm.s32 $0x0;
	s28 =	sadd.s32 s2, s0  }
0x1b: {  	[tilespmem:s26], [sflag:$0x6] =	stream.linear.gather [hbm4b:s28+s26], $0x900, $0x38;
	[tilespmem:$0x1A400] =	vst v63  }
0x1c: {  	_ =	swait.ge [sflag:s14], $0x900  }
0x1d: {  	[sflag:s14] =	ssyncset.done $0x0  }
0x1e: {  	s0 =	sadd.s32 s7, s0;
	[sflag:s14] =	ssyncadd.s32 $0xFFFFF700  }
0x1f: {  	[tilespmem:s15], [sflag:$0x6] =	stream.linear.gather [hbm4b:s0+s26], $0x900, $0x38;
	[tilespmem:$0x1A400] =	vst v63  }
.Ltmp0:
0x20: {  	_ = 	snop;
	(pc) =	sbr.rel .LBB2_3-.Ltmp0, $4  }
0x21: {  	_ =	swait.ge [sflag:s14], $0x900  }
0x22: {  	[sflag:s14] =	ssyncset.done $0x0  }
0x23: {  	[sflag:s14] =	ssyncadd.s32 $0xFFFFF700  }
0x24: {  	[tilespmem:s17], [sflag:$0x1] =	stream.indirect.gather [hbm4b:s5+s16], $0x80, s26, s16, $0xb8;
	[tilespmem:$0x1A400] =	vst v63  }
.LBB2_5:
0x25: {  	s0 =	sadd.s32 $0x80, s29  }
0x26: {  	[tilespmem:s19], [sflag:$0x2] =	stream.indirect.gather [hbm4b:s5+s16], $0x80, s0, s16, $0xb8;
	[tilespmem:$0x1A400] =	vst v63  }
.LBB2_13:
0x27: {  	s26 =	sadd.s32 $0x1, s26  }
0x28: {  	p0 =	sne.s32 s26, $0x12  }
.Ltmp1:
0x29: {  	_ = 	snop;
	(pc) =	sbr.rel @!p0 .LBB2_14-.Ltmp1, $1  }
0x2a: {  	_ =	sdelay $0x3  }
.LBB2_3:
0x2b: {  	s0 =	sand.u32 $0x1, s26  }
0x2c: {  	p0 =	seq.s32 s0, $0x0  }
.Ltmp2:
0x2d: {  	_ = 	snop;
	(pc) =	sbr.rel @!p0 .LBB2_9-.Ltmp2, $2  }
0x2e: {  	_ =	sdelay $0x2  }
0x2f: {  	s28 =	sshll.u32 s26, $0x9  }
0x30: {  	p1 =	sne.s32 s26, $0x0  }
.Ltmp3:
0x31: {  	_ = 	snop;
	(pc) =	sbr.rel @!p1 .LBB2_5-.Ltmp3, $4  }
0x32: {  	_ =	swait.ge [sflag:s24], $0x2800  }
0x33: {  	s29 =	sshrl.u32 s28, $0x2;
	[sflag:s24] =	ssyncset.done $0x0  }
0x34: {  	s0 =	sadd.s32 $0xC00, s29;
	[sflag:s24] =	ssyncadd.s32 $0xFFFFD800  }
0x35: {  	[tilespmem:s17], [sflag:$0x3] =	stream.indirect.gather.add.f32 [hbm:s6], $0x80, s0, s16, $0xb8;
	[tilespmem:$0x1A400] =	vst v63  }
0x36: {  	_ =	swait.ge [sflag:s22], $0x2800  }
0x37: {  	[sflag:s22] =	ssyncset.done $0x0  }
0x38: {  	s30 =	simm.s32 $0x4200;
	[sflag:s22] =	ssyncadd.s32 $0xFFFFD800  }
0x39: {  	v0 =	vld [tilespmem:s30+$0xFFFFFE00]  }
0x3a: {  	v1 =	vld [tilespmem:s30+$0xFFFFFE10]  }
0x3b: {  	v2 =	vld [tilespmem:s30+$0xFFFFFE20]  }
0x3c: {  	v3 =	vld [tilespmem:s30+$0xFFFFFE30]  }
0x3d: {  	v4 =	vld [tilespmem:s30+$0xFFFFFE40]  }
0x3e: {  	v5 =	vld [tilespmem:s30+$0xFFFFFE50];
	v0 =	vmax.f32 v0, $0.0e+00  }
0x3f: {  	[tilespmem:s30+$0xFFFFFE00] =	vst v0;
	v0 =	vmax.f32 v1, $0.0e+00;
	v1 =	vld [tilespmem:s30+$0xFFFFFE60]  }
0x40: {  	[tilespmem:s30+$0xFFFFFE10] =	vst v0;
	v0 =	vmax.f32 v2, $0.0e+00;
	v2 =	vld [tilespmem:s30+$0xFFFFFE70]  }
0x41: {  	[tilespmem:s30+$0xFFFFFE20] =	vst v0;
	v0 =	vmax.f32 v3, $0.0e+00;
	v3 =	vld [tilespmem:s30+$0xFFFFFE80]  }
0x42: {  	[tilespmem:s30+$0xFFFFFE30] =	vst v0;
	v0 =	vmax.f32 v4, $0.0e+00;
	v4 =	vld [tilespmem:s30+$0xFFFFFE90]  }
0x43: {  	[tilespmem:s30+$0xFFFFFE40] =	vst v0;
	v0 =	vmax.f32 v5, $0.0e+00;
	v5 =	vld [tilespmem:s30+$0xFFFFFEA0]  }
0x44: {  	[tilespmem:s30+$0xFFFFFE50] =	vst v0;
	v0 =	vmax.f32 v1, $0.0e+00;
	v1 =	vld [tilespmem:s30+$0xFFFFFEB0]  }
0x45: {  	[tilespmem:s30+$0xFFFFFE60] =	vst v0;
	v0 =	vmax.f32 v2, $0.0e+00;
	v2 =	vld [tilespmem:s30+$0xFFFFFEC0]  }
0x46: {  	[tilespmem:s30+$0xFFFFFE70] =	vst v0;
	v0 =	vmax.f32 v3, $0.0e+00;
	v3 =	vld [tilespmem:s30+$0xFFFFFED0]  }
0x47: {  	[tilespmem:s30+$0xFFFFFE80] =	vst v0;
	v0 =	vmax.f32 v4, $0.0e+00;
	v4 =	vld [tilespmem:s30+$0xFFFFFEE0]  }
0x48: {  	[tilespmem:s30+$0xFFFFFE90] =	vst v0;
	v0 =	vmax.f32 v5, $0.0e+00;
	v5 =	vld [tilespmem:s30+$0xFFFFFEF0]  }
0x49: {  	[tilespmem:s30+$0xFFFFFEA0] =	vst v0;
	v0 =	vmax.f32 v1, $0.0e+00;
	v1 =	vld [tilespmem:s30+$0xFFFFFF00]  }
0x4a: {  	[tilespmem:s30+$0xFFFFFEB0] =	vst v0;
	v0 =	vmax.f32 v2, $0.0e+00;
	v2 =	vld [tilespmem:s30+$0xFFFFFF10]  }
0x4b: {  	[tilespmem:s30+$0xFFFFFEC0] =	vst v0;
	v0 =	vmax.f32 v3, $0.0e+00;
	v3 =	vld [tilespmem:s30+$0xFFFFFF20]  }
0x4c: {  	[tilespmem:s30+$0xFFFFFED0] =	vst v0;
	v0 =	vmax.f32 v4, $0.0e+00;
	v4 =	vld [tilespmem:s30+$0xFFFFFF30]  }
0x4d: {  	[tilespmem:s30+$0xFFFFFEE0] =	vst v0;
	v0 =	vmax.f32 v5, $0.0e+00;
	v5 =	vld [tilespmem:s30+$0xFFFFFF40]  }
0x4e: {  	[tilespmem:s30+$0xFFFFFEF0] =	vst v0;
	v0 =	vmax.f32 v1, $0.0e+00;
	v1 =	vld [tilespmem:s30+$0xFFFFFF50]  }
0x4f: {  	[tilespmem:s30+$0xFFFFFF00] =	vst v0;
	v0 =	vmax.f32 v2, $0.0e+00;
	v2 =	vld [tilespmem:s30+$0xFFFFFF60]  }
0x50: {  	[tilespmem:s30+$0xFFFFFF10] =	vst v0;
	v0 =	vmax.f32 v3, $0.0e+00;
	v3 =	vld [tilespmem:s30+$0xFFFFFF70]  }
0x51: {  	[tilespmem:s30+$0xFFFFFF20] =	vst v0;
	v0 =	vmax.f32 v4, $0.0e+00;
	v4 =	vld [tilespmem:s30+$0xFFFFFF80]  }
0x52: {  	[tilespmem:s30+$0xFFFFFF30] =	vst v0;
	v0 =	vmax.f32 v5, $0.0e+00;
	v5 =	vld [tilespmem:s30+$0xFFFFFF90]  }
0x53: {  	[tilespmem:s30+$0xFFFFFF40] =	vst v0;
	v0 =	vmax.f32 v1, $0.0e+00;
	v1 =	vld [tilespmem:s30+$0xFFFFFFA0]  }
0x54: {  	[tilespmem:s30+$0xFFFFFF50] =	vst v0;
	v0 =	vmax.f32 v2, $0.0e+00;
	v2 =	vld [tilespmem:s30+$0xFFFFFFB0]  }
0x55: {  	[tilespmem:s30+$0xFFFFFF60] =	vst v0;
	v0 =	vmax.f32 v3, $0.0e+00;
	v3 =	vld [tilespmem:s30+$0xFFFFFFC0]  }
0x56: {  	[tilespmem:s30+$0xFFFFFF70] =	vst v0;
	v0 =	vmax.f32 v4, $0.0e+00;
	v4 =	vld [tilespmem:s30+$0xFFFFFFD0]  }
0x57: {  	[tilespmem:s30+$0xFFFFFF80] =	vst v0;
	v0 =	vmax.f32 v5, $0.0e+00;
	v5 =	vld [tilespmem:s30+$0xFFFFFFE0]  }
0x58: {  	[tilespmem:s30+$0xFFFFFF90] =	vst v0;
	v0 =	vmax.f32 v1, $0.0e+00;
	v1 =	vld [tilespmem:s30+$0x0]  }
0x59: {  	[tilespmem:s30+$0xFFFFFFA0] =	vst v0;
	v0 =	vmax.f32 v2, $0.0e+00;
	v2 =	vld [tilespmem:s30+$0x10]  }
0x5a: {  	[tilespmem:s30+$0xFFFFFFB0] =	vst v0;
	v0 =	vmax.f32 v3, $0.0e+00;
	v3 =	vld [tilespmem:s30+$0x20]  }
0x5b: {  	[tilespmem:s30+$0xFFFFFFC0] =	vst v0;
	v0 =	vmax.f32 v4, $0.0e+00;
	v4 =	vld [tilespmem:s30+$0x30]  }
0x5c: {  	[tilespmem:s30+$0xFFFFFFD0] =	vst v0;
	v0 =	vmax.f32 v5, $0.0e+00;
	v5 =	vld [tilespmem:s30+$0x40]  }
0x5d: {  	[tilespmem:s30+$0xFFFFFFE0] =	vst v0;
	v0 =	vmax.f32 v1, $0.0e+00;
	v1 =	vld [tilespmem:s30+$0x50]  }
0x5e: {  	[tilespmem:s30+$0x0] =	vst v0;
	v0 =	vmax.f32 v2, $0.0e+00;
	v2 =	vld [tilespmem:s30+$0x60]  }
0x5f: {  	[tilespmem:s30+$0x10] =	vst v0;
	v0 =	vmax.f32 v3, $0.0e+00;
	v3 =	vld [tilespmem:s30+$0x70]  }
0x60: {  	[tilespmem:s30+$0x20] =	vst v0;
	v0 =	vmax.f32 v4, $0.0e+00;
	v4 =	vld [tilespmem:s30+$0x80]  }
0x61: {  	[tilespmem:s30+$0x30] =	vst v0;
	v0 =	vmax.f32 v5, $0.0e+00;
	v5 =	vld [tilespmem:s30+$0x90]  }
0x62: {  	[tilespmem:s30+$0x40] =	vst v0;
	v0 =	vmax.f32 v1, $0.0e+00;
	v1 =	vld [tilespmem:s30+$0xA0]  }
0x63: {  	[tilespmem:s30+$0x50] =	vst v0;
	v0 =	vmax.f32 v2, $0.0e+00;
	v2 =	vld [tilespmem:s30+$0xB0]  }
0x64: {  	[tilespmem:s30+$0x60] =	vst v0;
	v0 =	vmax.f32 v3, $0.0e+00;
	v3 =	vld [tilespmem:s30+$0xC0]  }
0x65: {  	[tilespmem:s30+$0x70] =	vst v0;
	v0 =	vmax.f32 v4, $0.0e+00;
	v4 =	vld [tilespmem:s30+$0xD0]  }
0x66: {  	[tilespmem:s30+$0x80] =	vst v0;
	v0 =	vmax.f32 v5, $0.0e+00;
	v5 =	vld [tilespmem:s30+$0xE0]  }
0x67: {  	[tilespmem:s30+$0x90] =	vst v0;
	v0 =	vmax.f32 v1, $0.0e+00;
	v1 =	vld [tilespmem:s30+$0xF0]  }
0x68: {  	[tilespmem:s30+$0xA0] =	vst v0;
	v0 =	vmax.f32 v2, $0.0e+00;
	v2 =	vld [tilespmem:s30+$0x100]  }
0x69: {  	[tilespmem:s30+$0xB0] =	vst v0;
	v0 =	vmax.f32 v3, $0.0e+00;
	v3 =	vld [tilespmem:s30+$0x110]  }
0x6a: {  	[tilespmem:s30+$0xC0] =	vst v0;
	v0 =	vmax.f32 v4, $0.0e+00;
	v4 =	vld [tilespmem:s30+$0x120]  }
0x6b: {  	[tilespmem:s30+$0xD0] =	vst v0;
	v0 =	vmax.f32 v5, $0.0e+00;
	v5 =	vld [tilespmem:s30+$0x130]  }
0x6c: {  	[tilespmem:s30+$0xE0] =	vst v0;
	v0 =	vmax.f32 v1, $0.0e+00;
	v1 =	vld [tilespmem:s30+$0x140]  }
0x6d: {  	[tilespmem:s30+$0xF0] =	vst v0;
	v0 =	vmax.f32 v2, $0.0e+00;
	v2 =	vld [tilespmem:s30+$0x150]  }
0x6e: {  	[tilespmem:s30+$0x100] =	vst v0;
	v0 =	vmax.f32 v3, $0.0e+00;
	v3 =	vld [tilespmem:s30+$0x160]  }
0x6f: {  	[tilespmem:s30+$0x110] =	vst v0;
	v0 =	vmax.f32 v4, $0.0e+00;
	v4 =	vld [tilespmem:s30+$0x170]  }
0x70: {  	[tilespmem:s30+$0x120] =	vst v0;
	v0 =	vmax.f32 v5, $0.0e+00;
	v5 =	vld [tilespmem:s30+$0x180]  }
0x71: {  	v6 =	vld [tilespmem:s30+$0x190];
	[tilespmem:s30+$0x130] =	vst v0;
	v0 =	vmax.f32 v1, $0.0e+00  }
0x72: {  	v7 =	vld [tilespmem:s30+$0x1A0];
	[tilespmem:s30+$0x140] =	vst v0;
	v0 =	vmax.f32 v2, $0.0e+00  }
0x73: {  	v8 =	vld [tilespmem:s30+$0x1B0];
	[tilespmem:s30+$0x150] =	vst v0;
	v0 =	vmax.f32 v3, $0.0e+00  }
0x74: {  	[tilespmem:s30+$0x160] =	vst v0;
	v1 =	vmax.f32 v4, $0.0e+00;
	v0 =	vld [tilespmem:s30+$0x1C0]  }
0x75: {  	[tilespmem:s30+$0x170] =	vst v1;
	v2 =	vmax.f32 v5, $0.0e+00;
	v1 =	vld [tilespmem:s30+$0x1D0]  }
0x76: {  	v3 =	vmax.f32 v6, $0.0e+00;
	[tilespmem:s30+$0x180] =	vst v2;
	v2 =	vld [tilespmem:s30+$0x1E0]  }
0x77: {  	[tilespmem:s30+$0x190] =	vst v3;
	v3 =	vld [tilespmem:s30+$0x1F0];
	v5 =	vmax.f32 v7, $0.0e+00  }
0x78: {  	s31 =	simm.s32 $0x0;
	s0 =	simm.s32 $0x4600;
	v4 =	vld [tilespmem:s30+$0xFFFFFFF0];
	[tilespmem:s30+$0x1A0] =	vst v5;
	v5 =	vmax.f32 v8, $0.0e+00  }
.LBB2_7:
0x79: {  	v6 =	vld [tilespmem:s0+$0xFFFFFE00];
	[tilespmem:s30+$0x1B0] =	vst v5;
	v0 =	vmax.f32 v0, $0.0e+00  }
0x7a: {  	v5 =	vld [tilespmem:s0+$0xFFFFFE10];
	[tilespmem:s30+$0x1C0] =	vst v0;
	v0 =	vmax.f32 v1, $0.0e+00  }
0x7b: {  	v1 =	vld [tilespmem:s0+$0xFFFFFE20];
	[tilespmem:s30+$0x1D0] =	vst v0;
	v0 =	vmax.f32 v2, $0.0e+00  }
0x7c: {  	v2 =	vld [tilespmem:s0+$0xFFFFFE30];
	[tilespmem:s30+$0x1E0] =	vst v0;
	v0 =	vmax.f32 v3, $0.0e+00  }
0x7d: {  	v3 =	vld [tilespmem:s0+$0xFFFFFE40];
	v4 =	vmax.f32 v4, $0.0e+00;
	[tilespmem:s30+$0x1F0] =	vst v0  }
0x7e: {  	v0 =	vmax.f32 v6, $0.0e+00;
	v6 =	vld [tilespmem:s0+$0xFFFFFE50];
	[tilespmem:s30+$0xFFFFFFF0] =	vst v4;
	s30 =	smov.u32 s0  }
0x7f: {  	[tilespmem:s0+$0xFFFFFE00] =	vst v0;
	v0 =	vmax.f32 v5, $0.0e+00;
	v4 =	vld [tilespmem:s0+$0xFFFFFE60]  }
0x80: {  	[tilespmem:s0+$0xFFFFFE10] =	vst v0;
	v0 =	vmax.f32 v1, $0.0e+00;
	v1 =	vld [tilespmem:s0+$0xFFFFFE70]  }
0x81: {  	[tilespmem:s0+$0xFFFFFE20] =	vst v0;
	v0 =	vmax.f32 v2, $0.0e+00;
	v2 =	vld [tilespmem:s0+$0xFFFFFE80]  }
0x82: {  	[tilespmem:s0+$0xFFFFFE30] =	vst v0;
	v0 =	vmax.f32 v3, $0.0e+00;
	v3 =	vld [tilespmem:s0+$0xFFFFFE90]  }
0x83: {  	[tilespmem:s0+$0xFFFFFE40] =	vst v0;
	v0 =	vmax.f32 v6, $0.0e+00;
	v5 =	vld [tilespmem:s0+$0xFFFFFEA0]  }
0x84: {  	[tilespmem:s0+$0xFFFFFE50] =	vst v0;
	v0 =	vmax.f32 v4, $0.0e+00;
	v4 =	vld [tilespmem:s0+$0xFFFFFEB0]  }
0x85: {  	[tilespmem:s0+$0xFFFFFE60] =	vst v0;
	v0 =	vmax.f32 v1, $0.0e+00;
	v1 =	vld [tilespmem:s0+$0xFFFFFEC0]  }
0x86: {  	[tilespmem:s0+$0xFFFFFE70] =	vst v0;
	v0 =	vmax.f32 v2, $0.0e+00;
	v2 =	vld [tilespmem:s0+$0xFFFFFED0]  }
0x87: {  	[tilespmem:s0+$0xFFFFFE80] =	vst v0;
	v0 =	vmax.f32 v3, $0.0e+00;
	v3 =	vld [tilespmem:s0+$0xFFFFFEE0]  }
0x88: {  	[tilespmem:s0+$0xFFFFFE90] =	vst v0;
	v0 =	vmax.f32 v5, $0.0e+00;
	v5 =	vld [tilespmem:s0+$0xFFFFFEF0]  }
0x89: {  	[tilespmem:s0+$0xFFFFFEA0] =	vst v0;
	v0 =	vmax.f32 v4, $0.0e+00;
	v4 =	vld [tilespmem:s0+$0xFFFFFF00]  }
0x8a: {  	[tilespmem:s0+$0xFFFFFEB0] =	vst v0;
	v0 =	vmax.f32 v1, $0.0e+00;
	v1 =	vld [tilespmem:s0+$0xFFFFFF10]  }
0x8b: {  	[tilespmem:s0+$0xFFFFFEC0] =	vst v0;
	v0 =	vmax.f32 v2, $0.0e+00;
	v2 =	vld [tilespmem:s0+$0xFFFFFF20]  }
0x8c: {  	[tilespmem:s0+$0xFFFFFED0] =	vst v0;
	v0 =	vmax.f32 v3, $0.0e+00;
	v3 =	vld [tilespmem:s0+$0xFFFFFF30]  }
0x8d: {  	[tilespmem:s0+$0xFFFFFEE0] =	vst v0;
	v0 =	vmax.f32 v5, $0.0e+00;
	v5 =	vld [tilespmem:s0+$0xFFFFFF40]  }
0x8e: {  	[tilespmem:s0+$0xFFFFFEF0] =	vst v0;
	v0 =	vmax.f32 v4, $0.0e+00;
	v4 =	vld [tilespmem:s0+$0xFFFFFF50]  }
0x8f: {  	[tilespmem:s0+$0xFFFFFF00] =	vst v0;
	v0 =	vmax.f32 v1, $0.0e+00;
	v1 =	vld [tilespmem:s0+$0xFFFFFF60]  }
0x90: {  	[tilespmem:s0+$0xFFFFFF10] =	vst v0;
	v0 =	vmax.f32 v2, $0.0e+00;
	v2 =	vld [tilespmem:s0+$0xFFFFFF70]  }
0x91: {  	[tilespmem:s0+$0xFFFFFF20] =	vst v0;
	v0 =	vmax.f32 v3, $0.0e+00;
	v3 =	vld [tilespmem:s0+$0xFFFFFF80]  }
0x92: {  	[tilespmem:s0+$0xFFFFFF30] =	vst v0;
	v0 =	vmax.f32 v5, $0.0e+00;
	v5 =	vld [tilespmem:s0+$0xFFFFFF90]  }
0x93: {  	[tilespmem:s0+$0xFFFFFF40] =	vst v0;
	v0 =	vmax.f32 v4, $0.0e+00;
	v4 =	vld [tilespmem:s0+$0xFFFFFFA0]  }
0x94: {  	[tilespmem:s0+$0xFFFFFF50] =	vst v0;
	v0 =	vmax.f32 v1, $0.0e+00;
	v1 =	vld [tilespmem:s0+$0xFFFFFFB0]  }
0x95: {  	[tilespmem:s0+$0xFFFFFF60] =	vst v0;
	v0 =	vmax.f32 v2, $0.0e+00;
	v2 =	vld [tilespmem:s0+$0xFFFFFFC0]  }
0x96: {  	[tilespmem:s0+$0xFFFFFF70] =	vst v0;
	v0 =	vmax.f32 v3, $0.0e+00;
	v3 =	vld [tilespmem:s0+$0xFFFFFFD0]  }
0x97: {  	[tilespmem:s0+$0xFFFFFF80] =	vst v0;
	v0 =	vmax.f32 v5, $0.0e+00;
	v5 =	vld [tilespmem:s0+$0xFFFFFFE0]  }
0x98: {  	[tilespmem:s0+$0xFFFFFF90] =	vst v0;
	v0 =	vmax.f32 v4, $0.0e+00;
	v4 =	vld [tilespmem:s0+$0x0]  }
0x99: {  	[tilespmem:s0+$0xFFFFFFA0] =	vst v0;
	v0 =	vmax.f32 v1, $0.0e+00;
	v1 =	vld [tilespmem:s0+$0x10]  }
0x9a: {  	[tilespmem:s0+$0xFFFFFFB0] =	vst v0;
	v0 =	vmax.f32 v2, $0.0e+00;
	v2 =	vld [tilespmem:s0+$0x20]  }
0x9b: {  	[tilespmem:s0+$0xFFFFFFC0] =	vst v0;
	v0 =	vmax.f32 v3, $0.0e+00;
	v3 =	vld [tilespmem:s0+$0x30]  }
0x9c: {  	[tilespmem:s0+$0xFFFFFFD0] =	vst v0;
	v0 =	vmax.f32 v5, $0.0e+00;
	v5 =	vld [tilespmem:s0+$0x40]  }
0x9d: {  	[tilespmem:s0+$0xFFFFFFE0] =	vst v0;
	v0 =	vmax.f32 v4, $0.0e+00;
	v4 =	vld [tilespmem:s0+$0x50]  }
0x9e: {  	[tilespmem:s0+$0x0] =	vst v0;
	v0 =	vmax.f32 v1, $0.0e+00;
	v1 =	vld [tilespmem:s0+$0x60]  }
0x9f: {  	[tilespmem:s0+$0x10] =	vst v0;
	v0 =	vmax.f32 v2, $0.0e+00;
	v2 =	vld [tilespmem:s0+$0x70]  }
0xa0: {  	[tilespmem:s0+$0x20] =	vst v0;
	v0 =	vmax.f32 v3, $0.0e+00;
	v3 =	vld [tilespmem:s0+$0x80]  }
0xa1: {  	[tilespmem:s0+$0x30] =	vst v0;
	v0 =	vmax.f32 v5, $0.0e+00;
	v5 =	vld [tilespmem:s0+$0x90]  }
0xa2: {  	[tilespmem:s0+$0x40] =	vst v0;
	v0 =	vmax.f32 v4, $0.0e+00;
	v4 =	vld [tilespmem:s0+$0xA0]  }
0xa3: {  	[tilespmem:s0+$0x50] =	vst v0;
	v0 =	vmax.f32 v1, $0.0e+00;
	v1 =	vld [tilespmem:s0+$0xB0]  }
0xa4: {  	[tilespmem:s0+$0x60] =	vst v0;
	v0 =	vmax.f32 v2, $0.0e+00;
	v2 =	vld [tilespmem:s0+$0xC0]  }
0xa5: {  	[tilespmem:s0+$0x70] =	vst v0;
	v0 =	vmax.f32 v3, $0.0e+00;
	v3 =	vld [tilespmem:s0+$0xD0]  }
0xa6: {  	[tilespmem:s0+$0x80] =	vst v0;
	v0 =	vmax.f32 v5, $0.0e+00;
	v5 =	vld [tilespmem:s0+$0xE0]  }
0xa7: {  	[tilespmem:s0+$0x90] =	vst v0;
	v0 =	vmax.f32 v4, $0.0e+00;
	v4 =	vld [tilespmem:s0+$0xF0]  }
0xa8: {  	[tilespmem:s0+$0xA0] =	vst v0;
	v0 =	vmax.f32 v1, $0.0e+00;
	v1 =	vld [tilespmem:s0+$0x100]  }
0xa9: {  	[tilespmem:s0+$0xB0] =	vst v0;
	v0 =	vmax.f32 v2, $0.0e+00;
	v2 =	vld [tilespmem:s0+$0x110]  }
0xaa: {  	[tilespmem:s0+$0xC0] =	vst v0;
	v0 =	vmax.f32 v3, $0.0e+00;
	v3 =	vld [tilespmem:s0+$0x120]  }
0xab: {  	[tilespmem:s0+$0xD0] =	vst v0;
	v0 =	vmax.f32 v5, $0.0e+00;
	v5 =	vld [tilespmem:s0+$0x130]  }
0xac: {  	[tilespmem:s0+$0xE0] =	vst v0;
	v0 =	vmax.f32 v4, $0.0e+00;
	v4 =	vld [tilespmem:s0+$0x140]  }
0xad: {  	[tilespmem:s0+$0xF0] =	vst v0;
	v0 =	vmax.f32 v1, $0.0e+00;
	v1 =	vld [tilespmem:s0+$0x150]  }
0xae: {  	[tilespmem:s0+$0x100] =	vst v0;
	v0 =	vmax.f32 v2, $0.0e+00;
	v2 =	vld [tilespmem:s0+$0x160]  }
0xaf: {  	[tilespmem:s0+$0x110] =	vst v0;
	v0 =	vmax.f32 v3, $0.0e+00;
	v3 =	vld [tilespmem:s0+$0x170]  }
0xb0: {  	[tilespmem:s0+$0x120] =	vst v0;
	v0 =	vmax.f32 v5, $0.0e+00;
	v5 =	vld [tilespmem:s0+$0x180]  }
0xb1: {  	[tilespmem:s0+$0x130] =	vst v0;
	v0 =	vmax.f32 v4, $0.0e+00;
	v4 =	vld [tilespmem:s0+$0x190]  }
0xb2: {  	s31 =	sadd.s32 $0x8, s31;
	[tilespmem:s0+$0x140] =	vst v0;
	v0 =	vmax.f32 v1, $0.0e+00;
	v6 =	vld [tilespmem:s0+$0x1A0]  }
0xb3: {  	p1 =	slt.u32 s31, $0x48;
	[tilespmem:s0+$0x150] =	vst v0;
	v0 =	vmax.f32 v2, $0.0e+00;
	v7 =	vld [tilespmem:s0+$0x1B0]  }
.Ltmp4:
0xb4: {  	[tilespmem:s0+$0x160] =	vst v0;
	v1 =	vmax.f32 v3, $0.0e+00;
	v0 =	vld [tilespmem:s0+$0x1C0];
	(pc) =	sbr.rel @p1 .LBB2_7-.Ltmp4, $4  }
0xb5: {  	[tilespmem:s0+$0x170] =	vst v1;
	v2 =	vmax.f32 v5, $0.0e+00;
	v1 =	vld [tilespmem:s0+$0x1D0]  }
0xb6: {  	[tilespmem:s0+$0x180] =	vst v2;
	v3 =	vmax.f32 v4, $0.0e+00;
	v2 =	vld [tilespmem:s0+$0x1E0]  }
0xb7: {  	[tilespmem:s0+$0x190] =	vst v3;
	v5 =	vmax.f32 v6, $0.0e+00;
	v3 =	vld [tilespmem:s0+$0x1F0]  }
0xb8: {  	s0 =	sadd.s32 $0x400, s0;
	v4 =	vld [tilespmem:s30+$0xFFFFFFF0];
	[tilespmem:s30+$0x1A0] =	vst v5;
	v5 =	vmax.f32 v7, $0.0e+00  }
0xb9: {  	[tilespmem:s30+$0x1B0] =	vst v5;
	v0 =	vmax.f32 v0, $0.0e+00  }
0xba: {  	[tilespmem:s30+$0x1C0] =	vst v0;
	v60 =	vmax.f32 v1, $0.0e+00  }
0xbb: {  	[tilespmem:s30+$0x1D0] =	vst v60;
	v61 =	vmax.f32 v2, $0.0e+00  }
0xbc: {  	[tilespmem:s30+$0x1E0] =	vst v61;
	v62 =	vmax.f32 v3, $0.0e+00  }
0xbd: {  	v63 =	vmax.f32 v4, $0.0e+00;
	[tilespmem:s30+$0x1F0] =	vst v62  }
0xbe: {  	s0 =	sadd.s32 $0xFFFFFF80, s29;
	[tilespmem:s30+$0xFFFFFFF0] =	vst v63  }
0xbf: {  	[spmem:s3] =	stream.indirect.scatter.add.f32 [tilespmem:s19], [sflag:$0x5], $0x80, s0, s16, $0xb8;
	[tilespmem:$0x1A400] =	vst v63  }
.Ltmp5:
0xc0: {  	_ = 	snop;
	(pc) =	sbr.rel @p0 .LBB2_13-.Ltmp5, $4  }
0xc1: {  	_ =	swait.ge [sflag:s21], $0x2800  }
0xc2: {  	[sflag:s21] =	ssyncset.done $0x0  }
0xc3: {  	s31 =	sadd.s32 $0x80, s29;
	[sflag:s21] =	ssyncadd.s32 $0xFFFFD800  }
0xc4: {  	[tilespmem:s19], [sflag:$0x2] =	stream.indirect.gather [hbm4b:s5+s16], $0x80, s31, s16, $0xb8;
	[tilespmem:$0x1A400] =	vst v63  }
.LBB2_9:
0xc5: {  	_ =	swait.ge [sflag:s18], $0x2800  }
0xc6: {  	s28 =	sshrl.u32 s28, $0x2;
	[sflag:s18] =	ssyncset.done $0x0  }
0xc7: {  	s0 =	sadd.s32 $0xC00, s28;
	[sflag:s18] =	ssyncadd.s32 $0xFFFFD800  }
0xc8: {  	[tilespmem:s19], [sflag:$0x4] =	stream.indirect.gather.add.f32 [hbm:s6], $0x80, s0, s16, $0xb8;
	[tilespmem:$0x1A400] =	vst v63  }
0xc9: {  	_ =	swait.ge [sflag:s20], $0x2800  }
0xca: {  	[sflag:s20] =	ssyncset.done $0x0  }
0xcb: {  	s29 =	simm.s32 $0x1A00;
	[sflag:s20] =	ssyncadd.s32 $0xFFFFD800  }
0xcc: {  	v0 =	vld [tilespmem:s29+$0xFFFFFE00]  }
0xcd: {  	v1 =	vld [tilespmem:s29+$0xFFFFFE10]  }
0xce: {  	v2 =	vld [tilespmem:s29+$0xFFFFFE20]  }
0xcf: {  	v3 =	vld [tilespmem:s29+$0xFFFFFE30]  }
0xd0: {  	v4 =	vld [tilespmem:s29+$0xFFFFFE40]  }
0xd1: {  	v5 =	vld [tilespmem:s29+$0xFFFFFE50];
	v0 =	vmax.f32 v0, $0.0e+00  }
0xd2: {  	[tilespmem:s29+$0xFFFFFE00] =	vst v0;
	v0 =	vmax.f32 v1, $0.0e+00;
	v1 =	vld [tilespmem:s29+$0xFFFFFE60]  }
0xd3: {  	[tilespmem:s29+$0xFFFFFE10] =	vst v0;
	v0 =	vmax.f32 v2, $0.0e+00;
	v2 =	vld [tilespmem:s29+$0xFFFFFE70]  }
0xd4: {  	[tilespmem:s29+$0xFFFFFE20] =	vst v0;
	v0 =	vmax.f32 v3, $0.0e+00;
	v3 =	vld [tilespmem:s29+$0xFFFFFE80]  }
0xd5: {  	[tilespmem:s29+$0xFFFFFE30] =	vst v0;
	v0 =	vmax.f32 v4, $0.0e+00;
	v4 =	vld [tilespmem:s29+$0xFFFFFE90]  }
0xd6: {  	[tilespmem:s29+$0xFFFFFE40] =	vst v0;
	v0 =	vmax.f32 v5, $0.0e+00;
	v5 =	vld [tilespmem:s29+$0xFFFFFEA0]  }
0xd7: {  	[tilespmem:s29+$0xFFFFFE50] =	vst v0;
	v0 =	vmax.f32 v1, $0.0e+00;
	v1 =	vld [tilespmem:s29+$0xFFFFFEB0]  }
0xd8: {  	[tilespmem:s29+$0xFFFFFE60] =	vst v0;
	v0 =	vmax.f32 v2, $0.0e+00;
	v2 =	vld [tilespmem:s29+$0xFFFFFEC0]  }
0xd9: {  	[tilespmem:s29+$0xFFFFFE70] =	vst v0;
	v0 =	vmax.f32 v3, $0.0e+00;
	v3 =	vld [tilespmem:s29+$0xFFFFFED0]  }
0xda: {  	[tilespmem:s29+$0xFFFFFE80] =	vst v0;
	v0 =	vmax.f32 v4, $0.0e+00;
	v4 =	vld [tilespmem:s29+$0xFFFFFEE0]  }
0xdb: {  	[tilespmem:s29+$0xFFFFFE90] =	vst v0;
	v0 =	vmax.f32 v5, $0.0e+00;
	v5 =	vld [tilespmem:s29+$0xFFFFFEF0]  }
0xdc: {  	[tilespmem:s29+$0xFFFFFEA0] =	vst v0;
	v0 =	vmax.f32 v1, $0.0e+00;
	v1 =	vld [tilespmem:s29+$0xFFFFFF00]  }
0xdd: {  	[tilespmem:s29+$0xFFFFFEB0] =	vst v0;
	v0 =	vmax.f32 v2, $0.0e+00;
	v2 =	vld [tilespmem:s29+$0xFFFFFF10]  }
0xde: {  	[tilespmem:s29+$0xFFFFFEC0] =	vst v0;
	v0 =	vmax.f32 v3, $0.0e+00;
	v3 =	vld [tilespmem:s29+$0xFFFFFF20]  }
0xdf: {  	[tilespmem:s29+$0xFFFFFED0] =	vst v0;
	v0 =	vmax.f32 v4, $0.0e+00;
	v4 =	vld [tilespmem:s29+$0xFFFFFF30]  }
0xe0: {  	[tilespmem:s29+$0xFFFFFEE0] =	vst v0;
	v0 =	vmax.f32 v5, $0.0e+00;
	v5 =	vld [tilespmem:s29+$0xFFFFFF40]  }
0xe1: {  	[tilespmem:s29+$0xFFFFFEF0] =	vst v0;
	v0 =	vmax.f32 v1, $0.0e+00;
	v1 =	vld [tilespmem:s29+$0xFFFFFF50]  }
0xe2: {  	[tilespmem:s29+$0xFFFFFF00] =	vst v0;
	v0 =	vmax.f32 v2, $0.0e+00;
	v2 =	vld [tilespmem:s29+$0xFFFFFF60]  }
0xe3: {  	[tilespmem:s29+$0xFFFFFF10] =	vst v0;
	v0 =	vmax.f32 v3, $0.0e+00;
	v3 =	vld [tilespmem:s29+$0xFFFFFF70]  }
0xe4: {  	[tilespmem:s29+$0xFFFFFF20] =	vst v0;
	v0 =	vmax.f32 v4, $0.0e+00;
	v4 =	vld [tilespmem:s29+$0xFFFFFF80]  }
0xe5: {  	[tilespmem:s29+$0xFFFFFF30] =	vst v0;
	v0 =	vmax.f32 v5, $0.0e+00;
	v5 =	vld [tilespmem:s29+$0xFFFFFF90]  }
0xe6: {  	[tilespmem:s29+$0xFFFFFF40] =	vst v0;
	v0 =	vmax.f32 v1, $0.0e+00;
	v1 =	vld [tilespmem:s29+$0xFFFFFFA0]  }
0xe7: {  	[tilespmem:s29+$0xFFFFFF50] =	vst v0;
	v0 =	vmax.f32 v2, $0.0e+00;
	v2 =	vld [tilespmem:s29+$0xFFFFFFB0]  }
0xe8: {  	[tilespmem:s29+$0xFFFFFF60] =	vst v0;
	v0 =	vmax.f32 v3, $0.0e+00;
	v3 =	vld [tilespmem:s29+$0xFFFFFFC0]  }
0xe9: {  	[tilespmem:s29+$0xFFFFFF70] =	vst v0;
	v0 =	vmax.f32 v4, $0.0e+00;
	v4 =	vld [tilespmem:s29+$0xFFFFFFD0]  }
0xea: {  	[tilespmem:s29+$0xFFFFFF80] =	vst v0;
	v0 =	vmax.f32 v5, $0.0e+00;
	v5 =	vld [tilespmem:s29+$0xFFFFFFE0]  }
0xeb: {  	[tilespmem:s29+$0xFFFFFF90] =	vst v0;
	v0 =	vmax.f32 v1, $0.0e+00;
	v1 =	vld [tilespmem:s29+$0x0]  }
0xec: {  	[tilespmem:s29+$0xFFFFFFA0] =	vst v0;
	v0 =	vmax.f32 v2, $0.0e+00;
	v2 =	vld [tilespmem:s29+$0x10]  }
0xed: {  	[tilespmem:s29+$0xFFFFFFB0] =	vst v0;
	v0 =	vmax.f32 v3, $0.0e+00;
	v3 =	vld [tilespmem:s29+$0x20]  }
0xee: {  	[tilespmem:s29+$0xFFFFFFC0] =	vst v0;
	v0 =	vmax.f32 v4, $0.0e+00;
	v4 =	vld [tilespmem:s29+$0x30]  }
0xef: {  	[tilespmem:s29+$0xFFFFFFD0] =	vst v0;
	v0 =	vmax.f32 v5, $0.0e+00;
	v5 =	vld [tilespmem:s29+$0x40]  }
0xf0: {  	[tilespmem:s29+$0xFFFFFFE0] =	vst v0;
	v0 =	vmax.f32 v1, $0.0e+00;
	v1 =	vld [tilespmem:s29+$0x50]  }
0xf1: {  	[tilespmem:s29+$0x0] =	vst v0;
	v0 =	vmax.f32 v2, $0.0e+00;
	v2 =	vld [tilespmem:s29+$0x60]  }
0xf2: {  	[tilespmem:s29+$0x10] =	vst v0;
	v0 =	vmax.f32 v3, $0.0e+00;
	v3 =	vld [tilespmem:s29+$0x70]  }
0xf3: {  	[tilespmem:s29+$0x20] =	vst v0;
	v0 =	vmax.f32 v4, $0.0e+00;
	v4 =	vld [tilespmem:s29+$0x80]  }
0xf4: {  	[tilespmem:s29+$0x30] =	vst v0;
	v0 =	vmax.f32 v5, $0.0e+00;
	v5 =	vld [tilespmem:s29+$0x90]  }
0xf5: {  	[tilespmem:s29+$0x40] =	vst v0;
	v0 =	vmax.f32 v1, $0.0e+00;
	v1 =	vld [tilespmem:s29+$0xA0]  }
0xf6: {  	[tilespmem:s29+$0x50] =	vst v0;
	v0 =	vmax.f32 v2, $0.0e+00;
	v2 =	vld [tilespmem:s29+$0xB0]  }
0xf7: {  	[tilespmem:s29+$0x60] =	vst v0;
	v0 =	vmax.f32 v3, $0.0e+00;
	v3 =	vld [tilespmem:s29+$0xC0]  }
0xf8: {  	[tilespmem:s29+$0x70] =	vst v0;
	v0 =	vmax.f32 v4, $0.0e+00;
	v4 =	vld [tilespmem:s29+$0xD0]  }
0xf9: {  	[tilespmem:s29+$0x80] =	vst v0;
	v0 =	vmax.f32 v5, $0.0e+00;
	v5 =	vld [tilespmem:s29+$0xE0]  }
0xfa: {  	[tilespmem:s29+$0x90] =	vst v0;
	v0 =	vmax.f32 v1, $0.0e+00;
	v1 =	vld [tilespmem:s29+$0xF0]  }
0xfb: {  	[tilespmem:s29+$0xA0] =	vst v0;
	v0 =	vmax.f32 v2, $0.0e+00;
	v2 =	vld [tilespmem:s29+$0x100]  }
0xfc: {  	[tilespmem:s29+$0xB0] =	vst v0;
	v0 =	vmax.f32 v3, $0.0e+00;
	v3 =	vld [tilespmem:s29+$0x110]  }
0xfd: {  	[tilespmem:s29+$0xC0] =	vst v0;
	v0 =	vmax.f32 v4, $0.0e+00;
	v4 =	vld [tilespmem:s29+$0x120]  }
0xfe: {  	[tilespmem:s29+$0xD0] =	vst v0;
	v0 =	vmax.f32 v5, $0.0e+00;
	v5 =	vld [tilespmem:s29+$0x130]  }
0xff: {  	[tilespmem:s29+$0xE0] =	vst v0;
	v0 =	vmax.f32 v1, $0.0e+00;
	v1 =	vld [tilespmem:s29+$0x140]  }
0x100: {  	[tilespmem:s29+$0xF0] =	vst v0;
	v0 =	vmax.f32 v2, $0.0e+00;
	v2 =	vld [tilespmem:s29+$0x150]  }
0x101: {  	[tilespmem:s29+$0x100] =	vst v0;
	v0 =	vmax.f32 v3, $0.0e+00;
	v3 =	vld [tilespmem:s29+$0x160]  }
0x102: {  	[tilespmem:s29+$0x110] =	vst v0;
	v0 =	vmax.f32 v4, $0.0e+00;
	v4 =	vld [tilespmem:s29+$0x170]  }
0x103: {  	[tilespmem:s29+$0x120] =	vst v0;
	v0 =	vmax.f32 v5, $0.0e+00;
	v5 =	vld [tilespmem:s29+$0x180]  }
0x104: {  	v6 =	vld [tilespmem:s29+$0x190];
	[tilespmem:s29+$0x130] =	vst v0;
	v0 =	vmax.f32 v1, $0.0e+00  }
0x105: {  	v7 =	vld [tilespmem:s29+$0x1A0];
	[tilespmem:s29+$0x140] =	vst v0;
	v0 =	vmax.f32 v2, $0.0e+00  }
0x106: {  	v8 =	vld [tilespmem:s29+$0x1B0];
	[tilespmem:s29+$0x150] =	vst v0;
	v0 =	vmax.f32 v3, $0.0e+00  }
0x107: {  	[tilespmem:s29+$0x160] =	vst v0;
	v1 =	vmax.f32 v4, $0.0e+00;
	v0 =	vld [tilespmem:s29+$0x1C0]  }
0x108: {  	[tilespmem:s29+$0x170] =	vst v1;
	v2 =	vmax.f32 v5, $0.0e+00;
	v1 =	vld [tilespmem:s29+$0x1D0]  }
0x109: {  	v3 =	vmax.f32 v6, $0.0e+00;
	[tilespmem:s29+$0x180] =	vst v2;
	v2 =	vld [tilespmem:s29+$0x1E0]  }
0x10a: {  	[tilespmem:s29+$0x190] =	vst v3;
	v3 =	vld [tilespmem:s29+$0x1F0];
	v5 =	vmax.f32 v7, $0.0e+00  }
0x10b: {  	s30 =	simm.s32 $0x0;
	s0 =	simm.s32 $0x1E00;
	v4 =	vld [tilespmem:s29+$0xFFFFFFF0];
	[tilespmem:s29+$0x1A0] =	vst v5;
	v5 =	vmax.f32 v8, $0.0e+00  }
.LBB2_10:
0x10c: {  	v6 =	vld [tilespmem:s0+$0xFFFFFE00];
	[tilespmem:s29+$0x1B0] =	vst v5;
	v0 =	vmax.f32 v0, $0.0e+00  }
0x10d: {  	v5 =	vld [tilespmem:s0+$0xFFFFFE10];
	[tilespmem:s29+$0x1C0] =	vst v0;
	v0 =	vmax.f32 v1, $0.0e+00  }
0x10e: {  	v1 =	vld [tilespmem:s0+$0xFFFFFE20];
	[tilespmem:s29+$0x1D0] =	vst v0;
	v0 =	vmax.f32 v2, $0.0e+00  }
0x10f: {  	v2 =	vld [tilespmem:s0+$0xFFFFFE30];
	[tilespmem:s29+$0x1E0] =	vst v0;
	v0 =	vmax.f32 v3, $0.0e+00  }
0x110: {  	v3 =	vld [tilespmem:s0+$0xFFFFFE40];
	v4 =	vmax.f32 v4, $0.0e+00;
	[tilespmem:s29+$0x1F0] =	vst v0  }
0x111: {  	v0 =	vmax.f32 v6, $0.0e+00;
	v6 =	vld [tilespmem:s0+$0xFFFFFE50];
	[tilespmem:s29+$0xFFFFFFF0] =	vst v4;
	s29 =	smov.u32 s0  }
0x112: {  	[tilespmem:s0+$0xFFFFFE00] =	vst v0;
	v0 =	vmax.f32 v5, $0.0e+00;
	v4 =	vld [tilespmem:s0+$0xFFFFFE60]  }
0x113: {  	[tilespmem:s0+$0xFFFFFE10] =	vst v0;
	v0 =	vmax.f32 v1, $0.0e+00;
	v1 =	vld [tilespmem:s0+$0xFFFFFE70]  }
0x114: {  	[tilespmem:s0+$0xFFFFFE20] =	vst v0;
	v0 =	vmax.f32 v2, $0.0e+00;
	v2 =	vld [tilespmem:s0+$0xFFFFFE80]  }
0x115: {  	[tilespmem:s0+$0xFFFFFE30] =	vst v0;
	v0 =	vmax.f32 v3, $0.0e+00;
	v3 =	vld [tilespmem:s0+$0xFFFFFE90]  }
0x116: {  	[tilespmem:s0+$0xFFFFFE40] =	vst v0;
	v0 =	vmax.f32 v6, $0.0e+00;
	v5 =	vld [tilespmem:s0+$0xFFFFFEA0]  }
0x117: {  	[tilespmem:s0+$0xFFFFFE50] =	vst v0;
	v0 =	vmax.f32 v4, $0.0e+00;
	v4 =	vld [tilespmem:s0+$0xFFFFFEB0]  }
0x118: {  	[tilespmem:s0+$0xFFFFFE60] =	vst v0;
	v0 =	vmax.f32 v1, $0.0e+00;
	v1 =	vld [tilespmem:s0+$0xFFFFFEC0]  }
0x119: {  	[tilespmem:s0+$0xFFFFFE70] =	vst v0;
	v0 =	vmax.f32 v2, $0.0e+00;
	v2 =	vld [tilespmem:s0+$0xFFFFFED0]  }
0x11a: {  	[tilespmem:s0+$0xFFFFFE80] =	vst v0;
	v0 =	vmax.f32 v3, $0.0e+00;
	v3 =	vld [tilespmem:s0+$0xFFFFFEE0]  }
0x11b: {  	[tilespmem:s0+$0xFFFFFE90] =	vst v0;
	v0 =	vmax.f32 v5, $0.0e+00;
	v5 =	vld [tilespmem:s0+$0xFFFFFEF0]  }
0x11c: {  	[tilespmem:s0+$0xFFFFFEA0] =	vst v0;
	v0 =	vmax.f32 v4, $0.0e+00;
	v4 =	vld [tilespmem:s0+$0xFFFFFF00]  }
0x11d: {  	[tilespmem:s0+$0xFFFFFEB0] =	vst v0;
	v0 =	vmax.f32 v1, $0.0e+00;
	v1 =	vld [tilespmem:s0+$0xFFFFFF10]  }
0x11e: {  	[tilespmem:s0+$0xFFFFFEC0] =	vst v0;
	v0 =	vmax.f32 v2, $0.0e+00;
	v2 =	vld [tilespmem:s0+$0xFFFFFF20]  }
0x11f: {  	[tilespmem:s0+$0xFFFFFED0] =	vst v0;
	v0 =	vmax.f32 v3, $0.0e+00;
	v3 =	vld [tilespmem:s0+$0xFFFFFF30]  }
0x120: {  	[tilespmem:s0+$0xFFFFFEE0] =	vst v0;
	v0 =	vmax.f32 v5, $0.0e+00;
	v5 =	vld [tilespmem:s0+$0xFFFFFF40]  }
0x121: {  	[tilespmem:s0+$0xFFFFFEF0] =	vst v0;
	v0 =	vmax.f32 v4, $0.0e+00;
	v4 =	vld [tilespmem:s0+$0xFFFFFF50]  }
0x122: {  	[tilespmem:s0+$0xFFFFFF00] =	vst v0;
	v0 =	vmax.f32 v1, $0.0e+00;
	v1 =	vld [tilespmem:s0+$0xFFFFFF60]  }
0x123: {  	[tilespmem:s0+$0xFFFFFF10] =	vst v0;
	v0 =	vmax.f32 v2, $0.0e+00;
	v2 =	vld [tilespmem:s0+$0xFFFFFF70]  }
0x124: {  	[tilespmem:s0+$0xFFFFFF20] =	vst v0;
	v0 =	vmax.f32 v3, $0.0e+00;
	v3 =	vld [tilespmem:s0+$0xFFFFFF80]  }
0x125: {  	[tilespmem:s0+$0xFFFFFF30] =	vst v0;
	v0 =	vmax.f32 v5, $0.0e+00;
	v5 =	vld [tilespmem:s0+$0xFFFFFF90]  }
0x126: {  	[tilespmem:s0+$0xFFFFFF40] =	vst v0;
	v0 =	vmax.f32 v4, $0.0e+00;
	v4 =	vld [tilespmem:s0+$0xFFFFFFA0]  }
0x127: {  	[tilespmem:s0+$0xFFFFFF50] =	vst v0;
	v0 =	vmax.f32 v1, $0.0e+00;
	v1 =	vld [tilespmem:s0+$0xFFFFFFB0]  }
0x128: {  	[tilespmem:s0+$0xFFFFFF60] =	vst v0;
	v0 =	vmax.f32 v2, $0.0e+00;
	v2 =	vld [tilespmem:s0+$0xFFFFFFC0]  }
0x129: {  	[tilespmem:s0+$0xFFFFFF70] =	vst v0;
	v0 =	vmax.f32 v3, $0.0e+00;
	v3 =	vld [tilespmem:s0+$0xFFFFFFD0]  }
0x12a: {  	[tilespmem:s0+$0xFFFFFF80] =	vst v0;
	v0 =	vmax.f32 v5, $0.0e+00;
	v5 =	vld [tilespmem:s0+$0xFFFFFFE0]  }
0x12b: {  	[tilespmem:s0+$0xFFFFFF90] =	vst v0;
	v0 =	vmax.f32 v4, $0.0e+00;
	v4 =	vld [tilespmem:s0+$0x0]  }
0x12c: {  	[tilespmem:s0+$0xFFFFFFA0] =	vst v0;
	v0 =	vmax.f32 v1, $0.0e+00;
	v1 =	vld [tilespmem:s0+$0x10]  }
0x12d: {  	[tilespmem:s0+$0xFFFFFFB0] =	vst v0;
	v0 =	vmax.f32 v2, $0.0e+00;
	v2 =	vld [tilespmem:s0+$0x20]  }
0x12e: {  	[tilespmem:s0+$0xFFFFFFC0] =	vst v0;
	v0 =	vmax.f32 v3, $0.0e+00;
	v3 =	vld [tilespmem:s0+$0x30]  }
0x12f: {  	[tilespmem:s0+$0xFFFFFFD0] =	vst v0;
	v0 =	vmax.f32 v5, $0.0e+00;
	v5 =	vld [tilespmem:s0+$0x40]  }
0x130: {  	[tilespmem:s0+$0xFFFFFFE0] =	vst v0;
	v0 =	vmax.f32 v4, $0.0e+00;
	v4 =	vld [tilespmem:s0+$0x50]  }
0x131: {  	[tilespmem:s0+$0x0] =	vst v0;
	v0 =	vmax.f32 v1, $0.0e+00;
	v1 =	vld [tilespmem:s0+$0x60]  }
0x132: {  	[tilespmem:s0+$0x10] =	vst v0;
	v0 =	vmax.f32 v2, $0.0e+00;
	v2 =	vld [tilespmem:s0+$0x70]  }
0x133: {  	[tilespmem:s0+$0x20] =	vst v0;
	v0 =	vmax.f32 v3, $0.0e+00;
	v3 =	vld [tilespmem:s0+$0x80]  }
0x134: {  	[tilespmem:s0+$0x30] =	vst v0;
	v0 =	vmax.f32 v5, $0.0e+00;
	v5 =	vld [tilespmem:s0+$0x90]  }
0x135: {  	[tilespmem:s0+$0x40] =	vst v0;
	v0 =	vmax.f32 v4, $0.0e+00;
	v4 =	vld [tilespmem:s0+$0xA0]  }
0x136: {  	[tilespmem:s0+$0x50] =	vst v0;
	v0 =	vmax.f32 v1, $0.0e+00;
	v1 =	vld [tilespmem:s0+$0xB0]  }
0x137: {  	[tilespmem:s0+$0x60] =	vst v0;
	v0 =	vmax.f32 v2, $0.0e+00;
	v2 =	vld [tilespmem:s0+$0xC0]  }
0x138: {  	[tilespmem:s0+$0x70] =	vst v0;
	v0 =	vmax.f32 v3, $0.0e+00;
	v3 =	vld [tilespmem:s0+$0xD0]  }
0x139: {  	[tilespmem:s0+$0x80] =	vst v0;
	v0 =	vmax.f32 v5, $0.0e+00;
	v5 =	vld [tilespmem:s0+$0xE0]  }
0x13a: {  	[tilespmem:s0+$0x90] =	vst v0;
	v0 =	vmax.f32 v4, $0.0e+00;
	v4 =	vld [tilespmem:s0+$0xF0]  }
0x13b: {  	[tilespmem:s0+$0xA0] =	vst v0;
	v0 =	vmax.f32 v1, $0.0e+00;
	v1 =	vld [tilespmem:s0+$0x100]  }
0x13c: {  	[tilespmem:s0+$0xB0] =	vst v0;
	v0 =	vmax.f32 v2, $0.0e+00;
	v2 =	vld [tilespmem:s0+$0x110]  }
0x13d: {  	[tilespmem:s0+$0xC0] =	vst v0;
	v0 =	vmax.f32 v3, $0.0e+00;
	v3 =	vld [tilespmem:s0+$0x120]  }
0x13e: {  	[tilespmem:s0+$0xD0] =	vst v0;
	v0 =	vmax.f32 v5, $0.0e+00;
	v5 =	vld [tilespmem:s0+$0x130]  }
0x13f: {  	[tilespmem:s0+$0xE0] =	vst v0;
	v0 =	vmax.f32 v4, $0.0e+00;
	v4 =	vld [tilespmem:s0+$0x140]  }
0x140: {  	[tilespmem:s0+$0xF0] =	vst v0;
	v0 =	vmax.f32 v1, $0.0e+00;
	v1 =	vld [tilespmem:s0+$0x150]  }
0x141: {  	[tilespmem:s0+$0x100] =	vst v0;
	v0 =	vmax.f32 v2, $0.0e+00;
	v2 =	vld [tilespmem:s0+$0x160]  }
0x142: {  	[tilespmem:s0+$0x110] =	vst v0;
	v0 =	vmax.f32 v3, $0.0e+00;
	v3 =	vld [tilespmem:s0+$0x170]  }
0x143: {  	[tilespmem:s0+$0x120] =	vst v0;
	v0 =	vmax.f32 v5, $0.0e+00;
	v5 =	vld [tilespmem:s0+$0x180]  }
0x144: {  	[tilespmem:s0+$0x130] =	vst v0;
	v0 =	vmax.f32 v4, $0.0e+00;
	v4 =	vld [tilespmem:s0+$0x190]  }
0x145: {  	s30 =	sadd.s32 $0x8, s30;
	[tilespmem:s0+$0x140] =	vst v0;
	v0 =	vmax.f32 v1, $0.0e+00;
	v6 =	vld [tilespmem:s0+$0x1A0]  }
0x146: {  	p0 =	slt.u32 s30, $0x48;
	[tilespmem:s0+$0x150] =	vst v0;
	v0 =	vmax.f32 v2, $0.0e+00;
	v7 =	vld [tilespmem:s0+$0x1B0]  }
.Ltmp6:
0x147: {  	[tilespmem:s0+$0x160] =	vst v0;
	v1 =	vmax.f32 v3, $0.0e+00;
	v0 =	vld [tilespmem:s0+$0x1C0];
	(pc) =	sbr.rel @p0 .LBB2_10-.Ltmp6, $4  }
0x148: {  	[tilespmem:s0+$0x170] =	vst v1;
	v2 =	vmax.f32 v5, $0.0e+00;
	v1 =	vld [tilespmem:s0+$0x1D0]  }
0x149: {  	[tilespmem:s0+$0x180] =	vst v2;
	v3 =	vmax.f32 v4, $0.0e+00;
	v2 =	vld [tilespmem:s0+$0x1E0]  }
0x14a: {  	[tilespmem:s0+$0x190] =	vst v3;
	v5 =	vmax.f32 v6, $0.0e+00;
	v3 =	vld [tilespmem:s0+$0x1F0]  }
0x14b: {  	s0 =	sadd.s32 $0x400, s0;
	v4 =	vld [tilespmem:s29+$0xFFFFFFF0];
	[tilespmem:s29+$0x1A0] =	vst v5;
	v5 =	vmax.f32 v7, $0.0e+00  }
0x14c: {  	[tilespmem:s29+$0x1B0] =	vst v5;
	v0 =	vmax.f32 v0, $0.0e+00  }
0x14d: {  	[tilespmem:s29+$0x1C0] =	vst v0;
	v60 =	vmax.f32 v1, $0.0e+00  }
0x14e: {  	[tilespmem:s29+$0x1D0] =	vst v60;
	v61 =	vmax.f32 v2, $0.0e+00  }
0x14f: {  	[tilespmem:s29+$0x1E0] =	vst v61;
	v62 =	vmax.f32 v3, $0.0e+00  }
0x150: {  	p0 =	seq.s32 s26, $0x11;
	v63 =	vmax.f32 v4, $0.0e+00;
	[tilespmem:s29+$0x1F0] =	vst v62  }
.Ltmp7:
0x151: {  	s0 =	sadd.s32 $0xFFFFFF80, s28;
	[tilespmem:s29+$0xFFFFFFF0] =	vst v63;
	(pc) =	sbr.rel @p0 .LBB2_14-.Ltmp7, $4  }
0x152: {  	[spmem:s3] =	stream.indirect.scatter.add.f32 [tilespmem:s17], [sflag:$0x5], $0x80, s0, s16, $0xb8;
	[tilespmem:$0x1A400] =	vst v63  }
0x153: {  	_ =	swait.ge [sflag:s21], $0x2800  }
0x154: {  	[sflag:s21] =	ssyncset.done $0x0  }
0x155: {  	[sflag:s21] =	ssyncadd.s32 $0xFFFFD800  }
.Ltmp8:
0x156: {  	(pc) =	sbr.rel .LBB2_13-.Ltmp8, $3  }
0x157: {  	_ =	sdelay $0x1  }
0x158: {  	s0 =	sadd.s32 $0x80, s28  }
0x159: {  	[tilespmem:s17], [sflag:$0x1] =	stream.indirect.gather [hbm4b:s5+s16], $0x80, s0, s16, $0xb8;
	[tilespmem:$0x1A400] =	vst v63  }
.LBB2_14:
0x15a: {  	_ =	swait.ge [sflag:s22], $0x2800  }
0x15b: {  	[sflag:s22] =	ssyncset.done $0x0  }
0x15c: {  	s26 =	simm.s32 $0x4200;
	[sflag:s22] =	ssyncadd.s32 $0xFFFFD800  }
0x15d: {  	v0 =	vld [tilespmem:s26+$0xFFFFFE00]  }
0x15e: {  	v1 =	vld [tilespmem:s26+$0xFFFFFE10]  }
0x15f: {  	v2 =	vld [tilespmem:s26+$0xFFFFFE20]  }
0x160: {  	v3 =	vld [tilespmem:s26+$0xFFFFFE30]  }
0x161: {  	v4 =	vld [tilespmem:s26+$0xFFFFFE40]  }
0x162: {  	v5 =	vld [tilespmem:s26+$0xFFFFFE50];
	v0 =	vmax.f32 v0, $0.0e+00  }
0x163: {  	[tilespmem:s26+$0xFFFFFE00] =	vst v0;
	v0 =	vmax.f32 v1, $0.0e+00;
	v1 =	vld [tilespmem:s26+$0xFFFFFE60]  }
0x164: {  	[tilespmem:s26+$0xFFFFFE10] =	vst v0;
	v0 =	vmax.f32 v2, $0.0e+00;
	v2 =	vld [tilespmem:s26+$0xFFFFFE70]  }
0x165: {  	[tilespmem:s26+$0xFFFFFE20] =	vst v0;
	v0 =	vmax.f32 v3, $0.0e+00;
	v3 =	vld [tilespmem:s26+$0xFFFFFE80]  }
0x166: {  	[tilespmem:s26+$0xFFFFFE30] =	vst v0;
	v0 =	vmax.f32 v4, $0.0e+00;
	v4 =	vld [tilespmem:s26+$0xFFFFFE90]  }
0x167: {  	[tilespmem:s26+$0xFFFFFE40] =	vst v0;
	v0 =	vmax.f32 v5, $0.0e+00;
	v5 =	vld [tilespmem:s26+$0xFFFFFEA0]  }
0x168: {  	[tilespmem:s26+$0xFFFFFE50] =	vst v0;
	v0 =	vmax.f32 v1, $0.0e+00;
	v1 =	vld [tilespmem:s26+$0xFFFFFEB0]  }
0x169: {  	[tilespmem:s26+$0xFFFFFE60] =	vst v0;
	v0 =	vmax.f32 v2, $0.0e+00;
	v2 =	vld [tilespmem:s26+$0xFFFFFEC0]  }
0x16a: {  	[tilespmem:s26+$0xFFFFFE70] =	vst v0;
	v0 =	vmax.f32 v3, $0.0e+00;
	v3 =	vld [tilespmem:s26+$0xFFFFFED0]  }
0x16b: {  	[tilespmem:s26+$0xFFFFFE80] =	vst v0;
	v0 =	vmax.f32 v4, $0.0e+00;
	v4 =	vld [tilespmem:s26+$0xFFFFFEE0]  }
0x16c: {  	[tilespmem:s26+$0xFFFFFE90] =	vst v0;
	v0 =	vmax.f32 v5, $0.0e+00;
	v5 =	vld [tilespmem:s26+$0xFFFFFEF0]  }
0x16d: {  	[tilespmem:s26+$0xFFFFFEA0] =	vst v0;
	v0 =	vmax.f32 v1, $0.0e+00;
	v1 =	vld [tilespmem:s26+$0xFFFFFF00]  }
0x16e: {  	[tilespmem:s26+$0xFFFFFEB0] =	vst v0;
	v0 =	vmax.f32 v2, $0.0e+00;
	v2 =	vld [tilespmem:s26+$0xFFFFFF10]  }
0x16f: {  	[tilespmem:s26+$0xFFFFFEC0] =	vst v0;
	v0 =	vmax.f32 v3, $0.0e+00;
	v3 =	vld [tilespmem:s26+$0xFFFFFF20]  }
0x170: {  	[tilespmem:s26+$0xFFFFFED0] =	vst v0;
	v0 =	vmax.f32 v4, $0.0e+00;
	v4 =	vld [tilespmem:s26+$0xFFFFFF30]  }
0x171: {  	[tilespmem:s26+$0xFFFFFEE0] =	vst v0;
	v0 =	vmax.f32 v5, $0.0e+00;
	v5 =	vld [tilespmem:s26+$0xFFFFFF40]  }
0x172: {  	[tilespmem:s26+$0xFFFFFEF0] =	vst v0;
	v0 =	vmax.f32 v1, $0.0e+00;
	v1 =	vld [tilespmem:s26+$0xFFFFFF50]  }
0x173: {  	[tilespmem:s26+$0xFFFFFF00] =	vst v0;
	v0 =	vmax.f32 v2, $0.0e+00;
	v2 =	vld [tilespmem:s26+$0xFFFFFF60]  }
0x174: {  	[tilespmem:s26+$0xFFFFFF10] =	vst v0;
	v0 =	vmax.f32 v3, $0.0e+00;
	v3 =	vld [tilespmem:s26+$0xFFFFFF70]  }
0x175: {  	[tilespmem:s26+$0xFFFFFF20] =	vst v0;
	v0 =	vmax.f32 v4, $0.0e+00;
	v4 =	vld [tilespmem:s26+$0xFFFFFF80]  }
0x176: {  	[tilespmem:s26+$0xFFFFFF30] =	vst v0;
	v0 =	vmax.f32 v5, $0.0e+00;
	v5 =	vld [tilespmem:s26+$0xFFFFFF90]  }
0x177: {  	[tilespmem:s26+$0xFFFFFF40] =	vst v0;
	v0 =	vmax.f32 v1, $0.0e+00;
	v1 =	vld [tilespmem:s26+$0xFFFFFFA0]  }
0x178: {  	[tilespmem:s26+$0xFFFFFF50] =	vst v0;
	v0 =	vmax.f32 v2, $0.0e+00;
	v2 =	vld [tilespmem:s26+$0xFFFFFFB0]  }
0x179: {  	[tilespmem:s26+$0xFFFFFF60] =	vst v0;
	v0 =	vmax.f32 v3, $0.0e+00;
	v3 =	vld [tilespmem:s26+$0xFFFFFFC0]  }
0x17a: {  	[tilespmem:s26+$0xFFFFFF70] =	vst v0;
	v0 =	vmax.f32 v4, $0.0e+00;
	v4 =	vld [tilespmem:s26+$0xFFFFFFD0]  }
0x17b: {  	[tilespmem:s26+$0xFFFFFF80] =	vst v0;
	v0 =	vmax.f32 v5, $0.0e+00;
	v5 =	vld [tilespmem:s26+$0xFFFFFFE0]  }
0x17c: {  	[tilespmem:s26+$0xFFFFFF90] =	vst v0;
	v0 =	vmax.f32 v1, $0.0e+00;
	v1 =	vld [tilespmem:s26+$0x0]  }
0x17d: {  	[tilespmem:s26+$0xFFFFFFA0] =	vst v0;
	v0 =	vmax.f32 v2, $0.0e+00;
	v2 =	vld [tilespmem:s26+$0x10]  }
0x17e: {  	[tilespmem:s26+$0xFFFFFFB0] =	vst v0;
	v0 =	vmax.f32 v3, $0.0e+00;
	v3 =	vld [tilespmem:s26+$0x20]  }
0x17f: {  	[tilespmem:s26+$0xFFFFFFC0] =	vst v0;
	v0 =	vmax.f32 v4, $0.0e+00;
	v4 =	vld [tilespmem:s26+$0x30]  }
0x180: {  	[tilespmem:s26+$0xFFFFFFD0] =	vst v0;
	v0 =	vmax.f32 v5, $0.0e+00;
	v5 =	vld [tilespmem:s26+$0x40]  }
0x181: {  	[tilespmem:s26+$0xFFFFFFE0] =	vst v0;
	v0 =	vmax.f32 v1, $0.0e+00;
	v1 =	vld [tilespmem:s26+$0x50]  }
0x182: {  	[tilespmem:s26+$0x0] =	vst v0;
	v0 =	vmax.f32 v2, $0.0e+00;
	v2 =	vld [tilespmem:s26+$0x60]  }
0x183: {  	[tilespmem:s26+$0x10] =	vst v0;
	v0 =	vmax.f32 v3, $0.0e+00;
	v3 =	vld [tilespmem:s26+$0x70]  }
0x184: {  	[tilespmem:s26+$0x20] =	vst v0;
	v0 =	vmax.f32 v4, $0.0e+00;
	v4 =	vld [tilespmem:s26+$0x80]  }
0x185: {  	[tilespmem:s26+$0x30] =	vst v0;
	v0 =	vmax.f32 v5, $0.0e+00;
	v5 =	vld [tilespmem:s26+$0x90]  }
0x186: {  	[tilespmem:s26+$0x40] =	vst v0;
	v0 =	vmax.f32 v1, $0.0e+00;
	v1 =	vld [tilespmem:s26+$0xA0]  }
0x187: {  	[tilespmem:s26+$0x50] =	vst v0;
	v0 =	vmax.f32 v2, $0.0e+00;
	v2 =	vld [tilespmem:s26+$0xB0]  }
0x188: {  	[tilespmem:s26+$0x60] =	vst v0;
	v0 =	vmax.f32 v3, $0.0e+00;
	v3 =	vld [tilespmem:s26+$0xC0]  }
0x189: {  	[tilespmem:s26+$0x70] =	vst v0;
	v0 =	vmax.f32 v4, $0.0e+00;
	v4 =	vld [tilespmem:s26+$0xD0]  }
0x18a: {  	[tilespmem:s26+$0x80] =	vst v0;
	v0 =	vmax.f32 v5, $0.0e+00;
	v5 =	vld [tilespmem:s26+$0xE0]  }
0x18b: {  	[tilespmem:s26+$0x90] =	vst v0;
	v0 =	vmax.f32 v1, $0.0e+00;
	v1 =	vld [tilespmem:s26+$0xF0]  }
0x18c: {  	[tilespmem:s26+$0xA0] =	vst v0;
	v0 =	vmax.f32 v2, $0.0e+00;
	v2 =	vld [tilespmem:s26+$0x100]  }
0x18d: {  	[tilespmem:s26+$0xB0] =	vst v0;
	v0 =	vmax.f32 v3, $0.0e+00;
	v3 =	vld [tilespmem:s26+$0x110]  }
0x18e: {  	[tilespmem:s26+$0xC0] =	vst v0;
	v0 =	vmax.f32 v4, $0.0e+00;
	v4 =	vld [tilespmem:s26+$0x120]  }
0x18f: {  	[tilespmem:s26+$0xD0] =	vst v0;
	v0 =	vmax.f32 v5, $0.0e+00;
	v5 =	vld [tilespmem:s26+$0x130]  }
0x190: {  	[tilespmem:s26+$0xE0] =	vst v0;
	v0 =	vmax.f32 v1, $0.0e+00;
	v1 =	vld [tilespmem:s26+$0x140]  }
0x191: {  	[tilespmem:s26+$0xF0] =	vst v0;
	v0 =	vmax.f32 v2, $0.0e+00;
	v2 =	vld [tilespmem:s26+$0x150]  }
0x192: {  	[tilespmem:s26+$0x100] =	vst v0;
	v0 =	vmax.f32 v3, $0.0e+00;
	v3 =	vld [tilespmem:s26+$0x160]  }
0x193: {  	[tilespmem:s26+$0x110] =	vst v0;
	v0 =	vmax.f32 v4, $0.0e+00;
	v4 =	vld [tilespmem:s26+$0x170]  }
0x194: {  	[tilespmem:s26+$0x120] =	vst v0;
	v0 =	vmax.f32 v5, $0.0e+00;
	v5 =	vld [tilespmem:s26+$0x180]  }
0x195: {  	v6 =	vld [tilespmem:s26+$0x190];
	[tilespmem:s26+$0x130] =	vst v0;
	v0 =	vmax.f32 v1, $0.0e+00  }
0x196: {  	v7 =	vld [tilespmem:s26+$0x1A0];
	[tilespmem:s26+$0x140] =	vst v0;
	v0 =	vmax.f32 v2, $0.0e+00  }
0x197: {  	v8 =	vld [tilespmem:s26+$0x1B0];
	[tilespmem:s26+$0x150] =	vst v0;
	v0 =	vmax.f32 v3, $0.0e+00  }
0x198: {  	[tilespmem:s26+$0x160] =	vst v0;
	v1 =	vmax.f32 v4, $0.0e+00;
	v0 =	vld [tilespmem:s26+$0x1C0]  }
0x199: {  	[tilespmem:s26+$0x170] =	vst v1;
	v2 =	vmax.f32 v5, $0.0e+00;
	v1 =	vld [tilespmem:s26+$0x1D0]  }
0x19a: {  	v3 =	vmax.f32 v6, $0.0e+00;
	[tilespmem:s26+$0x180] =	vst v2;
	v2 =	vld [tilespmem:s26+$0x1E0]  }
0x19b: {  	[tilespmem:s26+$0x190] =	vst v3;
	v3 =	vld [tilespmem:s26+$0x1F0];
	v5 =	vmax.f32 v7, $0.0e+00  }
0x19c: {  	s28 =	simm.s32 $0x0;
	s0 =	simm.s32 $0x4600;
	v4 =	vld [tilespmem:s26+$0xFFFFFFF0];
	[tilespmem:s26+$0x1A0] =	vst v5;
	v5 =	vmax.f32 v8, $0.0e+00  }
.LBB2_15:
0x19d: {  	v6 =	vld [tilespmem:s0+$0xFFFFFE00];
	[tilespmem:s26+$0x1B0] =	vst v5;
	v0 =	vmax.f32 v0, $0.0e+00  }
0x19e: {  	v5 =	vld [tilespmem:s0+$0xFFFFFE10];
	[tilespmem:s26+$0x1C0] =	vst v0;
	v0 =	vmax.f32 v1, $0.0e+00  }
0x19f: {  	v1 =	vld [tilespmem:s0+$0xFFFFFE20];
	[tilespmem:s26+$0x1D0] =	vst v0;
	v0 =	vmax.f32 v2, $0.0e+00  }
0x1a0: {  	v2 =	vld [tilespmem:s0+$0xFFFFFE30];
	[tilespmem:s26+$0x1E0] =	vst v0;
	v0 =	vmax.f32 v3, $0.0e+00  }
0x1a1: {  	v3 =	vld [tilespmem:s0+$0xFFFFFE40];
	v4 =	vmax.f32 v4, $0.0e+00;
	[tilespmem:s26+$0x1F0] =	vst v0  }
0x1a2: {  	v0 =	vmax.f32 v6, $0.0e+00;
	v6 =	vld [tilespmem:s0+$0xFFFFFE50];
	[tilespmem:s26+$0xFFFFFFF0] =	vst v4;
	s26 =	smov.u32 s0  }
0x1a3: {  	[tilespmem:s0+$0xFFFFFE00] =	vst v0;
	v0 =	vmax.f32 v5, $0.0e+00;
	v4 =	vld [tilespmem:s0+$0xFFFFFE60]  }
0x1a4: {  	[tilespmem:s0+$0xFFFFFE10] =	vst v0;
	v0 =	vmax.f32 v1, $0.0e+00;
	v1 =	vld [tilespmem:s0+$0xFFFFFE70]  }
0x1a5: {  	[tilespmem:s0+$0xFFFFFE20] =	vst v0;
	v0 =	vmax.f32 v2, $0.0e+00;
	v2 =	vld [tilespmem:s0+$0xFFFFFE80]  }
0x1a6: {  	[tilespmem:s0+$0xFFFFFE30] =	vst v0;
	v0 =	vmax.f32 v3, $0.0e+00;
	v3 =	vld [tilespmem:s0+$0xFFFFFE90]  }
0x1a7: {  	[tilespmem:s0+$0xFFFFFE40] =	vst v0;
	v0 =	vmax.f32 v6, $0.0e+00;
	v5 =	vld [tilespmem:s0+$0xFFFFFEA0]  }
0x1a8: {  	[tilespmem:s0+$0xFFFFFE50] =	vst v0;
	v0 =	vmax.f32 v4, $0.0e+00;
	v4 =	vld [tilespmem:s0+$0xFFFFFEB0]  }
0x1a9: {  	[tilespmem:s0+$0xFFFFFE60] =	vst v0;
	v0 =	vmax.f32 v1, $0.0e+00;
	v1 =	vld [tilespmem:s0+$0xFFFFFEC0]  }
0x1aa: {  	[tilespmem:s0+$0xFFFFFE70] =	vst v0;
	v0 =	vmax.f32 v2, $0.0e+00;
	v2 =	vld [tilespmem:s0+$0xFFFFFED0]  }
0x1ab: {  	[tilespmem:s0+$0xFFFFFE80] =	vst v0;
	v0 =	vmax.f32 v3, $0.0e+00;
	v3 =	vld [tilespmem:s0+$0xFFFFFEE0]  }
0x1ac: {  	[tilespmem:s0+$0xFFFFFE90] =	vst v0;
	v0 =	vmax.f32 v5, $0.0e+00;
	v5 =	vld [tilespmem:s0+$0xFFFFFEF0]  }
0x1ad: {  	[tilespmem:s0+$0xFFFFFEA0] =	vst v0;
	v0 =	vmax.f32 v4, $0.0e+00;
	v4 =	vld [tilespmem:s0+$0xFFFFFF00]  }
0x1ae: {  	[tilespmem:s0+$0xFFFFFEB0] =	vst v0;
	v0 =	vmax.f32 v1, $0.0e+00;
	v1 =	vld [tilespmem:s0+$0xFFFFFF10]  }
0x1af: {  	[tilespmem:s0+$0xFFFFFEC0] =	vst v0;
	v0 =	vmax.f32 v2, $0.0e+00;
	v2 =	vld [tilespmem:s0+$0xFFFFFF20]  }
0x1b0: {  	[tilespmem:s0+$0xFFFFFED0] =	vst v0;
	v0 =	vmax.f32 v3, $0.0e+00;
	v3 =	vld [tilespmem:s0+$0xFFFFFF30]  }
0x1b1: {  	[tilespmem:s0+$0xFFFFFEE0] =	vst v0;
	v0 =	vmax.f32 v5, $0.0e+00;
	v5 =	vld [tilespmem:s0+$0xFFFFFF40]  }
0x1b2: {  	[tilespmem:s0+$0xFFFFFEF0] =	vst v0;
	v0 =	vmax.f32 v4, $0.0e+00;
	v4 =	vld [tilespmem:s0+$0xFFFFFF50]  }
0x1b3: {  	[tilespmem:s0+$0xFFFFFF00] =	vst v0;
	v0 =	vmax.f32 v1, $0.0e+00;
	v1 =	vld [tilespmem:s0+$0xFFFFFF60]  }
0x1b4: {  	[tilespmem:s0+$0xFFFFFF10] =	vst v0;
	v0 =	vmax.f32 v2, $0.0e+00;
	v2 =	vld [tilespmem:s0+$0xFFFFFF70]  }
0x1b5: {  	[tilespmem:s0+$0xFFFFFF20] =	vst v0;
	v0 =	vmax.f32 v3, $0.0e+00;
	v3 =	vld [tilespmem:s0+$0xFFFFFF80]  }
0x1b6: {  	[tilespmem:s0+$0xFFFFFF30] =	vst v0;
	v0 =	vmax.f32 v5, $0.0e+00;
	v5 =	vld [tilespmem:s0+$0xFFFFFF90]  }
0x1b7: {  	[tilespmem:s0+$0xFFFFFF40] =	vst v0;
	v0 =	vmax.f32 v4, $0.0e+00;
	v4 =	vld [tilespmem:s0+$0xFFFFFFA0]  }
0x1b8: {  	[tilespmem:s0+$0xFFFFFF50] =	vst v0;
	v0 =	vmax.f32 v1, $0.0e+00;
	v1 =	vld [tilespmem:s0+$0xFFFFFFB0]  }
0x1b9: {  	[tilespmem:s0+$0xFFFFFF60] =	vst v0;
	v0 =	vmax.f32 v2, $0.0e+00;
	v2 =	vld [tilespmem:s0+$0xFFFFFFC0]  }
0x1ba: {  	[tilespmem:s0+$0xFFFFFF70] =	vst v0;
	v0 =	vmax.f32 v3, $0.0e+00;
	v3 =	vld [tilespmem:s0+$0xFFFFFFD0]  }
0x1bb: {  	[tilespmem:s0+$0xFFFFFF80] =	vst v0;
	v0 =	vmax.f32 v5, $0.0e+00;
	v5 =	vld [tilespmem:s0+$0xFFFFFFE0]  }
0x1bc: {  	[tilespmem:s0+$0xFFFFFF90] =	vst v0;
	v0 =	vmax.f32 v4, $0.0e+00;
	v4 =	vld [tilespmem:s0+$0x0]  }
0x1bd: {  	[tilespmem:s0+$0xFFFFFFA0] =	vst v0;
	v0 =	vmax.f32 v1, $0.0e+00;
	v1 =	vld [tilespmem:s0+$0x10]  }
0x1be: {  	[tilespmem:s0+$0xFFFFFFB0] =	vst v0;
	v0 =	vmax.f32 v2, $0.0e+00;
	v2 =	vld [tilespmem:s0+$0x20]  }
0x1bf: {  	[tilespmem:s0+$0xFFFFFFC0] =	vst v0;
	v0 =	vmax.f32 v3, $0.0e+00;
	v3 =	vld [tilespmem:s0+$0x30]  }
0x1c0: {  	[tilespmem:s0+$0xFFFFFFD0] =	vst v0;
	v0 =	vmax.f32 v5, $0.0e+00;
	v5 =	vld [tilespmem:s0+$0x40]  }
0x1c1: {  	[tilespmem:s0+$0xFFFFFFE0] =	vst v0;
	v0 =	vmax.f32 v4, $0.0e+00;
	v4 =	vld [tilespmem:s0+$0x50]  }
0x1c2: {  	[tilespmem:s0+$0x0] =	vst v0;
	v0 =	vmax.f32 v1, $0.0e+00;
	v1 =	vld [tilespmem:s0+$0x60]  }
0x1c3: {  	[tilespmem:s0+$0x10] =	vst v0;
	v0 =	vmax.f32 v2, $0.0e+00;
	v2 =	vld [tilespmem:s0+$0x70]  }
0x1c4: {  	[tilespmem:s0+$0x20] =	vst v0;
	v0 =	vmax.f32 v3, $0.0e+00;
	v3 =	vld [tilespmem:s0+$0x80]  }
0x1c5: {  	[tilespmem:s0+$0x30] =	vst v0;
	v0 =	vmax.f32 v5, $0.0e+00;
	v5 =	vld [tilespmem:s0+$0x90]  }
0x1c6: {  	[tilespmem:s0+$0x40] =	vst v0;
	v0 =	vmax.f32 v4, $0.0e+00;
	v4 =	vld [tilespmem:s0+$0xA0]  }
0x1c7: {  	[tilespmem:s0+$0x50] =	vst v0;
	v0 =	vmax.f32 v1, $0.0e+00;
	v1 =	vld [tilespmem:s0+$0xB0]  }
0x1c8: {  	[tilespmem:s0+$0x60] =	vst v0;
	v0 =	vmax.f32 v2, $0.0e+00;
	v2 =	vld [tilespmem:s0+$0xC0]  }
0x1c9: {  	[tilespmem:s0+$0x70] =	vst v0;
	v0 =	vmax.f32 v3, $0.0e+00;
	v3 =	vld [tilespmem:s0+$0xD0]  }
0x1ca: {  	[tilespmem:s0+$0x80] =	vst v0;
	v0 =	vmax.f32 v5, $0.0e+00;
	v5 =	vld [tilespmem:s0+$0xE0]  }
0x1cb: {  	[tilespmem:s0+$0x90] =	vst v0;
	v0 =	vmax.f32 v4, $0.0e+00;
	v4 =	vld [tilespmem:s0+$0xF0]  }
0x1cc: {  	[tilespmem:s0+$0xA0] =	vst v0;
	v0 =	vmax.f32 v1, $0.0e+00;
	v1 =	vld [tilespmem:s0+$0x100]  }
0x1cd: {  	[tilespmem:s0+$0xB0] =	vst v0;
	v0 =	vmax.f32 v2, $0.0e+00;
	v2 =	vld [tilespmem:s0+$0x110]  }
0x1ce: {  	[tilespmem:s0+$0xC0] =	vst v0;
	v0 =	vmax.f32 v3, $0.0e+00;
	v3 =	vld [tilespmem:s0+$0x120]  }
0x1cf: {  	[tilespmem:s0+$0xD0] =	vst v0;
	v0 =	vmax.f32 v5, $0.0e+00;
	v5 =	vld [tilespmem:s0+$0x130]  }
0x1d0: {  	[tilespmem:s0+$0xE0] =	vst v0;
	v0 =	vmax.f32 v4, $0.0e+00;
	v4 =	vld [tilespmem:s0+$0x140]  }
0x1d1: {  	[tilespmem:s0+$0xF0] =	vst v0;
	v0 =	vmax.f32 v1, $0.0e+00;
	v1 =	vld [tilespmem:s0+$0x150]  }
0x1d2: {  	[tilespmem:s0+$0x100] =	vst v0;
	v0 =	vmax.f32 v2, $0.0e+00;
	v2 =	vld [tilespmem:s0+$0x160]  }
0x1d3: {  	[tilespmem:s0+$0x110] =	vst v0;
	v0 =	vmax.f32 v3, $0.0e+00;
	v3 =	vld [tilespmem:s0+$0x170]  }
0x1d4: {  	[tilespmem:s0+$0x120] =	vst v0;
	v0 =	vmax.f32 v5, $0.0e+00;
	v5 =	vld [tilespmem:s0+$0x180]  }
0x1d5: {  	[tilespmem:s0+$0x130] =	vst v0;
	v0 =	vmax.f32 v4, $0.0e+00;
	v4 =	vld [tilespmem:s0+$0x190]  }
0x1d6: {  	s28 =	sadd.s32 $0x8, s28;
	[tilespmem:s0+$0x140] =	vst v0;
	v0 =	vmax.f32 v1, $0.0e+00;
	v6 =	vld [tilespmem:s0+$0x1A0]  }
0x1d7: {  	p0 =	slt.u32 s28, $0x48;
	[tilespmem:s0+$0x150] =	vst v0;
	v0 =	vmax.f32 v2, $0.0e+00;
	v7 =	vld [tilespmem:s0+$0x1B0]  }
.Ltmp9:
0x1d8: {  	[tilespmem:s0+$0x160] =	vst v0;
	v1 =	vmax.f32 v3, $0.0e+00;
	v0 =	vld [tilespmem:s0+$0x1C0];
	(pc) =	sbr.rel @p0 .LBB2_15-.Ltmp9, $4  }
0x1d9: {  	[tilespmem:s0+$0x170] =	vst v1;
	v2 =	vmax.f32 v5, $0.0e+00;
	v1 =	vld [tilespmem:s0+$0x1D0]  }
0x1da: {  	[tilespmem:s0+$0x180] =	vst v2;
	v3 =	vmax.f32 v4, $0.0e+00;
	v2 =	vld [tilespmem:s0+$0x1E0]  }
0x1db: {  	[tilespmem:s0+$0x190] =	vst v3;
	v5 =	vmax.f32 v6, $0.0e+00;
	v3 =	vld [tilespmem:s0+$0x1F0]  }
0x1dc: {  	s0 =	sadd.s32 $0x400, s0;
	v4 =	vld [tilespmem:s26+$0xFFFFFFF0];
	[tilespmem:s26+$0x1A0] =	vst v5;
	v5 =	vmax.f32 v7, $0.0e+00  }
0x1dd: {  	[tilespmem:s26+$0x1B0] =	vst v5;
	v0 =	vmax.f32 v0, $0.0e+00  }
0x1de: {  	[tilespmem:s26+$0x1C0] =	vst v0;
	v60 =	vmax.f32 v1, $0.0e+00  }
0x1df: {  	[tilespmem:s26+$0x1D0] =	vst v60;
	v61 =	vmax.f32 v2, $0.0e+00  }
0x1e0: {  	s25 =	sadd.s32 $0x1, s25;
	[tilespmem:s26+$0x1E0] =	vst v61;
	v62 =	vmax.f32 v3, $0.0e+00  }
0x1e1: {  	p0 =	sne.s32 s25, $0x7;
	v63 =	vmax.f32 v4, $0.0e+00;
	[tilespmem:s26+$0x1F0] =	vst v62  }
.Ltmp10:
0x1e2: {  	[tilespmem:s26+$0xFFFFFFF0] =	vst v63;
	(pc) =	sbr.rel @p0 .LBB2_2-.Ltmp10, $4  }
0x1e3: {  	[spmem:s3] =	stream.indirect.scatter.add.f32 [tilespmem:s19], [sflag:$0x5], $0x80, s23, s16, $0xb8;
	[tilespmem:$0x1A400] =	vst v63  }
0x1e4: {  	_ =	swait.ge [sflag:s21], $0x2800  }
0x1e5: {  	[sflag:s21] =	ssyncset.done $0x0  }
0x1e6: {  	[sflag:s21] =	ssyncadd.s32 $0xFFFFD800  }
0x1e7: {  	s4 =	sadd.s32 $0x1, s4  }
0x1e8: {  	p0 =	sne.s32 s4, s12  }
.Ltmp11:
0x1e9: {  	[bflag:$0x0] =	sbarrier.arrive $0xFFFF;
	(pc) =	sbr.rel @p0 .LBB2_1-.Ltmp11, $4  }
0x1ea: {  	[hbm:s11], [sflag:s9] =	dma.local [spmem:s13], $0x2780  }
0x1eb: {  	_ =	swait.ge [sflag:s14], $0x2780  }
0x1ec: {  	[sflag:s14] =	ssyncset.done $0x0  }
0x1ed: {  	[sflag:s14] =	ssyncadd.s32 $0xFFFFD880  }
0x1ee: {  	_ =	sfence.sel $0x180000  }
0x1ef: {  	[bflag:$0x0] =	sbarrier.arrive $0xFFFF  }
0x1f0: {  	_ =	strace $0x90000047  }
0x1f1: {  	[bflag:$0x2] =	sbarrier.arrive $0xFFFF  }
0x1f2: {  	p0 =	sne.s32 s1, $0x0;
	s0 =	rddreg [dreg:$0x3]  }
0x1f3: {  	s0 =	sadd.s32 @!p0 $0x100000, s0  }
0x1f4: {  	[sflag:s0] =	ssyncadd.tile.s32 @!p0 $0x1;
	_ =	shalt  }
.Lfunc_end2:
_tile_overlayer_lowered:
.L_overlay_start_2:
0x1f5: {  	(tag) =	ssettag $0x2  }
0x1f6: {  	s0 =	rddreg [dreg:$0x0];
	s2 =	stileid.u32  }
0x1f7: {  	s1 =	rddreg [dreg:$0x1];
	p0 =	sne.s32 s2, $0x0  }
0x1f8: {  	s3 =	rddreg [dreg:$0x2];
	[bflag:$0x3] =	sbarrier.arrive $0xFFFF;
	s2 =	simm.s32 @!p0 $0x1C06  }
0x1f9: {  	[timem:s3], [sflag:s2] =	dma.local @!p0 [hbm:s0], s1  }
0x1fa: {  	s0 =	simm.s32 @!p0 $0x6  }
0x1fb: {  	_ =	swait.ge @!p0 [sflag:s0], s1  }
0x1fc: {  	s1 =	ssub.s32 @!p0 $0x0, s1;
	[sflag:s0] =	ssyncset.done @!p0 $0x0  }
0x1fd: {  	[sflag:s0] =	ssyncadd.s32 @!p0 s1  }
0x1fe: {  	[bflag:$0x3] =	sbarrier.arrive $0xFFFF  }
0x1ff: {  	_ =	shalt  }

</sc_bundles>
